<compile_context>
chip_gen: v7x
topology: tpu7x:2x2x1
jax: 0.10.2.dev20260603
libtpu: 0.0.44.dev20260713+nightly
codegen_flags: <defaults>
</compile_context>

<pallas_src>
import jax
import jax.numpy as jnp
from jax import lax
from jax.experimental import pallas as pl
from jax.experimental.pallas import tpu as pltpu
from jax.experimental.pallas import tpu_sc as plsc

VOCAB = 100000
EMBED = 64
BATCH = 4096
SEQ = 200

_info = plsc.get_sparse_core_info()
NC, NS, NL = _info.num_cores, _info.num_subcores, _info.num_lanes
NW = NC * NS

NPAIR = VOCAB // 2
NPAIR_PAD = 50048
NVT = (VOCAB + 127) // 128
VT_PER_W = (NVT + NW - 1) // NW
BW = BATCH // NW
NBUF = 4
RSTRIDE = 129

_params = pltpu.CompilerParams(
    use_tc_tiling_on_sc=True,
    disable_bounds_checks=True,
    needs_layout_passes=False,
)
_mesh = plsc.VectorSubcoreMesh(core_axis_name="c", subcore_axis_name="s")


def _wid():
    return lax.axis_index("s") * NC + lax.axis_index("c")


def _iota16():
    return lax.iota(jnp.int32, NL)


def _repack_body(tab_t, tab_pp, tv, pv, sems_in, sems_out):
    w = _wid()
    zero = jnp.zeros((NL,), jnp.int32)
    bases = [
        (_iota16() + (blk * NL) % EMBED) * RSTRIDE + blk // 4
        for blk in range(8)
    ]

    def load(c, rb):
        pltpu.async_copy(
            tab_t.at[:, pl.ds(c * 128, 128)], tv[rb].at[:, pl.ds(0, 128)], sems_in[rb]
        )

    def load_wait(rb):
        pltpu.make_async_copy(
            tab_t.at[:, pl.ds(0, 128)], tv[rb].at[:, pl.ds(0, 128)], sems_in[rb]
        ).wait()

    def store(c, rb):
        pltpu.async_copy(pv[rb], tab_pp.at[pl.ds(c * 64, 64)], sems_out[rb])

    def store_wait(rb):
        pltpu.make_async_copy(pv[rb], tab_pp.at[pl.ds(0, 64)], sems_out[rb]).wait()

    def compute(rb):
        @plsc.parallel_loop(0, 64, unroll=4)
        def r_step(r):
            for blk in range(8):
                val = plsc.load_gather(tv[rb], [zero, bases[blk] + 2 * r])
                pv[rb][r, pl.ds(blk * NL, NL)] = val

    @pl.when(w < NVT)
    def _prime():
        load(w, 0)

    def step(i, carry):
        for rb in range(2):
            c = w + (2 * i + rb) * NW
            cn = c + NW

            @pl.when(cn < NVT)
            def _next_load():
                load(cn, 1 - rb)

            @pl.when(c < NVT)
            def _this():
                load_wait(rb)

                @pl.when(c >= 2 * NW)
                def _reuse():
                    store_wait(rb)

                compute(rb)
                store(c, rb)

        return carry

    lax.fori_loop(0, (VT_PER_W + 1) // 2, step, 0)
    for rb in range(2):
        store_wait(rb)


def _lookup_body(ids_t, tab_pp, out_t, ids_v, pidx, rows, obuf, sems_g, sems_w):
    w = _wid()
    b0 = w * BW
    pltpu.sync_copy(ids_t.at[:, pl.ds(b0, BW)], ids_v)

    def prep_and_gather(s, gb):
        for blk in range(BW // NL):
            v = ids_v[s, pl.ds(blk * NL, NL)]
            pidx[gb, pl.ds(blk * NL, NL)] = lax.shift_right_logical(v, 1)
        pltpu.async_copy(tab_pp.at[pidx.at[gb]], rows[gb], sems_g[gb])

    def gather_wait(gb):
        pltpu.make_async_copy(tab_pp.at[pidx.at[gb]], rows[gb], sems_g[gb]).wait()

    def assemble(s, gb, ob):
        zero = jnp.zeros((NL,), jnp.int32)
        for blk in range(BW // NL):
            v = ids_v[s, pl.ds(blk * NL, NL)]
            par64 = lax.shift_left(jnp.bitwise_and(v, 1), 6)
            base = _iota16() + blk * NL * 128 + par64

            @plsc.parallel_loop(0, EMBED, unroll=8)
            def e_step(e):
                val = plsc.load_gather(rows[gb], [zero, base + e])
                plsc.store_scatter(obuf[ob], [zero, _iota16() + e], val)

    def write(s, ob):
        pltpu.async_copy(
            obuf[ob].at[:, pl.ds(0, BW)], out_t.at[s, :, pl.ds(b0, BW)], sems_w[ob]
        )

    def write_wait(ob):
        pltpu.make_async_copy(
            obuf[ob].at[:, pl.ds(0, BW)], out_t.at[0, :, pl.ds(b0, BW)], sems_w[ob]
        ).wait()

    for gb in range(NBUF):
        prep_and_gather(gb, gb)

    def step(g, carry):
        s0 = g * NBUF
        for j in range(NBUF):
            s = s0 + j
            gb = j
            ob = j % 2
            gather_wait(gb)

            @pl.when(s >= 2)
            def _drain():
                write_wait(ob)

            assemble(s, gb, ob)
            write(s, ob)

            @pl.when(s + NBUF < SEQ)
            def _refill():
                prep_and_gather(s + NBUF, gb)
        return carry

    lax.fori_loop(0, SEQ // NBUF, step, 0)
    for ob in range(2):
        write_wait(ob)


def kernel(images_ids, embedding_weight):
    ids_t = images_ids.T
    tab_t = embedding_weight.T

    def repack(tab_hbm, out_hbm, *scratch):
        tv = scratch[0:2]
        pv = scratch[2:4]
        sems_in = scratch[4:6]
        sems_out = scratch[6:8]
        _repack_body(tab_hbm, out_hbm, tv, pv, sems_in, sems_out)

    tab_pp = pl.kernel(
        repack,
        out_type=jax.ShapeDtypeStruct((NPAIR_PAD, 128), jnp.float32),
        mesh=_mesh,
        scratch_types=(
            [pltpu.VMEM((EMBED, RSTRIDE), jnp.float32) for _ in range(2)]
            + [pltpu.VMEM((64, 128), jnp.float32) for _ in range(2)]
            + [pltpu.SemaphoreType.DMA for _ in range(4)]
        ),
        compiler_params=_params,
    )(tab_t)

    def lookup(ids_hbm, tab_hbm, out_hbm, ids_v, pidx, *bufs_and_sems):
        rows = bufs_and_sems[:NBUF]
        obuf = bufs_and_sems[NBUF : NBUF + 2]
        sems_g = bufs_and_sems[NBUF + 2 : 2 * NBUF + 2]
        sems_w = bufs_and_sems[2 * NBUF + 2 :]
        _lookup_body(ids_hbm, tab_hbm, out_hbm, ids_v, pidx, rows, obuf, sems_g, sems_w)

    out_t = pl.kernel(
        lookup,
        out_type=jax.ShapeDtypeStruct((SEQ, EMBED, BATCH), jnp.float32),
        mesh=_mesh,
        scratch_types=(
            [
                pltpu.VMEM((SEQ, BW), jnp.int32),
                pltpu.VMEM((NBUF, BW), jnp.int32),
            ]
            + [pltpu.VMEM((BW, 128), jnp.float32) for _ in range(NBUF)]
            + [pltpu.VMEM((EMBED, RSTRIDE), jnp.float32) for _ in range(2)]
            + [pltpu.SemaphoreType.DMA for _ in range(NBUF + 2)]
        ),
        compiler_params=_params,
    )(ids_t, tab_pp)

    return out_t.transpose(2, 0, 1)

# --- scband reference (transcript-rebuilt; emitter-appended) ---
"""Pipeline reference for scband-gen-encoder-81741817577712 (READ-ONLY COPY).

The authoritative reference and input builder live on the scoring server;
editing this copy changes nothing except your own understanding.
"""

import jax, jax.numpy as jnp
import numpy as np

VOCAB = 100000
EMBED = 64
BATCH = 4096
SEQ = 200


def setup_inputs(seed: int = 0) -> dict:
    key = jax.random.key(seed)
    k_idx, k_tab = jax.random.split(key)
    # image token ids produced by a (mocked) video tokenizer encoder
    images_ids = jax.random.randint(k_idx, (BATCH, SEQ), 0, VOCAB, dtype=jnp.int32)
    # learned embedding table: nn.Embedding(image_token_size, n_embed)
    embedding_weight = jax.random.normal(k_tab, (VOCAB, EMBED), dtype=jnp.float32) * 0.02
    return {"images_ids": images_ids, "embedding_weight": embedding_weight}


def reference(images_ids, embedding_weight):
    # GenEncoder.encode core (with tokenizer mocked out): flatten ids per batch
    # and perform the embedding lookup -> image_embeds
    b = images_ids.shape[0]
    images_ids_flat = images_ids.reshape(b, -1)
    image_embeds = jnp.take(embedding_weight, images_ids_flat, axis=0)
    return image_embeds

if __name__ == "__main__":
    import jax
    _d = setup_inputs()
    print(jax.jit(kernel)(*tuple(_d.values())))

</pallas_src>

<mosaic_0001>
#map = affine_map<(d0, d1) -> (0, 0)>
#map1 = affine_map<(d0, d1) -> (0, 0, 0)>
module attributes {stable_mosaic.version = 14 : i64} {
  func.func @lookup(%arg0: i32, %arg1: i32, %arg2: memref<200x4096xi32, #tpu.memory_space<hbm>>, %arg3: memref<50048x128xf32, #tpu.memory_space<hbm>>, %arg4: memref<200x64x4096xf32, #tpu.memory_space<hbm>>, %arg5: memref<200x128xi32, #tpu.memory_space<vmem>>, %arg6: memref<4x128xi32, #tpu.memory_space<vmem>>, %arg7: memref<128x128xf32, #tpu.memory_space<vmem>>, %arg8: memref<128x128xf32, #tpu.memory_space<vmem>>, %arg9: memref<128x128xf32, #tpu.memory_space<vmem>>, %arg10: memref<128x128xf32, #tpu.memory_space<vmem>>, %arg11: memref<64x129xf32, #tpu.memory_space<vmem>>, %arg12: memref<64x129xf32, #tpu.memory_space<vmem>>, %arg13: memref<!tpu.dma_semaphore, #tpu.memory_space<semaphore_mem>>, %arg14: memref<!tpu.dma_semaphore, #tpu.memory_space<semaphore_mem>>, %arg15: memref<!tpu.dma_semaphore, #tpu.memory_space<semaphore_mem>>, %arg16: memref<!tpu.dma_semaphore, #tpu.memory_space<semaphore_mem>>, %arg17: memref<!tpu.dma_semaphore, #tpu.memory_space<semaphore_mem>>, %arg18: memref<!tpu.dma_semaphore, #tpu.memory_space<semaphore_mem>>) attributes {dimension_semantics = [#tpu.dimension_semantics<core_parallel>, #tpu.dimension_semantics<subcore_parallel>], iteration_bounds = array<i64: 2, 16>, scalar_prefetch = 0 : i64, scratch_operands = 14 : i64, tpu.core_type = #tpu.core_type<sc_vector_subcore>, window_params = [{transform_indices = #map}, {transform_indices = #map}, {transform_indices = #map1}]} {
    %mul3A = arith.constant 2 : i32
    %mul3A_0 = arith.muli %arg1, %mul3A : i32
    %add3A = arith.addi %mul3A_0, %arg0 : i32
    %mul3A_1 = arith.constant 128 : i32
    %mul3A_2 = arith.muli %add3A, %mul3A_1 : i32
    "tpu.region"() ({
      %run_scoped3A = tpu.sem_alloc : memref<!tpu.dma_semaphore, #tpu.memory_space<semaphore_mem>>
      %dma_start3A_409 = arith.constant 0 : i32
      %dma_start3A_410 = tpu.memref_slice %arg2[%dma_start3A_409, %mul3A_2] : memref<200x4096xi32, #tpu.memory_space<hbm>> -> memref<200x128xi32, #tpu.memory_space<hbm>>
      %dma_start3A_411 = arith.constant 0 : i32
      %dma_start3A_412 = tpu.memref_slice %arg2[%dma_start3A_411, %mul3A_2] : memref<200x4096xi32, #tpu.memory_space<hbm>> -> memref<200x128xi32, #tpu.memory_space<hbm>>
      tpu.enqueue_dma source(%dma_start3A_412 : memref<200x128xi32, #tpu.memory_space<hbm>>) target(%arg5 : memref<200x128xi32, #tpu.memory_space<vmem>>) target_semaphore(%run_scoped3A : memref<!tpu.dma_semaphore, #tpu.memory_space<semaphore_mem>>)
      %dma_wait3A_413 = arith.constant 0 : i32
      %dma_wait3A_414 = tpu.memref_slice %arg2[%dma_wait3A_413, %mul3A_2] : memref<200x4096xi32, #tpu.memory_space<hbm>> -> memref<200x128xi32, #tpu.memory_space<hbm>>
      %dma_wait3A_415 = arith.constant 0 : i32
      %dma_wait3A_416 = tpu.memref_slice %arg2[%dma_wait3A_415, %mul3A_2] : memref<200x4096xi32, #tpu.memory_space<hbm>> -> memref<200x128xi32, #tpu.memory_space<hbm>>
      tpu.wait_dma2 semaphore(%run_scoped3A : memref<!tpu.dma_semaphore, #tpu.memory_space<semaphore_mem>>) src(%dma_wait3A_416 : memref<200x128xi32, #tpu.memory_space<hbm>>) dst(%arg5 : memref<200x128xi32, #tpu.memory_space<vmem>>)
      tpu.yield
    }) : () -> ()
    %get3A = arith.constant 0 : i32
    %get3A_3 = arith.index_cast %get3A : i32 to index
    %get3A_4 = arith.constant 0 : index
    %get3A_5 = tpu.vector_load %arg5[%get3A_3, %get3A_4] {strides = array<i32>} : memref<200x128xi32, #tpu.memory_space<vmem>>, vector<16xi32>,
    %shift_right_logical3A = arith.constant 1 : i32
    %shift_right_logical3A_6 = vector.broadcast %shift_right_logical3A : i32 to vector<16xi32>
    %shift_right_logical3A_7 = arith.shrui %get3A_5, %shift_right_logical3A_6 : vector<16xi32>
    %swap3A = arith.constant 0 : i32
    %swap3A_8 = arith.index_cast %swap3A : i32 to index
    %swap3A_9 = arith.constant 0 : index
    %swap3A_10 = tpu.vector_load %arg6[%swap3A_8, %swap3A_9] {strides = array<i32>} : memref<4x128xi32, #tpu.memory_space<vmem>>, vector<16xi32>,
    tpu.vector_store %arg6[%swap3A_8, %swap3A_9], %shift_right_logical3A_7 {strides = array<i32>} : memref<4x128xi32, #tpu.memory_space<vmem>>, vector<16xi32>,
    %get3A_11 = arith.constant 0 : i32
    %get3A_12 = arith.index_cast %get3A_11 : i32 to index
    %get3A_13 = arith.constant 16 : index
    %get3A_14 = tpu.vector_load %arg5[%get3A_12, %get3A_13] {strides = array<i32>} : memref<200x128xi32, #tpu.memory_space<vmem>>, vector<16xi32>,
    %shift_right_logical3A_15 = arith.constant 1 : i32
    %shift_right_logical3A_16 = vector.broadcast %shift_right_logical3A_15 : i32 to vector<16xi32>
    %shift_right_logical3A_17 = arith.shrui %get3A_14, %shift_right_logical3A_16 : vector<16xi32>
    %swap3A_18 = arith.constant 0 : i32
    %swap3A_19 = arith.index_cast %swap3A_18 : i32 to index
    %swap3A_20 = arith.constant 16 : index
    %swap3A_21 = tpu.vector_load %arg6[%swap3A_19, %swap3A_20] {strides = array<i32>} : memref<4x128xi32, #tpu.memory_space<vmem>>, vector<16xi32>,
    tpu.vector_store %arg6[%swap3A_19, %swap3A_20], %shift_right_logical3A_17 {strides = array<i32>} : memref<4x128xi32, #tpu.memory_space<vmem>>, vector<16xi32>,
    %get3A_22 = arith.constant 0 : i32
    %get3A_23 = arith.index_cast %get3A_22 : i32 to index
    %get3A_24 = arith.constant 32 : index
    %get3A_25 = tpu.vector_load %arg5[%get3A_23, %get3A_24] {strides = array<i32>} : memref<200x128xi32, #tpu.memory_space<vmem>>, vector<16xi32>,
    %shift_right_logical3A_26 = arith.constant 1 : i32
    %shift_right_logical3A_27 = vector.broadcast %shift_right_logical3A_26 : i32 to vector<16xi32>
    %shift_right_logical3A_28 = arith.shrui %get3A_25, %shift_right_logical3A_27 : vector<16xi32>
    %swap3A_29 = arith.constant 0 : i32
    %swap3A_30 = arith.index_cast %swap3A_29 : i32 to index
    %swap3A_31 = arith.constant 32 : index
    %swap3A_32 = tpu.vector_load %arg6[%swap3A_30, %swap3A_31] {strides = array<i32>} : memref<4x128xi32, #tpu.memory_space<vmem>>, vector<16xi32>,
    tpu.vector_store %arg6[%swap3A_30, %swap3A_31], %shift_right_logical3A_28 {strides = array<i32>} : memref<4x128xi32, #tpu.memory_space<vmem>>, vector<16xi32>,
    %get3A_33 = arith.constant 0 : i32
    %get3A_34 = arith.index_cast %get3A_33 : i32 to index
    %get3A_35 = arith.constant 48 : index
    %get3A_36 = tpu.vector_load %arg5[%get3A_34, %get3A_35] {strides = array<i32>} : memref<200x128xi32, #tpu.memory_space<vmem>>, vector<16xi32>,
    %shift_right_logical3A_37 = arith.constant 1 : i32
    %shift_right_logical3A_38 = vector.broadcast %shift_right_logical3A_37 : i32 to vector<16xi32>
    %shift_right_logical3A_39 = arith.shrui %get3A_36, %shift_right_logical3A_38 : vector<16xi32>
    %swap3A_40 = arith.constant 0 : i32
    %swap3A_41 = arith.index_cast %swap3A_40 : i32 to index
    %swap3A_42 = arith.constant 48 : index
    %swap3A_43 = tpu.vector_load %arg6[%swap3A_41, %swap3A_42] {strides = array<i32>} : memref<4x128xi32, #tpu.memory_space<vmem>>, vector<16xi32>,
    tpu.vector_store %arg6[%swap3A_41, %swap3A_42], %shift_right_logical3A_39 {strides = array<i32>} : memref<4x128xi32, #tpu.memory_space<vmem>>, vector<16xi32>,
    %get3A_44 = arith.constant 0 : i32
    %get3A_45 = arith.index_cast %get3A_44 : i32 to index
    %get3A_46 = arith.constant 64 : index
    %get3A_47 = tpu.vector_load %arg5[%get3A_45, %get3A_46] {strides = array<i32>} : memref<200x128xi32, #tpu.memory_space<vmem>>, vector<16xi32>,
    %shift_right_logical3A_48 = arith.constant 1 : i32
    %shift_right_logical3A_49 = vector.broadcast %shift_right_logical3A_48 : i32 to vector<16xi32>
    %shift_right_logical3A_50 = arith.shrui %get3A_47, %shift_right_logical3A_49 : vector<16xi32>
    %swap3A_51 = arith.constant 0 : i32
    %swap3A_52 = arith.index_cast %swap3A_51 : i32 to index
    %swap3A_53 = arith.constant 64 : index
    %swap3A_54 = tpu.vector_load %arg6[%swap3A_52, %swap3A_53] {strides = array<i32>} : memref<4x128xi32, #tpu.memory_space<vmem>>, vector<16xi32>,
    tpu.vector_store %arg6[%swap3A_52, %swap3A_53], %shift_right_logical3A_50 {strides = array<i32>} : memref<4x128xi32, #tpu.memory_space<vmem>>, vector<16xi32>,
    %get3A_55 = arith.constant 0 : i32
    %get3A_56 = arith.index_cast %get3A_55 : i32 to index
    %get3A_57 = arith.constant 80 : index
    %get3A_58 = tpu.vector_load %arg5[%get3A_56, %get3A_57] {strides = array<i32>} : memref<200x128xi32, #tpu.memory_space<vmem>>, vector<16xi32>,
    %shift_right_logical3A_59 = arith.constant 1 : i32
    %shift_right_logical3A_60 = vector.broadcast %shift_right_logical3A_59 : i32 to vector<16xi32>
    %shift_right_logical3A_61 = arith.shrui %get3A_58, %shift_right_logical3A_60 : vector<16xi32>
    %swap3A_62 = arith.constant 0 : i32
    %swap3A_63 = arith.index_cast %swap3A_62 : i32 to index
    %swap3A_64 = arith.constant 80 : index
    %swap3A_65 = tpu.vector_load %arg6[%swap3A_63, %swap3A_64] {strides = array<i32>} : memref<4x128xi32, #tpu.memory_space<vmem>>, vector<16xi32>,
    tpu.vector_store %arg6[%swap3A_63, %swap3A_64], %shift_right_logical3A_61 {strides = array<i32>} : memref<4x128xi32, #tpu.memory_space<vmem>>, vector<16xi32>,
    %get3A_66 = arith.constant 0 : i32
    %get3A_67 = arith.index_cast %get3A_66 : i32 to index
    %get3A_68 = arith.constant 96 : index
    %get3A_69 = tpu.vector_load %arg5[%get3A_67, %get3A_68] {strides = array<i32>} : memref<200x128xi32, #tpu.memory_space<vmem>>, vector<16xi32>,
    %shift_right_logical3A_70 = arith.constant 1 : i32
    %shift_right_logical3A_71 = vector.broadcast %shift_right_logical3A_70 : i32 to vector<16xi32>
    %shift_right_logical3A_72 = arith.shrui %get3A_69, %shift_right_logical3A_71 : vector<16xi32>
    %swap3A_73 = arith.constant 0 : i32
    %swap3A_74 = arith.index_cast %swap3A_73 : i32 to index
    %swap3A_75 = arith.constant 96 : index
    %swap3A_76 = tpu.vector_load %arg6[%swap3A_74, %swap3A_75] {strides = array<i32>} : memref<4x128xi32, #tpu.memory_space<vmem>>, vector<16xi32>,
    tpu.vector_store %arg6[%swap3A_74, %swap3A_75], %shift_right_logical3A_72 {strides = array<i32>} : memref<4x128xi32, #tpu.memory_space<vmem>>, vector<16xi32>,
    %get3A_77 = arith.constant 0 : i32
    %get3A_78 = arith.index_cast %get3A_77 : i32 to index
    %get3A_79 = arith.constant 112 : index
    %get3A_80 = tpu.vector_load %arg5[%get3A_78, %get3A_79] {strides = array<i32>} : memref<200x128xi32, #tpu.memory_space<vmem>>, vector<16xi32>,
    %shift_right_logical3A_81 = arith.constant 1 : i32
    %shift_right_logical3A_82 = vector.broadcast %shift_right_logical3A_81 : i32 to vector<16xi32>
    %shift_right_logical3A_83 = arith.shrui %get3A_80, %shift_right_logical3A_82 : vector<16xi32>
    %swap3A_84 = arith.constant 0 : i32
    %swap3A_85 = arith.index_cast %swap3A_84 : i32 to index
    %swap3A_86 = arith.constant 112 : index
    %swap3A_87 = tpu.vector_load %arg6[%swap3A_85, %swap3A_86] {strides = array<i32>} : memref<4x128xi32, #tpu.memory_space<vmem>>, vector<16xi32>,
    tpu.vector_store %arg6[%swap3A_85, %swap3A_86], %shift_right_logical3A_83 {strides = array<i32>} : memref<4x128xi32, #tpu.memory_space<vmem>>, vector<16xi32>,
    %dma_start3A = arith.constant 0 : i32
    %dma_start3A_88 = arith.constant 0 : i32
    %dma_start3A_89 = tpu.memref_slice %arg6[%dma_start3A, %dma_start3A_88] : memref<4x128xi32, #tpu.memory_space<vmem>> -> memref<1x128xi32, #tpu.memory_space<vmem>>
    %dma_start3A_90 = tpu.memref_squeeze %dma_start3A_89 : memref<1x128xi32, #tpu.memory_space<vmem>> -> memref<128xi32, #tpu.memory_space<vmem>>
    %dma_start3A_91 = arith.constant 0 : i32
    %dma_start3A_92 = arith.constant 0 : i32
    %dma_start3A_93 = tpu.memref_slice %arg3[%dma_start3A_91, %dma_start3A_92] : memref<50048x128xf32, #tpu.memory_space<hbm>> -> memref<50048x128xf32, #tpu.memory_space<hbm>>
    tpu.enqueue_indirect_dma source(%dma_start3A_93 : memref<50048x128xf32, #tpu.memory_space<hbm>>) target(%arg7 : memref<128x128xf32, #tpu.memory_space<vmem>>) offsets(%dma_start3A_90 : memref<128xi32, #tpu.memory_space<vmem>>) semaphore(%arg13 : memref<!tpu.dma_semaphore, #tpu.memory_space<semaphore_mem>>)
    %get3A_94 = arith.constant 1 : i32
    %get3A_95 = arith.index_cast %get3A_94 : i32 to index
    %get3A_96 = arith.constant 0 : index
    %get3A_97 = tpu.vector_load %arg5[%get3A_95, %get3A_96] {strides = array<i32>} : memref<200x128xi32, #tpu.memory_space<vmem>>, vector<16xi32>,
    %shift_right_logical3A_98 = arith.constant 1 : i32
    %shift_right_logical3A_99 = vector.broadcast %shift_right_logical3A_98 : i32 to vector<16xi32>
    %shift_right_logical3A_100 = arith.shrui %get3A_97, %shift_right_logical3A_99 : vector<16xi32>
    %swap3A_101 = arith.constant 1 : i32
    %swap3A_102 = arith.index_cast %swap3A_101 : i32 to index
    %swap3A_103 = arith.constant 0 : index
    %swap3A_104 = tpu.vector_load %arg6[%swap3A_102, %swap3A_103] {strides = array<i32>} : memref<4x128xi32, #tpu.memory_space<vmem>>, vector<16xi32>,
    tpu.vector_store %arg6[%swap3A_102, %swap3A_103], %shift_right_logical3A_100 {strides = array<i32>} : memref<4x128xi32, #tpu.memory_space<vmem>>, vector<16xi32>,
    %get3A_105 = arith.constant 1 : i32
    %get3A_106 = arith.index_cast %get3A_105 : i32 to index
    %get3A_107 = arith.constant 16 : index
    %get3A_108 = tpu.vector_load %arg5[%get3A_106, %get3A_107] {strides = array<i32>} : memref<200x128xi32, #tpu.memory_space<vmem>>, vector<16xi32>,
    %shift_right_logical3A_109 = arith.constant 1 : i32
    %shift_right_logical3A_110 = vector.broadcast %shift_right_logical3A_109 : i32 to vector<16xi32>
    %shift_right_logical3A_111 = arith.shrui %get3A_108, %shift_right_logical3A_110 : vector<16xi32>
    %swap3A_112 = arith.constant 1 : i32
    %swap3A_113 = arith.index_cast %swap3A_112 : i32 to index
    %swap3A_114 = arith.constant 16 : index
    %swap3A_115 = tpu.vector_load %arg6[%swap3A_113, %swap3A_114] {strides = array<i32>} : memref<4x128xi32, #tpu.memory_space<vmem>>, vector<16xi32>,
    tpu.vector_store %arg6[%swap3A_113, %swap3A_114], %shift_right_logical3A_111 {strides = array<i32>} : memref<4x128xi32, #tpu.memory_space<vmem>>, vector<16xi32>,
    %get3A_116 = arith.constant 1 : i32
    %get3A_117 = arith.index_cast %get3A_116 : i32 to index
    %get3A_118 = arith.constant 32 : index
    %get3A_119 = tpu.vector_load %arg5[%get3A_117, %get3A_118] {strides = array<i32>} : memref<200x128xi32, #tpu.memory_space<vmem>>, vector<16xi32>,
    %shift_right_logical3A_120 = arith.constant 1 : i32
    %shift_right_logical3A_121 = vector.broadcast %shift_right_logical3A_120 : i32 to vector<16xi32>
    %shift_right_logical3A_122 = arith.shrui %get3A_119, %shift_right_logical3A_121 : vector<16xi32>
    %swap3A_123 = arith.constant 1 : i32
    %swap3A_124 = arith.index_cast %swap3A_123 : i32 to index
    %swap3A_125 = arith.constant 32 : index
    %swap3A_126 = tpu.vector_load %arg6[%swap3A_124, %swap3A_125] {strides = array<i32>} : memref<4x128xi32, #tpu.memory_space<vmem>>, vector<16xi32>,
    tpu.vector_store %arg6[%swap3A_124, %swap3A_125], %shift_right_logical3A_122 {strides = array<i32>} : memref<4x128xi32, #tpu.memory_space<vmem>>, vector<16xi32>,
    %get3A_127 = arith.constant 1 : i32
    %get3A_128 = arith.index_cast %get3A_127 : i32 to index
    %get3A_129 = arith.constant 48 : index
    %get3A_130 = tpu.vector_load %arg5[%get3A_128, %get3A_129] {strides = array<i32>} : memref<200x128xi32, #tpu.memory_space<vmem>>, vector<16xi32>,
    %shift_right_logical3A_131 = arith.constant 1 : i32
    %shift_right_logical3A_132 = vector.broadcast %shift_right_logical3A_131 : i32 to vector<16xi32>
    %shift_right_logical3A_133 = arith.shrui %get3A_130, %shift_right_logical3A_132 : vector<16xi32>
    %swap3A_134 = arith.constant 1 : i32
    %swap3A_135 = arith.index_cast %swap3A_134 : i32 to index
    %swap3A_136 = arith.constant 48 : index
    %swap3A_137 = tpu.vector_load %arg6[%swap3A_135, %swap3A_136] {strides = array<i32>} : memref<4x128xi32, #tpu.memory_space<vmem>>, vector<16xi32>,
    tpu.vector_store %arg6[%swap3A_135, %swap3A_136], %shift_right_logical3A_133 {strides = array<i32>} : memref<4x128xi32, #tpu.memory_space<vmem>>, vector<16xi32>,
    %get3A_138 = arith.constant 1 : i32
    %get3A_139 = arith.index_cast %get3A_138 : i32 to index
    %get3A_140 = arith.constant 64 : index
    %get3A_141 = tpu.vector_load %arg5[%get3A_139, %get3A_140] {strides = array<i32>} : memref<200x128xi32, #tpu.memory_space<vmem>>, vector<16xi32>,
    %shift_right_logical3A_142 = arith.constant 1 : i32
    %shift_right_logical3A_143 = vector.broadcast %shift_right_logical3A_142 : i32 to vector<16xi32>
    %shift_right_logical3A_144 = arith.shrui %get3A_141, %shift_right_logical3A_143 : vector<16xi32>
    %swap3A_145 = arith.constant 1 : i32
    %swap3A_146 = arith.index_cast %swap3A_145 : i32 to index
    %swap3A_147 = arith.constant 64 : index
    %swap3A_148 = tpu.vector_load %arg6[%swap3A_146, %swap3A_147] {strides = array<i32>} : memref<4x128xi32, #tpu.memory_space<vmem>>, vector<16xi32>,
    tpu.vector_store %arg6[%swap3A_146, %swap3A_147], %shift_right_logical3A_144 {strides = array<i32>} : memref<4x128xi32, #tpu.memory_space<vmem>>, vector<16xi32>,
    %get3A_149 = arith.constant 1 : i32
    %get3A_150 = arith.index_cast %get3A_149 : i32 to index
    %get3A_151 = arith.constant 80 : index
    %get3A_152 = tpu.vector_load %arg5[%get3A_150, %get3A_151] {strides = array<i32>} : memref<200x128xi32, #tpu.memory_space<vmem>>, vector<16xi32>,
    %shift_right_logical3A_153 = arith.constant 1 : i32
    %shift_right_logical3A_154 = vector.broadcast %shift_right_logical3A_153 : i32 to vector<16xi32>
    %shift_right_logical3A_155 = arith.shrui %get3A_152, %shift_right_logical3A_154 : vector<16xi32>
    %swap3A_156 = arith.constant 1 : i32
    %swap3A_157 = arith.index_cast %swap3A_156 : i32 to index
    %swap3A_158 = arith.constant 80 : index
    %swap3A_159 = tpu.vector_load %arg6[%swap3A_157, %swap3A_158] {strides = array<i32>} : memref<4x128xi32, #tpu.memory_space<vmem>>, vector<16xi32>,
    tpu.vector_store %arg6[%swap3A_157, %swap3A_158], %shift_right_logical3A_155 {strides = array<i32>} : memref<4x128xi32, #tpu.memory_space<vmem>>, vector<16xi32>,
    %get3A_160 = arith.constant 1 : i32
    %get3A_161 = arith.index_cast %get3A_160 : i32 to index
    %get3A_162 = arith.constant 96 : index
    %get3A_163 = tpu.vector_load %arg5[%get3A_161, %get3A_162] {strides = array<i32>} : memref<200x128xi32, #tpu.memory_space<vmem>>, vector<16xi32>,
    %shift_right_logical3A_164 = arith.constant 1 : i32
    %shift_right_logical3A_165 = vector.broadcast %shift_right_logical3A_164 : i32 to vector<16xi32>
    %shift_right_logical3A_166 = arith.shrui %get3A_163, %shift_right_logical3A_165 : vector<16xi32>
    %swap3A_167 = arith.constant 1 : i32
    %swap3A_168 = arith.index_cast %swap3A_167 : i32 to index
    %swap3A_169 = arith.constant 96 : index
    %swap3A_170 = tpu.vector_load %arg6[%swap3A_168, %swap3A_169] {strides = array<i32>} : memref<4x128xi32, #tpu.memory_space<vmem>>, vector<16xi32>,
    tpu.vector_store %arg6[%swap3A_168, %swap3A_169], %shift_right_logical3A_166 {strides = array<i32>} : memref<4x128xi32, #tpu.memory_space<vmem>>, vector<16xi32>,
    %get3A_171 = arith.constant 1 : i32
    %get3A_172 = arith.index_cast %get3A_171 : i32 to index
    %get3A_173 = arith.constant 112 : index
    %get3A_174 = tpu.vector_load %arg5[%get3A_172, %get3A_173] {strides = array<i32>} : memref<200x128xi32, #tpu.memory_space<vmem>>, vector<16xi32>,
    %shift_right_logical3A_175 = arith.constant 1 : i32
    %shift_right_logical3A_176 = vector.broadcast %shift_right_logical3A_175 : i32 to vector<16xi32>
    %shift_right_logical3A_177 = arith.shrui %get3A_174, %shift_right_logical3A_176 : vector<16xi32>
    %swap3A_178 = arith.constant 1 : i32
    %swap3A_179 = arith.index_cast %swap3A_178 : i32 to index
    %swap3A_180 = arith.constant 112 : index
    %swap3A_181 = tpu.vector_load %arg6[%swap3A_179, %swap3A_180] {strides = array<i32>} : memref<4x128xi32, #tpu.memory_space<vmem>>, vector<16xi32>,
    tpu.vector_store %arg6[%swap3A_179, %swap3A_180], %shift_right_logical3A_177 {strides = array<i32>} : memref<4x128xi32, #tpu.memory_space<vmem>>, vector<16xi32>,
    %dma_start3A_182 = arith.constant 1 : i32
    %dma_start3A_183 = arith.constant 0 : i32
    %dma_start3A_184 = tpu.memref_slice %arg6[%dma_start3A_182, %dma_start3A_183] : memref<4x128xi32, #tpu.memory_space<vmem>> -> memref<1x128xi32, #tpu.memory_space<vmem>>
    %dma_start3A_185 = tpu.memref_squeeze %dma_start3A_184 : memref<1x128xi32, #tpu.memory_space<vmem>> -> memref<128xi32, #tpu.memory_space<vmem>>
    %dma_start3A_186 = arith.constant 0 : i32
    %dma_start3A_187 = arith.constant 0 : i32
    %dma_start3A_188 = tpu.memref_slice %arg3[%dma_start3A_186, %dma_start3A_187] : memref<50048x128xf32, #tpu.memory_space<hbm>> -> memref<50048x128xf32, #tpu.memory_space<hbm>>
    tpu.enqueue_indirect_dma source(%dma_start3A_188 : memref<50048x128xf32, #tpu.memory_space<hbm>>) target(%arg8 : memref<128x128xf32, #tpu.memory_space<vmem>>) offsets(%dma_start3A_185 : memref<128xi32, #tpu.memory_space<vmem>>) semaphore(%arg14 : memref<!tpu.dma_semaphore, #tpu.memory_space<semaphore_mem>>)
    %get3A_189 = arith.constant 2 : i32
    %get3A_190 = arith.index_cast %get3A_189 : i32 to index
    %get3A_191 = arith.constant 0 : index
    %get3A_192 = tpu.vector_load %arg5[%get3A_190, %get3A_191] {strides = array<i32>} : memref<200x128xi32, #tpu.memory_space<vmem>>, vector<16xi32>,
    %shift_right_logical3A_193 = arith.constant 1 : i32
    %shift_right_logical3A_194 = vector.broadcast %shift_right_logical3A_193 : i32 to vector<16xi32>
    %shift_right_logical3A_195 = arith.shrui %get3A_192, %shift_right_logical3A_194 : vector<16xi32>
    %swap3A_196 = arith.constant 2 : i32
    %swap3A_197 = arith.index_cast %swap3A_196 : i32 to index
    %swap3A_198 = arith.constant 0 : index
    %swap3A_199 = tpu.vector_load %arg6[%swap3A_197, %swap3A_198] {strides = array<i32>} : memref<4x128xi32, #tpu.memory_space<vmem>>, vector<16xi32>,
    tpu.vector_store %arg6[%swap3A_197, %swap3A_198], %shift_right_logical3A_195 {strides = array<i32>} : memref<4x128xi32, #tpu.memory_space<vmem>>, vector<16xi32>,
    %get3A_200 = arith.constant 2 : i32
    %get3A_201 = arith.index_cast %get3A_200 : i32 to index
    %get3A_202 = arith.constant 16 : index
    %get3A_203 = tpu.vector_load %arg5[%get3A_201, %get3A_202] {strides = array<i32>} : memref<200x128xi32, #tpu.memory_space<vmem>>, vector<16xi32>,
    %shift_right_logical3A_204 = arith.constant 1 : i32
    %shift_right_logical3A_205 = vector.broadcast %shift_right_logical3A_204 : i32 to vector<16xi32>
    %shift_right_logical3A_206 = arith.shrui %get3A_203, %shift_right_logical3A_205 : vector<16xi32>
    %swap3A_207 = arith.constant 2 : i32
    %swap3A_208 = arith.index_cast %swap3A_207 : i32 to index
    %swap3A_209 = arith.constant 16 : index
    %swap3A_210 = tpu.vector_load %arg6[%swap3A_208, %swap3A_209] {strides = array<i32>} : memref<4x128xi32, #tpu.memory_space<vmem>>, vector<16xi32>,
    tpu.vector_store %arg6[%swap3A_208, %swap3A_209], %shift_right_logical3A_206 {strides = array<i32>} : memref<4x128xi32, #tpu.memory_space<vmem>>, vector<16xi32>,
    %get3A_211 = arith.constant 2 : i32
    %get3A_212 = arith.index_cast %get3A_211 : i32 to index
    %get3A_213 = arith.constant 32 : index
    %get3A_214 = tpu.vector_load %arg5[%get3A_212, %get3A_213] {strides = array<i32>} : memref<200x128xi32, #tpu.memory_space<vmem>>, vector<16xi32>,
    %shift_right_logical3A_215 = arith.constant 1 : i32
    %shift_right_logical3A_216 = vector.broadcast %shift_right_logical3A_215 : i32 to vector<16xi32>
    %shift_right_logical3A_217 = arith.shrui %get3A_214, %shift_right_logical3A_216 : vector<16xi32>
    %swap3A_218 = arith.constant 2 : i32
    %swap3A_219 = arith.index_cast %swap3A_218 : i32 to index
    %swap3A_220 = arith.constant 32 : index
    %swap3A_221 = tpu.vector_load %arg6[%swap3A_219, %swap3A_220] {strides = array<i32>} : memref<4x128xi32, #tpu.memory_space<vmem>>, vector<16xi32>,
    tpu.vector_store %arg6[%swap3A_219, %swap3A_220], %shift_right_logical3A_217 {strides = array<i32>} : memref<4x128xi32, #tpu.memory_space<vmem>>, vector<16xi32>,
    %get3A_222 = arith.constant 2 : i32
    %get3A_223 = arith.index_cast %get3A_222 : i32 to index
    %get3A_224 = arith.constant 48 : index
    %get3A_225 = tpu.vector_load %arg5[%get3A_223, %get3A_224] {strides = array<i32>} : memref<200x128xi32, #tpu.memory_space<vmem>>, vector<16xi32>,
    %shift_right_logical3A_226 = arith.constant 1 : i32
    %shift_right_logical3A_227 = vector.broadcast %shift_right_logical3A_226 : i32 to vector<16xi32>
    %shift_right_logical3A_228 = arith.shrui %get3A_225, %shift_right_logical3A_227 : vector<16xi32>
    %swap3A_229 = arith.constant 2 : i32
    %swap3A_230 = arith.index_cast %swap3A_229 : i32 to index
    %swap3A_231 = arith.constant 48 : index
    %swap3A_232 = tpu.vector_load %arg6[%swap3A_230, %swap3A_231] {strides = array<i32>} : memref<4x128xi32, #tpu.memory_space<vmem>>, vector<16xi32>,
    tpu.vector_store %arg6[%swap3A_230, %swap3A_231], %shift_right_logical3A_228 {strides = array<i32>} : memref<4x128xi32, #tpu.memory_space<vmem>>, vector<16xi32>,
    %get3A_233 = arith.constant 2 : i32
    %get3A_234 = arith.index_cast %get3A_233 : i32 to index
    %get3A_235 = arith.constant 64 : index
    %get3A_236 = tpu.vector_load %arg5[%get3A_234, %get3A_235] {strides = array<i32>} : memref<200x128xi32, #tpu.memory_space<vmem>>, vector<16xi32>,
    %shift_right_logical3A_237 = arith.constant 1 : i32
    %shift_right_logical3A_238 = vector.broadcast %shift_right_logical3A_237 : i32 to vector<16xi32>
    %shift_right_logical3A_239 = arith.shrui %get3A_236, %shift_right_logical3A_238 : vector<16xi32>
    %swap3A_240 = arith.constant 2 : i32
    %swap3A_241 = arith.index_cast %swap3A_240 : i32 to index
    %swap3A_242 = arith.constant 64 : index
    %swap3A_243 = tpu.vector_load %arg6[%swap3A_241, %swap3A_242] {strides = array<i32>} : memref<4x128xi32, #tpu.memory_space<vmem>>, vector<16xi32>,
    tpu.vector_store %arg6[%swap3A_241, %swap3A_242], %shift_right_logical3A_239 {strides = array<i32>} : memref<4x128xi32, #tpu.memory_space<vmem>>, vector<16xi32>,
    %get3A_244 = arith.constant 2 : i32
    %get3A_245 = arith.index_cast %get3A_244 : i32 to index
    %get3A_246 = arith.constant 80 : index
    %get3A_247 = tpu.vector_load %arg5[%get3A_245, %get3A_246] {strides = array<i32>} : memref<200x128xi32, #tpu.memory_space<vmem>>, vector<16xi32>,
    %shift_right_logical3A_248 = arith.constant 1 : i32
    %shift_right_logical3A_249 = vector.broadcast %shift_right_logical3A_248 : i32 to vector<16xi32>
    %shift_right_logical3A_250 = arith.shrui %get3A_247, %shift_right_logical3A_249 : vector<16xi32>
    %swap3A_251 = arith.constant 2 : i32
    %swap3A_252 = arith.index_cast %swap3A_251 : i32 to index
    %swap3A_253 = arith.constant 80 : index
    %swap3A_254 = tpu.vector_load %arg6[%swap3A_252, %swap3A_253] {strides = array<i32>} : memref<4x128xi32, #tpu.memory_space<vmem>>, vector<16xi32>,
    tpu.vector_store %arg6[%swap3A_252, %swap3A_253], %shift_right_logical3A_250 {strides = array<i32>} : memref<4x128xi32, #tpu.memory_space<vmem>>, vector<16xi32>,
    %get3A_255 = arith.constant 2 : i32
    %get3A_256 = arith.index_cast %get3A_255 : i32 to index
    %get3A_257 = arith.constant 96 : index
    %get3A_258 = tpu.vector_load %arg5[%get3A_256, %get3A_257] {strides = array<i32>} : memref<200x128xi32, #tpu.memory_space<vmem>>, vector<16xi32>,
    %shift_right_logical3A_259 = arith.constant 1 : i32
    %shift_right_logical3A_260 = vector.broadcast %shift_right_logical3A_259 : i32 to vector<16xi32>
    %shift_right_logical3A_261 = arith.shrui %get3A_258, %shift_right_logical3A_260 : vector<16xi32>
    %swap3A_262 = arith.constant 2 : i32
    %swap3A_263 = arith.index_cast %swap3A_262 : i32 to index
    %swap3A_264 = arith.constant 96 : index
    %swap3A_265 = tpu.vector_load %arg6[%swap3A_263, %swap3A_264] {strides = array<i32>} : memref<4x128xi32, #tpu.memory_space<vmem>>, vector<16xi32>,
    tpu.vector_store %arg6[%swap3A_263, %swap3A_264], %shift_right_logical3A_261 {strides = array<i32>} : memref<4x128xi32, #tpu.memory_space<vmem>>, vector<16xi32>,
    %get3A_266 = arith.constant 2 : i32
    %get3A_267 = arith.index_cast %get3A_266 : i32 to index
    %get3A_268 = arith.constant 112 : index
    %get3A_269 = tpu.vector_load %arg5[%get3A_267, %get3A_268] {strides = array<i32>} : memref<200x128xi32, #tpu.memory_space<vmem>>, vector<16xi32>,
    %shift_right_logical3A_270 = arith.constant 1 : i32
    %shift_right_logical3A_271 = vector.broadcast %shift_right_logical3A_270 : i32 to vector<16xi32>
    %shift_right_logical3A_272 = arith.shrui %get3A_269, %shift_right_logical3A_271 : vector<16xi32>
    %swap3A_273 = arith.constant 2 : i32
    %swap3A_274 = arith.index_cast %swap3A_273 : i32 to index
    %swap3A_275 = arith.constant 112 : index
    %swap3A_276 = tpu.vector_load %arg6[%swap3A_274, %swap3A_275] {strides = array<i32>} : memref<4x128xi32, #tpu.memory_space<vmem>>, vector<16xi32>,
    tpu.vector_store %arg6[%swap3A_274, %swap3A_275], %shift_right_logical3A_272 {strides = array<i32>} : memref<4x128xi32, #tpu.memory_space<vmem>>, vector<16xi32>,
    %dma_start3A_277 = arith.constant 2 : i32
    %dma_start3A_278 = arith.constant 0 : i32
    %dma_start3A_279 = tpu.memref_slice %arg6[%dma_start3A_277, %dma_start3A_278] : memref<4x128xi32, #tpu.memory_space<vmem>> -> memref<1x128xi32, #tpu.memory_space<vmem>>
    %dma_start3A_280 = tpu.memref_squeeze %dma_start3A_279 : memref<1x128xi32, #tpu.memory_space<vmem>> -> memref<128xi32, #tpu.memory_space<vmem>>
    %dma_start3A_281 = arith.constant 0 : i32
    %dma_start3A_282 = arith.constant 0 : i32
    %dma_start3A_283 = tpu.memref_slice %arg3[%dma_start3A_281, %dma_start3A_282] : memref<50048x128xf32, #tpu.memory_space<hbm>> -> memref<50048x128xf32, #tpu.memory_space<hbm>>
    tpu.enqueue_indirect_dma source(%dma_start3A_283 : memref<50048x128xf32, #tpu.memory_space<hbm>>) target(%arg9 : memref<128x128xf32, #tpu.memory_space<vmem>>) offsets(%dma_start3A_280 : memref<128xi32, #tpu.memory_space<vmem>>) semaphore(%arg15 : memref<!tpu.dma_semaphore, #tpu.memory_space<semaphore_mem>>)
    %get3A_284 = arith.constant 3 : i32
    %get3A_285 = arith.index_cast %get3A_284 : i32 to index
    %get3A_286 = arith.constant 0 : index
    %get3A_287 = tpu.vector_load %arg5[%get3A_285, %get3A_286] {strides = array<i32>} : memref<200x128xi32, #tpu.memory_space<vmem>>, vector<16xi32>,
    %shift_right_logical3A_288 = arith.constant 1 : i32
    %shift_right_logical3A_289 = vector.broadcast %shift_right_logical3A_288 : i32 to vector<16xi32>
    %shift_right_logical3A_290 = arith.shrui %get3A_287, %shift_right_logical3A_289 : vector<16xi32>
    %swap3A_291 = arith.constant 3 : i32
    %swap3A_292 = arith.index_cast %swap3A_291 : i32 to index
    %swap3A_293 = arith.constant 0 : index
    %swap3A_294 = tpu.vector_load %arg6[%swap3A_292, %swap3A_293] {strides = array<i32>} : memref<4x128xi32, #tpu.memory_space<vmem>>, vector<16xi32>,
    tpu.vector_store %arg6[%swap3A_292, %swap3A_293], %shift_right_logical3A_290 {strides = array<i32>} : memref<4x128xi32, #tpu.memory_space<vmem>>, vector<16xi32>,
    %get3A_295 = arith.constant 3 : i32
    %get3A_296 = arith.index_cast %get3A_295 : i32 to index
    %get3A_297 = arith.constant 16 : index
    %get3A_298 = tpu.vector_load %arg5[%get3A_296, %get3A_297] {strides = array<i32>} : memref<200x128xi32, #tpu.memory_space<vmem>>, vector<16xi32>,
    %shift_right_logical3A_299 = arith.constant 1 : i32
    %shift_right_logical3A_300 = vector.broadcast %shift_right_logical3A_299 : i32 to vector<16xi32>
    %shift_right_logical3A_301 = arith.shrui %get3A_298, %shift_right_logical3A_300 : vector<16xi32>
    %swap3A_302 = arith.constant 3 : i32
    %swap3A_303 = arith.index_cast %swap3A_302 : i32 to index
    %swap3A_304 = arith.constant 16 : index
    %swap3A_305 = tpu.vector_load %arg6[%swap3A_303, %swap3A_304] {strides = array<i32>} : memref<4x128xi32, #tpu.memory_space<vmem>>, vector<16xi32>,
    tpu.vector_store %arg6[%swap3A_303, %swap3A_304], %shift_right_logical3A_301 {strides = array<i32>} : memref<4x128xi32, #tpu.memory_space<vmem>>, vector<16xi32>,
    %get3A_306 = arith.constant 3 : i32
    %get3A_307 = arith.index_cast %get3A_306 : i32 to index
    %get3A_308 = arith.constant 32 : index
    %get3A_309 = tpu.vector_load %arg5[%get3A_307, %get3A_308] {strides = array<i32>} : memref<200x128xi32, #tpu.memory_space<vmem>>, vector<16xi32>,
    %shift_right_logical3A_310 = arith.constant 1 : i32
    %shift_right_logical3A_311 = vector.broadcast %shift_right_logical3A_310 : i32 to vector<16xi32>
    %shift_right_logical3A_312 = arith.shrui %get3A_309, %shift_right_logical3A_311 : vector<16xi32>
    %swap3A_313 = arith.constant 3 : i32
    %swap3A_314 = arith.index_cast %swap3A_313 : i32 to index
    %swap3A_315 = arith.constant 32 : index
    %swap3A_316 = tpu.vector_load %arg6[%swap3A_314, %swap3A_315] {strides = array<i32>} : memref<4x128xi32, #tpu.memory_space<vmem>>, vector<16xi32>,
    tpu.vector_store %arg6[%swap3A_314, %swap3A_315], %shift_right_logical3A_312 {strides = array<i32>} : memref<4x128xi32, #tpu.memory_space<vmem>>, vector<16xi32>,
    %get3A_317 = arith.constant 3 : i32
    %get3A_318 = arith.index_cast %get3A_317 : i32 to index
    %get3A_319 = arith.constant 48 : index
    %get3A_320 = tpu.vector_load %arg5[%get3A_318, %get3A_319] {strides = array<i32>} : memref<200x128xi32, #tpu.memory_space<vmem>>, vector<16xi32>,
    %shift_right_logical3A_321 = arith.constant 1 : i32
    %shift_right_logical3A_322 = vector.broadcast %shift_right_logical3A_321 : i32 to vector<16xi32>
    %shift_right_logical3A_323 = arith.shrui %get3A_320, %shift_right_logical3A_322 : vector<16xi32>
    %swap3A_324 = arith.constant 3 : i32
    %swap3A_325 = arith.index_cast %swap3A_324 : i32 to index
    %swap3A_326 = arith.constant 48 : index
    %swap3A_327 = tpu.vector_load %arg6[%swap3A_325, %swap3A_326] {strides = array<i32>} : memref<4x128xi32, #tpu.memory_space<vmem>>, vector<16xi32>,
    tpu.vector_store %arg6[%swap3A_325, %swap3A_326], %shift_right_logical3A_323 {strides = array<i32>} : memref<4x128xi32, #tpu.memory_space<vmem>>, vector<16xi32>,
    %get3A_328 = arith.constant 3 : i32
    %get3A_329 = arith.index_cast %get3A_328 : i32 to index
    %get3A_330 = arith.constant 64 : index
    %get3A_331 = tpu.vector_load %arg5[%get3A_329, %get3A_330] {strides = array<i32>} : memref<200x128xi32, #tpu.memory_space<vmem>>, vector<16xi32>,
    %shift_right_logical3A_332 = arith.constant 1 : i32
    %shift_right_logical3A_333 = vector.broadcast %shift_right_logical3A_332 : i32 to vector<16xi32>
    %shift_right_logical3A_334 = arith.shrui %get3A_331, %shift_right_logical3A_333 : vector<16xi32>
    %swap3A_335 = arith.constant 3 : i32
    %swap3A_336 = arith.index_cast %swap3A_335 : i32 to index
    %swap3A_337 = arith.constant 64 : index
    %swap3A_338 = tpu.vector_load %arg6[%swap3A_336, %swap3A_337] {strides = array<i32>} : memref<4x128xi32, #tpu.memory_space<vmem>>, vector<16xi32>,
    tpu.vector_store %arg6[%swap3A_336, %swap3A_337], %shift_right_logical3A_334 {strides = array<i32>} : memref<4x128xi32, #tpu.memory_space<vmem>>, vector<16xi32>,
    %get3A_339 = arith.constant 3 : i32
    %get3A_340 = arith.index_cast %get3A_339 : i32 to index
    %get3A_341 = arith.constant 80 : index
    %get3A_342 = tpu.vector_load %arg5[%get3A_340, %get3A_341] {strides = array<i32>} : memref<200x128xi32, #tpu.memory_space<vmem>>, vector<16xi32>,
    %shift_right_logical3A_343 = arith.constant 1 : i32
    %shift_right_logical3A_344 = vector.broadcast %shift_right_logical3A_343 : i32 to vector<16xi32>
    %shift_right_logical3A_345 = arith.shrui %get3A_342, %shift_right_logical3A_344 : vector<16xi32>
    %swap3A_346 = arith.constant 3 : i32
    %swap3A_347 = arith.index_cast %swap3A_346 : i32 to index
    %swap3A_348 = arith.constant 80 : index
    %swap3A_349 = tpu.vector_load %arg6[%swap3A_347, %swap3A_348] {strides = array<i32>} : memref<4x128xi32, #tpu.memory_space<vmem>>, vector<16xi32>,
    tpu.vector_store %arg6[%swap3A_347, %swap3A_348], %shift_right_logical3A_345 {strides = array<i32>} : memref<4x128xi32, #tpu.memory_space<vmem>>, vector<16xi32>,
    %get3A_350 = arith.constant 3 : i32
    %get3A_351 = arith.index_cast %get3A_350 : i32 to index
    %get3A_352 = arith.constant 96 : index
    %get3A_353 = tpu.vector_load %arg5[%get3A_351, %get3A_352] {strides = array<i32>} : memref<200x128xi32, #tpu.memory_space<vmem>>, vector<16xi32>,
    %shift_right_logical3A_354 = arith.constant 1 : i32
    %shift_right_logical3A_355 = vector.broadcast %shift_right_logical3A_354 : i32 to vector<16xi32>
    %shift_right_logical3A_356 = arith.shrui %get3A_353, %shift_right_logical3A_355 : vector<16xi32>
    %swap3A_357 = arith.constant 3 : i32
    %swap3A_358 = arith.index_cast %swap3A_357 : i32 to index
    %swap3A_359 = arith.constant 96 : index
    %swap3A_360 = tpu.vector_load %arg6[%swap3A_358, %swap3A_359] {strides = array<i32>} : memref<4x128xi32, #tpu.memory_space<vmem>>, vector<16xi32>,
    tpu.vector_store %arg6[%swap3A_358, %swap3A_359], %shift_right_logical3A_356 {strides = array<i32>} : memref<4x128xi32, #tpu.memory_space<vmem>>, vector<16xi32>,
    %get3A_361 = arith.constant 3 : i32
    %get3A_362 = arith.index_cast %get3A_361 : i32 to index
    %get3A_363 = arith.constant 112 : index
    %get3A_364 = tpu.vector_load %arg5[%get3A_362, %get3A_363] {strides = array<i32>} : memref<200x128xi32, #tpu.memory_space<vmem>>, vector<16xi32>,
    %shift_right_logical3A_365 = arith.constant 1 : i32
    %shift_right_logical3A_366 = vector.broadcast %shift_right_logical3A_365 : i32 to vector<16xi32>
    %shift_right_logical3A_367 = arith.shrui %get3A_364, %shift_right_logical3A_366 : vector<16xi32>
    %swap3A_368 = arith.constant 3 : i32
    %swap3A_369 = arith.index_cast %swap3A_368 : i32 to index
    %swap3A_370 = arith.constant 112 : index
    %swap3A_371 = tpu.vector_load %arg6[%swap3A_369, %swap3A_370] {strides = array<i32>} : memref<4x128xi32, #tpu.memory_space<vmem>>, vector<16xi32>,
    tpu.vector_store %arg6[%swap3A_369, %swap3A_370], %shift_right_logical3A_367 {strides = array<i32>} : memref<4x128xi32, #tpu.memory_space<vmem>>, vector<16xi32>,
    %dma_start3A_372 = arith.constant 3 : i32
    %dma_start3A_373 = arith.constant 0 : i32
    %dma_start3A_374 = tpu.memref_slice %arg6[%dma_start3A_372, %dma_start3A_373] : memref<4x128xi32, #tpu.memory_space<vmem>> -> memref<1x128xi32, #tpu.memory_space<vmem>>
    %dma_start3A_375 = tpu.memref_squeeze %dma_start3A_374 : memref<1x128xi32, #tpu.memory_space<vmem>> -> memref<128xi32, #tpu.memory_space<vmem>>
    %dma_start3A_376 = arith.constant 0 : i32
    %dma_start3A_377 = arith.constant 0 : i32
    %dma_start3A_378 = tpu.memref_slice %arg3[%dma_start3A_376, %dma_start3A_377] : memref<50048x128xf32, #tpu.memory_space<hbm>> -> memref<50048x128xf32, #tpu.memory_space<hbm>>
    tpu.enqueue_indirect_dma source(%dma_start3A_378 : memref<50048x128xf32, #tpu.memory_space<hbm>>) target(%arg10 : memref<128x128xf32, #tpu.memory_space<vmem>>) offsets(%dma_start3A_375 : memref<128xi32, #tpu.memory_space<vmem>>) semaphore(%arg16 : memref<!tpu.dma_semaphore, #tpu.memory_space<semaphore_mem>>)
    %scan3A = arith.constant 0 : i32
    %scan3A_379 = arith.constant 0 : i32
    %scan3A_380 = arith.constant 50 : i32
    %scan3A_381 = arith.addi %scan3A_379, %scan3A_380 : i32
    %scan3A_382 = arith.constant 1 : i32
    scf.for %scan3A_409 = %scan3A_379 to %scan3A_381 step %scan3A_382  : i32 {
      %mul3A_410 = arith.constant 4 : i32
      %mul3A_411 = arith.muli %scan3A_409, %mul3A_410 : i32
      %add3A_412 = arith.constant 0 : i32
      %add3A_413 = arith.addi %mul3A_411, %add3A_412 : i32
      %dma_wait3A_414 = arith.constant 0 : i32
      %dma_wait3A_415 = arith.constant 0 : i32
      %dma_wait3A_416 = tpu.memref_slice %arg6[%dma_wait3A_414, %dma_wait3A_415] : memref<4x128xi32, #tpu.memory_space<vmem>> -> memref<1x128xi32, #tpu.memory_space<vmem>>
      %dma_wait3A_417 = tpu.memref_squeeze %dma_wait3A_416 : memref<1x128xi32, #tpu.memory_space<vmem>> -> memref<128xi32, #tpu.memory_space<vmem>>
      %dma_wait3A_418 = arith.constant 0 : i32
      %dma_wait3A_419 = arith.constant 0 : i32
      %dma_wait3A_420 = tpu.memref_slice %arg3[%dma_wait3A_418, %dma_wait3A_419] : memref<50048x128xf32, #tpu.memory_space<hbm>> -> memref<50048x128xf32, #tpu.memory_space<hbm>>
      tpu.wait_indirect_dma semaphore(%arg13 : memref<!tpu.dma_semaphore, #tpu.memory_space<semaphore_mem>>) src(%dma_wait3A_420 : memref<50048x128xf32, #tpu.memory_space<hbm>>) dst(%arg7 : memref<128x128xf32, #tpu.memory_space<vmem>>)
      %ge3A = arith.constant 2 : i32
      %ge3A_421 = arith.cmpi sge, %add3A_413, %ge3A : i32
      %convert_element_type3A = arith.extui %ge3A_421 : i1 to i32
      %cond3A = arith.constant 0 : i32
      %cond3A_422 = arith.cmpi ne, %convert_element_type3A, %cond3A : i32
      scf.if %cond3A_422 {
        %dma_wait3A_1087 = arith.constant 0 : i32
        %dma_wait3A_1088 = arith.constant 0 : i32
        %dma_wait3A_1089 = arith.constant 0 : i32
        %dma_wait3A_1090 = tpu.memref_slice %arg11[%dma_wait3A_1088, %dma_wait3A_1089] : memref<64x129xf32, #tpu.memory_space<vmem>> -> memref<64x128xf32, #tpu.memory_space<vmem>>
        %dma_wait3A_1091 = arith.constant 0 : i32
        %dma_wait3A_1092 = tpu.memref_slice %arg4[%dma_wait3A_1087, %dma_wait3A_1091, %mul3A_2] : memref<200x64x4096xf32, #tpu.memory_space<hbm>> -> memref<1x64x128xf32, #tpu.memory_space<hbm>>
        %dma_wait3A_1093 = tpu.memref_squeeze %dma_wait3A_1092 : memref<1x64x128xf32, #tpu.memory_space<hbm>> -> memref<64x128xf32, #tpu.memory_space<hbm>>
        %dma_wait3A_1094 = arith.constant 0 : i32
        %dma_wait3A_1095 = tpu.memref_slice %arg4[%dma_wait3A_1087, %dma_wait3A_1094, %mul3A_2] : memref<200x64x4096xf32, #tpu.memory_space<hbm>> -> memref<1x64x128xf32, #tpu.memory_space<hbm>>
        %dma_wait3A_1096 = tpu.memref_squeeze %dma_wait3A_1095 : memref<1x64x128xf32, #tpu.memory_space<hbm>> -> memref<64x128xf32, #tpu.memory_space<hbm>>
        %dma_wait3A_1097 = arith.constant 0 : i32
        %dma_wait3A_1098 = arith.constant 0 : i32
        %dma_wait3A_1099 = tpu.memref_slice %arg11[%dma_wait3A_1097, %dma_wait3A_1098] : memref<64x129xf32, #tpu.memory_space<vmem>> -> memref<64x128xf32, #tpu.memory_space<vmem>>
        tpu.wait_dma2 semaphore(%arg17 : memref<!tpu.dma_semaphore, #tpu.memory_space<semaphore_mem>>) src(%dma_wait3A_1099 : memref<64x128xf32, #tpu.memory_space<vmem>>) dst(%dma_wait3A_1096 : memref<64x128xf32, #tpu.memory_space<hbm>>)
      } else {
      }
      %broadcast_in_dim3A = arith.constant 0 : i32
      %broadcast_in_dim3A_423 = vector.broadcast %broadcast_in_dim3A : i32 to vector<16xi32>
      %get3A_424 = arith.index_cast %add3A_413 : i32 to index
      %get3A_425 = arith.constant 0 : index
      %get3A_426 = tpu.vector_load %arg5[%get3A_424, %get3A_425] {strides = array<i32>} : memref<200x128xi32, #tpu.memory_space<vmem>>, vector<16xi32>,
      %and3A = arith.constant 1 : i32
      %and3A_427 = vector.broadcast %and3A : i32 to vector<16xi32>
      %and3A_428 = arith.andi %get3A_426, %and3A_427 : vector<16xi32>
      %shift_left3A = arith.constant 6 : i32
      %shift_left3A_429 = vector.broadcast %shift_left3A : i32 to vector<16xi32>
      %shift_left3A_430 = arith.shli %and3A_428, %shift_left3A_429 : vector<16xi32>
      %iota3A = tpu.iota {dimensions = array<i32: 0>} : vector<16xi32>
      %add3A_431 = arith.constant 0 : i32
      %add3A_432 = vector.broadcast %add3A_431 : i32 to vector<16xi32>
      %add3A_433 = arith.addi %iota3A, %add3A_432 : vector<16xi32>
      %add3A_434 = arith.addi %add3A_433, %shift_left3A_430 : vector<16xi32>
      %parallel_loop3A = arith.constant 0 : i32
      %parallel_loop3A_435 = arith.constant 64 : i32
      %parallel_loop3A_436 = arith.constant 1 : i32
      scf.for %parallel_loop3A_1087 = %parallel_loop3A to %parallel_loop3A_435 step %parallel_loop3A_436  : i32 {
        %parallel_loop3A_1088 = vector.broadcast %parallel_loop3A_1087 : i32 to vector<16xi32>
        %parallel_loop3A_1089 = arith.addi %add3A_434, %parallel_loop3A_1088 : vector<16xi32>
        %parallel_loop3A_1090 = tpu.vector_load_idx %arg7[%broadcast_in_dim3A_423, %parallel_loop3A_1089] : memref<128x128xf32, #tpu.memory_space<vmem>>[vector<16xi32>, vector<16xi32>], vector<16xf32>,
        %parallel_loop3A_1091 = tpu.iota {dimensions = array<i32: 0>} : vector<16xi32>
        %parallel_loop3A_1092 = vector.broadcast %parallel_loop3A_1087 : i32 to vector<16xi32>
        %parallel_loop3A_1093 = arith.addi %parallel_loop3A_1091, %parallel_loop3A_1092 : vector<16xi32>
        tpu.vector_store_idx %arg11[%broadcast_in_dim3A_423, %parallel_loop3A_1093], %parallel_loop3A_1090 : memref<64x129xf32, #tpu.memory_space<vmem>>[vector<16xi32>, vector<16xi32>], vector<16xf32>,
      } {sc.loop_unroll_factor = 8 : i64, sc.parallel_access}
      %get3A_437 = arith.index_cast %add3A_413 : i32 to index
      %get3A_438 = arith.constant 16 : index
      %get3A_439 = tpu.vector_load %arg5[%get3A_437, %get3A_438] {strides = array<i32>} : memref<200x128xi32, #tpu.memory_space<vmem>>, vector<16xi32>,
      %and3A_440 = arith.constant 1 : i32
      %and3A_441 = vector.broadcast %and3A_440 : i32 to vector<16xi32>
      %and3A_442 = arith.andi %get3A_439, %and3A_441 : vector<16xi32>
      %shift_left3A_443 = arith.constant 6 : i32
      %shift_left3A_444 = vector.broadcast %shift_left3A_443 : i32 to vector<16xi32>
      %shift_left3A_445 = arith.shli %and3A_442, %shift_left3A_444 : vector<16xi32>
      %iota3A_446 = tpu.iota {dimensions = array<i32: 0>} : vector<16xi32>
      %add3A_447 = arith.constant 2048 : i32
      %add3A_448 = vector.broadcast %add3A_447 : i32 to vector<16xi32>
      %add3A_449 = arith.addi %iota3A_446, %add3A_448 : vector<16xi32>
      %add3A_450 = arith.addi %add3A_449, %shift_left3A_445 : vector<16xi32>
      %parallel_loop3A_451 = arith.constant 0 : i32
      %parallel_loop3A_452 = arith.constant 64 : i32
      %parallel_loop3A_453 = arith.constant 1 : i32
      scf.for %parallel_loop3A_1087 = %parallel_loop3A_451 to %parallel_loop3A_452 step %parallel_loop3A_453  : i32 {
        %parallel_loop3A_1088 = vector.broadcast %parallel_loop3A_1087 : i32 to vector<16xi32>
        %parallel_loop3A_1089 = arith.addi %add3A_450, %parallel_loop3A_1088 : vector<16xi32>
        %parallel_loop3A_1090 = tpu.vector_load_idx %arg7[%broadcast_in_dim3A_423, %parallel_loop3A_1089] : memref<128x128xf32, #tpu.memory_space<vmem>>[vector<16xi32>, vector<16xi32>], vector<16xf32>,
        %parallel_loop3A_1091 = tpu.iota {dimensions = array<i32: 0>} : vector<16xi32>
        %parallel_loop3A_1092 = vector.broadcast %parallel_loop3A_1087 : i32 to vector<16xi32>
        %parallel_loop3A_1093 = arith.addi %parallel_loop3A_1091, %parallel_loop3A_1092 : vector<16xi32>
        tpu.vector_store_idx %arg11[%broadcast_in_dim3A_423, %parallel_loop3A_1093], %parallel_loop3A_1090 : memref<64x129xf32, #tpu.memory_space<vmem>>[vector<16xi32>, vector<16xi32>], vector<16xf32>,
      } {sc.loop_unroll_factor = 8 : i64, sc.parallel_access}
      %get3A_454 = arith.index_cast %add3A_413 : i32 to index
      %get3A_455 = arith.constant 32 : index
      %get3A_456 = tpu.vector_load %arg5[%get3A_454, %get3A_455] {strides = array<i32>} : memref<200x128xi32, #tpu.memory_space<vmem>>, vector<16xi32>,
      %and3A_457 = arith.constant 1 : i32
      %and3A_458 = vector.broadcast %and3A_457 : i32 to vector<16xi32>
      %and3A_459 = arith.andi %get3A_456, %and3A_458 : vector<16xi32>
      %shift_left3A_460 = arith.constant 6 : i32
      %shift_left3A_461 = vector.broadcast %shift_left3A_460 : i32 to vector<16xi32>
      %shift_left3A_462 = arith.shli %and3A_459, %shift_left3A_461 : vector<16xi32>
      %iota3A_463 = tpu.iota {dimensions = array<i32: 0>} : vector<16xi32>
      %add3A_464 = arith.constant 4096 : i32
      %add3A_465 = vector.broadcast %add3A_464 : i32 to vector<16xi32>
      %add3A_466 = arith.addi %iota3A_463, %add3A_465 : vector<16xi32>
      %add3A_467 = arith.addi %add3A_466, %shift_left3A_462 : vector<16xi32>
      %parallel_loop3A_468 = arith.constant 0 : i32
      %parallel_loop3A_469 = arith.constant 64 : i32
      %parallel_loop3A_470 = arith.constant 1 : i32
      scf.for %parallel_loop3A_1087 = %parallel_loop3A_468 to %parallel_loop3A_469 step %parallel_loop3A_470  : i32 {
        %parallel_loop3A_1088 = vector.broadcast %parallel_loop3A_1087 : i32 to vector<16xi32>
        %parallel_loop3A_1089 = arith.addi %add3A_467, %parallel_loop3A_1088 : vector<16xi32>
        %parallel_loop3A_1090 = tpu.vector_load_idx %arg7[%broadcast_in_dim3A_423, %parallel_loop3A_1089] : memref<128x128xf32, #tpu.memory_space<vmem>>[vector<16xi32>, vector<16xi32>], vector<16xf32>,
        %parallel_loop3A_1091 = tpu.iota {dimensions = array<i32: 0>} : vector<16xi32>
        %parallel_loop3A_1092 = vector.broadcast %parallel_loop3A_1087 : i32 to vector<16xi32>
        %parallel_loop3A_1093 = arith.addi %parallel_loop3A_1091, %parallel_loop3A_1092 : vector<16xi32>
        tpu.vector_store_idx %arg11[%broadcast_in_dim3A_423, %parallel_loop3A_1093], %parallel_loop3A_1090 : memref<64x129xf32, #tpu.memory_space<vmem>>[vector<16xi32>, vector<16xi32>], vector<16xf32>,
      } {sc.loop_unroll_factor = 8 : i64, sc.parallel_access}
      %get3A_471 = arith.index_cast %add3A_413 : i32 to index
      %get3A_472 = arith.constant 48 : index
      %get3A_473 = tpu.vector_load %arg5[%get3A_471, %get3A_472] {strides = array<i32>} : memref<200x128xi32, #tpu.memory_space<vmem>>, vector<16xi32>,
      %and3A_474 = arith.constant 1 : i32
      %and3A_475 = vector.broadcast %and3A_474 : i32 to vector<16xi32>
      %and3A_476 = arith.andi %get3A_473, %and3A_475 : vector<16xi32>
      %shift_left3A_477 = arith.constant 6 : i32
      %shift_left3A_478 = vector.broadcast %shift_left3A_477 : i32 to vector<16xi32>
      %shift_left3A_479 = arith.shli %and3A_476, %shift_left3A_478 : vector<16xi32>
      %iota3A_480 = tpu.iota {dimensions = array<i32: 0>} : vector<16xi32>
      %add3A_481 = arith.constant 6144 : i32
      %add3A_482 = vector.broadcast %add3A_481 : i32 to vector<16xi32>
      %add3A_483 = arith.addi %iota3A_480, %add3A_482 : vector<16xi32>
      %add3A_484 = arith.addi %add3A_483, %shift_left3A_479 : vector<16xi32>
      %parallel_loop3A_485 = arith.constant 0 : i32
      %parallel_loop3A_486 = arith.constant 64 : i32
      %parallel_loop3A_487 = arith.constant 1 : i32
      scf.for %parallel_loop3A_1087 = %parallel_loop3A_485 to %parallel_loop3A_486 step %parallel_loop3A_487  : i32 {
        %parallel_loop3A_1088 = vector.broadcast %parallel_loop3A_1087 : i32 to vector<16xi32>
        %parallel_loop3A_1089 = arith.addi %add3A_484, %parallel_loop3A_1088 : vector<16xi32>
        %parallel_loop3A_1090 = tpu.vector_load_idx %arg7[%broadcast_in_dim3A_423, %parallel_loop3A_1089] : memref<128x128xf32, #tpu.memory_space<vmem>>[vector<16xi32>, vector<16xi32>], vector<16xf32>,
        %parallel_loop3A_1091 = tpu.iota {dimensions = array<i32: 0>} : vector<16xi32>
        %parallel_loop3A_1092 = vector.broadcast %parallel_loop3A_1087 : i32 to vector<16xi32>
        %parallel_loop3A_1093 = arith.addi %parallel_loop3A_1091, %parallel_loop3A_1092 : vector<16xi32>
        tpu.vector_store_idx %arg11[%broadcast_in_dim3A_423, %parallel_loop3A_1093], %parallel_loop3A_1090 : memref<64x129xf32, #tpu.memory_space<vmem>>[vector<16xi32>, vector<16xi32>], vector<16xf32>,
      } {sc.loop_unroll_factor = 8 : i64, sc.parallel_access}
      %get3A_488 = arith.index_cast %add3A_413 : i32 to index
      %get3A_489 = arith.constant 64 : index
      %get3A_490 = tpu.vector_load %arg5[%get3A_488, %get3A_489] {strides = array<i32>} : memref<200x128xi32, #tpu.memory_space<vmem>>, vector<16xi32>,
      %and3A_491 = arith.constant 1 : i32
      %and3A_492 = vector.broadcast %and3A_491 : i32 to vector<16xi32>
      %and3A_493 = arith.andi %get3A_490, %and3A_492 : vector<16xi32>
      %shift_left3A_494 = arith.constant 6 : i32
      %shift_left3A_495 = vector.broadcast %shift_left3A_494 : i32 to vector<16xi32>
      %shift_left3A_496 = arith.shli %and3A_493, %shift_left3A_495 : vector<16xi32>
      %iota3A_497 = tpu.iota {dimensions = array<i32: 0>} : vector<16xi32>
      %add3A_498 = arith.constant 8192 : i32
      %add3A_499 = vector.broadcast %add3A_498 : i32 to vector<16xi32>
      %add3A_500 = arith.addi %iota3A_497, %add3A_499 : vector<16xi32>
      %add3A_501 = arith.addi %add3A_500, %shift_left3A_496 : vector<16xi32>
      %parallel_loop3A_502 = arith.constant 0 : i32
      %parallel_loop3A_503 = arith.constant 64 : i32
      %parallel_loop3A_504 = arith.constant 1 : i32
      scf.for %parallel_loop3A_1087 = %parallel_loop3A_502 to %parallel_loop3A_503 step %parallel_loop3A_504  : i32 {
        %parallel_loop3A_1088 = vector.broadcast %parallel_loop3A_1087 : i32 to vector<16xi32>
        %parallel_loop3A_1089 = arith.addi %add3A_501, %parallel_loop3A_1088 : vector<16xi32>
        %parallel_loop3A_1090 = tpu.vector_load_idx %arg7[%broadcast_in_dim3A_423, %parallel_loop3A_1089] : memref<128x128xf32, #tpu.memory_space<vmem>>[vector<16xi32>, vector<16xi32>], vector<16xf32>,
        %parallel_loop3A_1091 = tpu.iota {dimensions = array<i32: 0>} : vector<16xi32>
        %parallel_loop3A_1092 = vector.broadcast %parallel_loop3A_1087 : i32 to vector<16xi32>
        %parallel_loop3A_1093 = arith.addi %parallel_loop3A_1091, %parallel_loop3A_1092 : vector<16xi32>
        tpu.vector_store_idx %arg11[%broadcast_in_dim3A_423, %parallel_loop3A_1093], %parallel_loop3A_1090 : memref<64x129xf32, #tpu.memory_space<vmem>>[vector<16xi32>, vector<16xi32>], vector<16xf32>,
      } {sc.loop_unroll_factor = 8 : i64, sc.parallel_access}
      %get3A_505 = arith.index_cast %add3A_413 : i32 to index
      %get3A_506 = arith.constant 80 : index
      %get3A_507 = tpu.vector_load %arg5[%get3A_505, %get3A_506] {strides = array<i32>} : memref<200x128xi32, #tpu.memory_space<vmem>>, vector<16xi32>,
      %and3A_508 = arith.constant 1 : i32
      %and3A_509 = vector.broadcast %and3A_508 : i32 to vector<16xi32>
      %and3A_510 = arith.andi %get3A_507, %and3A_509 : vector<16xi32>
      %shift_left3A_511 = arith.constant 6 : i32
      %shift_left3A_512 = vector.broadcast %shift_left3A_511 : i32 to vector<16xi32>
      %shift_left3A_513 = arith.shli %and3A_510, %shift_left3A_512 : vector<16xi32>
      %iota3A_514 = tpu.iota {dimensions = array<i32: 0>} : vector<16xi32>
      %add3A_515 = arith.constant 10240 : i32
      %add3A_516 = vector.broadcast %add3A_515 : i32 to vector<16xi32>
      %add3A_517 = arith.addi %iota3A_514, %add3A_516 : vector<16xi32>
      %add3A_518 = arith.addi %add3A_517, %shift_left3A_513 : vector<16xi32>
      %parallel_loop3A_519 = arith.constant 0 : i32
      %parallel_loop3A_520 = arith.constant 64 : i32
      %parallel_loop3A_521 = arith.constant 1 : i32
      scf.for %parallel_loop3A_1087 = %parallel_loop3A_519 to %parallel_loop3A_520 step %parallel_loop3A_521  : i32 {
        %parallel_loop3A_1088 = vector.broadcast %parallel_loop3A_1087 : i32 to vector<16xi32>
        %parallel_loop3A_1089 = arith.addi %add3A_518, %parallel_loop3A_1088 : vector<16xi32>
        %parallel_loop3A_1090 = tpu.vector_load_idx %arg7[%broadcast_in_dim3A_423, %parallel_loop3A_1089] : memref<128x128xf32, #tpu.memory_space<vmem>>[vector<16xi32>, vector<16xi32>], vector<16xf32>,
        %parallel_loop3A_1091 = tpu.iota {dimensions = array<i32: 0>} : vector<16xi32>
        %parallel_loop3A_1092 = vector.broadcast %parallel_loop3A_1087 : i32 to vector<16xi32>
        %parallel_loop3A_1093 = arith.addi %parallel_loop3A_1091, %parallel_loop3A_1092 : vector<16xi32>
        tpu.vector_store_idx %arg11[%broadcast_in_dim3A_423, %parallel_loop3A_1093], %parallel_loop3A_1090 : memref<64x129xf32, #tpu.memory_space<vmem>>[vector<16xi32>, vector<16xi32>], vector<16xf32>,
      } {sc.loop_unroll_factor = 8 : i64, sc.parallel_access}
      %get3A_522 = arith.index_cast %add3A_413 : i32 to index
      %get3A_523 = arith.constant 96 : index
      %get3A_524 = tpu.vector_load %arg5[%get3A_522, %get3A_523] {strides = array<i32>} : memref<200x128xi32, #tpu.memory_space<vmem>>, vector<16xi32>,
      %and3A_525 = arith.constant 1 : i32
      %and3A_526 = vector.broadcast %and3A_525 : i32 to vector<16xi32>
      %and3A_527 = arith.andi %get3A_524, %and3A_526 : vector<16xi32>
      %shift_left3A_528 = arith.constant 6 : i32
      %shift_left3A_529 = vector.broadcast %shift_left3A_528 : i32 to vector<16xi32>
      %shift_left3A_530 = arith.shli %and3A_527, %shift_left3A_529 : vector<16xi32>
      %iota3A_531 = tpu.iota {dimensions = array<i32: 0>} : vector<16xi32>
      %add3A_532 = arith.constant 12288 : i32
      %add3A_533 = vector.broadcast %add3A_532 : i32 to vector<16xi32>
      %add3A_534 = arith.addi %iota3A_531, %add3A_533 : vector<16xi32>
      %add3A_535 = arith.addi %add3A_534, %shift_left3A_530 : vector<16xi32>
      %parallel_loop3A_536 = arith.constant 0 : i32
      %parallel_loop3A_537 = arith.constant 64 : i32
      %parallel_loop3A_538 = arith.constant 1 : i32
      scf.for %parallel_loop3A_1087 = %parallel_loop3A_536 to %parallel_loop3A_537 step %parallel_loop3A_538  : i32 {
        %parallel_loop3A_1088 = vector.broadcast %parallel_loop3A_1087 : i32 to vector<16xi32>
        %parallel_loop3A_1089 = arith.addi %add3A_535, %parallel_loop3A_1088 : vector<16xi32>
        %parallel_loop3A_1090 = tpu.vector_load_idx %arg7[%broadcast_in_dim3A_423, %parallel_loop3A_1089] : memref<128x128xf32, #tpu.memory_space<vmem>>[vector<16xi32>, vector<16xi32>], vector<16xf32>,
        %parallel_loop3A_1091 = tpu.iota {dimensions = array<i32: 0>} : vector<16xi32>
        %parallel_loop3A_1092 = vector.broadcast %parallel_loop3A_1087 : i32 to vector<16xi32>
        %parallel_loop3A_1093 = arith.addi %parallel_loop3A_1091, %parallel_loop3A_1092 : vector<16xi32>
        tpu.vector_store_idx %arg11[%broadcast_in_dim3A_423, %parallel_loop3A_1093], %parallel_loop3A_1090 : memref<64x129xf32, #tpu.memory_space<vmem>>[vector<16xi32>, vector<16xi32>], vector<16xf32>,
      } {sc.loop_unroll_factor = 8 : i64, sc.parallel_access}
      %get3A_539 = arith.index_cast %add3A_413 : i32 to index
      %get3A_540 = arith.constant 112 : index
      %get3A_541 = tpu.vector_load %arg5[%get3A_539, %get3A_540] {strides = array<i32>} : memref<200x128xi32, #tpu.memory_space<vmem>>, vector<16xi32>,
      %and3A_542 = arith.constant 1 : i32
      %and3A_543 = vector.broadcast %and3A_542 : i32 to vector<16xi32>
      %and3A_544 = arith.andi %get3A_541, %and3A_543 : vector<16xi32>
      %shift_left3A_545 = arith.constant 6 : i32
      %shift_left3A_546 = vector.broadcast %shift_left3A_545 : i32 to vector<16xi32>
      %shift_left3A_547 = arith.shli %and3A_544, %shift_left3A_546 : vector<16xi32>
      %iota3A_548 = tpu.iota {dimensions = array<i32: 0>} : vector<16xi32>
      %add3A_549 = arith.constant 14336 : i32
      %add3A_550 = vector.broadcast %add3A_549 : i32 to vector<16xi32>
      %add3A_551 = arith.addi %iota3A_548, %add3A_550 : vector<16xi32>
      %add3A_552 = arith.addi %add3A_551, %shift_left3A_547 : vector<16xi32>
      %parallel_loop3A_553 = arith.constant 0 : i32
      %parallel_loop3A_554 = arith.constant 64 : i32
      %parallel_loop3A_555 = arith.constant 1 : i32
      scf.for %parallel_loop3A_1087 = %parallel_loop3A_553 to %parallel_loop3A_554 step %parallel_loop3A_555  : i32 {
        %parallel_loop3A_1088 = vector.broadcast %parallel_loop3A_1087 : i32 to vector<16xi32>
        %parallel_loop3A_1089 = arith.addi %add3A_552, %parallel_loop3A_1088 : vector<16xi32>
        %parallel_loop3A_1090 = tpu.vector_load_idx %arg7[%broadcast_in_dim3A_423, %parallel_loop3A_1089] : memref<128x128xf32, #tpu.memory_space<vmem>>[vector<16xi32>, vector<16xi32>], vector<16xf32>,
        %parallel_loop3A_1091 = tpu.iota {dimensions = array<i32: 0>} : vector<16xi32>
        %parallel_loop3A_1092 = vector.broadcast %parallel_loop3A_1087 : i32 to vector<16xi32>
        %parallel_loop3A_1093 = arith.addi %parallel_loop3A_1091, %parallel_loop3A_1092 : vector<16xi32>
        tpu.vector_store_idx %arg11[%broadcast_in_dim3A_423, %parallel_loop3A_1093], %parallel_loop3A_1090 : memref<64x129xf32, #tpu.memory_space<vmem>>[vector<16xi32>, vector<16xi32>], vector<16xf32>,
      } {sc.loop_unroll_factor = 8 : i64, sc.parallel_access}
      %dma_start3A_556 = arith.constant 0 : i32
      %dma_start3A_557 = arith.constant 0 : i32
      %dma_start3A_558 = tpu.memref_slice %arg11[%dma_start3A_556, %dma_start3A_557] : memref<64x129xf32, #tpu.memory_space<vmem>> -> memref<64x128xf32, #tpu.memory_space<vmem>>
      %dma_start3A_559 = arith.constant 0 : i32
      %dma_start3A_560 = tpu.memref_slice %arg4[%add3A_413, %dma_start3A_559, %mul3A_2] : memref<200x64x4096xf32, #tpu.memory_space<hbm>> -> memref<1x64x128xf32, #tpu.memory_space<hbm>>
      %dma_start3A_561 = tpu.memref_squeeze %dma_start3A_560 : memref<1x64x128xf32, #tpu.memory_space<hbm>> -> memref<64x128xf32, #tpu.memory_space<hbm>>
      %dma_start3A_562 = arith.constant 0 : i32
      %dma_start3A_563 = tpu.memref_slice %arg4[%add3A_413, %dma_start3A_562, %mul3A_2] : memref<200x64x4096xf32, #tpu.memory_space<hbm>> -> memref<1x64x128xf32, #tpu.memory_space<hbm>>
      %dma_start3A_564 = tpu.memref_squeeze %dma_start3A_563 : memref<1x64x128xf32, #tpu.memory_space<hbm>> -> memref<64x128xf32, #tpu.memory_space<hbm>>
      %dma_start3A_565 = arith.constant 0 : i32
      %dma_start3A_566 = arith.constant 0 : i32
      %dma_start3A_567 = tpu.memref_slice %arg11[%dma_start3A_565, %dma_start3A_566] : memref<64x129xf32, #tpu.memory_space<vmem>> -> memref<64x128xf32, #tpu.memory_space<vmem>>
      tpu.enqueue_dma source(%dma_start3A_567 : memref<64x128xf32, #tpu.memory_space<vmem>>) target(%dma_start3A_564 : memref<64x128xf32, #tpu.memory_space<hbm>>) target_semaphore(%arg17 : memref<!tpu.dma_semaphore, #tpu.memory_space<semaphore_mem>>)
      %add3A_568 = arith.constant 4 : i32
      %add3A_569 = arith.addi %add3A_413, %add3A_568 : i32
      %lt3A = arith.constant 200 : i32
      %lt3A_570 = arith.cmpi slt, %add3A_569, %lt3A : i32
      %convert_element_type3A_571 = arith.extui %lt3A_570 : i1 to i32
      %cond3A_572 = arith.constant 0 : i32
      %cond3A_573 = arith.cmpi ne, %convert_element_type3A_571, %cond3A_572 : i32
      scf.if %cond3A_573 {
        %add3A_1087 = arith.constant 4 : i32
        %add3A_1088 = arith.addi %add3A_413, %add3A_1087 : i32
        %get3A_1089 = arith.index_cast %add3A_1088 : i32 to index
        %get3A_1090 = arith.constant 0 : index
        %get3A_1091 = tpu.vector_load %arg5[%get3A_1089, %get3A_1090] {strides = array<i32>} : memref<200x128xi32, #tpu.memory_space<vmem>>, vector<16xi32>,
        %shift_right_logical3A_1092 = arith.constant 1 : i32
        %shift_right_logical3A_1093 = vector.broadcast %shift_right_logical3A_1092 : i32 to vector<16xi32>
        %shift_right_logical3A_1094 = arith.shrui %get3A_1091, %shift_right_logical3A_1093 : vector<16xi32>
        %swap3A_1095 = arith.constant 0 : i32
        %swap3A_1096 = arith.index_cast %swap3A_1095 : i32 to index
        %swap3A_1097 = arith.constant 0 : index
        %swap3A_1098 = tpu.vector_load %arg6[%swap3A_1096, %swap3A_1097] {strides = array<i32>} : memref<4x128xi32, #tpu.memory_space<vmem>>, vector<16xi32>,
        tpu.vector_store %arg6[%swap3A_1096, %swap3A_1097], %shift_right_logical3A_1094 {strides = array<i32>} : memref<4x128xi32, #tpu.memory_space<vmem>>, vector<16xi32>,
        %get3A_1099 = arith.index_cast %add3A_1088 : i32 to index
        %get3A_1100 = arith.constant 16 : index
        %get3A_1101 = tpu.vector_load %arg5[%get3A_1099, %get3A_1100] {strides = array<i32>} : memref<200x128xi32, #tpu.memory_space<vmem>>, vector<16xi32>,
        %shift_right_logical3A_1102 = arith.constant 1 : i32
        %shift_right_logical3A_1103 = vector.broadcast %shift_right_logical3A_1102 : i32 to vector<16xi32>
        %shift_right_logical3A_1104 = arith.shrui %get3A_1101, %shift_right_logical3A_1103 : vector<16xi32>
        %swap3A_1105 = arith.constant 0 : i32
        %swap3A_1106 = arith.index_cast %swap3A_1105 : i32 to index
        %swap3A_1107 = arith.constant 16 : index
        %swap3A_1108 = tpu.vector_load %arg6[%swap3A_1106, %swap3A_1107] {strides = array<i32>} : memref<4x128xi32, #tpu.memory_space<vmem>>, vector<16xi32>,
        tpu.vector_store %arg6[%swap3A_1106, %swap3A_1107], %shift_right_logical3A_1104 {strides = array<i32>} : memref<4x128xi32, #tpu.memory_space<vmem>>, vector<16xi32>,
        %get3A_1109 = arith.index_cast %add3A_1088 : i32 to index
        %get3A_1110 = arith.constant 32 : index
        %get3A_1111 = tpu.vector_load %arg5[%get3A_1109, %get3A_1110] {strides = array<i32>} : memref<200x128xi32, #tpu.memory_space<vmem>>, vector<16xi32>,
        %shift_right_logical3A_1112 = arith.constant 1 : i32
        %shift_right_logical3A_1113 = vector.broadcast %shift_right_logical3A_1112 : i32 to vector<16xi32>
        %shift_right_logical3A_1114 = arith.shrui %get3A_1111, %shift_right_logical3A_1113 : vector<16xi32>
        %swap3A_1115 = arith.constant 0 : i32
        %swap3A_1116 = arith.index_cast %swap3A_1115 : i32 to index
        %swap3A_1117 = arith.constant 32 : index
        %swap3A_1118 = tpu.vector_load %arg6[%swap3A_1116, %swap3A_1117] {strides = array<i32>} : memref<4x128xi32, #tpu.memory_space<vmem>>, vector<16xi32>,
        tpu.vector_store %arg6[%swap3A_1116, %swap3A_1117], %shift_right_logical3A_1114 {strides = array<i32>} : memref<4x128xi32, #tpu.memory_space<vmem>>, vector<16xi32>,
        %get3A_1119 = arith.index_cast %add3A_1088 : i32 to index
        %get3A_1120 = arith.constant 48 : index
        %get3A_1121 = tpu.vector_load %arg5[%get3A_1119, %get3A_1120] {strides = array<i32>} : memref<200x128xi32, #tpu.memory_space<vmem>>, vector<16xi32>,
        %shift_right_logical3A_1122 = arith.constant 1 : i32
        %shift_right_logical3A_1123 = vector.broadcast %shift_right_logical3A_1122 : i32 to vector<16xi32>
        %shift_right_logical3A_1124 = arith.shrui %get3A_1121, %shift_right_logical3A_1123 : vector<16xi32>
        %swap3A_1125 = arith.constant 0 : i32
        %swap3A_1126 = arith.index_cast %swap3A_1125 : i32 to index
        %swap3A_1127 = arith.constant 48 : index
        %swap3A_1128 = tpu.vector_load %arg6[%swap3A_1126, %swap3A_1127] {strides = array<i32>} : memref<4x128xi32, #tpu.memory_space<vmem>>, vector<16xi32>,
        tpu.vector_store %arg6[%swap3A_1126, %swap3A_1127], %shift_right_logical3A_1124 {strides = array<i32>} : memref<4x128xi32, #tpu.memory_space<vmem>>, vector<16xi32>,
        %get3A_1129 = arith.index_cast %add3A_1088 : i32 to index
        %get3A_1130 = arith.constant 64 : index
        %get3A_1131 = tpu.vector_load %arg5[%get3A_1129, %get3A_1130] {strides = array<i32>} : memref<200x128xi32, #tpu.memory_space<vmem>>, vector<16xi32>,
        %shift_right_logical3A_1132 = arith.constant 1 : i32
        %shift_right_logical3A_1133 = vector.broadcast %shift_right_logical3A_1132 : i32 to vector<16xi32>
        %shift_right_logical3A_1134 = arith.shrui %get3A_1131, %shift_right_logical3A_1133 : vector<16xi32>
        %swap3A_1135 = arith.constant 0 : i32
        %swap3A_1136 = arith.index_cast %swap3A_1135 : i32 to index
        %swap3A_1137 = arith.constant 64 : index
        %swap3A_1138 = tpu.vector_load %arg6[%swap3A_1136, %swap3A_1137] {strides = array<i32>} : memref<4x128xi32, #tpu.memory_space<vmem>>, vector<16xi32>,
        tpu.vector_store %arg6[%swap3A_1136, %swap3A_1137], %shift_right_logical3A_1134 {strides = array<i32>} : memref<4x128xi32, #tpu.memory_space<vmem>>, vector<16xi32>,
        %get3A_1139 = arith.index_cast %add3A_1088 : i32 to index
        %get3A_1140 = arith.constant 80 : index
        %get3A_1141 = tpu.vector_load %arg5[%get3A_1139, %get3A_1140] {strides = array<i32>} : memref<200x128xi32, #tpu.memory_space<vmem>>, vector<16xi32>,
        %shift_right_logical3A_1142 = arith.constant 1 : i32
        %shift_right_logical3A_1143 = vector.broadcast %shift_right_logical3A_1142 : i32 to vector<16xi32>
        %shift_right_logical3A_1144 = arith.shrui %get3A_1141, %shift_right_logical3A_1143 : vector<16xi32>
        %swap3A_1145 = arith.constant 0 : i32
        %swap3A_1146 = arith.index_cast %swap3A_1145 : i32 to index
        %swap3A_1147 = arith.constant 80 : index
        %swap3A_1148 = tpu.vector_load %arg6[%swap3A_1146, %swap3A_1147] {strides = array<i32>} : memref<4x128xi32, #tpu.memory_space<vmem>>, vector<16xi32>,
        tpu.vector_store %arg6[%swap3A_1146, %swap3A_1147], %shift_right_logical3A_1144 {strides = array<i32>} : memref<4x128xi32, #tpu.memory_space<vmem>>, vector<16xi32>,
        %get3A_1149 = arith.index_cast %add3A_1088 : i32 to index
        %get3A_1150 = arith.constant 96 : index
        %get3A_1151 = tpu.vector_load %arg5[%get3A_1149, %get3A_1150] {strides = array<i32>} : memref<200x128xi32, #tpu.memory_space<vmem>>, vector<16xi32>,
        %shift_right_logical3A_1152 = arith.constant 1 : i32
        %shift_right_logical3A_1153 = vector.broadcast %shift_right_logical3A_1152 : i32 to vector<16xi32>
        %shift_right_logical3A_1154 = arith.shrui %get3A_1151, %shift_right_logical3A_1153 : vector<16xi32>
        %swap3A_1155 = arith.constant 0 : i32
        %swap3A_1156 = arith.index_cast %swap3A_1155 : i32 to index
        %swap3A_1157 = arith.constant 96 : index
        %swap3A_1158 = tpu.vector_load %arg6[%swap3A_1156, %swap3A_1157] {strides = array<i32>} : memref<4x128xi32, #tpu.memory_space<vmem>>, vector<16xi32>,
        tpu.vector_store %arg6[%swap3A_1156, %swap3A_1157], %shift_right_logical3A_1154 {strides = array<i32>} : memref<4x128xi32, #tpu.memory_space<vmem>>, vector<16xi32>,
        %get3A_1159 = arith.index_cast %add3A_1088 : i32 to index
        %get3A_1160 = arith.constant 112 : index
        %get3A_1161 = tpu.vector_load %arg5[%get3A_1159, %get3A_1160] {strides = array<i32>} : memref<200x128xi32, #tpu.memory_space<vmem>>, vector<16xi32>,
        %shift_right_logical3A_1162 = arith.constant 1 : i32
        %shift_right_logical3A_1163 = vector.broadcast %shift_right_logical3A_1162 : i32 to vector<16xi32>
        %shift_right_logical3A_1164 = arith.shrui %get3A_1161, %shift_right_logical3A_1163 : vector<16xi32>
        %swap3A_1165 = arith.constant 0 : i32
        %swap3A_1166 = arith.index_cast %swap3A_1165 : i32 to index
        %swap3A_1167 = arith.constant 112 : index
        %swap3A_1168 = tpu.vector_load %arg6[%swap3A_1166, %swap3A_1167] {strides = array<i32>} : memref<4x128xi32, #tpu.memory_space<vmem>>, vector<16xi32>,
        tpu.vector_store %arg6[%swap3A_1166, %swap3A_1167], %shift_right_logical3A_1164 {strides = array<i32>} : memref<4x128xi32, #tpu.memory_space<vmem>>, vector<16xi32>,
        %dma_start3A_1169 = arith.constant 0 : i32
        %dma_start3A_1170 = arith.constant 0 : i32
        %dma_start3A_1171 = tpu.memref_slice %arg6[%dma_start3A_1169, %dma_start3A_1170] : memref<4x128xi32, #tpu.memory_space<vmem>> -> memref<1x128xi32, #tpu.memory_space<vmem>>
        %dma_start3A_1172 = tpu.memref_squeeze %dma_start3A_1171 : memref<1x128xi32, #tpu.memory_space<vmem>> -> memref<128xi32, #tpu.memory_space<vmem>>
        %dma_start3A_1173 = arith.constant 0 : i32
        %dma_start3A_1174 = arith.constant 0 : i32
        %dma_start3A_1175 = tpu.memref_slice %arg3[%dma_start3A_1173, %dma_start3A_1174] : memref<50048x128xf32, #tpu.memory_space<hbm>> -> memref<50048x128xf32, #tpu.memory_space<hbm>>
        tpu.enqueue_indirect_dma source(%dma_start3A_1175 : memref<50048x128xf32, #tpu.memory_space<hbm>>) target(%arg7 : memref<128x128xf32, #tpu.memory_space<vmem>>) offsets(%dma_start3A_1172 : memref<128xi32, #tpu.memory_space<vmem>>) semaphore(%arg13 : memref<!tpu.dma_semaphore, #tpu.memory_space<semaphore_mem>>)
      } else {
      }
      %add3A_574 = arith.constant 1 : i32
      %add3A_575 = arith.addi %mul3A_411, %add3A_574 : i32
      %dma_wait3A_576 = arith.constant 1 : i32
      %dma_wait3A_577 = arith.constant 0 : i32
      %dma_wait3A_578 = tpu.memref_slice %arg6[%dma_wait3A_576, %dma_wait3A_577] : memref<4x128xi32, #tpu.memory_space<vmem>> -> memref<1x128xi32, #tpu.memory_space<vmem>>
      %dma_wait3A_579 = tpu.memref_squeeze %dma_wait3A_578 : memref<1x128xi32, #tpu.memory_space<vmem>> -> memref<128xi32, #tpu.memory_space<vmem>>
      %dma_wait3A_580 = arith.constant 0 : i32
      %dma_wait3A_581 = arith.constant 0 : i32
      %dma_wait3A_582 = tpu.memref_slice %arg3[%dma_wait3A_580, %dma_wait3A_581] : memref<50048x128xf32, #tpu.memory_space<hbm>> -> memref<50048x128xf32, #tpu.memory_space<hbm>>
      tpu.wait_indirect_dma semaphore(%arg14 : memref<!tpu.dma_semaphore, #tpu.memory_space<semaphore_mem>>) src(%dma_wait3A_582 : memref<50048x128xf32, #tpu.memory_space<hbm>>) dst(%arg8 : memref<128x128xf32, #tpu.memory_space<vmem>>)
      %ge3A_583 = arith.constant 2 : i32
      %ge3A_584 = arith.cmpi sge, %add3A_575, %ge3A_583 : i32
      %convert_element_type3A_585 = arith.extui %ge3A_584 : i1 to i32
      %cond3A_586 = arith.constant 0 : i32
      %cond3A_587 = arith.cmpi ne, %convert_element_type3A_585, %cond3A_586 : i32
      scf.if %cond3A_587 {
        %dma_wait3A_1087 = arith.constant 0 : i32
        %dma_wait3A_1088 = arith.constant 0 : i32
        %dma_wait3A_1089 = arith.constant 0 : i32
        %dma_wait3A_1090 = tpu.memref_slice %arg12[%dma_wait3A_1088, %dma_wait3A_1089] : memref<64x129xf32, #tpu.memory_space<vmem>> -> memref<64x128xf32, #tpu.memory_space<vmem>>
        %dma_wait3A_1091 = arith.constant 0 : i32
        %dma_wait3A_1092 = tpu.memref_slice %arg4[%dma_wait3A_1087, %dma_wait3A_1091, %mul3A_2] : memref<200x64x4096xf32, #tpu.memory_space<hbm>> -> memref<1x64x128xf32, #tpu.memory_space<hbm>>
        %dma_wait3A_1093 = tpu.memref_squeeze %dma_wait3A_1092 : memref<1x64x128xf32, #tpu.memory_space<hbm>> -> memref<64x128xf32, #tpu.memory_space<hbm>>
        %dma_wait3A_1094 = arith.constant 0 : i32
        %dma_wait3A_1095 = tpu.memref_slice %arg4[%dma_wait3A_1087, %dma_wait3A_1094, %mul3A_2] : memref<200x64x4096xf32, #tpu.memory_space<hbm>> -> memref<1x64x128xf32, #tpu.memory_space<hbm>>
        %dma_wait3A_1096 = tpu.memref_squeeze %dma_wait3A_1095 : memref<1x64x128xf32, #tpu.memory_space<hbm>> -> memref<64x128xf32, #tpu.memory_space<hbm>>
        %dma_wait3A_1097 = arith.constant 0 : i32
        %dma_wait3A_1098 = arith.constant 0 : i32
        %dma_wait3A_1099 = tpu.memref_slice %arg12[%dma_wait3A_1097, %dma_wait3A_1098] : memref<64x129xf32, #tpu.memory_space<vmem>> -> memref<64x128xf32, #tpu.memory_space<vmem>>
        tpu.wait_dma2 semaphore(%arg18 : memref<!tpu.dma_semaphore, #tpu.memory_space<semaphore_mem>>) src(%dma_wait3A_1099 : memref<64x128xf32, #tpu.memory_space<vmem>>) dst(%dma_wait3A_1096 : memref<64x128xf32, #tpu.memory_space<hbm>>)
      } else {
      }
      %broadcast_in_dim3A_588 = arith.constant 0 : i32
      %broadcast_in_dim3A_589 = vector.broadcast %broadcast_in_dim3A_588 : i32 to vector<16xi32>
      %get3A_590 = arith.index_cast %add3A_575 : i32 to index
      %get3A_591 = arith.constant 0 : index
      %get3A_592 = tpu.vector_load %arg5[%get3A_590, %get3A_591] {strides = array<i32>} : memref<200x128xi32, #tpu.memory_space<vmem>>, vector<16xi32>,
      %and3A_593 = arith.constant 1 : i32
      %and3A_594 = vector.broadcast %and3A_593 : i32 to vector<16xi32>
      %and3A_595 = arith.andi %get3A_592, %and3A_594 : vector<16xi32>
      %shift_left3A_596 = arith.constant 6 : i32
      %shift_left3A_597 = vector.broadcast %shift_left3A_596 : i32 to vector<16xi32>
      %shift_left3A_598 = arith.shli %and3A_595, %shift_left3A_597 : vector<16xi32>
      %iota3A_599 = tpu.iota {dimensions = array<i32: 0>} : vector<16xi32>
      %add3A_600 = arith.constant 0 : i32
      %add3A_601 = vector.broadcast %add3A_600 : i32 to vector<16xi32>
      %add3A_602 = arith.addi %iota3A_599, %add3A_601 : vector<16xi32>
      %add3A_603 = arith.addi %add3A_602, %shift_left3A_598 : vector<16xi32>
      %parallel_loop3A_604 = arith.constant 0 : i32
      %parallel_loop3A_605 = arith.constant 64 : i32
      %parallel_loop3A_606 = arith.constant 1 : i32
      scf.for %parallel_loop3A_1087 = %parallel_loop3A_604 to %parallel_loop3A_605 step %parallel_loop3A_606  : i32 {
        %parallel_loop3A_1088 = vector.broadcast %parallel_loop3A_1087 : i32 to vector<16xi32>
        %parallel_loop3A_1089 = arith.addi %add3A_603, %parallel_loop3A_1088 : vector<16xi32>
        %parallel_loop3A_1090 = tpu.vector_load_idx %arg8[%broadcast_in_dim3A_589, %parallel_loop3A_1089] : memref<128x128xf32, #tpu.memory_space<vmem>>[vector<16xi32>, vector<16xi32>], vector<16xf32>,
        %parallel_loop3A_1091 = tpu.iota {dimensions = array<i32: 0>} : vector<16xi32>
        %parallel_loop3A_1092 = vector.broadcast %parallel_loop3A_1087 : i32 to vector<16xi32>
        %parallel_loop3A_1093 = arith.addi %parallel_loop3A_1091, %parallel_loop3A_1092 : vector<16xi32>
        tpu.vector_store_idx %arg12[%broadcast_in_dim3A_589, %parallel_loop3A_1093], %parallel_loop3A_1090 : memref<64x129xf32, #tpu.memory_space<vmem>>[vector<16xi32>, vector<16xi32>], vector<16xf32>,
      } {sc.loop_unroll_factor = 8 : i64, sc.parallel_access}
      %get3A_607 = arith.index_cast %add3A_575 : i32 to index
      %get3A_608 = arith.constant 16 : index
      %get3A_609 = tpu.vector_load %arg5[%get3A_607, %get3A_608] {strides = array<i32>} : memref<200x128xi32, #tpu.memory_space<vmem>>, vector<16xi32>,
      %and3A_610 = arith.constant 1 : i32
      %and3A_611 = vector.broadcast %and3A_610 : i32 to vector<16xi32>
      %and3A_612 = arith.andi %get3A_609, %and3A_611 : vector<16xi32>
      %shift_left3A_613 = arith.constant 6 : i32
      %shift_left3A_614 = vector.broadcast %shift_left3A_613 : i32 to vector<16xi32>
      %shift_left3A_615 = arith.shli %and3A_612, %shift_left3A_614 : vector<16xi32>
      %iota3A_616 = tpu.iota {dimensions = array<i32: 0>} : vector<16xi32>
      %add3A_617 = arith.constant 2048 : i32
      %add3A_618 = vector.broadcast %add3A_617 : i32 to vector<16xi32>
      %add3A_619 = arith.addi %iota3A_616, %add3A_618 : vector<16xi32>
      %add3A_620 = arith.addi %add3A_619, %shift_left3A_615 : vector<16xi32>
      %parallel_loop3A_621 = arith.constant 0 : i32
      %parallel_loop3A_622 = arith.constant 64 : i32
      %parallel_loop3A_623 = arith.constant 1 : i32
      scf.for %parallel_loop3A_1087 = %parallel_loop3A_621 to %parallel_loop3A_622 step %parallel_loop3A_623  : i32 {
        %parallel_loop3A_1088 = vector.broadcast %parallel_loop3A_1087 : i32 to vector<16xi32>
        %parallel_loop3A_1089 = arith.addi %add3A_620, %parallel_loop3A_1088 : vector<16xi32>
        %parallel_loop3A_1090 = tpu.vector_load_idx %arg8[%broadcast_in_dim3A_589, %parallel_loop3A_1089] : memref<128x128xf32, #tpu.memory_space<vmem>>[vector<16xi32>, vector<16xi32>], vector<16xf32>,
        %parallel_loop3A_1091 = tpu.iota {dimensions = array<i32: 0>} : vector<16xi32>
        %parallel_loop3A_1092 = vector.broadcast %parallel_loop3A_1087 : i32 to vector<16xi32>
        %parallel_loop3A_1093 = arith.addi %parallel_loop3A_1091, %parallel_loop3A_1092 : vector<16xi32>
        tpu.vector_store_idx %arg12[%broadcast_in_dim3A_589, %parallel_loop3A_1093], %parallel_loop3A_1090 : memref<64x129xf32, #tpu.memory_space<vmem>>[vector<16xi32>, vector<16xi32>], vector<16xf32>,
      } {sc.loop_unroll_factor = 8 : i64, sc.parallel_access}
      %get3A_624 = arith.index_cast %add3A_575 : i32 to index
      %get3A_625 = arith.constant 32 : index
      %get3A_626 = tpu.vector_load %arg5[%get3A_624, %get3A_625] {strides = array<i32>} : memref<200x128xi32, #tpu.memory_space<vmem>>, vector<16xi32>,
      %and3A_627 = arith.constant 1 : i32
      %and3A_628 = vector.broadcast %and3A_627 : i32 to vector<16xi32>
      %and3A_629 = arith.andi %get3A_626, %and3A_628 : vector<16xi32>
      %shift_left3A_630 = arith.constant 6 : i32
      %shift_left3A_631 = vector.broadcast %shift_left3A_630 : i32 to vector<16xi32>
      %shift_left3A_632 = arith.shli %and3A_629, %shift_left3A_631 : vector<16xi32>
      %iota3A_633 = tpu.iota {dimensions = array<i32: 0>} : vector<16xi32>
      %add3A_634 = arith.constant 4096 : i32
      %add3A_635 = vector.broadcast %add3A_634 : i32 to vector<16xi32>
      %add3A_636 = arith.addi %iota3A_633, %add3A_635 : vector<16xi32>
      %add3A_637 = arith.addi %add3A_636, %shift_left3A_632 : vector<16xi32>
      %parallel_loop3A_638 = arith.constant 0 : i32
      %parallel_loop3A_639 = arith.constant 64 : i32
      %parallel_loop3A_640 = arith.constant 1 : i32
      scf.for %parallel_loop3A_1087 = %parallel_loop3A_638 to %parallel_loop3A_639 step %parallel_loop3A_640  : i32 {
        %parallel_loop3A_1088 = vector.broadcast %parallel_loop3A_1087 : i32 to vector<16xi32>
        %parallel_loop3A_1089 = arith.addi %add3A_637, %parallel_loop3A_1088 : vector<16xi32>
        %parallel_loop3A_1090 = tpu.vector_load_idx %arg8[%broadcast_in_dim3A_589, %parallel_loop3A_1089] : memref<128x128xf32, #tpu.memory_space<vmem>>[vector<16xi32>, vector<16xi32>], vector<16xf32>,
        %parallel_loop3A_1091 = tpu.iota {dimensions = array<i32: 0>} : vector<16xi32>
        %parallel_loop3A_1092 = vector.broadcast %parallel_loop3A_1087 : i32 to vector<16xi32>
        %parallel_loop3A_1093 = arith.addi %parallel_loop3A_1091, %parallel_loop3A_1092 : vector<16xi32>
        tpu.vector_store_idx %arg12[%broadcast_in_dim3A_589, %parallel_loop3A_1093], %parallel_loop3A_1090 : memref<64x129xf32, #tpu.memory_space<vmem>>[vector<16xi32>, vector<16xi32>], vector<16xf32>,
      } {sc.loop_unroll_factor = 8 : i64, sc.parallel_access}
      %get3A_641 = arith.index_cast %add3A_575 : i32 to index
      %get3A_642 = arith.constant 48 : index
      %get3A_643 = tpu.vector_load %arg5[%get3A_641, %get3A_642] {strides = array<i32>} : memref<200x128xi32, #tpu.memory_space<vmem>>, vector<16xi32>,
      %and3A_644 = arith.constant 1 : i32
      %and3A_645 = vector.broadcast %and3A_644 : i32 to vector<16xi32>
      %and3A_646 = arith.andi %get3A_643, %and3A_645 : vector<16xi32>
      %shift_left3A_647 = arith.constant 6 : i32
      %shift_left3A_648 = vector.broadcast %shift_left3A_647 : i32 to vector<16xi32>
      %shift_left3A_649 = arith.shli %and3A_646, %shift_left3A_648 : vector<16xi32>
      %iota3A_650 = tpu.iota {dimensions = array<i32: 0>} : vector<16xi32>
      %add3A_651 = arith.constant 6144 : i32
      %add3A_652 = vector.broadcast %add3A_651 : i32 to vector<16xi32>
      %add3A_653 = arith.addi %iota3A_650, %add3A_652 : vector<16xi32>
      %add3A_654 = arith.addi %add3A_653, %shift_left3A_649 : vector<16xi32>
      %parallel_loop3A_655 = arith.constant 0 : i32
      %parallel_loop3A_656 = arith.constant 64 : i32
      %parallel_loop3A_657 = arith.constant 1 : i32
      scf.for %parallel_loop3A_1087 = %parallel_loop3A_655 to %parallel_loop3A_656 step %parallel_loop3A_657  : i32 {
        %parallel_loop3A_1088 = vector.broadcast %parallel_loop3A_1087 : i32 to vector<16xi32>
        %parallel_loop3A_1089 = arith.addi %add3A_654, %parallel_loop3A_1088 : vector<16xi32>
        %parallel_loop3A_1090 = tpu.vector_load_idx %arg8[%broadcast_in_dim3A_589, %parallel_loop3A_1089] : memref<128x128xf32, #tpu.memory_space<vmem>>[vector<16xi32>, vector<16xi32>], vector<16xf32>,
        %parallel_loop3A_1091 = tpu.iota {dimensions = array<i32: 0>} : vector<16xi32>
        %parallel_loop3A_1092 = vector.broadcast %parallel_loop3A_1087 : i32 to vector<16xi32>
        %parallel_loop3A_1093 = arith.addi %parallel_loop3A_1091, %parallel_loop3A_1092 : vector<16xi32>
        tpu.vector_store_idx %arg12[%broadcast_in_dim3A_589, %parallel_loop3A_1093], %parallel_loop3A_1090 : memref<64x129xf32, #tpu.memory_space<vmem>>[vector<16xi32>, vector<16xi32>], vector<16xf32>,
      } {sc.loop_unroll_factor = 8 : i64, sc.parallel_access}
      %get3A_658 = arith.index_cast %add3A_575 : i32 to index
      %get3A_659 = arith.constant 64 : index
      %get3A_660 = tpu.vector_load %arg5[%get3A_658, %get3A_659] {strides = array<i32>} : memref<200x128xi32, #tpu.memory_space<vmem>>, vector<16xi32>,
      %and3A_661 = arith.constant 1 : i32
      %and3A_662 = vector.broadcast %and3A_661 : i32 to vector<16xi32>
      %and3A_663 = arith.andi %get3A_660, %and3A_662 : vector<16xi32>
      %shift_left3A_664 = arith.constant 6 : i32
      %shift_left3A_665 = vector.broadcast %shift_left3A_664 : i32 to vector<16xi32>
      %shift_left3A_666 = arith.shli %and3A_663, %shift_left3A_665 : vector<16xi32>
      %iota3A_667 = tpu.iota {dimensions = array<i32: 0>} : vector<16xi32>
      %add3A_668 = arith.constant 8192 : i32
      %add3A_669 = vector.broadcast %add3A_668 : i32 to vector<16xi32>
      %add3A_670 = arith.addi %iota3A_667, %add3A_669 : vector<16xi32>
      %add3A_671 = arith.addi %add3A_670, %shift_left3A_666 : vector<16xi32>
      %parallel_loop3A_672 = arith.constant 0 : i32
      %parallel_loop3A_673 = arith.constant 64 : i32
      %parallel_loop3A_674 = arith.constant 1 : i32
      scf.for %parallel_loop3A_1087 = %parallel_loop3A_672 to %parallel_loop3A_673 step %parallel_loop3A_674  : i32 {
        %parallel_loop3A_1088 = vector.broadcast %parallel_loop3A_1087 : i32 to vector<16xi32>
        %parallel_loop3A_1089 = arith.addi %add3A_671, %parallel_loop3A_1088 : vector<16xi32>
        %parallel_loop3A_1090 = tpu.vector_load_idx %arg8[%broadcast_in_dim3A_589, %parallel_loop3A_1089] : memref<128x128xf32, #tpu.memory_space<vmem>>[vector<16xi32>, vector<16xi32>], vector<16xf32>,
        %parallel_loop3A_1091 = tpu.iota {dimensions = array<i32: 0>} : vector<16xi32>
        %parallel_loop3A_1092 = vector.broadcast %parallel_loop3A_1087 : i32 to vector<16xi32>
        %parallel_loop3A_1093 = arith.addi %parallel_loop3A_1091, %parallel_loop3A_1092 : vector<16xi32>
        tpu.vector_store_idx %arg12[%broadcast_in_dim3A_589, %parallel_loop3A_1093], %parallel_loop3A_1090 : memref<64x129xf32, #tpu.memory_space<vmem>>[vector<16xi32>, vector<16xi32>], vector<16xf32>,
      } {sc.loop_unroll_factor = 8 : i64, sc.parallel_access}
      %get3A_675 = arith.index_cast %add3A_575 : i32 to index
      %get3A_676 = arith.constant 80 : index
      %get3A_677 = tpu.vector_load %arg5[%get3A_675, %get3A_676] {strides = array<i32>} : memref<200x128xi32, #tpu.memory_space<vmem>>, vector<16xi32>,
      %and3A_678 = arith.constant 1 : i32
      %and3A_679 = vector.broadcast %and3A_678 : i32 to vector<16xi32>
      %and3A_680 = arith.andi %get3A_677, %and3A_679 : vector<16xi32>
      %shift_left3A_681 = arith.constant 6 : i32
      %shift_left3A_682 = vector.broadcast %shift_left3A_681 : i32 to vector<16xi32>
      %shift_left3A_683 = arith.shli %and3A_680, %shift_left3A_682 : vector<16xi32>
      %iota3A_684 = tpu.iota {dimensions = array<i32: 0>} : vector<16xi32>
      %add3A_685 = arith.constant 10240 : i32
      %add3A_686 = vector.broadcast %add3A_685 : i32 to vector<16xi32>
      %add3A_687 = arith.addi %iota3A_684, %add3A_686 : vector<16xi32>
      %add3A_688 = arith.addi %add3A_687, %shift_left3A_683 : vector<16xi32>
      %parallel_loop3A_689 = arith.constant 0 : i32
      %parallel_loop3A_690 = arith.constant 64 : i32
      %parallel_loop3A_691 = arith.constant 1 : i32
      scf.for %parallel_loop3A_1087 = %parallel_loop3A_689 to %parallel_loop3A_690 step %parallel_loop3A_691  : i32 {
        %parallel_loop3A_1088 = vector.broadcast %parallel_loop3A_1087 : i32 to vector<16xi32>
        %parallel_loop3A_1089 = arith.addi %add3A_688, %parallel_loop3A_1088 : vector<16xi32>
        %parallel_loop3A_1090 = tpu.vector_load_idx %arg8[%broadcast_in_dim3A_589, %parallel_loop3A_1089] : memref<128x128xf32, #tpu.memory_space<vmem>>[vector<16xi32>, vector<16xi32>], vector<16xf32>,
        %parallel_loop3A_1091 = tpu.iota {dimensions = array<i32: 0>} : vector<16xi32>
        %parallel_loop3A_1092 = vector.broadcast %parallel_loop3A_1087 : i32 to vector<16xi32>
        %parallel_loop3A_1093 = arith.addi %parallel_loop3A_1091, %parallel_loop3A_1092 : vector<16xi32>
        tpu.vector_store_idx %arg12[%broadcast_in_dim3A_589, %parallel_loop3A_1093], %parallel_loop3A_1090 : memref<64x129xf32, #tpu.memory_space<vmem>>[vector<16xi32>, vector<16xi32>], vector<16xf32>,
      } {sc.loop_unroll_factor = 8 : i64, sc.parallel_access}
      %get3A_692 = arith.index_cast %add3A_575 : i32 to index
      %get3A_693 = arith.constant 96 : index
      %get3A_694 = tpu.vector_load %arg5[%get3A_692, %get3A_693] {strides = array<i32>} : memref<200x128xi32, #tpu.memory_space<vmem>>, vector<16xi32>,
      %and3A_695 = arith.constant 1 : i32
      %and3A_696 = vector.broadcast %and3A_695 : i32 to vector<16xi32>
      %and3A_697 = arith.andi %get3A_694, %and3A_696 : vector<16xi32>
      %shift_left3A_698 = arith.constant 6 : i32
      %shift_left3A_699 = vector.broadcast %shift_left3A_698 : i32 to vector<16xi32>
      %shift_left3A_700 = arith.shli %and3A_697, %shift_left3A_699 : vector<16xi32>
      %iota3A_701 = tpu.iota {dimensions = array<i32: 0>} : vector<16xi32>
      %add3A_702 = arith.constant 12288 : i32
      %add3A_703 = vector.broadcast %add3A_702 : i32 to vector<16xi32>
      %add3A_704 = arith.addi %iota3A_701, %add3A_703 : vector<16xi32>
      %add3A_705 = arith.addi %add3A_704, %shift_left3A_700 : vector<16xi32>
      %parallel_loop3A_706 = arith.constant 0 : i32
      %parallel_loop3A_707 = arith.constant 64 : i32
      %parallel_loop3A_708 = arith.constant 1 : i32
      scf.for %parallel_loop3A_1087 = %parallel_loop3A_706 to %parallel_loop3A_707 step %parallel_loop3A_708  : i32 {
        %parallel_loop3A_1088 = vector.broadcast %parallel_loop3A_1087 : i32 to vector<16xi32>
        %parallel_loop3A_1089 = arith.addi %add3A_705, %parallel_loop3A_1088 : vector<16xi32>
        %parallel_loop3A_1090 = tpu.vector_load_idx %arg8[%broadcast_in_dim3A_589, %parallel_loop3A_1089] : memref<128x128xf32, #tpu.memory_space<vmem>>[vector<16xi32>, vector<16xi32>], vector<16xf32>,
        %parallel_loop3A_1091 = tpu.iota {dimensions = array<i32: 0>} : vector<16xi32>
        %parallel_loop3A_1092 = vector.broadcast %parallel_loop3A_1087 : i32 to vector<16xi32>
        %parallel_loop3A_1093 = arith.addi %parallel_loop3A_1091, %parallel_loop3A_1092 : vector<16xi32>
        tpu.vector_store_idx %arg12[%broadcast_in_dim3A_589, %parallel_loop3A_1093], %parallel_loop3A_1090 : memref<64x129xf32, #tpu.memory_space<vmem>>[vector<16xi32>, vector<16xi32>], vector<16xf32>,
      } {sc.loop_unroll_factor = 8 : i64, sc.parallel_access}
      %get3A_709 = arith.index_cast %add3A_575 : i32 to index
      %get3A_710 = arith.constant 112 : index
      %get3A_711 = tpu.vector_load %arg5[%get3A_709, %get3A_710] {strides = array<i32>} : memref<200x128xi32, #tpu.memory_space<vmem>>, vector<16xi32>,
      %and3A_712 = arith.constant 1 : i32
      %and3A_713 = vector.broadcast %and3A_712 : i32 to vector<16xi32>
      %and3A_714 = arith.andi %get3A_711, %and3A_713 : vector<16xi32>
      %shift_left3A_715 = arith.constant 6 : i32
      %shift_left3A_716 = vector.broadcast %shift_left3A_715 : i32 to vector<16xi32>
      %shift_left3A_717 = arith.shli %and3A_714, %shift_left3A_716 : vector<16xi32>
      %iota3A_718 = tpu.iota {dimensions = array<i32: 0>} : vector<16xi32>
      %add3A_719 = arith.constant 14336 : i32
      %add3A_720 = vector.broadcast %add3A_719 : i32 to vector<16xi32>
      %add3A_721 = arith.addi %iota3A_718, %add3A_720 : vector<16xi32>
      %add3A_722 = arith.addi %add3A_721, %shift_left3A_717 : vector<16xi32>
      %parallel_loop3A_723 = arith.constant 0 : i32
      %parallel_loop3A_724 = arith.constant 64 : i32
      %parallel_loop3A_725 = arith.constant 1 : i32
      scf.for %parallel_loop3A_1087 = %parallel_loop3A_723 to %parallel_loop3A_724 step %parallel_loop3A_725  : i32 {
        %parallel_loop3A_1088 = vector.broadcast %parallel_loop3A_1087 : i32 to vector<16xi32>
        %parallel_loop3A_1089 = arith.addi %add3A_722, %parallel_loop3A_1088 : vector<16xi32>
        %parallel_loop3A_1090 = tpu.vector_load_idx %arg8[%broadcast_in_dim3A_589, %parallel_loop3A_1089] : memref<128x128xf32, #tpu.memory_space<vmem>>[vector<16xi32>, vector<16xi32>], vector<16xf32>,
        %parallel_loop3A_1091 = tpu.iota {dimensions = array<i32: 0>} : vector<16xi32>
        %parallel_loop3A_1092 = vector.broadcast %parallel_loop3A_1087 : i32 to vector<16xi32>
        %parallel_loop3A_1093 = arith.addi %parallel_loop3A_1091, %parallel_loop3A_1092 : vector<16xi32>
        tpu.vector_store_idx %arg12[%broadcast_in_dim3A_589, %parallel_loop3A_1093], %parallel_loop3A_1090 : memref<64x129xf32, #tpu.memory_space<vmem>>[vector<16xi32>, vector<16xi32>], vector<16xf32>,
      } {sc.loop_unroll_factor = 8 : i64, sc.parallel_access}
      %dma_start3A_726 = arith.constant 0 : i32
      %dma_start3A_727 = arith.constant 0 : i32
      %dma_start3A_728 = tpu.memref_slice %arg12[%dma_start3A_726, %dma_start3A_727] : memref<64x129xf32, #tpu.memory_space<vmem>> -> memref<64x128xf32, #tpu.memory_space<vmem>>
      %dma_start3A_729 = arith.constant 0 : i32
      %dma_start3A_730 = tpu.memref_slice %arg4[%add3A_575, %dma_start3A_729, %mul3A_2] : memref<200x64x4096xf32, #tpu.memory_space<hbm>> -> memref<1x64x128xf32, #tpu.memory_space<hbm>>
      %dma_start3A_731 = tpu.memref_squeeze %dma_start3A_730 : memref<1x64x128xf32, #tpu.memory_space<hbm>> -> memref<64x128xf32, #tpu.memory_space<hbm>>
      %dma_start3A_732 = arith.constant 0 : i32
      %dma_start3A_733 = tpu.memref_slice %arg4[%add3A_575, %dma_start3A_732, %mul3A_2] : memref<200x64x4096xf32, #tpu.memory_space<hbm>> -> memref<1x64x128xf32, #tpu.memory_space<hbm>>
      %dma_start3A_734 = tpu.memref_squeeze %dma_start3A_733 : memref<1x64x128xf32, #tpu.memory_space<hbm>> -> memref<64x128xf32, #tpu.memory_space<hbm>>
      %dma_start3A_735 = arith.constant 0 : i32
      %dma_start3A_736 = arith.constant 0 : i32
      %dma_start3A_737 = tpu.memref_slice %arg12[%dma_start3A_735, %dma_start3A_736] : memref<64x129xf32, #tpu.memory_space<vmem>> -> memref<64x128xf32, #tpu.memory_space<vmem>>
      tpu.enqueue_dma source(%dma_start3A_737 : memref<64x128xf32, #tpu.memory_space<vmem>>) target(%dma_start3A_734 : memref<64x128xf32, #tpu.memory_space<hbm>>) target_semaphore(%arg18 : memref<!tpu.dma_semaphore, #tpu.memory_space<semaphore_mem>>)
      %add3A_738 = arith.constant 4 : i32
      %add3A_739 = arith.addi %add3A_575, %add3A_738 : i32
      %lt3A_740 = arith.constant 200 : i32
      %lt3A_741 = arith.cmpi slt, %add3A_739, %lt3A_740 : i32
      %convert_element_type3A_742 = arith.extui %lt3A_741 : i1 to i32
      %cond3A_743 = arith.constant 0 : i32
      %cond3A_744 = arith.cmpi ne, %convert_element_type3A_742, %cond3A_743 : i32
      scf.if %cond3A_744 {
        %add3A_1087 = arith.constant 4 : i32
        %add3A_1088 = arith.addi %add3A_575, %add3A_1087 : i32
        %get3A_1089 = arith.index_cast %add3A_1088 : i32 to index
        %get3A_1090 = arith.constant 0 : index
        %get3A_1091 = tpu.vector_load %arg5[%get3A_1089, %get3A_1090] {strides = array<i32>} : memref<200x128xi32, #tpu.memory_space<vmem>>, vector<16xi32>,
        %shift_right_logical3A_1092 = arith.constant 1 : i32
        %shift_right_logical3A_1093 = vector.broadcast %shift_right_logical3A_1092 : i32 to vector<16xi32>
        %shift_right_logical3A_1094 = arith.shrui %get3A_1091, %shift_right_logical3A_1093 : vector<16xi32>
        %swap3A_1095 = arith.constant 1 : i32
        %swap3A_1096 = arith.index_cast %swap3A_1095 : i32 to index
        %swap3A_1097 = arith.constant 0 : index
        %swap3A_1098 = tpu.vector_load %arg6[%swap3A_1096, %swap3A_1097] {strides = array<i32>} : memref<4x128xi32, #tpu.memory_space<vmem>>, vector<16xi32>,
        tpu.vector_store %arg6[%swap3A_1096, %swap3A_1097], %shift_right_logical3A_1094 {strides = array<i32>} : memref<4x128xi32, #tpu.memory_space<vmem>>, vector<16xi32>,
        %get3A_1099 = arith.index_cast %add3A_1088 : i32 to index
        %get3A_1100 = arith.constant 16 : index
        %get3A_1101 = tpu.vector_load %arg5[%get3A_1099, %get3A_1100] {strides = array<i32>} : memref<200x128xi32, #tpu.memory_space<vmem>>, vector<16xi32>,
        %shift_right_logical3A_1102 = arith.constant 1 : i32
        %shift_right_logical3A_1103 = vector.broadcast %shift_right_logical3A_1102 : i32 to vector<16xi32>
        %shift_right_logical3A_1104 = arith.shrui %get3A_1101, %shift_right_logical3A_1103 : vector<16xi32>
        %swap3A_1105 = arith.constant 1 : i32
        %swap3A_1106 = arith.index_cast %swap3A_1105 : i32 to index
        %swap3A_1107 = arith.constant 16 : index
        %swap3A_1108 = tpu.vector_load %arg6[%swap3A_1106, %swap3A_1107] {strides = array<i32>} : memref<4x128xi32, #tpu.memory_space<vmem>>, vector<16xi32>,
        tpu.vector_store %arg6[%swap3A_1106, %swap3A_1107], %shift_right_logical3A_1104 {strides = array<i32>} : memref<4x128xi32, #tpu.memory_space<vmem>>, vector<16xi32>,
        %get3A_1109 = arith.index_cast %add3A_1088 : i32 to index
        %get3A_1110 = arith.constant 32 : index
        %get3A_1111 = tpu.vector_load %arg5[%get3A_1109, %get3A_1110] {strides = array<i32>} : memref<200x128xi32, #tpu.memory_space<vmem>>, vector<16xi32>,
        %shift_right_logical3A_1112 = arith.constant 1 : i32
        %shift_right_logical3A_1113 = vector.broadcast %shift_right_logical3A_1112 : i32 to vector<16xi32>
        %shift_right_logical3A_1114 = arith.shrui %get3A_1111, %shift_right_logical3A_1113 : vector<16xi32>
        %swap3A_1115 = arith.constant 1 : i32
        %swap3A_1116 = arith.index_cast %swap3A_1115 : i32 to index
        %swap3A_1117 = arith.constant 32 : index
        %swap3A_1118 = tpu.vector_load %arg6[%swap3A_1116, %swap3A_1117] {strides = array<i32>} : memref<4x128xi32, #tpu.memory_space<vmem>>, vector<16xi32>,
        tpu.vector_store %arg6[%swap3A_1116, %swap3A_1117], %shift_right_logical3A_1114 {strides = array<i32>} : memref<4x128xi32, #tpu.memory_space<vmem>>, vector<16xi32>,
        %get3A_1119 = arith.index_cast %add3A_1088 : i32 to index
        %get3A_1120 = arith.constant 48 : index
        %get3A_1121 = tpu.vector_load %arg5[%get3A_1119, %get3A_1120] {strides = array<i32>} : memref<200x128xi32, #tpu.memory_space<vmem>>, vector<16xi32>,
        %shift_right_logical3A_1122 = arith.constant 1 : i32
        %shift_right_logical3A_1123 = vector.broadcast %shift_right_logical3A_1122 : i32 to vector<16xi32>
        %shift_right_logical3A_1124 = arith.shrui %get3A_1121, %shift_right_logical3A_1123 : vector<16xi32>
        %swap3A_1125 = arith.constant 1 : i32
        %swap3A_1126 = arith.index_cast %swap3A_1125 : i32 to index
        %swap3A_1127 = arith.constant 48 : index
        %swap3A_1128 = tpu.vector_load %arg6[%swap3A_1126, %swap3A_1127] {strides = array<i32>} : memref<4x128xi32, #tpu.memory_space<vmem>>, vector<16xi32>,
        tpu.vector_store %arg6[%swap3A_1126, %swap3A_1127], %shift_right_logical3A_1124 {strides = array<i32>} : memref<4x128xi32, #tpu.memory_space<vmem>>, vector<16xi32>,
        %get3A_1129 = arith.index_cast %add3A_1088 : i32 to index
        %get3A_1130 = arith.constant 64 : index
        %get3A_1131 = tpu.vector_load %arg5[%get3A_1129, %get3A_1130] {strides = array<i32>} : memref<200x128xi32, #tpu.memory_space<vmem>>, vector<16xi32>,
        %shift_right_logical3A_1132 = arith.constant 1 : i32
        %shift_right_logical3A_1133 = vector.broadcast %shift_right_logical3A_1132 : i32 to vector<16xi32>
        %shift_right_logical3A_1134 = arith.shrui %get3A_1131, %shift_right_logical3A_1133 : vector<16xi32>
        %swap3A_1135 = arith.constant 1 : i32
        %swap3A_1136 = arith.index_cast %swap3A_1135 : i32 to index
        %swap3A_1137 = arith.constant 64 : index
        %swap3A_1138 = tpu.vector_load %arg6[%swap3A_1136, %swap3A_1137] {strides = array<i32>} : memref<4x128xi32, #tpu.memory_space<vmem>>, vector<16xi32>,
        tpu.vector_store %arg6[%swap3A_1136, %swap3A_1137], %shift_right_logical3A_1134 {strides = array<i32>} : memref<4x128xi32, #tpu.memory_space<vmem>>, vector<16xi32>,
        %get3A_1139 = arith.index_cast %add3A_1088 : i32 to index
        %get3A_1140 = arith.constant 80 : index
        %get3A_1141 = tpu.vector_load %arg5[%get3A_1139, %get3A_1140] {strides = array<i32>} : memref<200x128xi32, #tpu.memory_space<vmem>>, vector<16xi32>,
        %shift_right_logical3A_1142 = arith.constant 1 : i32
        %shift_right_logical3A_1143 = vector.broadcast %shift_right_logical3A_1142 : i32 to vector<16xi32>
        %shift_right_logical3A_1144 = arith.shrui %get3A_1141, %shift_right_logical3A_1143 : vector<16xi32>
        %swap3A_1145 = arith.constant 1 : i32
        %swap3A_1146 = arith.index_cast %swap3A_1145 : i32 to index
        %swap3A_1147 = arith.constant 80 : index
        %swap3A_1148 = tpu.vector_load %arg6[%swap3A_1146, %swap3A_1147] {strides = array<i32>} : memref<4x128xi32, #tpu.memory_space<vmem>>, vector<16xi32>,
        tpu.vector_store %arg6[%swap3A_1146, %swap3A_1147], %shift_right_logical3A_1144 {strides = array<i32>} : memref<4x128xi32, #tpu.memory_space<vmem>>, vector<16xi32>,
        %get3A_1149 = arith.index_cast %add3A_1088 : i32 to index
        %get3A_1150 = arith.constant 96 : index
        %get3A_1151 = tpu.vector_load %arg5[%get3A_1149, %get3A_1150] {strides = array<i32>} : memref<200x128xi32, #tpu.memory_space<vmem>>, vector<16xi32>,
        %shift_right_logical3A_1152 = arith.constant 1 : i32
        %shift_right_logical3A_1153 = vector.broadcast %shift_right_logical3A_1152 : i32 to vector<16xi32>
        %shift_right_logical3A_1154 = arith.shrui %get3A_1151, %shift_right_logical3A_1153 : vector<16xi32>
        %swap3A_1155 = arith.constant 1 : i32
        %swap3A_1156 = arith.index_cast %swap3A_1155 : i32 to index
        %swap3A_1157 = arith.constant 96 : index
        %swap3A_1158 = tpu.vector_load %arg6[%swap3A_1156, %swap3A_1157] {strides = array<i32>} : memref<4x128xi32, #tpu.memory_space<vmem>>, vector<16xi32>,
        tpu.vector_store %arg6[%swap3A_1156, %swap3A_1157], %shift_right_logical3A_1154 {strides = array<i32>} : memref<4x128xi32, #tpu.memory_space<vmem>>, vector<16xi32>,
        %get3A_1159 = arith.index_cast %add3A_1088 : i32 to index
        %get3A_1160 = arith.constant 112 : index
        %get3A_1161 = tpu.vector_load %arg5[%get3A_1159, %get3A_1160] {strides = array<i32>} : memref<200x128xi32, #tpu.memory_space<vmem>>, vector<16xi32>,
        %shift_right_logical3A_1162 = arith.constant 1 : i32
        %shift_right_logical3A_1163 = vector.broadcast %shift_right_logical3A_1162 : i32 to vector<16xi32>
        %shift_right_logical3A_1164 = arith.shrui %get3A_1161, %shift_right_logical3A_1163 : vector<16xi32>
        %swap3A_1165 = arith.constant 1 : i32
        %swap3A_1166 = arith.index_cast %swap3A_1165 : i32 to index
        %swap3A_1167 = arith.constant 112 : index
        %swap3A_1168 = tpu.vector_load %arg6[%swap3A_1166, %swap3A_1167] {strides = array<i32>} : memref<4x128xi32, #tpu.memory_space<vmem>>, vector<16xi32>,
        tpu.vector_store %arg6[%swap3A_1166, %swap3A_1167], %shift_right_logical3A_1164 {strides = array<i32>} : memref<4x128xi32, #tpu.memory_space<vmem>>, vector<16xi32>,
        %dma_start3A_1169 = arith.constant 1 : i32
        %dma_start3A_1170 = arith.constant 0 : i32
        %dma_start3A_1171 = tpu.memref_slice %arg6[%dma_start3A_1169, %dma_start3A_1170] : memref<4x128xi32, #tpu.memory_space<vmem>> -> memref<1x128xi32, #tpu.memory_space<vmem>>
        %dma_start3A_1172 = tpu.memref_squeeze %dma_start3A_1171 : memref<1x128xi32, #tpu.memory_space<vmem>> -> memref<128xi32, #tpu.memory_space<vmem>>
        %dma_start3A_1173 = arith.constant 0 : i32
        %dma_start3A_1174 = arith.constant 0 : i32
        %dma_start3A_1175 = tpu.memref_slice %arg3[%dma_start3A_1173, %dma_start3A_1174] : memref<50048x128xf32, #tpu.memory_space<hbm>> -> memref<50048x128xf32, #tpu.memory_space<hbm>>
        tpu.enqueue_indirect_dma source(%dma_start3A_1175 : memref<50048x128xf32, #tpu.memory_space<hbm>>) target(%arg8 : memref<128x128xf32, #tpu.memory_space<vmem>>) offsets(%dma_start3A_1172 : memref<128xi32, #tpu.memory_space<vmem>>) semaphore(%arg14 : memref<!tpu.dma_semaphore, #tpu.memory_space<semaphore_mem>>)
      } else {
      }
      %add3A_745 = arith.constant 2 : i32
      %add3A_746 = arith.addi %mul3A_411, %add3A_745 : i32
      %dma_wait3A_747 = arith.constant 2 : i32
      %dma_wait3A_748 = arith.constant 0 : i32
      %dma_wait3A_749 = tpu.memref_slice %arg6[%dma_wait3A_747, %dma_wait3A_748] : memref<4x128xi32, #tpu.memory_space<vmem>> -> memref<1x128xi32, #tpu.memory_space<vmem>>
      %dma_wait3A_750 = tpu.memref_squeeze %dma_wait3A_749 : memref<1x128xi32, #tpu.memory_space<vmem>> -> memref<128xi32, #tpu.memory_space<vmem>>
      %dma_wait3A_751 = arith.constant 0 : i32
      %dma_wait3A_752 = arith.constant 0 : i32
      %dma_wait3A_753 = tpu.memref_slice %arg3[%dma_wait3A_751, %dma_wait3A_752] : memref<50048x128xf32, #tpu.memory_space<hbm>> -> memref<50048x128xf32, #tpu.memory_space<hbm>>
      tpu.wait_indirect_dma semaphore(%arg15 : memref<!tpu.dma_semaphore, #tpu.memory_space<semaphore_mem>>) src(%dma_wait3A_753 : memref<50048x128xf32, #tpu.memory_space<hbm>>) dst(%arg9 : memref<128x128xf32, #tpu.memory_space<vmem>>)
      %ge3A_754 = arith.constant 2 : i32
      %ge3A_755 = arith.cmpi sge, %add3A_746, %ge3A_754 : i32
      %convert_element_type3A_756 = arith.extui %ge3A_755 : i1 to i32
      %cond3A_757 = arith.constant 0 : i32
      %cond3A_758 = arith.cmpi ne, %convert_element_type3A_756, %cond3A_757 : i32
      scf.if %cond3A_758 {
        %dma_wait3A_1087 = arith.constant 0 : i32
        %dma_wait3A_1088 = arith.constant 0 : i32
        %dma_wait3A_1089 = arith.constant 0 : i32
        %dma_wait3A_1090 = tpu.memref_slice %arg11[%dma_wait3A_1088, %dma_wait3A_1089] : memref<64x129xf32, #tpu.memory_space<vmem>> -> memref<64x128xf32, #tpu.memory_space<vmem>>
        %dma_wait3A_1091 = arith.constant 0 : i32
        %dma_wait3A_1092 = tpu.memref_slice %arg4[%dma_wait3A_1087, %dma_wait3A_1091, %mul3A_2] : memref<200x64x4096xf32, #tpu.memory_space<hbm>> -> memref<1x64x128xf32, #tpu.memory_space<hbm>>
        %dma_wait3A_1093 = tpu.memref_squeeze %dma_wait3A_1092 : memref<1x64x128xf32, #tpu.memory_space<hbm>> -> memref<64x128xf32, #tpu.memory_space<hbm>>
        %dma_wait3A_1094 = arith.constant 0 : i32
        %dma_wait3A_1095 = tpu.memref_slice %arg4[%dma_wait3A_1087, %dma_wait3A_1094, %mul3A_2] : memref<200x64x4096xf32, #tpu.memory_space<hbm>> -> memref<1x64x128xf32, #tpu.memory_space<hbm>>
        %dma_wait3A_1096 = tpu.memref_squeeze %dma_wait3A_1095 : memref<1x64x128xf32, #tpu.memory_space<hbm>> -> memref<64x128xf32, #tpu.memory_space<hbm>>
        %dma_wait3A_1097 = arith.constant 0 : i32
        %dma_wait3A_1098 = arith.constant 0 : i32
        %dma_wait3A_1099 = tpu.memref_slice %arg11[%dma_wait3A_1097, %dma_wait3A_1098] : memref<64x129xf32, #tpu.memory_space<vmem>> -> memref<64x128xf32, #tpu.memory_space<vmem>>
        tpu.wait_dma2 semaphore(%arg17 : memref<!tpu.dma_semaphore, #tpu.memory_space<semaphore_mem>>) src(%dma_wait3A_1099 : memref<64x128xf32, #tpu.memory_space<vmem>>) dst(%dma_wait3A_1096 : memref<64x128xf32, #tpu.memory_space<hbm>>)
      } else {
      }
      %broadcast_in_dim3A_759 = arith.constant 0 : i32
      %broadcast_in_dim3A_760 = vector.broadcast %broadcast_in_dim3A_759 : i32 to vector<16xi32>
      %get3A_761 = arith.index_cast %add3A_746 : i32 to index
      %get3A_762 = arith.constant 0 : index
      %get3A_763 = tpu.vector_load %arg5[%get3A_761, %get3A_762] {strides = array<i32>} : memref<200x128xi32, #tpu.memory_space<vmem>>, vector<16xi32>,
      %and3A_764 = arith.constant 1 : i32
      %and3A_765 = vector.broadcast %and3A_764 : i32 to vector<16xi32>
      %and3A_766 = arith.andi %get3A_763, %and3A_765 : vector<16xi32>
      %shift_left3A_767 = arith.constant 6 : i32
      %shift_left3A_768 = vector.broadcast %shift_left3A_767 : i32 to vector<16xi32>
      %shift_left3A_769 = arith.shli %and3A_766, %shift_left3A_768 : vector<16xi32>
      %iota3A_770 = tpu.iota {dimensions = array<i32: 0>} : vector<16xi32>
      %add3A_771 = arith.constant 0 : i32
      %add3A_772 = vector.broadcast %add3A_771 : i32 to vector<16xi32>
      %add3A_773 = arith.addi %iota3A_770, %add3A_772 : vector<16xi32>
      %add3A_774 = arith.addi %add3A_773, %shift_left3A_769 : vector<16xi32>
      %parallel_loop3A_775 = arith.constant 0 : i32
      %parallel_loop3A_776 = arith.constant 64 : i32
      %parallel_loop3A_777 = arith.constant 1 : i32
      scf.for %parallel_loop3A_1087 = %parallel_loop3A_775 to %parallel_loop3A_776 step %parallel_loop3A_777  : i32 {
        %parallel_loop3A_1088 = vector.broadcast %parallel_loop3A_1087 : i32 to vector<16xi32>
        %parallel_loop3A_1089 = arith.addi %add3A_774, %parallel_loop3A_1088 : vector<16xi32>
        %parallel_loop3A_1090 = tpu.vector_load_idx %arg9[%broadcast_in_dim3A_760, %parallel_loop3A_1089] : memref<128x128xf32, #tpu.memory_space<vmem>>[vector<16xi32>, vector<16xi32>], vector<16xf32>,
        %parallel_loop3A_1091 = tpu.iota {dimensions = array<i32: 0>} : vector<16xi32>
        %parallel_loop3A_1092 = vector.broadcast %parallel_loop3A_1087 : i32 to vector<16xi32>
        %parallel_loop3A_1093 = arith.addi %parallel_loop3A_1091, %parallel_loop3A_1092 : vector<16xi32>
        tpu.vector_store_idx %arg11[%broadcast_in_dim3A_760, %parallel_loop3A_1093], %parallel_loop3A_1090 : memref<64x129xf32, #tpu.memory_space<vmem>>[vector<16xi32>, vector<16xi32>], vector<16xf32>,
      } {sc.loop_unroll_factor = 8 : i64, sc.parallel_access}
      %get3A_778 = arith.index_cast %add3A_746 : i32 to index
      %get3A_779 = arith.constant 16 : index
      %get3A_780 = tpu.vector_load %arg5[%get3A_778, %get3A_779] {strides = array<i32>} : memref<200x128xi32, #tpu.memory_space<vmem>>, vector<16xi32>,
      %and3A_781 = arith.constant 1 : i32
      %and3A_782 = vector.broadcast %and3A_781 : i32 to vector<16xi32>
      %and3A_783 = arith.andi %get3A_780, %and3A_782 : vector<16xi32>
      %shift_left3A_784 = arith.constant 6 : i32
      %shift_left3A_785 = vector.broadcast %shift_left3A_784 : i32 to vector<16xi32>
      %shift_left3A_786 = arith.shli %and3A_783, %shift_left3A_785 : vector<16xi32>
      %iota3A_787 = tpu.iota {dimensions = array<i32: 0>} : vector<16xi32>
      %add3A_788 = arith.constant 2048 : i32
      %add3A_789 = vector.broadcast %add3A_788 : i32 to vector<16xi32>
      %add3A_790 = arith.addi %iota3A_787, %add3A_789 : vector<16xi32>
      %add3A_791 = arith.addi %add3A_790, %shift_left3A_786 : vector<16xi32>
      %parallel_loop3A_792 = arith.constant 0 : i32
      %parallel_loop3A_793 = arith.constant 64 : i32
      %parallel_loop3A_794 = arith.constant 1 : i32
      scf.for %parallel_loop3A_1087 = %parallel_loop3A_792 to %parallel_loop3A_793 step %parallel_loop3A_794  : i32 {
        %parallel_loop3A_1088 = vector.broadcast %parallel_loop3A_1087 : i32 to vector<16xi32>
        %parallel_loop3A_1089 = arith.addi %add3A_791, %parallel_loop3A_1088 : vector<16xi32>
        %parallel_loop3A_1090 = tpu.vector_load_idx %arg9[%broadcast_in_dim3A_760, %parallel_loop3A_1089] : memref<128x128xf32, #tpu.memory_space<vmem>>[vector<16xi32>, vector<16xi32>], vector<16xf32>,
        %parallel_loop3A_1091 = tpu.iota {dimensions = array<i32: 0>} : vector<16xi32>
        %parallel_loop3A_1092 = vector.broadcast %parallel_loop3A_1087 : i32 to vector<16xi32>
        %parallel_loop3A_1093 = arith.addi %parallel_loop3A_1091, %parallel_loop3A_1092 : vector<16xi32>
        tpu.vector_store_idx %arg11[%broadcast_in_dim3A_760, %parallel_loop3A_1093], %parallel_loop3A_1090 : memref<64x129xf32, #tpu.memory_space<vmem>>[vector<16xi32>, vector<16xi32>], vector<16xf32>,
      } {sc.loop_unroll_factor = 8 : i64, sc.parallel_access}
      %get3A_795 = arith.index_cast %add3A_746 : i32 to index
      %get3A_796 = arith.constant 32 : index
      %get3A_797 = tpu.vector_load %arg5[%get3A_795, %get3A_796] {strides = array<i32>} : memref<200x128xi32, #tpu.memory_space<vmem>>, vector<16xi32>,
      %and3A_798 = arith.constant 1 : i32
      %and3A_799 = vector.broadcast %and3A_798 : i32 to vector<16xi32>
      %and3A_800 = arith.andi %get3A_797, %and3A_799 : vector<16xi32>
      %shift_left3A_801 = arith.constant 6 : i32
      %shift_left3A_802 = vector.broadcast %shift_left3A_801 : i32 to vector<16xi32>
      %shift_left3A_803 = arith.shli %and3A_800, %shift_left3A_802 : vector<16xi32>
      %iota3A_804 = tpu.iota {dimensions = array<i32: 0>} : vector<16xi32>
      %add3A_805 = arith.constant 4096 : i32
      %add3A_806 = vector.broadcast %add3A_805 : i32 to vector<16xi32>
      %add3A_807 = arith.addi %iota3A_804, %add3A_806 : vector<16xi32>
      %add3A_808 = arith.addi %add3A_807, %shift_left3A_803 : vector<16xi32>
      %parallel_loop3A_809 = arith.constant 0 : i32
      %parallel_loop3A_810 = arith.constant 64 : i32
      %parallel_loop3A_811 = arith.constant 1 : i32
      scf.for %parallel_loop3A_1087 = %parallel_loop3A_809 to %parallel_loop3A_810 step %parallel_loop3A_811  : i32 {
        %parallel_loop3A_1088 = vector.broadcast %parallel_loop3A_1087 : i32 to vector<16xi32>
        %parallel_loop3A_1089 = arith.addi %add3A_808, %parallel_loop3A_1088 : vector<16xi32>
        %parallel_loop3A_1090 = tpu.vector_load_idx %arg9[%broadcast_in_dim3A_760, %parallel_loop3A_1089] : memref<128x128xf32, #tpu.memory_space<vmem>>[vector<16xi32>, vector<16xi32>], vector<16xf32>,
        %parallel_loop3A_1091 = tpu.iota {dimensions = array<i32: 0>} : vector<16xi32>
        %parallel_loop3A_1092 = vector.broadcast %parallel_loop3A_1087 : i32 to vector<16xi32>
        %parallel_loop3A_1093 = arith.addi %parallel_loop3A_1091, %parallel_loop3A_1092 : vector<16xi32>
        tpu.vector_store_idx %arg11[%broadcast_in_dim3A_760, %parallel_loop3A_1093], %parallel_loop3A_1090 : memref<64x129xf32, #tpu.memory_space<vmem>>[vector<16xi32>, vector<16xi32>], vector<16xf32>,
      } {sc.loop_unroll_factor = 8 : i64, sc.parallel_access}
      %get3A_812 = arith.index_cast %add3A_746 : i32 to index
      %get3A_813 = arith.constant 48 : index
      %get3A_814 = tpu.vector_load %arg5[%get3A_812, %get3A_813] {strides = array<i32>} : memref<200x128xi32, #tpu.memory_space<vmem>>, vector<16xi32>,
      %and3A_815 = arith.constant 1 : i32
      %and3A_816 = vector.broadcast %and3A_815 : i32 to vector<16xi32>
      %and3A_817 = arith.andi %get3A_814, %and3A_816 : vector<16xi32>
      %shift_left3A_818 = arith.constant 6 : i32
      %shift_left3A_819 = vector.broadcast %shift_left3A_818 : i32 to vector<16xi32>
      %shift_left3A_820 = arith.shli %and3A_817, %shift_left3A_819 : vector<16xi32>
      %iota3A_821 = tpu.iota {dimensions = array<i32: 0>} : vector<16xi32>
      %add3A_822 = arith.constant 6144 : i32
      %add3A_823 = vector.broadcast %add3A_822 : i32 to vector<16xi32>
      %add3A_824 = arith.addi %iota3A_821, %add3A_823 : vector<16xi32>
      %add3A_825 = arith.addi %add3A_824, %shift_left3A_820 : vector<16xi32>
      %parallel_loop3A_826 = arith.constant 0 : i32
      %parallel_loop3A_827 = arith.constant 64 : i32
      %parallel_loop3A_828 = arith.constant 1 : i32
      scf.for %parallel_loop3A_1087 = %parallel_loop3A_826 to %parallel_loop3A_827 step %parallel_loop3A_828  : i32 {
        %parallel_loop3A_1088 = vector.broadcast %parallel_loop3A_1087 : i32 to vector<16xi32>
        %parallel_loop3A_1089 = arith.addi %add3A_825, %parallel_loop3A_1088 : vector<16xi32>
        %parallel_loop3A_1090 = tpu.vector_load_idx %arg9[%broadcast_in_dim3A_760, %parallel_loop3A_1089] : memref<128x128xf32, #tpu.memory_space<vmem>>[vector<16xi32>, vector<16xi32>], vector<16xf32>,
        %parallel_loop3A_1091 = tpu.iota {dimensions = array<i32: 0>} : vector<16xi32>
        %parallel_loop3A_1092 = vector.broadcast %parallel_loop3A_1087 : i32 to vector<16xi32>
        %parallel_loop3A_1093 = arith.addi %parallel_loop3A_1091, %parallel_loop3A_1092 : vector<16xi32>
        tpu.vector_store_idx %arg11[%broadcast_in_dim3A_760, %parallel_loop3A_1093], %parallel_loop3A_1090 : memref<64x129xf32, #tpu.memory_space<vmem>>[vector<16xi32>, vector<16xi32>], vector<16xf32>,
      } {sc.loop_unroll_factor = 8 : i64, sc.parallel_access}
      %get3A_829 = arith.index_cast %add3A_746 : i32 to index
      %get3A_830 = arith.constant 64 : index
      %get3A_831 = tpu.vector_load %arg5[%get3A_829, %get3A_830] {strides = array<i32>} : memref<200x128xi32, #tpu.memory_space<vmem>>, vector<16xi32>,
      %and3A_832 = arith.constant 1 : i32
      %and3A_833 = vector.broadcast %and3A_832 : i32 to vector<16xi32>
      %and3A_834 = arith.andi %get3A_831, %and3A_833 : vector<16xi32>
      %shift_left3A_835 = arith.constant 6 : i32
      %shift_left3A_836 = vector.broadcast %shift_left3A_835 : i32 to vector<16xi32>
      %shift_left3A_837 = arith.shli %and3A_834, %shift_left3A_836 : vector<16xi32>
      %iota3A_838 = tpu.iota {dimensions = array<i32: 0>} : vector<16xi32>
      %add3A_839 = arith.constant 8192 : i32
      %add3A_840 = vector.broadcast %add3A_839 : i32 to vector<16xi32>
      %add3A_841 = arith.addi %iota3A_838, %add3A_840 : vector<16xi32>
      %add3A_842 = arith.addi %add3A_841, %shift_left3A_837 : vector<16xi32>
      %parallel_loop3A_843 = arith.constant 0 : i32
      %parallel_loop3A_844 = arith.constant 64 : i32
      %parallel_loop3A_845 = arith.constant 1 : i32
      scf.for %parallel_loop3A_1087 = %parallel_loop3A_843 to %parallel_loop3A_844 step %parallel_loop3A_845  : i32 {
        %parallel_loop3A_1088 = vector.broadcast %parallel_loop3A_1087 : i32 to vector<16xi32>
        %parallel_loop3A_1089 = arith.addi %add3A_842, %parallel_loop3A_1088 : vector<16xi32>
        %parallel_loop3A_1090 = tpu.vector_load_idx %arg9[%broadcast_in_dim3A_760, %parallel_loop3A_1089] : memref<128x128xf32, #tpu.memory_space<vmem>>[vector<16xi32>, vector<16xi32>], vector<16xf32>,
        %parallel_loop3A_1091 = tpu.iota {dimensions = array<i32: 0>} : vector<16xi32>
        %parallel_loop3A_1092 = vector.broadcast %parallel_loop3A_1087 : i32 to vector<16xi32>
        %parallel_loop3A_1093 = arith.addi %parallel_loop3A_1091, %parallel_loop3A_1092 : vector<16xi32>
        tpu.vector_store_idx %arg11[%broadcast_in_dim3A_760, %parallel_loop3A_1093], %parallel_loop3A_1090 : memref<64x129xf32, #tpu.memory_space<vmem>>[vector<16xi32>, vector<16xi32>], vector<16xf32>,
      } {sc.loop_unroll_factor = 8 : i64, sc.parallel_access}
      %get3A_846 = arith.index_cast %add3A_746 : i32 to index
      %get3A_847 = arith.constant 80 : index
      %get3A_848 = tpu.vector_load %arg5[%get3A_846, %get3A_847] {strides = array<i32>} : memref<200x128xi32, #tpu.memory_space<vmem>>, vector<16xi32>,
      %and3A_849 = arith.constant 1 : i32
      %and3A_850 = vector.broadcast %and3A_849 : i32 to vector<16xi32>
      %and3A_851 = arith.andi %get3A_848, %and3A_850 : vector<16xi32>
      %shift_left3A_852 = arith.constant 6 : i32
      %shift_left3A_853 = vector.broadcast %shift_left3A_852 : i32 to vector<16xi32>
      %shift_left3A_854 = arith.shli %and3A_851, %shift_left3A_853 : vector<16xi32>
      %iota3A_855 = tpu.iota {dimensions = array<i32: 0>} : vector<16xi32>
      %add3A_856 = arith.constant 10240 : i32
      %add3A_857 = vector.broadcast %add3A_856 : i32 to vector<16xi32>
      %add3A_858 = arith.addi %iota3A_855, %add3A_857 : vector<16xi32>
      %add3A_859 = arith.addi %add3A_858, %shift_left3A_854 : vector<16xi32>
      %parallel_loop3A_860 = arith.constant 0 : i32
      %parallel_loop3A_861 = arith.constant 64 : i32
      %parallel_loop3A_862 = arith.constant 1 : i32
      scf.for %parallel_loop3A_1087 = %parallel_loop3A_860 to %parallel_loop3A_861 step %parallel_loop3A_862  : i32 {
        %parallel_loop3A_1088 = vector.broadcast %parallel_loop3A_1087 : i32 to vector<16xi32>
        %parallel_loop3A_1089 = arith.addi %add3A_859, %parallel_loop3A_1088 : vector<16xi32>
        %parallel_loop3A_1090 = tpu.vector_load_idx %arg9[%broadcast_in_dim3A_760, %parallel_loop3A_1089] : memref<128x128xf32, #tpu.memory_space<vmem>>[vector<16xi32>, vector<16xi32>], vector<16xf32>,
        %parallel_loop3A_1091 = tpu.iota {dimensions = array<i32: 0>} : vector<16xi32>
        %parallel_loop3A_1092 = vector.broadcast %parallel_loop3A_1087 : i32 to vector<16xi32>
        %parallel_loop3A_1093 = arith.addi %parallel_loop3A_1091, %parallel_loop3A_1092 : vector<16xi32>
        tpu.vector_store_idx %arg11[%broadcast_in_dim3A_760, %parallel_loop3A_1093], %parallel_loop3A_1090 : memref<64x129xf32, #tpu.memory_space<vmem>>[vector<16xi32>, vector<16xi32>], vector<16xf32>,
      } {sc.loop_unroll_factor = 8 : i64, sc.parallel_access}
      %get3A_863 = arith.index_cast %add3A_746 : i32 to index
      %get3A_864 = arith.constant 96 : index
      %get3A_865 = tpu.vector_load %arg5[%get3A_863, %get3A_864] {strides = array<i32>} : memref<200x128xi32, #tpu.memory_space<vmem>>, vector<16xi32>,
      %and3A_866 = arith.constant 1 : i32
      %and3A_867 = vector.broadcast %and3A_866 : i32 to vector<16xi32>
      %and3A_868 = arith.andi %get3A_865, %and3A_867 : vector<16xi32>
      %shift_left3A_869 = arith.constant 6 : i32
      %shift_left3A_870 = vector.broadcast %shift_left3A_869 : i32 to vector<16xi32>
      %shift_left3A_871 = arith.shli %and3A_868, %shift_left3A_870 : vector<16xi32>
      %iota3A_872 = tpu.iota {dimensions = array<i32: 0>} : vector<16xi32>
      %add3A_873 = arith.constant 12288 : i32
      %add3A_874 = vector.broadcast %add3A_873 : i32 to vector<16xi32>
      %add3A_875 = arith.addi %iota3A_872, %add3A_874 : vector<16xi32>
      %add3A_876 = arith.addi %add3A_875, %shift_left3A_871 : vector<16xi32>
      %parallel_loop3A_877 = arith.constant 0 : i32
      %parallel_loop3A_878 = arith.constant 64 : i32
      %parallel_loop3A_879 = arith.constant 1 : i32
      scf.for %parallel_loop3A_1087 = %parallel_loop3A_877 to %parallel_loop3A_878 step %parallel_loop3A_879  : i32 {
        %parallel_loop3A_1088 = vector.broadcast %parallel_loop3A_1087 : i32 to vector<16xi32>
        %parallel_loop3A_1089 = arith.addi %add3A_876, %parallel_loop3A_1088 : vector<16xi32>
        %parallel_loop3A_1090 = tpu.vector_load_idx %arg9[%broadcast_in_dim3A_760, %parallel_loop3A_1089] : memref<128x128xf32, #tpu.memory_space<vmem>>[vector<16xi32>, vector<16xi32>], vector<16xf32>,
        %parallel_loop3A_1091 = tpu.iota {dimensions = array<i32: 0>} : vector<16xi32>
        %parallel_loop3A_1092 = vector.broadcast %parallel_loop3A_1087 : i32 to vector<16xi32>
        %parallel_loop3A_1093 = arith.addi %parallel_loop3A_1091, %parallel_loop3A_1092 : vector<16xi32>
        tpu.vector_store_idx %arg11[%broadcast_in_dim3A_760, %parallel_loop3A_1093], %parallel_loop3A_1090 : memref<64x129xf32, #tpu.memory_space<vmem>>[vector<16xi32>, vector<16xi32>], vector<16xf32>,
      } {sc.loop_unroll_factor = 8 : i64, sc.parallel_access}
      %get3A_880 = arith.index_cast %add3A_746 : i32 to index
      %get3A_881 = arith.constant 112 : index
      %get3A_882 = tpu.vector_load %arg5[%get3A_880, %get3A_881] {strides = array<i32>} : memref<200x128xi32, #tpu.memory_space<vmem>>, vector<16xi32>,
      %and3A_883 = arith.constant 1 : i32
      %and3A_884 = vector.broadcast %and3A_883 : i32 to vector<16xi32>
      %and3A_885 = arith.andi %get3A_882, %and3A_884 : vector<16xi32>
      %shift_left3A_886 = arith.constant 6 : i32
      %shift_left3A_887 = vector.broadcast %shift_left3A_886 : i32 to vector<16xi32>
      %shift_left3A_888 = arith.shli %and3A_885, %shift_left3A_887 : vector<16xi32>
      %iota3A_889 = tpu.iota {dimensions = array<i32: 0>} : vector<16xi32>
      %add3A_890 = arith.constant 14336 : i32
      %add3A_891 = vector.broadcast %add3A_890 : i32 to vector<16xi32>
      %add3A_892 = arith.addi %iota3A_889, %add3A_891 : vector<16xi32>
      %add3A_893 = arith.addi %add3A_892, %shift_left3A_888 : vector<16xi32>
      %parallel_loop3A_894 = arith.constant 0 : i32
      %parallel_loop3A_895 = arith.constant 64 : i32
      %parallel_loop3A_896 = arith.constant 1 : i32
      scf.for %parallel_loop3A_1087 = %parallel_loop3A_894 to %parallel_loop3A_895 step %parallel_loop3A_896  : i32 {
        %parallel_loop3A_1088 = vector.broadcast %parallel_loop3A_1087 : i32 to vector<16xi32>
        %parallel_loop3A_1089 = arith.addi %add3A_893, %parallel_loop3A_1088 : vector<16xi32>
        %parallel_loop3A_1090 = tpu.vector_load_idx %arg9[%broadcast_in_dim3A_760, %parallel_loop3A_1089] : memref<128x128xf32, #tpu.memory_space<vmem>>[vector<16xi32>, vector<16xi32>], vector<16xf32>,
        %parallel_loop3A_1091 = tpu.iota {dimensions = array<i32: 0>} : vector<16xi32>
        %parallel_loop3A_1092 = vector.broadcast %parallel_loop3A_1087 : i32 to vector<16xi32>
        %parallel_loop3A_1093 = arith.addi %parallel_loop3A_1091, %parallel_loop3A_1092 : vector<16xi32>
        tpu.vector_store_idx %arg11[%broadcast_in_dim3A_760, %parallel_loop3A_1093], %parallel_loop3A_1090 : memref<64x129xf32, #tpu.memory_space<vmem>>[vector<16xi32>, vector<16xi32>], vector<16xf32>,
      } {sc.loop_unroll_factor = 8 : i64, sc.parallel_access}
      %dma_start3A_897 = arith.constant 0 : i32
      %dma_start3A_898 = arith.constant 0 : i32
      %dma_start3A_899 = tpu.memref_slice %arg11[%dma_start3A_897, %dma_start3A_898] : memref<64x129xf32, #tpu.memory_space<vmem>> -> memref<64x128xf32, #tpu.memory_space<vmem>>
      %dma_start3A_900 = arith.constant 0 : i32
      %dma_start3A_901 = tpu.memref_slice %arg4[%add3A_746, %dma_start3A_900, %mul3A_2] : memref<200x64x4096xf32, #tpu.memory_space<hbm>> -> memref<1x64x128xf32, #tpu.memory_space<hbm>>
      %dma_start3A_902 = tpu.memref_squeeze %dma_start3A_901 : memref<1x64x128xf32, #tpu.memory_space<hbm>> -> memref<64x128xf32, #tpu.memory_space<hbm>>
      %dma_start3A_903 = arith.constant 0 : i32
      %dma_start3A_904 = tpu.memref_slice %arg4[%add3A_746, %dma_start3A_903, %mul3A_2] : memref<200x64x4096xf32, #tpu.memory_space<hbm>> -> memref<1x64x128xf32, #tpu.memory_space<hbm>>
      %dma_start3A_905 = tpu.memref_squeeze %dma_start3A_904 : memref<1x64x128xf32, #tpu.memory_space<hbm>> -> memref<64x128xf32, #tpu.memory_space<hbm>>
      %dma_start3A_906 = arith.constant 0 : i32
      %dma_start3A_907 = arith.constant 0 : i32
      %dma_start3A_908 = tpu.memref_slice %arg11[%dma_start3A_906, %dma_start3A_907] : memref<64x129xf32, #tpu.memory_space<vmem>> -> memref<64x128xf32, #tpu.memory_space<vmem>>
      tpu.enqueue_dma source(%dma_start3A_908 : memref<64x128xf32, #tpu.memory_space<vmem>>) target(%dma_start3A_905 : memref<64x128xf32, #tpu.memory_space<hbm>>) target_semaphore(%arg17 : memref<!tpu.dma_semaphore, #tpu.memory_space<semaphore_mem>>)
      %add3A_909 = arith.constant 4 : i32
      %add3A_910 = arith.addi %add3A_746, %add3A_909 : i32
      %lt3A_911 = arith.constant 200 : i32
      %lt3A_912 = arith.cmpi slt, %add3A_910, %lt3A_911 : i32
      %convert_element_type3A_913 = arith.extui %lt3A_912 : i1 to i32
      %cond3A_914 = arith.constant 0 : i32
      %cond3A_915 = arith.cmpi ne, %convert_element_type3A_913, %cond3A_914 : i32
      scf.if %cond3A_915 {
        %add3A_1087 = arith.constant 4 : i32
        %add3A_1088 = arith.addi %add3A_746, %add3A_1087 : i32
        %get3A_1089 = arith.index_cast %add3A_1088 : i32 to index
        %get3A_1090 = arith.constant 0 : index
        %get3A_1091 = tpu.vector_load %arg5[%get3A_1089, %get3A_1090] {strides = array<i32>} : memref<200x128xi32, #tpu.memory_space<vmem>>, vector<16xi32>,
        %shift_right_logical3A_1092 = arith.constant 1 : i32
        %shift_right_logical3A_1093 = vector.broadcast %shift_right_logical3A_1092 : i32 to vector<16xi32>
        %shift_right_logical3A_1094 = arith.shrui %get3A_1091, %shift_right_logical3A_1093 : vector<16xi32>
        %swap3A_1095 = arith.constant 2 : i32
        %swap3A_1096 = arith.index_cast %swap3A_1095 : i32 to index
        %swap3A_1097 = arith.constant 0 : index
        %swap3A_1098 = tpu.vector_load %arg6[%swap3A_1096, %swap3A_1097] {strides = array<i32>} : memref<4x128xi32, #tpu.memory_space<vmem>>, vector<16xi32>,
        tpu.vector_store %arg6[%swap3A_1096, %swap3A_1097], %shift_right_logical3A_1094 {strides = array<i32>} : memref<4x128xi32, #tpu.memory_space<vmem>>, vector<16xi32>,
        %get3A_1099 = arith.index_cast %add3A_1088 : i32 to index
        %get3A_1100 = arith.constant 16 : index
        %get3A_1101 = tpu.vector_load %arg5[%get3A_1099, %get3A_1100] {strides = array<i32>} : memref<200x128xi32, #tpu.memory_space<vmem>>, vector<16xi32>,
        %shift_right_logical3A_1102 = arith.constant 1 : i32
        %shift_right_logical3A_1103 = vector.broadcast %shift_right_logical3A_1102 : i32 to vector<16xi32>
        %shift_right_logical3A_1104 = arith.shrui %get3A_1101, %shift_right_logical3A_1103 : vector<16xi32>
        %swap3A_1105 = arith.constant 2 : i32
        %swap3A_1106 = arith.index_cast %swap3A_1105 : i32 to index
        %swap3A_1107 = arith.constant 16 : index
        %swap3A_1108 = tpu.vector_load %arg6[%swap3A_1106, %swap3A_1107] {strides = array<i32>} : memref<4x128xi32, #tpu.memory_space<vmem>>, vector<16xi32>,
        tpu.vector_store %arg6[%swap3A_1106, %swap3A_1107], %shift_right_logical3A_1104 {strides = array<i32>} : memref<4x128xi32, #tpu.memory_space<vmem>>, vector<16xi32>,
        %get3A_1109 = arith.index_cast %add3A_1088 : i32 to index
        %get3A_1110 = arith.constant 32 : index
        %get3A_1111 = tpu.vector_load %arg5[%get3A_1109, %get3A_1110] {strides = array<i32>} : memref<200x128xi32, #tpu.memory_space<vmem>>, vector<16xi32>,
        %shift_right_logical3A_1112 = arith.constant 1 : i32
        %shift_right_logical3A_1113 = vector.broadcast %shift_right_logical3A_1112 : i32 to vector<16xi32>
        %shift_right_logical3A_1114 = arith.shrui %get3A_1111, %shift_right_logical3A_1113 : vector<16xi32>
        %swap3A_1115 = arith.constant 2 : i32
        %swap3A_1116 = arith.index_cast %swap3A_1115 : i32 to index
        %swap3A_1117 = arith.constant 32 : index
        %swap3A_1118 = tpu.vector_load %arg6[%swap3A_1116, %swap3A_1117] {strides = array<i32>} : memref<4x128xi32, #tpu.memory_space<vmem>>, vector<16xi32>,
        tpu.vector_store %arg6[%swap3A_1116, %swap3A_1117], %shift_right_logical3A_1114 {strides = array<i32>} : memref<4x128xi32, #tpu.memory_space<vmem>>, vector<16xi32>,
        %get3A_1119 = arith.index_cast %add3A_1088 : i32 to index
        %get3A_1120 = arith.constant 48 : index
        %get3A_1121 = tpu.vector_load %arg5[%get3A_1119, %get3A_1120] {strides = array<i32>} : memref<200x128xi32, #tpu.memory_space<vmem>>, vector<16xi32>,
        %shift_right_logical3A_1122 = arith.constant 1 : i32
        %shift_right_logical3A_1123 = vector.broadcast %shift_right_logical3A_1122 : i32 to vector<16xi32>
        %shift_right_logical3A_1124 = arith.shrui %get3A_1121, %shift_right_logical3A_1123 : vector<16xi32>
        %swap3A_1125 = arith.constant 2 : i32
        %swap3A_1126 = arith.index_cast %swap3A_1125 : i32 to index
        %swap3A_1127 = arith.constant 48 : index
        %swap3A_1128 = tpu.vector_load %arg6[%swap3A_1126, %swap3A_1127] {strides = array<i32>} : memref<4x128xi32, #tpu.memory_space<vmem>>, vector<16xi32>,
        tpu.vector_store %arg6[%swap3A_1126, %swap3A_1127], %shift_right_logical3A_1124 {strides = array<i32>} : memref<4x128xi32, #tpu.memory_space<vmem>>, vector<16xi32>,
        %get3A_1129 = arith.index_cast %add3A_1088 : i32 to index
        %get3A_1130 = arith.constant 64 : index
        %get3A_1131 = tpu.vector_load %arg5[%get3A_1129, %get3A_1130] {strides = array<i32>} : memref<200x128xi32, #tpu.memory_space<vmem>>, vector<16xi32>,
        %shift_right_logical3A_1132 = arith.constant 1 : i32
        %shift_right_logical3A_1133 = vector.broadcast %shift_right_logical3A_1132 : i32 to vector<16xi32>
        %shift_right_logical3A_1134 = arith.shrui %get3A_1131, %shift_right_logical3A_1133 : vector<16xi32>
        %swap3A_1135 = arith.constant 2 : i32
        %swap3A_1136 = arith.index_cast %swap3A_1135 : i32 to index
        %swap3A_1137 = arith.constant 64 : index
        %swap3A_1138 = tpu.vector_load %arg6[%swap3A_1136, %swap3A_1137] {strides = array<i32>} : memref<4x128xi32, #tpu.memory_space<vmem>>, vector<16xi32>,
        tpu.vector_store %arg6[%swap3A_1136, %swap3A_1137], %shift_right_logical3A_1134 {strides = array<i32>} : memref<4x128xi32, #tpu.memory_space<vmem>>, vector<16xi32>,
        %get3A_1139 = arith.index_cast %add3A_1088 : i32 to index
        %get3A_1140 = arith.constant 80 : index
        %get3A_1141 = tpu.vector_load %arg5[%get3A_1139, %get3A_1140] {strides = array<i32>} : memref<200x128xi32, #tpu.memory_space<vmem>>, vector<16xi32>,
        %shift_right_logical3A_1142 = arith.constant 1 : i32
        %shift_right_logical3A_1143 = vector.broadcast %shift_right_logical3A_1142 : i32 to vector<16xi32>
        %shift_right_logical3A_1144 = arith.shrui %get3A_1141, %shift_right_logical3A_1143 : vector<16xi32>
        %swap3A_1145 = arith.constant 2 : i32
        %swap3A_1146 = arith.index_cast %swap3A_1145 : i32 to index
        %swap3A_1147 = arith.constant 80 : index
        %swap3A_1148 = tpu.vector_load %arg6[%swap3A_1146, %swap3A_1147] {strides = array<i32>} : memref<4x128xi32, #tpu.memory_space<vmem>>, vector<16xi32>,
        tpu.vector_store %arg6[%swap3A_1146, %swap3A_1147], %shift_right_logical3A_1144 {strides = array<i32>} : memref<4x128xi32, #tpu.memory_space<vmem>>, vector<16xi32>,
        %get3A_1149 = arith.index_cast %add3A_1088 : i32 to index
        %get3A_1150 = arith.constant 96 : index
        %get3A_1151 = tpu.vector_load %arg5[%get3A_1149, %get3A_1150] {strides = array<i32>} : memref<200x128xi32, #tpu.memory_space<vmem>>, vector<16xi32>,
        %shift_right_logical3A_1152 = arith.constant 1 : i32
        %shift_right_logical3A_1153 = vector.broadcast %shift_right_logical3A_1152 : i32 to vector<16xi32>
        %shift_right_logical3A_1154 = arith.shrui %get3A_1151, %shift_right_logical3A_1153 : vector<16xi32>
        %swap3A_1155 = arith.constant 2 : i32
        %swap3A_1156 = arith.index_cast %swap3A_1155 : i32 to index
        %swap3A_1157 = arith.constant 96 : index
        %swap3A_1158 = tpu.vector_load %arg6[%swap3A_1156, %swap3A_1157] {strides = array<i32>} : memref<4x128xi32, #tpu.memory_space<vmem>>, vector<16xi32>,
        tpu.vector_store %arg6[%swap3A_1156, %swap3A_1157], %shift_right_logical3A_1154 {strides = array<i32>} : memref<4x128xi32, #tpu.memory_space<vmem>>, vector<16xi32>,
        %get3A_1159 = arith.index_cast %add3A_1088 : i32 to index
        %get3A_1160 = arith.constant 112 : index
        %get3A_1161 = tpu.vector_load %arg5[%get3A_1159, %get3A_1160] {strides = array<i32>} : memref<200x128xi32, #tpu.memory_space<vmem>>, vector<16xi32>,
        %shift_right_logical3A_1162 = arith.constant 1 : i32
        %shift_right_logical3A_1163 = vector.broadcast %shift_right_logical3A_1162 : i32 to vector<16xi32>
        %shift_right_logical3A_1164 = arith.shrui %get3A_1161, %shift_right_logical3A_1163 : vector<16xi32>
        %swap3A_1165 = arith.constant 2 : i32
        %swap3A_1166 = arith.index_cast %swap3A_1165 : i32 to index
        %swap3A_1167 = arith.constant 112 : index
        %swap3A_1168 = tpu.vector_load %arg6[%swap3A_1166, %swap3A_1167] {strides = array<i32>} : memref<4x128xi32, #tpu.memory_space<vmem>>, vector<16xi32>,
        tpu.vector_store %arg6[%swap3A_1166, %swap3A_1167], %shift_right_logical3A_1164 {strides = array<i32>} : memref<4x128xi32, #tpu.memory_space<vmem>>, vector<16xi32>,
        %dma_start3A_1169 = arith.constant 2 : i32
        %dma_start3A_1170 = arith.constant 0 : i32
        %dma_start3A_1171 = tpu.memref_slice %arg6[%dma_start3A_1169, %dma_start3A_1170] : memref<4x128xi32, #tpu.memory_space<vmem>> -> memref<1x128xi32, #tpu.memory_space<vmem>>
        %dma_start3A_1172 = tpu.memref_squeeze %dma_start3A_1171 : memref<1x128xi32, #tpu.memory_space<vmem>> -> memref<128xi32, #tpu.memory_space<vmem>>
        %dma_start3A_1173 = arith.constant 0 : i32
        %dma_start3A_1174 = arith.constant 0 : i32
        %dma_start3A_1175 = tpu.memref_slice %arg3[%dma_start3A_1173, %dma_start3A_1174] : memref<50048x128xf32, #tpu.memory_space<hbm>> -> memref<50048x128xf32, #tpu.memory_space<hbm>>
        tpu.enqueue_indirect_dma source(%dma_start3A_1175 : memref<50048x128xf32, #tpu.memory_space<hbm>>) target(%arg9 : memref<128x128xf32, #tpu.memory_space<vmem>>) offsets(%dma_start3A_1172 : memref<128xi32, #tpu.memory_space<vmem>>) semaphore(%arg15 : memref<!tpu.dma_semaphore, #tpu.memory_space<semaphore_mem>>)
      } else {
      }
      %add3A_916 = arith.constant 3 : i32
      %add3A_917 = arith.addi %mul3A_411, %add3A_916 : i32
      %dma_wait3A_918 = arith.constant 3 : i32
      %dma_wait3A_919 = arith.constant 0 : i32
      %dma_wait3A_920 = tpu.memref_slice %arg6[%dma_wait3A_918, %dma_wait3A_919] : memref<4x128xi32, #tpu.memory_space<vmem>> -> memref<1x128xi32, #tpu.memory_space<vmem>>
      %dma_wait3A_921 = tpu.memref_squeeze %dma_wait3A_920 : memref<1x128xi32, #tpu.memory_space<vmem>> -> memref<128xi32, #tpu.memory_space<vmem>>
      %dma_wait3A_922 = arith.constant 0 : i32
      %dma_wait3A_923 = arith.constant 0 : i32
      %dma_wait3A_924 = tpu.memref_slice %arg3[%dma_wait3A_922, %dma_wait3A_923] : memref<50048x128xf32, #tpu.memory_space<hbm>> -> memref<50048x128xf32, #tpu.memory_space<hbm>>
      tpu.wait_indirect_dma semaphore(%arg16 : memref<!tpu.dma_semaphore, #tpu.memory_space<semaphore_mem>>) src(%dma_wait3A_924 : memref<50048x128xf32, #tpu.memory_space<hbm>>) dst(%arg10 : memref<128x128xf32, #tpu.memory_space<vmem>>)
      %ge3A_925 = arith.constant 2 : i32
      %ge3A_926 = arith.cmpi sge, %add3A_917, %ge3A_925 : i32
      %convert_element_type3A_927 = arith.extui %ge3A_926 : i1 to i32
      %cond3A_928 = arith.constant 0 : i32
      %cond3A_929 = arith.cmpi ne, %convert_element_type3A_927, %cond3A_928 : i32
      scf.if %cond3A_929 {
        %dma_wait3A_1087 = arith.constant 0 : i32
        %dma_wait3A_1088 = arith.constant 0 : i32
        %dma_wait3A_1089 = arith.constant 0 : i32
        %dma_wait3A_1090 = tpu.memref_slice %arg12[%dma_wait3A_1088, %dma_wait3A_1089] : memref<64x129xf32, #tpu.memory_space<vmem>> -> memref<64x128xf32, #tpu.memory_space<vmem>>
        %dma_wait3A_1091 = arith.constant 0 : i32
        %dma_wait3A_1092 = tpu.memref_slice %arg4[%dma_wait3A_1087, %dma_wait3A_1091, %mul3A_2] : memref<200x64x4096xf32, #tpu.memory_space<hbm>> -> memref<1x64x128xf32, #tpu.memory_space<hbm>>
        %dma_wait3A_1093 = tpu.memref_squeeze %dma_wait3A_1092 : memref<1x64x128xf32, #tpu.memory_space<hbm>> -> memref<64x128xf32, #tpu.memory_space<hbm>>
        %dma_wait3A_1094 = arith.constant 0 : i32
        %dma_wait3A_1095 = tpu.memref_slice %arg4[%dma_wait3A_1087, %dma_wait3A_1094, %mul3A_2] : memref<200x64x4096xf32, #tpu.memory_space<hbm>> -> memref<1x64x128xf32, #tpu.memory_space<hbm>>
        %dma_wait3A_1096 = tpu.memref_squeeze %dma_wait3A_1095 : memref<1x64x128xf32, #tpu.memory_space<hbm>> -> memref<64x128xf32, #tpu.memory_space<hbm>>
        %dma_wait3A_1097 = arith.constant 0 : i32
        %dma_wait3A_1098 = arith.constant 0 : i32
        %dma_wait3A_1099 = tpu.memref_slice %arg12[%dma_wait3A_1097, %dma_wait3A_1098] : memref<64x129xf32, #tpu.memory_space<vmem>> -> memref<64x128xf32, #tpu.memory_space<vmem>>
        tpu.wait_dma2 semaphore(%arg18 : memref<!tpu.dma_semaphore, #tpu.memory_space<semaphore_mem>>) src(%dma_wait3A_1099 : memref<64x128xf32, #tpu.memory_space<vmem>>) dst(%dma_wait3A_1096 : memref<64x128xf32, #tpu.memory_space<hbm>>)
      } else {
      }
      %broadcast_in_dim3A_930 = arith.constant 0 : i32
      %broadcast_in_dim3A_931 = vector.broadcast %broadcast_in_dim3A_930 : i32 to vector<16xi32>
      %get3A_932 = arith.index_cast %add3A_917 : i32 to index
      %get3A_933 = arith.constant 0 : index
      %get3A_934 = tpu.vector_load %arg5[%get3A_932, %get3A_933] {strides = array<i32>} : memref<200x128xi32, #tpu.memory_space<vmem>>, vector<16xi32>,
      %and3A_935 = arith.constant 1 : i32
      %and3A_936 = vector.broadcast %and3A_935 : i32 to vector<16xi32>
      %and3A_937 = arith.andi %get3A_934, %and3A_936 : vector<16xi32>
      %shift_left3A_938 = arith.constant 6 : i32
      %shift_left3A_939 = vector.broadcast %shift_left3A_938 : i32 to vector<16xi32>
      %shift_left3A_940 = arith.shli %and3A_937, %shift_left3A_939 : vector<16xi32>
      %iota3A_941 = tpu.iota {dimensions = array<i32: 0>} : vector<16xi32>
      %add3A_942 = arith.constant 0 : i32
      %add3A_943 = vector.broadcast %add3A_942 : i32 to vector<16xi32>
      %add3A_944 = arith.addi %iota3A_941, %add3A_943 : vector<16xi32>
      %add3A_945 = arith.addi %add3A_944, %shift_left3A_940 : vector<16xi32>
      %parallel_loop3A_946 = arith.constant 0 : i32
      %parallel_loop3A_947 = arith.constant 64 : i32
      %parallel_loop3A_948 = arith.constant 1 : i32
      scf.for %parallel_loop3A_1087 = %parallel_loop3A_946 to %parallel_loop3A_947 step %parallel_loop3A_948  : i32 {
        %parallel_loop3A_1088 = vector.broadcast %parallel_loop3A_1087 : i32 to vector<16xi32>
        %parallel_loop3A_1089 = arith.addi %add3A_945, %parallel_loop3A_1088 : vector<16xi32>
        %parallel_loop3A_1090 = tpu.vector_load_idx %arg10[%broadcast_in_dim3A_931, %parallel_loop3A_1089] : memref<128x128xf32, #tpu.memory_space<vmem>>[vector<16xi32>, vector<16xi32>], vector<16xf32>,
        %parallel_loop3A_1091 = tpu.iota {dimensions = array<i32: 0>} : vector<16xi32>
        %parallel_loop3A_1092 = vector.broadcast %parallel_loop3A_1087 : i32 to vector<16xi32>
        %parallel_loop3A_1093 = arith.addi %parallel_loop3A_1091, %parallel_loop3A_1092 : vector<16xi32>
        tpu.vector_store_idx %arg12[%broadcast_in_dim3A_931, %parallel_loop3A_1093], %parallel_loop3A_1090 : memref<64x129xf32, #tpu.memory_space<vmem>>[vector<16xi32>, vector<16xi32>], vector<16xf32>,
      } {sc.loop_unroll_factor = 8 : i64, sc.parallel_access}
      %get3A_949 = arith.index_cast %add3A_917 : i32 to index
      %get3A_950 = arith.constant 16 : index
      %get3A_951 = tpu.vector_load %arg5[%get3A_949, %get3A_950] {strides = array<i32>} : memref<200x128xi32, #tpu.memory_space<vmem>>, vector<16xi32>,
      %and3A_952 = arith.constant 1 : i32
      %and3A_953 = vector.broadcast %and3A_952 : i32 to vector<16xi32>
      %and3A_954 = arith.andi %get3A_951, %and3A_953 : vector<16xi32>
      %shift_left3A_955 = arith.constant 6 : i32
      %shift_left3A_956 = vector.broadcast %shift_left3A_955 : i32 to vector<16xi32>
      %shift_left3A_957 = arith.shli %and3A_954, %shift_left3A_956 : vector<16xi32>
      %iota3A_958 = tpu.iota {dimensions = array<i32: 0>} : vector<16xi32>
      %add3A_959 = arith.constant 2048 : i32
      %add3A_960 = vector.broadcast %add3A_959 : i32 to vector<16xi32>
      %add3A_961 = arith.addi %iota3A_958, %add3A_960 : vector<16xi32>
      %add3A_962 = arith.addi %add3A_961, %shift_left3A_957 : vector<16xi32>
      %parallel_loop3A_963 = arith.constant 0 : i32
      %parallel_loop3A_964 = arith.constant 64 : i32
      %parallel_loop3A_965 = arith.constant 1 : i32
      scf.for %parallel_loop3A_1087 = %parallel_loop3A_963 to %parallel_loop3A_964 step %parallel_loop3A_965  : i32 {
        %parallel_loop3A_1088 = vector.broadcast %parallel_loop3A_1087 : i32 to vector<16xi32>
        %parallel_loop3A_1089 = arith.addi %add3A_962, %parallel_loop3A_1088 : vector<16xi32>
        %parallel_loop3A_1090 = tpu.vector_load_idx %arg10[%broadcast_in_dim3A_931, %parallel_loop3A_1089] : memref<128x128xf32, #tpu.memory_space<vmem>>[vector<16xi32>, vector<16xi32>], vector<16xf32>,
        %parallel_loop3A_1091 = tpu.iota {dimensions = array<i32: 0>} : vector<16xi32>
        %parallel_loop3A_1092 = vector.broadcast %parallel_loop3A_1087 : i32 to vector<16xi32>
        %parallel_loop3A_1093 = arith.addi %parallel_loop3A_1091, %parallel_loop3A_1092 : vector<16xi32>
        tpu.vector_store_idx %arg12[%broadcast_in_dim3A_931, %parallel_loop3A_1093], %parallel_loop3A_1090 : memref<64x129xf32, #tpu.memory_space<vmem>>[vector<16xi32>, vector<16xi32>], vector<16xf32>,
      } {sc.loop_unroll_factor = 8 : i64, sc.parallel_access}
      %get3A_966 = arith.index_cast %add3A_917 : i32 to index
      %get3A_967 = arith.constant 32 : index
      %get3A_968 = tpu.vector_load %arg5[%get3A_966, %get3A_967] {strides = array<i32>} : memref<200x128xi32, #tpu.memory_space<vmem>>, vector<16xi32>,
      %and3A_969 = arith.constant 1 : i32
      %and3A_970 = vector.broadcast %and3A_969 : i32 to vector<16xi32>
      %and3A_971 = arith.andi %get3A_968, %and3A_970 : vector<16xi32>
      %shift_left3A_972 = arith.constant 6 : i32
      %shift_left3A_973 = vector.broadcast %shift_left3A_972 : i32 to vector<16xi32>
      %shift_left3A_974 = arith.shli %and3A_971, %shift_left3A_973 : vector<16xi32>
      %iota3A_975 = tpu.iota {dimensions = array<i32: 0>} : vector<16xi32>
      %add3A_976 = arith.constant 4096 : i32
      %add3A_977 = vector.broadcast %add3A_976 : i32 to vector<16xi32>
      %add3A_978 = arith.addi %iota3A_975, %add3A_977 : vector<16xi32>
      %add3A_979 = arith.addi %add3A_978, %shift_left3A_974 : vector<16xi32>
      %parallel_loop3A_980 = arith.constant 0 : i32
      %parallel_loop3A_981 = arith.constant 64 : i32
      %parallel_loop3A_982 = arith.constant 1 : i32
      scf.for %parallel_loop3A_1087 = %parallel_loop3A_980 to %parallel_loop3A_981 step %parallel_loop3A_982  : i32 {
        %parallel_loop3A_1088 = vector.broadcast %parallel_loop3A_1087 : i32 to vector<16xi32>
        %parallel_loop3A_1089 = arith.addi %add3A_979, %parallel_loop3A_1088 : vector<16xi32>
        %parallel_loop3A_1090 = tpu.vector_load_idx %arg10[%broadcast_in_dim3A_931, %parallel_loop3A_1089] : memref<128x128xf32, #tpu.memory_space<vmem>>[vector<16xi32>, vector<16xi32>], vector<16xf32>,
        %parallel_loop3A_1091 = tpu.iota {dimensions = array<i32: 0>} : vector<16xi32>
        %parallel_loop3A_1092 = vector.broadcast %parallel_loop3A_1087 : i32 to vector<16xi32>
        %parallel_loop3A_1093 = arith.addi %parallel_loop3A_1091, %parallel_loop3A_1092 : vector<16xi32>
        tpu.vector_store_idx %arg12[%broadcast_in_dim3A_931, %parallel_loop3A_1093], %parallel_loop3A_1090 : memref<64x129xf32, #tpu.memory_space<vmem>>[vector<16xi32>, vector<16xi32>], vector<16xf32>,
      } {sc.loop_unroll_factor = 8 : i64, sc.parallel_access}
      %get3A_983 = arith.index_cast %add3A_917 : i32 to index
      %get3A_984 = arith.constant 48 : index
      %get3A_985 = tpu.vector_load %arg5[%get3A_983, %get3A_984] {strides = array<i32>} : memref<200x128xi32, #tpu.memory_space<vmem>>, vector<16xi32>,
      %and3A_986 = arith.constant 1 : i32
      %and3A_987 = vector.broadcast %and3A_986 : i32 to vector<16xi32>
      %and3A_988 = arith.andi %get3A_985, %and3A_987 : vector<16xi32>
      %shift_left3A_989 = arith.constant 6 : i32
      %shift_left3A_990 = vector.broadcast %shift_left3A_989 : i32 to vector<16xi32>
      %shift_left3A_991 = arith.shli %and3A_988, %shift_left3A_990 : vector<16xi32>
      %iota3A_992 = tpu.iota {dimensions = array<i32: 0>} : vector<16xi32>
      %add3A_993 = arith.constant 6144 : i32
      %add3A_994 = vector.broadcast %add3A_993 : i32 to vector<16xi32>
      %add3A_995 = arith.addi %iota3A_992, %add3A_994 : vector<16xi32>
      %add3A_996 = arith.addi %add3A_995, %shift_left3A_991 : vector<16xi32>
      %parallel_loop3A_997 = arith.constant 0 : i32
      %parallel_loop3A_998 = arith.constant 64 : i32
      %parallel_loop3A_999 = arith.constant 1 : i32
      scf.for %parallel_loop3A_1087 = %parallel_loop3A_997 to %parallel_loop3A_998 step %parallel_loop3A_999  : i32 {
        %parallel_loop3A_1088 = vector.broadcast %parallel_loop3A_1087 : i32 to vector<16xi32>
        %parallel_loop3A_1089 = arith.addi %add3A_996, %parallel_loop3A_1088 : vector<16xi32>
        %parallel_loop3A_1090 = tpu.vector_load_idx %arg10[%broadcast_in_dim3A_931, %parallel_loop3A_1089] : memref<128x128xf32, #tpu.memory_space<vmem>>[vector<16xi32>, vector<16xi32>], vector<16xf32>,
        %parallel_loop3A_1091 = tpu.iota {dimensions = array<i32: 0>} : vector<16xi32>
        %parallel_loop3A_1092 = vector.broadcast %parallel_loop3A_1087 : i32 to vector<16xi32>
        %parallel_loop3A_1093 = arith.addi %parallel_loop3A_1091, %parallel_loop3A_1092 : vector<16xi32>
        tpu.vector_store_idx %arg12[%broadcast_in_dim3A_931, %parallel_loop3A_1093], %parallel_loop3A_1090 : memref<64x129xf32, #tpu.memory_space<vmem>>[vector<16xi32>, vector<16xi32>], vector<16xf32>,
      } {sc.loop_unroll_factor = 8 : i64, sc.parallel_access}
      %get3A_1000 = arith.index_cast %add3A_917 : i32 to index
      %get3A_1001 = arith.constant 64 : index
      %get3A_1002 = tpu.vector_load %arg5[%get3A_1000, %get3A_1001] {strides = array<i32>} : memref<200x128xi32, #tpu.memory_space<vmem>>, vector<16xi32>,
      %and3A_1003 = arith.constant 1 : i32
      %and3A_1004 = vector.broadcast %and3A_1003 : i32 to vector<16xi32>
      %and3A_1005 = arith.andi %get3A_1002, %and3A_1004 : vector<16xi32>
      %shift_left3A_1006 = arith.constant 6 : i32
      %shift_left3A_1007 = vector.broadcast %shift_left3A_1006 : i32 to vector<16xi32>
      %shift_left3A_1008 = arith.shli %and3A_1005, %shift_left3A_1007 : vector<16xi32>
      %iota3A_1009 = tpu.iota {dimensions = array<i32: 0>} : vector<16xi32>
      %add3A_1010 = arith.constant 8192 : i32
      %add3A_1011 = vector.broadcast %add3A_1010 : i32 to vector<16xi32>
      %add3A_1012 = arith.addi %iota3A_1009, %add3A_1011 : vector<16xi32>
      %add3A_1013 = arith.addi %add3A_1012, %shift_left3A_1008 : vector<16xi32>
      %parallel_loop3A_1014 = arith.constant 0 : i32
      %parallel_loop3A_1015 = arith.constant 64 : i32
      %parallel_loop3A_1016 = arith.constant 1 : i32
      scf.for %parallel_loop3A_1087 = %parallel_loop3A_1014 to %parallel_loop3A_1015 step %parallel_loop3A_1016  : i32 {
        %parallel_loop3A_1088 = vector.broadcast %parallel_loop3A_1087 : i32 to vector<16xi32>
        %parallel_loop3A_1089 = arith.addi %add3A_1013, %parallel_loop3A_1088 : vector<16xi32>
        %parallel_loop3A_1090 = tpu.vector_load_idx %arg10[%broadcast_in_dim3A_931, %parallel_loop3A_1089] : memref<128x128xf32, #tpu.memory_space<vmem>>[vector<16xi32>, vector<16xi32>], vector<16xf32>,
        %parallel_loop3A_1091 = tpu.iota {dimensions = array<i32: 0>} : vector<16xi32>
        %parallel_loop3A_1092 = vector.broadcast %parallel_loop3A_1087 : i32 to vector<16xi32>
        %parallel_loop3A_1093 = arith.addi %parallel_loop3A_1091, %parallel_loop3A_1092 : vector<16xi32>
        tpu.vector_store_idx %arg12[%broadcast_in_dim3A_931, %parallel_loop3A_1093], %parallel_loop3A_1090 : memref<64x129xf32, #tpu.memory_space<vmem>>[vector<16xi32>, vector<16xi32>], vector<16xf32>,
      } {sc.loop_unroll_factor = 8 : i64, sc.parallel_access}
      %get3A_1017 = arith.index_cast %add3A_917 : i32 to index
      %get3A_1018 = arith.constant 80 : index
      %get3A_1019 = tpu.vector_load %arg5[%get3A_1017, %get3A_1018] {strides = array<i32>} : memref<200x128xi32, #tpu.memory_space<vmem>>, vector<16xi32>,
      %and3A_1020 = arith.constant 1 : i32
      %and3A_1021 = vector.broadcast %and3A_1020 : i32 to vector<16xi32>
      %and3A_1022 = arith.andi %get3A_1019, %and3A_1021 : vector<16xi32>
      %shift_left3A_1023 = arith.constant 6 : i32
      %shift_left3A_1024 = vector.broadcast %shift_left3A_1023 : i32 to vector<16xi32>
      %shift_left3A_1025 = arith.shli %and3A_1022, %shift_left3A_1024 : vector<16xi32>
      %iota3A_1026 = tpu.iota {dimensions = array<i32: 0>} : vector<16xi32>
      %add3A_1027 = arith.constant 10240 : i32
      %add3A_1028 = vector.broadcast %add3A_1027 : i32 to vector<16xi32>
      %add3A_1029 = arith.addi %iota3A_1026, %add3A_1028 : vector<16xi32>
      %add3A_1030 = arith.addi %add3A_1029, %shift_left3A_1025 : vector<16xi32>
      %parallel_loop3A_1031 = arith.constant 0 : i32
      %parallel_loop3A_1032 = arith.constant 64 : i32
      %parallel_loop3A_1033 = arith.constant 1 : i32
      scf.for %parallel_loop3A_1087 = %parallel_loop3A_1031 to %parallel_loop3A_1032 step %parallel_loop3A_1033  : i32 {
        %parallel_loop3A_1088 = vector.broadcast %parallel_loop3A_1087 : i32 to vector<16xi32>
        %parallel_loop3A_1089 = arith.addi %add3A_1030, %parallel_loop3A_1088 : vector<16xi32>
        %parallel_loop3A_1090 = tpu.vector_load_idx %arg10[%broadcast_in_dim3A_931, %parallel_loop3A_1089] : memref<128x128xf32, #tpu.memory_space<vmem>>[vector<16xi32>, vector<16xi32>], vector<16xf32>,
        %parallel_loop3A_1091 = tpu.iota {dimensions = array<i32: 0>} : vector<16xi32>
        %parallel_loop3A_1092 = vector.broadcast %parallel_loop3A_1087 : i32 to vector<16xi32>
        %parallel_loop3A_1093 = arith.addi %parallel_loop3A_1091, %parallel_loop3A_1092 : vector<16xi32>
        tpu.vector_store_idx %arg12[%broadcast_in_dim3A_931, %parallel_loop3A_1093], %parallel_loop3A_1090 : memref<64x129xf32, #tpu.memory_space<vmem>>[vector<16xi32>, vector<16xi32>], vector<16xf32>,
      } {sc.loop_unroll_factor = 8 : i64, sc.parallel_access}
      %get3A_1034 = arith.index_cast %add3A_917 : i32 to index
      %get3A_1035 = arith.constant 96 : index
      %get3A_1036 = tpu.vector_load %arg5[%get3A_1034, %get3A_1035] {strides = array<i32>} : memref<200x128xi32, #tpu.memory_space<vmem>>, vector<16xi32>,
      %and3A_1037 = arith.constant 1 : i32
      %and3A_1038 = vector.broadcast %and3A_1037 : i32 to vector<16xi32>
      %and3A_1039 = arith.andi %get3A_1036, %and3A_1038 : vector<16xi32>
      %shift_left3A_1040 = arith.constant 6 : i32
      %shift_left3A_1041 = vector.broadcast %shift_left3A_1040 : i32 to vector<16xi32>
      %shift_left3A_1042 = arith.shli %and3A_1039, %shift_left3A_1041 : vector<16xi32>
      %iota3A_1043 = tpu.iota {dimensions = array<i32: 0>} : vector<16xi32>
      %add3A_1044 = arith.constant 12288 : i32
      %add3A_1045 = vector.broadcast %add3A_1044 : i32 to vector<16xi32>
      %add3A_1046 = arith.addi %iota3A_1043, %add3A_1045 : vector<16xi32>
      %add3A_1047 = arith.addi %add3A_1046, %shift_left3A_1042 : vector<16xi32>
      %parallel_loop3A_1048 = arith.constant 0 : i32
      %parallel_loop3A_1049 = arith.constant 64 : i32
      %parallel_loop3A_1050 = arith.constant 1 : i32
      scf.for %parallel_loop3A_1087 = %parallel_loop3A_1048 to %parallel_loop3A_1049 step %parallel_loop3A_1050  : i32 {
        %parallel_loop3A_1088 = vector.broadcast %parallel_loop3A_1087 : i32 to vector<16xi32>
        %parallel_loop3A_1089 = arith.addi %add3A_1047, %parallel_loop3A_1088 : vector<16xi32>
        %parallel_loop3A_1090 = tpu.vector_load_idx %arg10[%broadcast_in_dim3A_931, %parallel_loop3A_1089] : memref<128x128xf32, #tpu.memory_space<vmem>>[vector<16xi32>, vector<16xi32>], vector<16xf32>,
        %parallel_loop3A_1091 = tpu.iota {dimensions = array<i32: 0>} : vector<16xi32>
        %parallel_loop3A_1092 = vector.broadcast %parallel_loop3A_1087 : i32 to vector<16xi32>
        %parallel_loop3A_1093 = arith.addi %parallel_loop3A_1091, %parallel_loop3A_1092 : vector<16xi32>
        tpu.vector_store_idx %arg12[%broadcast_in_dim3A_931, %parallel_loop3A_1093], %parallel_loop3A_1090 : memref<64x129xf32, #tpu.memory_space<vmem>>[vector<16xi32>, vector<16xi32>], vector<16xf32>,
      } {sc.loop_unroll_factor = 8 : i64, sc.parallel_access}
      %get3A_1051 = arith.index_cast %add3A_917 : i32 to index
      %get3A_1052 = arith.constant 112 : index
      %get3A_1053 = tpu.vector_load %arg5[%get3A_1051, %get3A_1052] {strides = array<i32>} : memref<200x128xi32, #tpu.memory_space<vmem>>, vector<16xi32>,
      %and3A_1054 = arith.constant 1 : i32
      %and3A_1055 = vector.broadcast %and3A_1054 : i32 to vector<16xi32>
      %and3A_1056 = arith.andi %get3A_1053, %and3A_1055 : vector<16xi32>
      %shift_left3A_1057 = arith.constant 6 : i32
      %shift_left3A_1058 = vector.broadcast %shift_left3A_1057 : i32 to vector<16xi32>
      %shift_left3A_1059 = arith.shli %and3A_1056, %shift_left3A_1058 : vector<16xi32>
      %iota3A_1060 = tpu.iota {dimensions = array<i32: 0>} : vector<16xi32>
      %add3A_1061 = arith.constant 14336 : i32
      %add3A_1062 = vector.broadcast %add3A_1061 : i32 to vector<16xi32>
      %add3A_1063 = arith.addi %iota3A_1060, %add3A_1062 : vector<16xi32>
      %add3A_1064 = arith.addi %add3A_1063, %shift_left3A_1059 : vector<16xi32>
      %parallel_loop3A_1065 = arith.constant 0 : i32
      %parallel_loop3A_1066 = arith.constant 64 : i32
      %parallel_loop3A_1067 = arith.constant 1 : i32
      scf.for %parallel_loop3A_1087 = %parallel_loop3A_1065 to %parallel_loop3A_1066 step %parallel_loop3A_1067  : i32 {
        %parallel_loop3A_1088 = vector.broadcast %parallel_loop3A_1087 : i32 to vector<16xi32>
        %parallel_loop3A_1089 = arith.addi %add3A_1064, %parallel_loop3A_1088 : vector<16xi32>
        %parallel_loop3A_1090 = tpu.vector_load_idx %arg10[%broadcast_in_dim3A_931, %parallel_loop3A_1089] : memref<128x128xf32, #tpu.memory_space<vmem>>[vector<16xi32>, vector<16xi32>], vector<16xf32>,
        %parallel_loop3A_1091 = tpu.iota {dimensions = array<i32: 0>} : vector<16xi32>
        %parallel_loop3A_1092 = vector.broadcast %parallel_loop3A_1087 : i32 to vector<16xi32>
        %parallel_loop3A_1093 = arith.addi %parallel_loop3A_1091, %parallel_loop3A_1092 : vector<16xi32>
        tpu.vector_store_idx %arg12[%broadcast_in_dim3A_931, %parallel_loop3A_1093], %parallel_loop3A_1090 : memref<64x129xf32, #tpu.memory_space<vmem>>[vector<16xi32>, vector<16xi32>], vector<16xf32>,
      } {sc.loop_unroll_factor = 8 : i64, sc.parallel_access}
      %dma_start3A_1068 = arith.constant 0 : i32
      %dma_start3A_1069 = arith.constant 0 : i32
      %dma_start3A_1070 = tpu.memref_slice %arg12[%dma_start3A_1068, %dma_start3A_1069] : memref<64x129xf32, #tpu.memory_space<vmem>> -> memref<64x128xf32, #tpu.memory_space<vmem>>
      %dma_start3A_1071 = arith.constant 0 : i32
      %dma_start3A_1072 = tpu.memref_slice %arg4[%add3A_917, %dma_start3A_1071, %mul3A_2] : memref<200x64x4096xf32, #tpu.memory_space<hbm>> -> memref<1x64x128xf32, #tpu.memory_space<hbm>>
      %dma_start3A_1073 = tpu.memref_squeeze %dma_start3A_1072 : memref<1x64x128xf32, #tpu.memory_space<hbm>> -> memref<64x128xf32, #tpu.memory_space<hbm>>
      %dma_start3A_1074 = arith.constant 0 : i32
      %dma_start3A_1075 = tpu.memref_slice %arg4[%add3A_917, %dma_start3A_1074, %mul3A_2] : memref<200x64x4096xf32, #tpu.memory_space<hbm>> -> memref<1x64x128xf32, #tpu.memory_space<hbm>>
      %dma_start3A_1076 = tpu.memref_squeeze %dma_start3A_1075 : memref<1x64x128xf32, #tpu.memory_space<hbm>> -> memref<64x128xf32, #tpu.memory_space<hbm>>
      %dma_start3A_1077 = arith.constant 0 : i32
      %dma_start3A_1078 = arith.constant 0 : i32
      %dma_start3A_1079 = tpu.memref_slice %arg12[%dma_start3A_1077, %dma_start3A_1078] : memref<64x129xf32, #tpu.memory_space<vmem>> -> memref<64x128xf32, #tpu.memory_space<vmem>>
      tpu.enqueue_dma source(%dma_start3A_1079 : memref<64x128xf32, #tpu.memory_space<vmem>>) target(%dma_start3A_1076 : memref<64x128xf32, #tpu.memory_space<hbm>>) target_semaphore(%arg18 : memref<!tpu.dma_semaphore, #tpu.memory_space<semaphore_mem>>)
      %add3A_1080 = arith.constant 4 : i32
      %add3A_1081 = arith.addi %add3A_917, %add3A_1080 : i32
      %lt3A_1082 = arith.constant 200 : i32
      %lt3A_1083 = arith.cmpi slt, %add3A_1081, %lt3A_1082 : i32
      %convert_element_type3A_1084 = arith.extui %lt3A_1083 : i1 to i32
      %cond3A_1085 = arith.constant 0 : i32
      %cond3A_1086 = arith.cmpi ne, %convert_element_type3A_1084, %cond3A_1085 : i32
      scf.if %cond3A_1086 {
        %add3A_1087 = arith.constant 4 : i32
        %add3A_1088 = arith.addi %add3A_917, %add3A_1087 : i32
        %get3A_1089 = arith.index_cast %add3A_1088 : i32 to index
        %get3A_1090 = arith.constant 0 : index
        %get3A_1091 = tpu.vector_load %arg5[%get3A_1089, %get3A_1090] {strides = array<i32>} : memref<200x128xi32, #tpu.memory_space<vmem>>, vector<16xi32>,
        %shift_right_logical3A_1092 = arith.constant 1 : i32
        %shift_right_logical3A_1093 = vector.broadcast %shift_right_logical3A_1092 : i32 to vector<16xi32>
        %shift_right_logical3A_1094 = arith.shrui %get3A_1091, %shift_right_logical3A_1093 : vector<16xi32>
        %swap3A_1095 = arith.constant 3 : i32
        %swap3A_1096 = arith.index_cast %swap3A_1095 : i32 to index
        %swap3A_1097 = arith.constant 0 : index
        %swap3A_1098 = tpu.vector_load %arg6[%swap3A_1096, %swap3A_1097] {strides = array<i32>} : memref<4x128xi32, #tpu.memory_space<vmem>>, vector<16xi32>,
        tpu.vector_store %arg6[%swap3A_1096, %swap3A_1097], %shift_right_logical3A_1094 {strides = array<i32>} : memref<4x128xi32, #tpu.memory_space<vmem>>, vector<16xi32>,
        %get3A_1099 = arith.index_cast %add3A_1088 : i32 to index
        %get3A_1100 = arith.constant 16 : index
        %get3A_1101 = tpu.vector_load %arg5[%get3A_1099, %get3A_1100] {strides = array<i32>} : memref<200x128xi32, #tpu.memory_space<vmem>>, vector<16xi32>,
        %shift_right_logical3A_1102 = arith.constant 1 : i32
        %shift_right_logical3A_1103 = vector.broadcast %shift_right_logical3A_1102 : i32 to vector<16xi32>
        %shift_right_logical3A_1104 = arith.shrui %get3A_1101, %shift_right_logical3A_1103 : vector<16xi32>
        %swap3A_1105 = arith.constant 3 : i32
        %swap3A_1106 = arith.index_cast %swap3A_1105 : i32 to index
        %swap3A_1107 = arith.constant 16 : index
        %swap3A_1108 = tpu.vector_load %arg6[%swap3A_1106, %swap3A_1107] {strides = array<i32>} : memref<4x128xi32, #tpu.memory_space<vmem>>, vector<16xi32>,
        tpu.vector_store %arg6[%swap3A_1106, %swap3A_1107], %shift_right_logical3A_1104 {strides = array<i32>} : memref<4x128xi32, #tpu.memory_space<vmem>>, vector<16xi32>,
        %get3A_1109 = arith.index_cast %add3A_1088 : i32 to index
        %get3A_1110 = arith.constant 32 : index
        %get3A_1111 = tpu.vector_load %arg5[%get3A_1109, %get3A_1110] {strides = array<i32>} : memref<200x128xi32, #tpu.memory_space<vmem>>, vector<16xi32>,
        %shift_right_logical3A_1112 = arith.constant 1 : i32
        %shift_right_logical3A_1113 = vector.broadcast %shift_right_logical3A_1112 : i32 to vector<16xi32>
        %shift_right_logical3A_1114 = arith.shrui %get3A_1111, %shift_right_logical3A_1113 : vector<16xi32>
        %swap3A_1115 = arith.constant 3 : i32
        %swap3A_1116 = arith.index_cast %swap3A_1115 : i32 to index
        %swap3A_1117 = arith.constant 32 : index
        %swap3A_1118 = tpu.vector_load %arg6[%swap3A_1116, %swap3A_1117] {strides = array<i32>} : memref<4x128xi32, #tpu.memory_space<vmem>>, vector<16xi32>,
        tpu.vector_store %arg6[%swap3A_1116, %swap3A_1117], %shift_right_logical3A_1114 {strides = array<i32>} : memref<4x128xi32, #tpu.memory_space<vmem>>, vector<16xi32>,
        %get3A_1119 = arith.index_cast %add3A_1088 : i32 to index
        %get3A_1120 = arith.constant 48 : index
        %get3A_1121 = tpu.vector_load %arg5[%get3A_1119, %get3A_1120] {strides = array<i32>} : memref<200x128xi32, #tpu.memory_space<vmem>>, vector<16xi32>,
        %shift_right_logical3A_1122 = arith.constant 1 : i32
        %shift_right_logical3A_1123 = vector.broadcast %shift_right_logical3A_1122 : i32 to vector<16xi32>
        %shift_right_logical3A_1124 = arith.shrui %get3A_1121, %shift_right_logical3A_1123 : vector<16xi32>
        %swap3A_1125 = arith.constant 3 : i32
        %swap3A_1126 = arith.index_cast %swap3A_1125 : i32 to index
        %swap3A_1127 = arith.constant 48 : index
        %swap3A_1128 = tpu.vector_load %arg6[%swap3A_1126, %swap3A_1127] {strides = array<i32>} : memref<4x128xi32, #tpu.memory_space<vmem>>, vector<16xi32>,
        tpu.vector_store %arg6[%swap3A_1126, %swap3A_1127], %shift_right_logical3A_1124 {strides = array<i32>} : memref<4x128xi32, #tpu.memory_space<vmem>>, vector<16xi32>,
        %get3A_1129 = arith.index_cast %add3A_1088 : i32 to index
        %get3A_1130 = arith.constant 64 : index
        %get3A_1131 = tpu.vector_load %arg5[%get3A_1129, %get3A_1130] {strides = array<i32>} : memref<200x128xi32, #tpu.memory_space<vmem>>, vector<16xi32>,
        %shift_right_logical3A_1132 = arith.constant 1 : i32
        %shift_right_logical3A_1133 = vector.broadcast %shift_right_logical3A_1132 : i32 to vector<16xi32>
        %shift_right_logical3A_1134 = arith.shrui %get3A_1131, %shift_right_logical3A_1133 : vector<16xi32>
        %swap3A_1135 = arith.constant 3 : i32
        %swap3A_1136 = arith.index_cast %swap3A_1135 : i32 to index
        %swap3A_1137 = arith.constant 64 : index
        %swap3A_1138 = tpu.vector_load %arg6[%swap3A_1136, %swap3A_1137] {strides = array<i32>} : memref<4x128xi32, #tpu.memory_space<vmem>>, vector<16xi32>,
        tpu.vector_store %arg6[%swap3A_1136, %swap3A_1137], %shift_right_logical3A_1134 {strides = array<i32>} : memref<4x128xi32, #tpu.memory_space<vmem>>, vector<16xi32>,
        %get3A_1139 = arith.index_cast %add3A_1088 : i32 to index
        %get3A_1140 = arith.constant 80 : index
        %get3A_1141 = tpu.vector_load %arg5[%get3A_1139, %get3A_1140] {strides = array<i32>} : memref<200x128xi32, #tpu.memory_space<vmem>>, vector<16xi32>,
        %shift_right_logical3A_1142 = arith.constant 1 : i32
        %shift_right_logical3A_1143 = vector.broadcast %shift_right_logical3A_1142 : i32 to vector<16xi32>
        %shift_right_logical3A_1144 = arith.shrui %get3A_1141, %shift_right_logical3A_1143 : vector<16xi32>
        %swap3A_1145 = arith.constant 3 : i32
        %swap3A_1146 = arith.index_cast %swap3A_1145 : i32 to index
        %swap3A_1147 = arith.constant 80 : index
        %swap3A_1148 = tpu.vector_load %arg6[%swap3A_1146, %swap3A_1147] {strides = array<i32>} : memref<4x128xi32, #tpu.memory_space<vmem>>, vector<16xi32>,
        tpu.vector_store %arg6[%swap3A_1146, %swap3A_1147], %shift_right_logical3A_1144 {strides = array<i32>} : memref<4x128xi32, #tpu.memory_space<vmem>>, vector<16xi32>,
        %get3A_1149 = arith.index_cast %add3A_1088 : i32 to index
        %get3A_1150 = arith.constant 96 : index
        %get3A_1151 = tpu.vector_load %arg5[%get3A_1149, %get3A_1150] {strides = array<i32>} : memref<200x128xi32, #tpu.memory_space<vmem>>, vector<16xi32>,
        %shift_right_logical3A_1152 = arith.constant 1 : i32
        %shift_right_logical3A_1153 = vector.broadcast %shift_right_logical3A_1152 : i32 to vector<16xi32>
        %shift_right_logical3A_1154 = arith.shrui %get3A_1151, %shift_right_logical3A_1153 : vector<16xi32>
        %swap3A_1155 = arith.constant 3 : i32
        %swap3A_1156 = arith.index_cast %swap3A_1155 : i32 to index
        %swap3A_1157 = arith.constant 96 : index
        %swap3A_1158 = tpu.vector_load %arg6[%swap3A_1156, %swap3A_1157] {strides = array<i32>} : memref<4x128xi32, #tpu.memory_space<vmem>>, vector<16xi32>,
        tpu.vector_store %arg6[%swap3A_1156, %swap3A_1157], %shift_right_logical3A_1154 {strides = array<i32>} : memref<4x128xi32, #tpu.memory_space<vmem>>, vector<16xi32>,
        %get3A_1159 = arith.index_cast %add3A_1088 : i32 to index
        %get3A_1160 = arith.constant 112 : index
        %get3A_1161 = tpu.vector_load %arg5[%get3A_1159, %get3A_1160] {strides = array<i32>} : memref<200x128xi32, #tpu.memory_space<vmem>>, vector<16xi32>,
        %shift_right_logical3A_1162 = arith.constant 1 : i32
        %shift_right_logical3A_1163 = vector.broadcast %shift_right_logical3A_1162 : i32 to vector<16xi32>
        %shift_right_logical3A_1164 = arith.shrui %get3A_1161, %shift_right_logical3A_1163 : vector<16xi32>
        %swap3A_1165 = arith.constant 3 : i32
        %swap3A_1166 = arith.index_cast %swap3A_1165 : i32 to index
        %swap3A_1167 = arith.constant 112 : index
        %swap3A_1168 = tpu.vector_load %arg6[%swap3A_1166, %swap3A_1167] {strides = array<i32>} : memref<4x128xi32, #tpu.memory_space<vmem>>, vector<16xi32>,
        tpu.vector_store %arg6[%swap3A_1166, %swap3A_1167], %shift_right_logical3A_1164 {strides = array<i32>} : memref<4x128xi32, #tpu.memory_space<vmem>>, vector<16xi32>,
        %dma_start3A_1169 = arith.constant 3 : i32
        %dma_start3A_1170 = arith.constant 0 : i32
        %dma_start3A_1171 = tpu.memref_slice %arg6[%dma_start3A_1169, %dma_start3A_1170] : memref<4x128xi32, #tpu.memory_space<vmem>> -> memref<1x128xi32, #tpu.memory_space<vmem>>
        %dma_start3A_1172 = tpu.memref_squeeze %dma_start3A_1171 : memref<1x128xi32, #tpu.memory_space<vmem>> -> memref<128xi32, #tpu.memory_space<vmem>>
        %dma_start3A_1173 = arith.constant 0 : i32
        %dma_start3A_1174 = arith.constant 0 : i32
        %dma_start3A_1175 = tpu.memref_slice %arg3[%dma_start3A_1173, %dma_start3A_1174] : memref<50048x128xf32, #tpu.memory_space<hbm>> -> memref<50048x128xf32, #tpu.memory_space<hbm>>
        tpu.enqueue_indirect_dma source(%dma_start3A_1175 : memref<50048x128xf32, #tpu.memory_space<hbm>>) target(%arg10 : memref<128x128xf32, #tpu.memory_space<vmem>>) offsets(%dma_start3A_1172 : memref<128xi32, #tpu.memory_space<vmem>>) semaphore(%arg16 : memref<!tpu.dma_semaphore, #tpu.memory_space<semaphore_mem>>)
      } else {
      }
    }
    %scan3A_383 = arith.constant 50 : i32
    %dma_wait3A = arith.constant 0 : i32
    %dma_wait3A_384 = arith.constant 0 : i32
    %dma_wait3A_385 = arith.constant 0 : i32
    %dma_wait3A_386 = tpu.memref_slice %arg11[%dma_wait3A_384, %dma_wait3A_385] : memref<64x129xf32, #tpu.memory_space<vmem>> -> memref<64x128xf32, #tpu.memory_space<vmem>>
    %dma_wait3A_387 = arith.constant 0 : i32
    %dma_wait3A_388 = tpu.memref_slice %arg4[%dma_wait3A, %dma_wait3A_387, %mul3A_2] : memref<200x64x4096xf32, #tpu.memory_space<hbm>> -> memref<1x64x128xf32, #tpu.memory_space<hbm>>
    %dma_wait3A_389 = tpu.memref_squeeze %dma_wait3A_388 : memref<1x64x128xf32, #tpu.memory_space<hbm>> -> memref<64x128xf32, #tpu.memory_space<hbm>>
    %dma_wait3A_390 = arith.constant 0 : i32
    %dma_wait3A_391 = tpu.memref_slice %arg4[%dma_wait3A, %dma_wait3A_390, %mul3A_2] : memref<200x64x4096xf32, #tpu.memory_space<hbm>> -> memref<1x64x128xf32, #tpu.memory_space<hbm>>
    %dma_wait3A_392 = tpu.memref_squeeze %dma_wait3A_391 : memref<1x64x128xf32, #tpu.memory_space<hbm>> -> memref<64x128xf32, #tpu.memory_space<hbm>>
    %dma_wait3A_393 = arith.constant 0 : i32
    %dma_wait3A_394 = arith.constant 0 : i32
    %dma_wait3A_395 = tpu.memref_slice %arg11[%dma_wait3A_393, %dma_wait3A_394] : memref<64x129xf32, #tpu.memory_space<vmem>> -> memref<64x128xf32, #tpu.memory_space<vmem>>
    tpu.wait_dma2 semaphore(%arg17 : memref<!tpu.dma_semaphore, #tpu.memory_space<semaphore_mem>>) src(%dma_wait3A_395 : memref<64x128xf32, #tpu.memory_space<vmem>>) dst(%dma_wait3A_392 : memref<64x128xf32, #tpu.memory_space<hbm>>)
    %dma_wait3A_396 = arith.constant 0 : i32
    %dma_wait3A_397 = arith.constant 0 : i32
    %dma_wait3A_398 = arith.constant 0 : i32
    %dma_wait3A_399 = tpu.memref_slice %arg12[%dma_wait3A_397, %dma_wait3A_398] : memref<64x129xf32, #tpu.memory_space<vmem>> -> memref<64x128xf32, #tpu.memory_space<vmem>>
    %dma_wait3A_400 = arith.constant 0 : i32
    %dma_wait3A_401 = tpu.memref_slice %arg4[%dma_wait3A_396, %dma_wait3A_400, %mul3A_2] : memref<200x64x4096xf32, #tpu.memory_space<hbm>> -> memref<1x64x128xf32, #tpu.memory_space<hbm>>
    %dma_wait3A_402 = tpu.memref_squeeze %dma_wait3A_401 : memref<1x64x128xf32, #tpu.memory_space<hbm>> -> memref<64x128xf32, #tpu.memory_space<hbm>>
    %dma_wait3A_403 = arith.constant 0 : i32
    %dma_wait3A_404 = tpu.memref_slice %arg4[%dma_wait3A_396, %dma_wait3A_403, %mul3A_2] : memref<200x64x4096xf32, #tpu.memory_space<hbm>> -> memref<1x64x128xf32, #tpu.memory_space<hbm>>
    %dma_wait3A_405 = tpu.memref_squeeze %dma_wait3A_404 : memref<1x64x128xf32, #tpu.memory_space<hbm>> -> memref<64x128xf32, #tpu.memory_space<hbm>>
    %dma_wait3A_406 = arith.constant 0 : i32
    %dma_wait3A_407 = arith.constant 0 : i32
    %dma_wait3A_408 = tpu.memref_slice %arg12[%dma_wait3A_406, %dma_wait3A_407] : memref<64x129xf32, #tpu.memory_space<vmem>> -> memref<64x128xf32, #tpu.memory_space<vmem>>
    tpu.wait_dma2 semaphore(%arg18 : memref<!tpu.dma_semaphore, #tpu.memory_space<semaphore_mem>>) src(%dma_wait3A_408 : memref<64x128xf32, #tpu.memory_space<vmem>>) dst(%dma_wait3A_405 : memref<64x128xf32, #tpu.memory_space<hbm>>)
    return
  }
}

#map = affine_map<(d0, d1) -> (0, 0)>
module attributes {stable_mosaic.version = 14 : i64} {
  func.func @repack(%arg0: i32, %arg1: i32, %arg2: memref<64x100000xf32, #tpu.memory_space<hbm>>, %arg3: memref<50048x128xf32, #tpu.memory_space<hbm>>, %arg4: memref<64x129xf32, #tpu.memory_space<vmem>>, %arg5: memref<64x129xf32, #tpu.memory_space<vmem>>, %arg6: memref<64x128xf32, #tpu.memory_space<vmem>>, %arg7: memref<64x128xf32, #tpu.memory_space<vmem>>, %arg8: memref<!tpu.dma_semaphore, #tpu.memory_space<semaphore_mem>>, %arg9: memref<!tpu.dma_semaphore, #tpu.memory_space<semaphore_mem>>, %arg10: memref<!tpu.dma_semaphore, #tpu.memory_space<semaphore_mem>>, %arg11: memref<!tpu.dma_semaphore, #tpu.memory_space<semaphore_mem>>) attributes {dimension_semantics = [#tpu.dimension_semantics<core_parallel>, #tpu.dimension_semantics<subcore_parallel>], iteration_bounds = array<i64: 2, 16>, scalar_prefetch = 0 : i64, scratch_operands = 8 : i64, tpu.core_type = #tpu.core_type<sc_vector_subcore>, window_params = [{transform_indices = #map}, {transform_indices = #map}]} {
    %mul3A = arith.constant 2 : i32
    %mul3A_0 = arith.muli %arg1, %mul3A : i32
    %add3A = arith.addi %mul3A_0, %arg0 : i32
    %broadcast_in_dim3A = arith.constant 0 : i32
    %broadcast_in_dim3A_1 = vector.broadcast %broadcast_in_dim3A : i32 to vector<16xi32>
    %iota3A = tpu.iota {dimensions = array<i32: 0>} : vector<16xi32>
    %add3A_2 = arith.constant 0 : i32
    %add3A_3 = vector.broadcast %add3A_2 : i32 to vector<16xi32>
    %add3A_4 = arith.addi %iota3A, %add3A_3 : vector<16xi32>
    %mul3A_5 = arith.constant 129 : i32
    %mul3A_6 = vector.broadcast %mul3A_5 : i32 to vector<16xi32>
    %mul3A_7 = arith.muli %add3A_4, %mul3A_6 : vector<16xi32>
    %add3A_8 = arith.constant 0 : i32
    %add3A_9 = vector.broadcast %add3A_8 : i32 to vector<16xi32>
    %add3A_10 = arith.addi %mul3A_7, %add3A_9 : vector<16xi32>
    %iota3A_11 = tpu.iota {dimensions = array<i32: 0>} : vector<16xi32>
    %add3A_12 = arith.constant 16 : i32
    %add3A_13 = vector.broadcast %add3A_12 : i32 to vector<16xi32>
    %add3A_14 = arith.addi %iota3A_11, %add3A_13 : vector<16xi32>
    %mul3A_15 = arith.constant 129 : i32
    %mul3A_16 = vector.broadcast %mul3A_15 : i32 to vector<16xi32>
    %mul3A_17 = arith.muli %add3A_14, %mul3A_16 : vector<16xi32>
    %add3A_18 = arith.constant 0 : i32
    %add3A_19 = vector.broadcast %add3A_18 : i32 to vector<16xi32>
    %add3A_20 = arith.addi %mul3A_17, %add3A_19 : vector<16xi32>
    %iota3A_21 = tpu.iota {dimensions = array<i32: 0>} : vector<16xi32>
    %add3A_22 = arith.constant 32 : i32
    %add3A_23 = vector.broadcast %add3A_22 : i32 to vector<16xi32>
    %add3A_24 = arith.addi %iota3A_21, %add3A_23 : vector<16xi32>
    %mul3A_25 = arith.constant 129 : i32
    %mul3A_26 = vector.broadcast %mul3A_25 : i32 to vector<16xi32>
    %mul3A_27 = arith.muli %add3A_24, %mul3A_26 : vector<16xi32>
    %add3A_28 = arith.constant 0 : i32
    %add3A_29 = vector.broadcast %add3A_28 : i32 to vector<16xi32>
    %add3A_30 = arith.addi %mul3A_27, %add3A_29 : vector<16xi32>
    %iota3A_31 = tpu.iota {dimensions = array<i32: 0>} : vector<16xi32>
    %add3A_32 = arith.constant 48 : i32
    %add3A_33 = vector.broadcast %add3A_32 : i32 to vector<16xi32>
    %add3A_34 = arith.addi %iota3A_31, %add3A_33 : vector<16xi32>
    %mul3A_35 = arith.constant 129 : i32
    %mul3A_36 = vector.broadcast %mul3A_35 : i32 to vector<16xi32>
    %mul3A_37 = arith.muli %add3A_34, %mul3A_36 : vector<16xi32>
    %add3A_38 = arith.constant 0 : i32
    %add3A_39 = vector.broadcast %add3A_38 : i32 to vector<16xi32>
    %add3A_40 = arith.addi %mul3A_37, %add3A_39 : vector<16xi32>
    %iota3A_41 = tpu.iota {dimensions = array<i32: 0>} : vector<16xi32>
    %add3A_42 = arith.constant 0 : i32
    %add3A_43 = vector.broadcast %add3A_42 : i32 to vector<16xi32>
    %add3A_44 = arith.addi %iota3A_41, %add3A_43 : vector<16xi32>
    %mul3A_45 = arith.constant 129 : i32
    %mul3A_46 = vector.broadcast %mul3A_45 : i32 to vector<16xi32>
    %mul3A_47 = arith.muli %add3A_44, %mul3A_46 : vector<16xi32>
    %add3A_48 = arith.constant 1 : i32
    %add3A_49 = vector.broadcast %add3A_48 : i32 to vector<16xi32>
    %add3A_50 = arith.addi %mul3A_47, %add3A_49 : vector<16xi32>
    %iota3A_51 = tpu.iota {dimensions = array<i32: 0>} : vector<16xi32>
    %add3A_52 = arith.constant 16 : i32
    %add3A_53 = vector.broadcast %add3A_52 : i32 to vector<16xi32>
    %add3A_54 = arith.addi %iota3A_51, %add3A_53 : vector<16xi32>
    %mul3A_55 = arith.constant 129 : i32
    %mul3A_56 = vector.broadcast %mul3A_55 : i32 to vector<16xi32>
    %mul3A_57 = arith.muli %add3A_54, %mul3A_56 : vector<16xi32>
    %add3A_58 = arith.constant 1 : i32
    %add3A_59 = vector.broadcast %add3A_58 : i32 to vector<16xi32>
    %add3A_60 = arith.addi %mul3A_57, %add3A_59 : vector<16xi32>
    %iota3A_61 = tpu.iota {dimensions = array<i32: 0>} : vector<16xi32>
    %add3A_62 = arith.constant 32 : i32
    %add3A_63 = vector.broadcast %add3A_62 : i32 to vector<16xi32>
    %add3A_64 = arith.addi %iota3A_61, %add3A_63 : vector<16xi32>
    %mul3A_65 = arith.constant 129 : i32
    %mul3A_66 = vector.broadcast %mul3A_65 : i32 to vector<16xi32>
    %mul3A_67 = arith.muli %add3A_64, %mul3A_66 : vector<16xi32>
    %add3A_68 = arith.constant 1 : i32
    %add3A_69 = vector.broadcast %add3A_68 : i32 to vector<16xi32>
    %add3A_70 = arith.addi %mul3A_67, %add3A_69 : vector<16xi32>
    %iota3A_71 = tpu.iota {dimensions = array<i32: 0>} : vector<16xi32>
    %add3A_72 = arith.constant 48 : i32
    %add3A_73 = vector.broadcast %add3A_72 : i32 to vector<16xi32>
    %add3A_74 = arith.addi %iota3A_71, %add3A_73 : vector<16xi32>
    %mul3A_75 = arith.constant 129 : i32
    %mul3A_76 = vector.broadcast %mul3A_75 : i32 to vector<16xi32>
    %mul3A_77 = arith.muli %add3A_74, %mul3A_76 : vector<16xi32>
    %add3A_78 = arith.constant 1 : i32
    %add3A_79 = vector.broadcast %add3A_78 : i32 to vector<16xi32>
    %add3A_80 = arith.addi %mul3A_77, %add3A_79 : vector<16xi32>
    %lt3A = arith.constant 782 : i32
    %lt3A_81 = arith.cmpi slt, %add3A, %lt3A : i32
    %convert_element_type3A = arith.extui %lt3A_81 : i1 to i32
    %cond3A = arith.constant 0 : i32
    %cond3A_82 = arith.cmpi ne, %convert_element_type3A, %cond3A : i32
    scf.if %cond3A_82 {
      %mul3A_99 = arith.constant 128 : i32
      %mul3A_100 = arith.muli %add3A, %mul3A_99 : i32
      %dma_start3A = arith.constant 0 : i32
      %dma_start3A_101 = arith.constant 0 : i32
      %dma_start3A_102 = tpu.memref_slice %arg4[%dma_start3A, %dma_start3A_101] : memref<64x129xf32, #tpu.memory_space<vmem>> -> memref<64x128xf32, #tpu.memory_space<vmem>>
      %dma_start3A_103 = arith.constant 0 : i32
      %dma_start3A_104 = tpu.memref_slice %arg2[%dma_start3A_103, %mul3A_100] : memref<64x100000xf32, #tpu.memory_space<hbm>> -> memref<64x128xf32, #tpu.memory_space<hbm>>
      %dma_start3A_105 = arith.constant 0 : i32
      %dma_start3A_106 = arith.constant 0 : i32
      %dma_start3A_107 = tpu.memref_slice %arg4[%dma_start3A_105, %dma_start3A_106] : memref<64x129xf32, #tpu.memory_space<vmem>> -> memref<64x128xf32, #tpu.memory_space<vmem>>
      %dma_start3A_108 = arith.constant 0 : i32
      %dma_start3A_109 = tpu.memref_slice %arg2[%dma_start3A_108, %mul3A_100] : memref<64x100000xf32, #tpu.memory_space<hbm>> -> memref<64x128xf32, #tpu.memory_space<hbm>>
      tpu.enqueue_dma source(%dma_start3A_109 : memref<64x128xf32, #tpu.memory_space<hbm>>) target(%dma_start3A_107 : memref<64x128xf32, #tpu.memory_space<vmem>>) target_semaphore(%arg8 : memref<!tpu.dma_semaphore, #tpu.memory_space<semaphore_mem>>)
    } else {
    }
    %scan3A = arith.constant 0 : i32
    %scan3A_83 = arith.constant 0 : i32
    %scan3A_84 = arith.constant 13 : i32
    %scan3A_85 = arith.addi %scan3A_83, %scan3A_84 : i32
    %scan3A_86 = arith.constant 1 : i32
    scf.for %scan3A_99 = %scan3A_83 to %scan3A_85 step %scan3A_86  : i32 {
      %mul3A_100 = arith.constant 2 : i32
      %mul3A_101 = arith.muli %mul3A_100, %scan3A_99 : i32
      %add3A_102 = arith.constant 0 : i32
      %add3A_103 = arith.addi %mul3A_101, %add3A_102 : i32
      %mul3A_104 = arith.constant 32 : i32
      %mul3A_105 = arith.muli %add3A_103, %mul3A_104 : i32
      %add3A_106 = arith.addi %add3A, %mul3A_105 : i32
      %add3A_107 = arith.constant 32 : i32
      %add3A_108 = arith.addi %add3A_106, %add3A_107 : i32
      %lt3A_109 = arith.constant 782 : i32
      %lt3A_110 = arith.cmpi slt, %add3A_108, %lt3A_109 : i32
      %convert_element_type3A_111 = arith.extui %lt3A_110 : i1 to i32
      %cond3A_112 = arith.constant 0 : i32
      %cond3A_113 = arith.cmpi ne, %convert_element_type3A_111, %cond3A_112 : i32
      scf.if %cond3A_113 {
        %mul3A_138 = arith.constant 128 : i32
        %mul3A_139 = arith.muli %add3A_108, %mul3A_138 : i32
        %dma_start3A = arith.constant 0 : i32
        %dma_start3A_140 = arith.constant 0 : i32
        %dma_start3A_141 = tpu.memref_slice %arg5[%dma_start3A, %dma_start3A_140] : memref<64x129xf32, #tpu.memory_space<vmem>> -> memref<64x128xf32, #tpu.memory_space<vmem>>
        %dma_start3A_142 = arith.constant 0 : i32
        %dma_start3A_143 = tpu.memref_slice %arg2[%dma_start3A_142, %mul3A_139] : memref<64x100000xf32, #tpu.memory_space<hbm>> -> memref<64x128xf32, #tpu.memory_space<hbm>>
        %dma_start3A_144 = arith.constant 0 : i32
        %dma_start3A_145 = arith.constant 0 : i32
        %dma_start3A_146 = tpu.memref_slice %arg5[%dma_start3A_144, %dma_start3A_145] : memref<64x129xf32, #tpu.memory_space<vmem>> -> memref<64x128xf32, #tpu.memory_space<vmem>>
        %dma_start3A_147 = arith.constant 0 : i32
        %dma_start3A_148 = tpu.memref_slice %arg2[%dma_start3A_147, %mul3A_139] : memref<64x100000xf32, #tpu.memory_space<hbm>> -> memref<64x128xf32, #tpu.memory_space<hbm>>
        tpu.enqueue_dma source(%dma_start3A_148 : memref<64x128xf32, #tpu.memory_space<hbm>>) target(%dma_start3A_146 : memref<64x128xf32, #tpu.memory_space<vmem>>) target_semaphore(%arg9 : memref<!tpu.dma_semaphore, #tpu.memory_space<semaphore_mem>>)
      } else {
      }
      %lt3A_114 = arith.constant 782 : i32
      %lt3A_115 = arith.cmpi slt, %add3A_106, %lt3A_114 : i32
      %convert_element_type3A_116 = arith.extui %lt3A_115 : i1 to i32
      %cond3A_117 = arith.constant 0 : i32
      %cond3A_118 = arith.cmpi ne, %convert_element_type3A_116, %cond3A_117 : i32
      scf.if %cond3A_118 {
        %dma_wait3A_138 = arith.constant 0 : i32
        %dma_wait3A_139 = arith.constant 0 : i32
        %dma_wait3A_140 = tpu.memref_slice %arg4[%dma_wait3A_138, %dma_wait3A_139] : memref<64x129xf32, #tpu.memory_space<vmem>> -> memref<64x128xf32, #tpu.memory_space<vmem>>
        %dma_wait3A_141 = arith.constant 0 : i32
        %dma_wait3A_142 = arith.constant 0 : i32
        %dma_wait3A_143 = tpu.memref_slice %arg2[%dma_wait3A_141, %dma_wait3A_142] : memref<64x100000xf32, #tpu.memory_space<hbm>> -> memref<64x128xf32, #tpu.memory_space<hbm>>
        %dma_wait3A_144 = arith.constant 0 : i32
        %dma_wait3A_145 = arith.constant 0 : i32
        %dma_wait3A_146 = tpu.memref_slice %arg4[%dma_wait3A_144, %dma_wait3A_145] : memref<64x129xf32, #tpu.memory_space<vmem>> -> memref<64x128xf32, #tpu.memory_space<vmem>>
        %dma_wait3A_147 = arith.constant 0 : i32
        %dma_wait3A_148 = arith.constant 0 : i32
        %dma_wait3A_149 = tpu.memref_slice %arg2[%dma_wait3A_147, %dma_wait3A_148] : memref<64x100000xf32, #tpu.memory_space<hbm>> -> memref<64x128xf32, #tpu.memory_space<hbm>>
        tpu.wait_dma2 semaphore(%arg8 : memref<!tpu.dma_semaphore, #tpu.memory_space<semaphore_mem>>) src(%dma_wait3A_149 : memref<64x128xf32, #tpu.memory_space<hbm>>) dst(%dma_wait3A_146 : memref<64x128xf32, #tpu.memory_space<vmem>>)
        %ge3A = arith.constant 64 : i32
        %ge3A_150 = arith.cmpi sge, %add3A_106, %ge3A : i32
        %convert_element_type3A_151 = arith.extui %ge3A_150 : i1 to i32
        %cond3A_152 = arith.constant 0 : i32
        %cond3A_153 = arith.cmpi ne, %convert_element_type3A_151, %cond3A_152 : i32
        scf.if %cond3A_153 {
          %dma_wait3A_161 = arith.constant 0 : i32
          %dma_wait3A_162 = arith.constant 0 : i32
          %dma_wait3A_163 = tpu.memref_slice %arg3[%dma_wait3A_161, %dma_wait3A_162] : memref<50048x128xf32, #tpu.memory_space<hbm>> -> memref<64x128xf32, #tpu.memory_space<hbm>>
          %dma_wait3A_164 = arith.constant 0 : i32
          %dma_wait3A_165 = arith.constant 0 : i32
          %dma_wait3A_166 = tpu.memref_slice %arg3[%dma_wait3A_164, %dma_wait3A_165] : memref<50048x128xf32, #tpu.memory_space<hbm>> -> memref<64x128xf32, #tpu.memory_space<hbm>>
          tpu.wait_dma2 semaphore(%arg10 : memref<!tpu.dma_semaphore, #tpu.memory_space<semaphore_mem>>) src(%arg6 : memref<64x128xf32, #tpu.memory_space<vmem>>) dst(%dma_wait3A_166 : memref<64x128xf32, #tpu.memory_space<hbm>>)
        } else {
        }
        %parallel_loop3A = arith.constant 0 : i32
        %parallel_loop3A_154 = arith.constant 64 : i32
        %parallel_loop3A_155 = arith.constant 1 : i32
        scf.for %parallel_loop3A_161 = %parallel_loop3A to %parallel_loop3A_154 step %parallel_loop3A_155  : i32 {
          %parallel_loop3A_162 = arith.constant 2 : i32
          %parallel_loop3A_163 = arith.muli %parallel_loop3A_162, %parallel_loop3A_161 : i32
          %parallel_loop3A_164 = vector.broadcast %parallel_loop3A_163 : i32 to vector<16xi32>
          %parallel_loop3A_165 = arith.addi %add3A_10, %parallel_loop3A_164 : vector<16xi32>
          %parallel_loop3A_166 = tpu.vector_load_idx %arg4[%broadcast_in_dim3A_1, %parallel_loop3A_165] : memref<64x129xf32, #tpu.memory_space<vmem>>[vector<16xi32>, vector<16xi32>], vector<16xf32>,
          %parallel_loop3A_167 = arith.index_cast %parallel_loop3A_161 : i32 to index
          %parallel_loop3A_168 = arith.constant 0 : index
          %parallel_loop3A_169 = tpu.vector_load %arg6[%parallel_loop3A_167, %parallel_loop3A_168] {strides = array<i32>} : memref<64x128xf32, #tpu.memory_space<vmem>>, vector<16xf32>,
          tpu.vector_store %arg6[%parallel_loop3A_167, %parallel_loop3A_168], %parallel_loop3A_166 {strides = array<i32>} : memref<64x128xf32, #tpu.memory_space<vmem>>, vector<16xf32>,
          %parallel_loop3A_170 = arith.constant 2 : i32
          %parallel_loop3A_171 = arith.muli %parallel_loop3A_170, %parallel_loop3A_161 : i32
          %parallel_loop3A_172 = vector.broadcast %parallel_loop3A_171 : i32 to vector<16xi32>
          %parallel_loop3A_173 = arith.addi %add3A_20, %parallel_loop3A_172 : vector<16xi32>
          %parallel_loop3A_174 = tpu.vector_load_idx %arg4[%broadcast_in_dim3A_1, %parallel_loop3A_173] : memref<64x129xf32, #tpu.memory_space<vmem>>[vector<16xi32>, vector<16xi32>], vector<16xf32>,
          %parallel_loop3A_175 = arith.index_cast %parallel_loop3A_161 : i32 to index
          %parallel_loop3A_176 = arith.constant 16 : index
          %parallel_loop3A_177 = tpu.vector_load %arg6[%parallel_loop3A_175, %parallel_loop3A_176] {strides = array<i32>} : memref<64x128xf32, #tpu.memory_space<vmem>>, vector<16xf32>,
          tpu.vector_store %arg6[%parallel_loop3A_175, %parallel_loop3A_176], %parallel_loop3A_174 {strides = array<i32>} : memref<64x128xf32, #tpu.memory_space<vmem>>, vector<16xf32>,
          %parallel_loop3A_178 = arith.constant 2 : i32
          %parallel_loop3A_179 = arith.muli %parallel_loop3A_178, %parallel_loop3A_161 : i32
          %parallel_loop3A_180 = vector.broadcast %parallel_loop3A_179 : i32 to vector<16xi32>
          %parallel_loop3A_181 = arith.addi %add3A_30, %parallel_loop3A_180 : vector<16xi32>
          %parallel_loop3A_182 = tpu.vector_load_idx %arg4[%broadcast_in_dim3A_1, %parallel_loop3A_181] : memref<64x129xf32, #tpu.memory_space<vmem>>[vector<16xi32>, vector<16xi32>], vector<16xf32>,
          %parallel_loop3A_183 = arith.index_cast %parallel_loop3A_161 : i32 to index
          %parallel_loop3A_184 = arith.constant 32 : index
          %parallel_loop3A_185 = tpu.vector_load %arg6[%parallel_loop3A_183, %parallel_loop3A_184] {strides = array<i32>} : memref<64x128xf32, #tpu.memory_space<vmem>>, vector<16xf32>,
          tpu.vector_store %arg6[%parallel_loop3A_183, %parallel_loop3A_184], %parallel_loop3A_182 {strides = array<i32>} : memref<64x128xf32, #tpu.memory_space<vmem>>, vector<16xf32>,
          %parallel_loop3A_186 = arith.constant 2 : i32
          %parallel_loop3A_187 = arith.muli %parallel_loop3A_186, %parallel_loop3A_161 : i32
          %parallel_loop3A_188 = vector.broadcast %parallel_loop3A_187 : i32 to vector<16xi32>
          %parallel_loop3A_189 = arith.addi %add3A_40, %parallel_loop3A_188 : vector<16xi32>
          %parallel_loop3A_190 = tpu.vector_load_idx %arg4[%broadcast_in_dim3A_1, %parallel_loop3A_189] : memref<64x129xf32, #tpu.memory_space<vmem>>[vector<16xi32>, vector<16xi32>], vector<16xf32>,
          %parallel_loop3A_191 = arith.index_cast %parallel_loop3A_161 : i32 to index
          %parallel_loop3A_192 = arith.constant 48 : index
          %parallel_loop3A_193 = tpu.vector_load %arg6[%parallel_loop3A_191, %parallel_loop3A_192] {strides = array<i32>} : memref<64x128xf32, #tpu.memory_space<vmem>>, vector<16xf32>,
          tpu.vector_store %arg6[%parallel_loop3A_191, %parallel_loop3A_192], %parallel_loop3A_190 {strides = array<i32>} : memref<64x128xf32, #tpu.memory_space<vmem>>, vector<16xf32>,
          %parallel_loop3A_194 = arith.constant 2 : i32
          %parallel_loop3A_195 = arith.muli %parallel_loop3A_194, %parallel_loop3A_161 : i32
          %parallel_loop3A_196 = vector.broadcast %parallel_loop3A_195 : i32 to vector<16xi32>
          %parallel_loop3A_197 = arith.addi %add3A_50, %parallel_loop3A_196 : vector<16xi32>
          %parallel_loop3A_198 = tpu.vector_load_idx %arg4[%broadcast_in_dim3A_1, %parallel_loop3A_197] : memref<64x129xf32, #tpu.memory_space<vmem>>[vector<16xi32>, vector<16xi32>], vector<16xf32>,
          %parallel_loop3A_199 = arith.index_cast %parallel_loop3A_161 : i32 to index
          %parallel_loop3A_200 = arith.constant 64 : index
          %parallel_loop3A_201 = tpu.vector_load %arg6[%parallel_loop3A_199, %parallel_loop3A_200] {strides = array<i32>} : memref<64x128xf32, #tpu.memory_space<vmem>>, vector<16xf32>,
          tpu.vector_store %arg6[%parallel_loop3A_199, %parallel_loop3A_200], %parallel_loop3A_198 {strides = array<i32>} : memref<64x128xf32, #tpu.memory_space<vmem>>, vector<16xf32>,
          %parallel_loop3A_202 = arith.constant 2 : i32
          %parallel_loop3A_203 = arith.muli %parallel_loop3A_202, %parallel_loop3A_161 : i32
          %parallel_loop3A_204 = vector.broadcast %parallel_loop3A_203 : i32 to vector<16xi32>
          %parallel_loop3A_205 = arith.addi %add3A_60, %parallel_loop3A_204 : vector<16xi32>
          %parallel_loop3A_206 = tpu.vector_load_idx %arg4[%broadcast_in_dim3A_1, %parallel_loop3A_205] : memref<64x129xf32, #tpu.memory_space<vmem>>[vector<16xi32>, vector<16xi32>], vector<16xf32>,
          %parallel_loop3A_207 = arith.index_cast %parallel_loop3A_161 : i32 to index
          %parallel_loop3A_208 = arith.constant 80 : index
          %parallel_loop3A_209 = tpu.vector_load %arg6[%parallel_loop3A_207, %parallel_loop3A_208] {strides = array<i32>} : memref<64x128xf32, #tpu.memory_space<vmem>>, vector<16xf32>,
          tpu.vector_store %arg6[%parallel_loop3A_207, %parallel_loop3A_208], %parallel_loop3A_206 {strides = array<i32>} : memref<64x128xf32, #tpu.memory_space<vmem>>, vector<16xf32>,
          %parallel_loop3A_210 = arith.constant 2 : i32
          %parallel_loop3A_211 = arith.muli %parallel_loop3A_210, %parallel_loop3A_161 : i32
          %parallel_loop3A_212 = vector.broadcast %parallel_loop3A_211 : i32 to vector<16xi32>
          %parallel_loop3A_213 = arith.addi %add3A_70, %parallel_loop3A_212 : vector<16xi32>
          %parallel_loop3A_214 = tpu.vector_load_idx %arg4[%broadcast_in_dim3A_1, %parallel_loop3A_213] : memref<64x129xf32, #tpu.memory_space<vmem>>[vector<16xi32>, vector<16xi32>], vector<16xf32>,
          %parallel_loop3A_215 = arith.index_cast %parallel_loop3A_161 : i32 to index
          %parallel_loop3A_216 = arith.constant 96 : index
          %parallel_loop3A_217 = tpu.vector_load %arg6[%parallel_loop3A_215, %parallel_loop3A_216] {strides = array<i32>} : memref<64x128xf32, #tpu.memory_space<vmem>>, vector<16xf32>,
          tpu.vector_store %arg6[%parallel_loop3A_215, %parallel_loop3A_216], %parallel_loop3A_214 {strides = array<i32>} : memref<64x128xf32, #tpu.memory_space<vmem>>, vector<16xf32>,
          %parallel_loop3A_218 = arith.constant 2 : i32
          %parallel_loop3A_219 = arith.muli %parallel_loop3A_218, %parallel_loop3A_161 : i32
          %parallel_loop3A_220 = vector.broadcast %parallel_loop3A_219 : i32 to vector<16xi32>
          %parallel_loop3A_221 = arith.addi %add3A_80, %parallel_loop3A_220 : vector<16xi32>
          %parallel_loop3A_222 = tpu.vector_load_idx %arg4[%broadcast_in_dim3A_1, %parallel_loop3A_221] : memref<64x129xf32, #tpu.memory_space<vmem>>[vector<16xi32>, vector<16xi32>], vector<16xf32>,
          %parallel_loop3A_223 = arith.index_cast %parallel_loop3A_161 : i32 to index
          %parallel_loop3A_224 = arith.constant 112 : index
          %parallel_loop3A_225 = tpu.vector_load %arg6[%parallel_loop3A_223, %parallel_loop3A_224] {strides = array<i32>} : memref<64x128xf32, #tpu.memory_space<vmem>>, vector<16xf32>,
          tpu.vector_store %arg6[%parallel_loop3A_223, %parallel_loop3A_224], %parallel_loop3A_222 {strides = array<i32>} : memref<64x128xf32, #tpu.memory_space<vmem>>, vector<16xf32>,
        } {sc.loop_unroll_factor = 4 : i64, sc.parallel_access}
        %mul3A_156 = arith.constant 64 : i32
        %mul3A_157 = arith.muli %add3A_106, %mul3A_156 : i32
        %dma_start3A = arith.constant 0 : i32
        %dma_start3A_158 = tpu.memref_slice %arg3[%mul3A_157, %dma_start3A] : memref<50048x128xf32, #tpu.memory_space<hbm>> -> memref<64x128xf32, #tpu.memory_space<hbm>>
        %dma_start3A_159 = arith.constant 0 : i32
        %dma_start3A_160 = tpu.memref_slice %arg3[%mul3A_157, %dma_start3A_159] : memref<50048x128xf32, #tpu.memory_space<hbm>> -> memref<64x128xf32, #tpu.memory_space<hbm>>
        tpu.enqueue_dma source(%arg6 : memref<64x128xf32, #tpu.memory_space<vmem>>) target(%dma_start3A_160 : memref<64x128xf32, #tpu.memory_space<hbm>>) target_semaphore(%arg10 : memref<!tpu.dma_semaphore, #tpu.memory_space<semaphore_mem>>)
      } else {
      }
      %mul3A_119 = arith.constant 2 : i32
      %mul3A_120 = arith.muli %mul3A_119, %scan3A_99 : i32
      %add3A_121 = arith.constant 1 : i32
      %add3A_122 = arith.addi %mul3A_120, %add3A_121 : i32
      %mul3A_123 = arith.constant 32 : i32
      %mul3A_124 = arith.muli %add3A_122, %mul3A_123 : i32
      %add3A_125 = arith.addi %add3A, %mul3A_124 : i32
      %add3A_126 = arith.constant 32 : i32
      %add3A_127 = arith.addi %add3A_125, %add3A_126 : i32
      %lt3A_128 = arith.constant 782 : i32
      %lt3A_129 = arith.cmpi slt, %add3A_127, %lt3A_128 : i32
      %convert_element_type3A_130 = arith.extui %lt3A_129 : i1 to i32
      %cond3A_131 = arith.constant 0 : i32
      %cond3A_132 = arith.cmpi ne, %convert_element_type3A_130, %cond3A_131 : i32
      scf.if %cond3A_132 {
        %mul3A_138 = arith.constant 128 : i32
        %mul3A_139 = arith.muli %add3A_127, %mul3A_138 : i32
        %dma_start3A = arith.constant 0 : i32
        %dma_start3A_140 = arith.constant 0 : i32
        %dma_start3A_141 = tpu.memref_slice %arg4[%dma_start3A, %dma_start3A_140] : memref<64x129xf32, #tpu.memory_space<vmem>> -> memref<64x128xf32, #tpu.memory_space<vmem>>
        %dma_start3A_142 = arith.constant 0 : i32
        %dma_start3A_143 = tpu.memref_slice %arg2[%dma_start3A_142, %mul3A_139] : memref<64x100000xf32, #tpu.memory_space<hbm>> -> memref<64x128xf32, #tpu.memory_space<hbm>>
        %dma_start3A_144 = arith.constant 0 : i32
        %dma_start3A_145 = arith.constant 0 : i32
        %dma_start3A_146 = tpu.memref_slice %arg4[%dma_start3A_144, %dma_start3A_145] : memref<64x129xf32, #tpu.memory_space<vmem>> -> memref<64x128xf32, #tpu.memory_space<vmem>>
        %dma_start3A_147 = arith.constant 0 : i32
        %dma_start3A_148 = tpu.memref_slice %arg2[%dma_start3A_147, %mul3A_139] : memref<64x100000xf32, #tpu.memory_space<hbm>> -> memref<64x128xf32, #tpu.memory_space<hbm>>
        tpu.enqueue_dma source(%dma_start3A_148 : memref<64x128xf32, #tpu.memory_space<hbm>>) target(%dma_start3A_146 : memref<64x128xf32, #tpu.memory_space<vmem>>) target_semaphore(%arg8 : memref<!tpu.dma_semaphore, #tpu.memory_space<semaphore_mem>>)
      } else {
      }
      %lt3A_133 = arith.constant 782 : i32
      %lt3A_134 = arith.cmpi slt, %add3A_125, %lt3A_133 : i32
      %convert_element_type3A_135 = arith.extui %lt3A_134 : i1 to i32
      %cond3A_136 = arith.constant 0 : i32
      %cond3A_137 = arith.cmpi ne, %convert_element_type3A_135, %cond3A_136 : i32
      scf.if %cond3A_137 {
        %dma_wait3A_138 = arith.constant 0 : i32
        %dma_wait3A_139 = arith.constant 0 : i32
        %dma_wait3A_140 = tpu.memref_slice %arg5[%dma_wait3A_138, %dma_wait3A_139] : memref<64x129xf32, #tpu.memory_space<vmem>> -> memref<64x128xf32, #tpu.memory_space<vmem>>
        %dma_wait3A_141 = arith.constant 0 : i32
        %dma_wait3A_142 = arith.constant 0 : i32
        %dma_wait3A_143 = tpu.memref_slice %arg2[%dma_wait3A_141, %dma_wait3A_142] : memref<64x100000xf32, #tpu.memory_space<hbm>> -> memref<64x128xf32, #tpu.memory_space<hbm>>
        %dma_wait3A_144 = arith.constant 0 : i32
        %dma_wait3A_145 = arith.constant 0 : i32
        %dma_wait3A_146 = tpu.memref_slice %arg5[%dma_wait3A_144, %dma_wait3A_145] : memref<64x129xf32, #tpu.memory_space<vmem>> -> memref<64x128xf32, #tpu.memory_space<vmem>>
        %dma_wait3A_147 = arith.constant 0 : i32
        %dma_wait3A_148 = arith.constant 0 : i32
        %dma_wait3A_149 = tpu.memref_slice %arg2[%dma_wait3A_147, %dma_wait3A_148] : memref<64x100000xf32, #tpu.memory_space<hbm>> -> memref<64x128xf32, #tpu.memory_space<hbm>>
        tpu.wait_dma2 semaphore(%arg9 : memref<!tpu.dma_semaphore, #tpu.memory_space<semaphore_mem>>) src(%dma_wait3A_149 : memref<64x128xf32, #tpu.memory_space<hbm>>) dst(%dma_wait3A_146 : memref<64x128xf32, #tpu.memory_space<vmem>>)
        %ge3A = arith.constant 64 : i32
        %ge3A_150 = arith.cmpi sge, %add3A_125, %ge3A : i32
        %convert_element_type3A_151 = arith.extui %ge3A_150 : i1 to i32
        %cond3A_152 = arith.constant 0 : i32
        %cond3A_153 = arith.cmpi ne, %convert_element_type3A_151, %cond3A_152 : i32
        scf.if %cond3A_153 {
          %dma_wait3A_161 = arith.constant 0 : i32
          %dma_wait3A_162 = arith.constant 0 : i32
          %dma_wait3A_163 = tpu.memref_slice %arg3[%dma_wait3A_161, %dma_wait3A_162] : memref<50048x128xf32, #tpu.memory_space<hbm>> -> memref<64x128xf32, #tpu.memory_space<hbm>>
          %dma_wait3A_164 = arith.constant 0 : i32
          %dma_wait3A_165 = arith.constant 0 : i32
          %dma_wait3A_166 = tpu.memref_slice %arg3[%dma_wait3A_164, %dma_wait3A_165] : memref<50048x128xf32, #tpu.memory_space<hbm>> -> memref<64x128xf32, #tpu.memory_space<hbm>>
          tpu.wait_dma2 semaphore(%arg11 : memref<!tpu.dma_semaphore, #tpu.memory_space<semaphore_mem>>) src(%arg7 : memref<64x128xf32, #tpu.memory_space<vmem>>) dst(%dma_wait3A_166 : memref<64x128xf32, #tpu.memory_space<hbm>>)
        } else {
        }
        %parallel_loop3A = arith.constant 0 : i32
        %parallel_loop3A_154 = arith.constant 64 : i32
        %parallel_loop3A_155 = arith.constant 1 : i32
        scf.for %parallel_loop3A_161 = %parallel_loop3A to %parallel_loop3A_154 step %parallel_loop3A_155  : i32 {
          %parallel_loop3A_162 = arith.constant 2 : i32
          %parallel_loop3A_163 = arith.muli %parallel_loop3A_162, %parallel_loop3A_161 : i32
          %parallel_loop3A_164 = vector.broadcast %parallel_loop3A_163 : i32 to vector<16xi32>
          %parallel_loop3A_165 = arith.addi %add3A_10, %parallel_loop3A_164 : vector<16xi32>
          %parallel_loop3A_166 = tpu.vector_load_idx %arg5[%broadcast_in_dim3A_1, %parallel_loop3A_165] : memref<64x129xf32, #tpu.memory_space<vmem>>[vector<16xi32>, vector<16xi32>], vector<16xf32>,
          %parallel_loop3A_167 = arith.index_cast %parallel_loop3A_161 : i32 to index
          %parallel_loop3A_168 = arith.constant 0 : index
          %parallel_loop3A_169 = tpu.vector_load %arg7[%parallel_loop3A_167, %parallel_loop3A_168] {strides = array<i32>} : memref<64x128xf32, #tpu.memory_space<vmem>>, vector<16xf32>,
          tpu.vector_store %arg7[%parallel_loop3A_167, %parallel_loop3A_168], %parallel_loop3A_166 {strides = array<i32>} : memref<64x128xf32, #tpu.memory_space<vmem>>, vector<16xf32>,
          %parallel_loop3A_170 = arith.constant 2 : i32
          %parallel_loop3A_171 = arith.muli %parallel_loop3A_170, %parallel_loop3A_161 : i32
          %parallel_loop3A_172 = vector.broadcast %parallel_loop3A_171 : i32 to vector<16xi32>
          %parallel_loop3A_173 = arith.addi %add3A_20, %parallel_loop3A_172 : vector<16xi32>
          %parallel_loop3A_174 = tpu.vector_load_idx %arg5[%broadcast_in_dim3A_1, %parallel_loop3A_173] : memref<64x129xf32, #tpu.memory_space<vmem>>[vector<16xi32>, vector<16xi32>], vector<16xf32>,
          %parallel_loop3A_175 = arith.index_cast %parallel_loop3A_161 : i32 to index
          %parallel_loop3A_176 = arith.constant 16 : index
          %parallel_loop3A_177 = tpu.vector_load %arg7[%parallel_loop3A_175, %parallel_loop3A_176] {strides = array<i32>} : memref<64x128xf32, #tpu.memory_space<vmem>>, vector<16xf32>,
          tpu.vector_store %arg7[%parallel_loop3A_175, %parallel_loop3A_176], %parallel_loop3A_174 {strides = array<i32>} : memref<64x128xf32, #tpu.memory_space<vmem>>, vector<16xf32>,
          %parallel_loop3A_178 = arith.constant 2 : i32
          %parallel_loop3A_179 = arith.muli %parallel_loop3A_178, %parallel_loop3A_161 : i32
          %parallel_loop3A_180 = vector.broadcast %parallel_loop3A_179 : i32 to vector<16xi32>
          %parallel_loop3A_181 = arith.addi %add3A_30, %parallel_loop3A_180 : vector<16xi32>
          %parallel_loop3A_182 = tpu.vector_load_idx %arg5[%broadcast_in_dim3A_1, %parallel_loop3A_181] : memref<64x129xf32, #tpu.memory_space<vmem>>[vector<16xi32>, vector<16xi32>], vector<16xf32>,
          %parallel_loop3A_183 = arith.index_cast %parallel_loop3A_161 : i32 to index
          %parallel_loop3A_184 = arith.constant 32 : index
          %parallel_loop3A_185 = tpu.vector_load %arg7[%parallel_loop3A_183, %parallel_loop3A_184] {strides = array<i32>} : memref<64x128xf32, #tpu.memory_space<vmem>>, vector<16xf32>,
          tpu.vector_store %arg7[%parallel_loop3A_183, %parallel_loop3A_184], %parallel_loop3A_182 {strides = array<i32>} : memref<64x128xf32, #tpu.memory_space<vmem>>, vector<16xf32>,
          %parallel_loop3A_186 = arith.constant 2 : i32
          %parallel_loop3A_187 = arith.muli %parallel_loop3A_186, %parallel_loop3A_161 : i32
          %parallel_loop3A_188 = vector.broadcast %parallel_loop3A_187 : i32 to vector<16xi32>
          %parallel_loop3A_189 = arith.addi %add3A_40, %parallel_loop3A_188 : vector<16xi32>
          %parallel_loop3A_190 = tpu.vector_load_idx %arg5[%broadcast_in_dim3A_1, %parallel_loop3A_189] : memref<64x129xf32, #tpu.memory_space<vmem>>[vector<16xi32>, vector<16xi32>], vector<16xf32>,
          %parallel_loop3A_191 = arith.index_cast %parallel_loop3A_161 : i32 to index
          %parallel_loop3A_192 = arith.constant 48 : index
          %parallel_loop3A_193 = tpu.vector_load %arg7[%parallel_loop3A_191, %parallel_loop3A_192] {strides = array<i32>} : memref<64x128xf32, #tpu.memory_space<vmem>>, vector<16xf32>,
          tpu.vector_store %arg7[%parallel_loop3A_191, %parallel_loop3A_192], %parallel_loop3A_190 {strides = array<i32>} : memref<64x128xf32, #tpu.memory_space<vmem>>, vector<16xf32>,
          %parallel_loop3A_194 = arith.constant 2 : i32
          %parallel_loop3A_195 = arith.muli %parallel_loop3A_194, %parallel_loop3A_161 : i32
          %parallel_loop3A_196 = vector.broadcast %parallel_loop3A_195 : i32 to vector<16xi32>
          %parallel_loop3A_197 = arith.addi %add3A_50, %parallel_loop3A_196 : vector<16xi32>
          %parallel_loop3A_198 = tpu.vector_load_idx %arg5[%broadcast_in_dim3A_1, %parallel_loop3A_197] : memref<64x129xf32, #tpu.memory_space<vmem>>[vector<16xi32>, vector<16xi32>], vector<16xf32>,
          %parallel_loop3A_199 = arith.index_cast %parallel_loop3A_161 : i32 to index
          %parallel_loop3A_200 = arith.constant 64 : index
          %parallel_loop3A_201 = tpu.vector_load %arg7[%parallel_loop3A_199, %parallel_loop3A_200] {strides = array<i32>} : memref<64x128xf32, #tpu.memory_space<vmem>>, vector<16xf32>,
          tpu.vector_store %arg7[%parallel_loop3A_199, %parallel_loop3A_200], %parallel_loop3A_198 {strides = array<i32>} : memref<64x128xf32, #tpu.memory_space<vmem>>, vector<16xf32>,
          %parallel_loop3A_202 = arith.constant 2 : i32
          %parallel_loop3A_203 = arith.muli %parallel_loop3A_202, %parallel_loop3A_161 : i32
          %parallel_loop3A_204 = vector.broadcast %parallel_loop3A_203 : i32 to vector<16xi32>
          %parallel_loop3A_205 = arith.addi %add3A_60, %parallel_loop3A_204 : vector<16xi32>
          %parallel_loop3A_206 = tpu.vector_load_idx %arg5[%broadcast_in_dim3A_1, %parallel_loop3A_205] : memref<64x129xf32, #tpu.memory_space<vmem>>[vector<16xi32>, vector<16xi32>], vector<16xf32>,
          %parallel_loop3A_207 = arith.index_cast %parallel_loop3A_161 : i32 to index
          %parallel_loop3A_208 = arith.constant 80 : index
          %parallel_loop3A_209 = tpu.vector_load %arg7[%parallel_loop3A_207, %parallel_loop3A_208] {strides = array<i32>} : memref<64x128xf32, #tpu.memory_space<vmem>>, vector<16xf32>,
          tpu.vector_store %arg7[%parallel_loop3A_207, %parallel_loop3A_208], %parallel_loop3A_206 {strides = array<i32>} : memref<64x128xf32, #tpu.memory_space<vmem>>, vector<16xf32>,
          %parallel_loop3A_210 = arith.constant 2 : i32
          %parallel_loop3A_211 = arith.muli %parallel_loop3A_210, %parallel_loop3A_161 : i32
          %parallel_loop3A_212 = vector.broadcast %parallel_loop3A_211 : i32 to vector<16xi32>
          %parallel_loop3A_213 = arith.addi %add3A_70, %parallel_loop3A_212 : vector<16xi32>
          %parallel_loop3A_214 = tpu.vector_load_idx %arg5[%broadcast_in_dim3A_1, %parallel_loop3A_213] : memref<64x129xf32, #tpu.memory_space<vmem>>[vector<16xi32>, vector<16xi32>], vector<16xf32>,
          %parallel_loop3A_215 = arith.index_cast %parallel_loop3A_161 : i32 to index
          %parallel_loop3A_216 = arith.constant 96 : index
          %parallel_loop3A_217 = tpu.vector_load %arg7[%parallel_loop3A_215, %parallel_loop3A_216] {strides = array<i32>} : memref<64x128xf32, #tpu.memory_space<vmem>>, vector<16xf32>,
          tpu.vector_store %arg7[%parallel_loop3A_215, %parallel_loop3A_216], %parallel_loop3A_214 {strides = array<i32>} : memref<64x128xf32, #tpu.memory_space<vmem>>, vector<16xf32>,
          %parallel_loop3A_218 = arith.constant 2 : i32
          %parallel_loop3A_219 = arith.muli %parallel_loop3A_218, %parallel_loop3A_161 : i32
          %parallel_loop3A_220 = vector.broadcast %parallel_loop3A_219 : i32 to vector<16xi32>
          %parallel_loop3A_221 = arith.addi %add3A_80, %parallel_loop3A_220 : vector<16xi32>
          %parallel_loop3A_222 = tpu.vector_load_idx %arg5[%broadcast_in_dim3A_1, %parallel_loop3A_221] : memref<64x129xf32, #tpu.memory_space<vmem>>[vector<16xi32>, vector<16xi32>], vector<16xf32>,
          %parallel_loop3A_223 = arith.index_cast %parallel_loop3A_161 : i32 to index
          %parallel_loop3A_224 = arith.constant 112 : index
          %parallel_loop3A_225 = tpu.vector_load %arg7[%parallel_loop3A_223, %parallel_loop3A_224] {strides = array<i32>} : memref<64x128xf32, #tpu.memory_space<vmem>>, vector<16xf32>,
          tpu.vector_store %arg7[%parallel_loop3A_223, %parallel_loop3A_224], %parallel_loop3A_222 {strides = array<i32>} : memref<64x128xf32, #tpu.memory_space<vmem>>, vector<16xf32>,
        } {sc.loop_unroll_factor = 4 : i64, sc.parallel_access}
        %mul3A_156 = arith.constant 64 : i32
        %mul3A_157 = arith.muli %add3A_125, %mul3A_156 : i32
        %dma_start3A = arith.constant 0 : i32
        %dma_start3A_158 = tpu.memref_slice %arg3[%mul3A_157, %dma_start3A] : memref<50048x128xf32, #tpu.memory_space<hbm>> -> memref<64x128xf32, #tpu.memory_space<hbm>>
        %dma_start3A_159 = arith.constant 0 : i32
        %dma_start3A_160 = tpu.memref_slice %arg3[%mul3A_157, %dma_start3A_159] : memref<50048x128xf32, #tpu.memory_space<hbm>> -> memref<64x128xf32, #tpu.memory_space<hbm>>
        tpu.enqueue_dma source(%arg7 : memref<64x128xf32, #tpu.memory_space<vmem>>) target(%dma_start3A_160 : memref<64x128xf32, #tpu.memory_space<hbm>>) target_semaphore(%arg11 : memref<!tpu.dma_semaphore, #tpu.memory_space<semaphore_mem>>)
      } else {
      }
    }
    %scan3A_87 = arith.constant 13 : i32
    %dma_wait3A = arith.constant 0 : i32
    %dma_wait3A_88 = arith.constant 0 : i32
    %dma_wait3A_89 = tpu.memref_slice %arg3[%dma_wait3A, %dma_wait3A_88] : memref<50048x128xf32, #tpu.memory_space<hbm>> -> memref<64x128xf32, #tpu.memory_space<hbm>>
    %dma_wait3A_90 = arith.constant 0 : i32
    %dma_wait3A_91 = arith.constant 0 : i32
    %dma_wait3A_92 = tpu.memref_slice %arg3[%dma_wait3A_90, %dma_wait3A_91] : memref<50048x128xf32, #tpu.memory_space<hbm>> -> memref<64x128xf32, #tpu.memory_space<hbm>>
    tpu.wait_dma2 semaphore(%arg10 : memref<!tpu.dma_semaphore, #tpu.memory_space<semaphore_mem>>) src(%arg6 : memref<64x128xf32, #tpu.memory_space<vmem>>) dst(%dma_wait3A_92 : memref<64x128xf32, #tpu.memory_space<hbm>>)
    %dma_wait3A_93 = arith.constant 0 : i32
    %dma_wait3A_94 = arith.constant 0 : i32
    %dma_wait3A_95 = tpu.memref_slice %arg3[%dma_wait3A_93, %dma_wait3A_94] : memref<50048x128xf32, #tpu.memory_space<hbm>> -> memref<64x128xf32, #tpu.memory_space<hbm>>
    %dma_wait3A_96 = arith.constant 0 : i32
    %dma_wait3A_97 = arith.constant 0 : i32
    %dma_wait3A_98 = tpu.memref_slice %arg3[%dma_wait3A_96, %dma_wait3A_97] : memref<50048x128xf32, #tpu.memory_space<hbm>> -> memref<64x128xf32, #tpu.memory_space<hbm>>
    tpu.wait_dma2 semaphore(%arg11 : memref<!tpu.dma_semaphore, #tpu.memory_space<semaphore_mem>>) src(%arg7 : memref<64x128xf32, #tpu.memory_space<vmem>>) dst(%dma_wait3A_98 : memref<64x128xf32, #tpu.memory_space<hbm>>)
    return
  }
}

</mosaic_0001>

<sc_bundles>
// kernel: kernel.4.cloned.1.call-start
scs
__scs_entry_jumppad:
0x0: {  	(pc) =	sbr.rel $0x88, $3  }
0x1: {  	(tag) =	ssettag $0x0;
	lr =	simm.s32 $0x1  }
0x2: {  	[smem:$0x3F9F] =	sst lr;
	_ =	strace $0xD0000000  }
0x3: {  	_ = 	snop  }
0x4: {  	_ = 	snop  }
0x5: {  	_ = 	snop  }
0x6: {  	_ = 	snop  }
0x7: {  	_ = 	snop  }
__scs_overlays_trampoline_lowered:
0x8: {  	[smem:$0x3FAE] =	sst s0  }
0x9: {  	[smem:$0x3FAF] =	sst s1  }
0xa: {  	[smem:$0x3FB0] =	sst s2  }
0xb: {  	[smem:$0x3FB1] =	sst s3  }
0xc: {  	[smem:$0x3FB2] =	sst s4  }
0xd: {  	[smem:$0x3FB3] =	sst s5  }
0xe: {  	[smem:$0x3FB4] =	sst s6  }
0xf: {  	[smem:$0x3FB5] =	sst s7  }
0x10: {  	[smem:$0x3FB6] =	sst s8  }
0x11: {  	[smem:$0x3FB7] =	sst s9;
	s0 =	simm.s32 @!p0 $0x0  }
0x12: {  	s1 =	sld [smem:$0x3F9D];
	s0 =	simm.s32 @p0 $0x1  }
0x13: {  	[smem:$0x3FB8] =	sst s0;
	s0 =	simm.s32 @!p1 $0x0  }
0x14: {  	s2 =	sld [smem:$0x3F9C];
	s0 =	simm.s32 @p1 $0x1  }
0x15: {  	[smem:$0x3FB9] =	sst s0;
	s0 =	simm.s32 @!p2 $0x0  }
0x16: {  	s3 =	sld [smem:$0x3FDB];
	s0 =	simm.s32 @p2 $0x1  }
0x17: {  	s4 =	simm.s32 $0x1BF5;
	[smem:$0x3FBB] =	sst s0  }
0x18: {  	s0 =	sld [smem:$0x3F9E];
	_ =	swait.ge [sflag:s4], $0x0  }
0x19: {  	s7 =	sld [smem:$0x3F9F]  }
0x1a: {  	s8 =	sadd.s32 $0xFFFFE003, lr  }
0x1b: {  	s9 =	sadd.s32 $0xFFFFFEF7, lr;
	s5 =	simm.s32 $0xFFFFFFFF;
	p2 =	slt.u32 s8, $0xFFFFF086  }
0x1c: {  	p1 =	slt.u32 s9, $0xF7A;
	s5 =	simm.s32 @!p2 $0x0  }
0x1d: {  	s5 =	simm.s32 @p1 $0x1;
	p0 =	seq.s32 s7, s2  }
0x1e: {  	s7 =	smul.u32 @!p0 $0xF7A, s2;
	p2 =	seq.s32 @!p0 s5, $0x0  }
0x1f: {  	s9 =	smul.u32 $0xF7A, s1;
	s8 =	simm.s32 @!p0 $0x1BF5;
	p2 =	por !p2, p0  }
0x20: {  	[sflag:s8] =	ssyncset.s32 @!p0 $0xFFFFF086;
	s6 =	sadd.s32 @!p0 s3, s7;
	s7 =	simm.s32 @!p0 $0x108  }
0x21: {  	s3 =	sadd.s32 s3, s9;
	s6 =	sadd.s32 @!p0 $0x88, s6;
	s7 =	simm.s32 @p2 $0x1082  }
0x22: {  	[simem:s7], [sflag:s8] =	dma.local @!p0 [hbm:s6], $0xF7A  }
0x23: {  	s9 =	sor.u32 $0xD0000000, s2;
	s6 =	simm.s32 $0x108;
	_ =	swait.ge @!p0 [sflag:s8], $0x0  }
0x24: {  	s3 =	sadd.s32 $0x88, s3;
	s6 =	simm.s32 @!p1 $0x1082;
	[sflag:s4] =	ssyncset.s32 $0xFFFFF086  }
0x25: {  	[simem:s6], [sflag:s4] =	dma.local [hbm:s3], $0xF7A  }
0x26: {  	[smem:$0x3F9F] =	sst s1;
	(tag) =	ssettag s2;
	_ =	strace s9  }
0x27: {  	s1 =	sld [smem:$0x3FAF]  }
0x28: {  	s2 =	sld [smem:$0x3FB0]  }
0x29: {  	s4 =	sld [smem:$0x3FB2]  }
0x2a: {  	p0 =	seq.s32 s5, $0x0;
	s5 =	sld [smem:$0x3FB3]  }
0x2b: {  	s6 =	sld [smem:$0x3FB4]  }
0x2c: {  	s7 =	sld [smem:$0x3FB5]  }
0x2d: {  	s3 =	simm.s32 $0x108;
	s8 =	sld [smem:$0x3FB6]  }
0x2e: {  	s3 =	simm.s32 @!p0 $0x1082;
	s9 =	sld [smem:$0x3FB7]  }
0x2f: {  	lr =	sadd.s32 s0, s3;
	s0 =	sld [smem:$0x3FAE]  }
0x30: {  	s3 =	sld [smem:$0x3FB1]  }
0x31: {  	[smem:$0x3FBA] =	sst s10  }
0x32: {  	s10 =	sld [smem:$0x3FB8];
	_ =	sdelay $0x3  }
0x33: {  	p0 =	seq.s32 s10, $0x1;
	s10 =	sld [smem:$0x3FBA];
	_ =	sdelay $0x3  }
0x34: {  	[smem:$0x3FBA] =	sst s10  }
0x35: {  	s10 =	sld [smem:$0x3FB9];
	_ =	sdelay $0x3  }
0x36: {  	p1 =	seq.s32 s10, $0x1;
	s10 =	sld [smem:$0x3FBA];
	_ =	sdelay $0x3  }
0x37: {  	[smem:$0x3FBA] =	sst s10  }
0x38: {  	s10 =	sld [smem:$0x3FBB]  }
0x39: {  	_ = 	snop;
	(pc) =	sbr.ind lr, $3  }
0x3a: {  	_ = 	snop  }
0x3b: {  	_ = 	snop  }
0x3c: {  	p2 =	seq.s32 s10, $0x1;
	s10 =	sld [smem:$0x3FBA]  }
0x3d: {  	_ =	shalt  }
0x3e: {  	_ =	shalt  }
0x3f: {  	_ =	shalt  }
0x40: {  	_ =	shalt  }
0x41: {  	_ =	shalt  }
0x42: {  	_ =	shalt  }
0x43: {  	_ =	shalt  }
0x44: {  	_ =	shalt  }
0x45: {  	_ =	shalt  }
0x46: {  	_ =	shalt  }
0x47: {  	_ =	shalt  }
0x48: {  	_ =	shalt  }
0x49: {  	_ =	shalt  }
0x4a: {  	_ =	shalt  }
0x4b: {  	_ =	shalt  }
0x4c: {  	_ =	shalt  }
0x4d: {  	_ =	shalt  }
0x4e: {  	_ =	shalt  }
0x4f: {  	_ =	shalt  }
0x50: {  	_ =	shalt  }
0x51: {  	_ =	shalt  }
0x52: {  	_ =	shalt  }
0x53: {  	_ =	shalt  }
0x54: {  	_ =	shalt  }
0x55: {  	_ =	shalt  }
0x56: {  	_ =	shalt  }
0x57: {  	_ =	shalt  }
0x58: {  	_ =	shalt  }
0x59: {  	_ =	shalt  }
0x5a: {  	_ =	shalt  }
0x5b: {  	_ =	shalt  }
0x5c: {  	_ =	shalt  }
0x5d: {  	_ =	shalt  }
0x5e: {  	_ =	shalt  }
0x5f: {  	_ =	shalt  }
0x60: {  	_ =	shalt  }
0x61: {  	_ =	shalt  }
0x62: {  	_ =	shalt  }
0x63: {  	_ =	shalt  }
0x64: {  	_ =	shalt  }
0x65: {  	_ =	shalt  }
0x66: {  	_ =	shalt  }
0x67: {  	_ =	shalt  }
0x68: {  	_ =	shalt  }
0x69: {  	_ =	shalt  }
0x6a: {  	_ =	shalt  }
0x6b: {  	_ =	shalt  }
0x6c: {  	_ =	shalt  }
0x6d: {  	_ =	shalt  }
0x6e: {  	_ =	shalt  }
0x6f: {  	_ =	shalt  }
0x70: {  	_ =	shalt  }
0x71: {  	_ =	shalt  }
0x72: {  	_ =	shalt  }
0x73: {  	_ =	shalt  }
0x74: {  	_ =	shalt  }
0x75: {  	_ =	shalt  }
0x76: {  	_ =	shalt  }
0x77: {  	_ =	shalt  }
0x78: {  	_ =	shalt  }
0x79: {  	_ =	shalt  }
0x7a: {  	_ =	shalt  }
0x7b: {  	_ =	shalt  }
0x7c: {  	_ =	shalt  }
0x7d: {  	_ =	shalt  }
0x7e: {  	_ =	shalt  }
0x7f: {  	_ =	shalt  }
0x80: {  	_ =	shalt  }
0x81: {  	_ =	shalt  }
0x82: {  	_ =	shalt  }
0x83: {  	_ =	shalt  }
0x84: {  	_ =	shalt  }
0x85: {  	_ =	shalt  }
0x86: {  	_ =	shalt  }
0x87: {  	_ =	shalt  }
.Lfunc_end0:
.L_simem_size_0:
called_computation_lowered:
.L_overlay_start_0:
0x88: {  	s2 =	sld [smem:$0x3FD9]  }
0x89: {  	s3 =	sld [smem:$0x3FFE];
	_ =	sdelay $0x1  }
0x8a: {  	s1 =	srdreg.scid  }
0x8b: {  	s0 =	sand.u32 $0x1, s1  }
0x8c: {  	s17 =	sshll.u32 s0, $0xA;
	s2 =	sadd.s32 s3, s2  }
0x8d: {  	s2 =	sadd.s32 s2, s17  }
0x8e: {  	[smem:$0x3FC6] =	sst s2  }
0x8f: {  	_ = 	snop  }
0x90: {  	s2 =	sld [smem:$0x3FC8];
	(tm) =	ssettm $0x1  }
0x91: {  	s18 =	sld [smem:$0x3FFB];
	_ =	sdelay $0x3  }
0x92: {  	_ =	strace s18  }
0x93: {  	s3 =	sld [smem:$0x3FFC];
	_ =	sdelay $0x3  }
0x94: {  	_ =	strace s3  }
0x95: {  	s3 =	sld [smem:$0x3FFD];
	_ =	sdelay $0x3  }
0x96: {  	_ =	strace s3  }
0x97: {  	_ =	strace $0x8FFFFFFF  }
0x98: {  	s19 =	sld [smem:$0x3FDB];
	_ =	sdelay $0x1  }
0x99: {  	s4 =	simm.s32 $_scs_section_size  }
0x9a: {  	s5 =	simm.s32 $_size__tile_overlayer_lowered;
	s6 =	simm.s32 $_tile_overlayer_lowered  }
0x9b: {  	s22 =	simm.s32 $0x1BFF;
	s21 =	sshll.u32 s6, $0x1;
	s3 =	sadd.s32 s4, s19  }
0x9c: {  	s7 =	simm.s32 $0x0;
	s20 =	sshll.u32 s5, $0x1;
	s5 =	sadd.s32 s21, s3  }
0x9d: {  	[timem:s7], [sflag:s22] =	dma.local [hbm:s5], s20  }
0x9e: {  	_ =	swait.ge [sflag:s22], s20  }
0x9f: {  	s4 =	ssub.s32 $0x0, s20;
	[sflag:s22] =	ssyncset.done $0x0  }
0xa0: {  	[sflag:s22] =	ssyncadd.s32 s4;
	_ =	sdelay $0x1  }
0xa1: {  	s23 =	simm.s32 $0x1B8B  }
0xa2: {  	_ =	swait.ge [sflag:s23], $0x1  }
0xa3: {  	[sflag:s23] =	ssyncset.done $0x0  }
0xa4: {  	s25 =	simm.s32 $0x1B8E;
	s24 =	sld [smem:$0x3FFE];
	[sflag:s23] =	ssyncadd.s32 $0xFFFFFFFF  }
0xa5: {  	s26 =	simm.s32 $execute0_lowered;
	[smem:$0x3FD2] =	sst s25  }
0xa6: {  	s5 =	sshll.u32 s26, $0x1;
	_ =	strace $0x80000046;
	[dreg:$0x1] =	wrdreg $0xFFFFFFFF  }
0xa7: {  	s28 =	simm.s32 $_size_execute0_lowered;
	s3 =	sadd.s32 s3, s5;
	[dreg:$0x0] =	wrdreg $0x0  }
0xa8: {  	s5 =	sshll.u32 s28, $0x1;
	[dreg:$0x2] =	wrdreg s3  }
0xa9: {  	[dreg:$0x3] =	wrdreg s5  }
0xaa: {  	[dreg:$0x4] =	wrdreg $0xC0  }
0xab: {  	_ =	task [dreg:s7], $0x5FFFF  }
0xac: {  	[dreg:$0x1] =	wrdreg $0xFFFFFFFF  }
0xad: {  	[dreg:$0x0] =	wrdreg $0x60  }
0xae: {  	[dreg:$0x2] =	wrdreg s2  }
0xaf: {  	[dreg:$0x3] =	wrdreg s24  }
0xb0: {  	[dreg:$0x4] =	wrdreg $0x9  }
0xb1: {  	_ =	task.clear_ibuf [dreg:s7], $0x5FFFF;
	_ =	strace $0x90000046  }
0xb2: {  	s29 =	simm.s32 $0x9;
	_ =	strace $0x80000048  }
0xb3: {  	_ =	swait.ge [sflag:s29], $0x1  }
0xb4: {  	[sflag:s29] =	ssyncadd.s32 $0xFFFFFFFF  }
0xb5: {  	_ =	strace $0x90000048  }
0xb6: {  	_ =	sfence  }
0xb7: {  	s30 =	sld [smem:$0x0];
	_ =	sdelay $0x2  }
0xb8: {  	s31 =	sshll.u32 s1, $0xD;
	s1 =	sshrl.u32 s1, $0x2  }
0xb9: {  	s3 =	sand.u32 $0x4000, s31;
	s1 =	sadd.s32 s1, s30  }
0xba: {  	s0 =	sor.u32 s3, s0;
	s1 =	sshll.u32 s1, $0x11  }
0xbb: {  	s0 =	sor.u32 s1, s0  }
0xbc: {  	s0 =	sadd.s32 $0x8F2B, s0  }
0xbd: {  	[sflag:s0] =	ssyncadd.remote.s32 $0x1  }
0xbe: {  	_ =	sfence.sel $0xFFFF  }
0xbf: {  	[dreg:$0x0] =	wrdreg $0xFFFFFFFF;
	(pc) =	sbr.abs _section_cstart, $3  }
0xc0: {  	[dreg:$0x1] =	wrdreg $0xFFFFFFFF  }
0xc1: {  	_ =	task.clear_ibuf [dreg:s7], $0x2FFFF;
	_ =	strace $0x9FFFFFFF  }
0xc2: {  	(tm) =	ssettm $0x7FFFFFFF  }
0xc3: {  	_ =	shalt  }
tec
execute0_lowered:
.L_overlay_start_1:
0x0: {  	(tag) =	ssettag $0x1  }
0x1: {  	s2 =	rddreg [dreg:$0x0]  }
0x2: {  	s0 =	rddreg [dreg:$0x1];
	s1 =	srdreg.scid  }
0x3: {  	s4 =	stileid.u32;
	s3 =	simm.s32 $0x0;
	s16 =	simm.s32 $0x800  }
0x4: {  	s17 =	simm.s32 $0x1000;
	s18 =	simm.s32 $0x1800;
	s1 =	sand.u32 $0x1, s1  }
0x5: {  	s28 =	simm.s32 $0xA000;
	s4 =	sshll.u32 s4, $0x1;
	s6 =	ssub.s32 $0x2, s1  }
0x6: {  	s29 =	simm.s32 $0x3;
	s4 =	sor.u32 s1, s4;
	s19 =	sshrl.u32 s6, $0x1  }
0x7: {  	[smem:$0x7FF] =	sst s3;
	s7 =	sshll.u32 s4, $0x7;
	s20 =	ssub.s32 s6, s19  }
0x8: {  	s5 =	sadd.s32 $0x800, s0;
	s6 =	sadd.s32 s2, s7;
	s0 =	smax.u32 s20, $0x1  }
0x9: {  	_ =	strace $0x80000047;
	s21 =	sadd.s32 $0x18700, s6;
	[dreg:$0x3] =	wrdreg s0  }
0xa: {  	s30 =	simm.s32 $0x4;
	s22 =	sadd.s32 $0x30E00, s6;
	[dreg:$0x4] =	wrdreg s21  }
0xb: {  	s31 =	simm.s32 $0x0;
	s23 =	sadd.s32 $0x49500, s6;
	[dreg:$0x5] =	wrdreg s22  }
0xc: {  	v0 =	vlaneseq.u32;
	s7 =	sadd.s32 $0x1000, s2;
	s24 =	sadd.s32 $0x61C00, s6;
	[dreg:$0x6] =	wrdreg s23  }
.Ltmp0:
0xd: {  	v0 =	vmul.u32 $0x81, v0;
	s25 =	sadd.s32 $0x7A300, s6;
	[dreg:$0x7] =	wrdreg s24;
	(pc) =	sbr.rel .LBB2_1-.Ltmp0, $4  }
0xe: {  	s19 =	simm.s32 $0x2000;
	s26 =	sadd.s32 $0x92A00, s6;
	[dreg:$0x8] =	wrdreg s25  }
0xf: {  	v1 =	vadd.s32 $0x810, v0;
	s15 =	sadd.s32 $0xAB100, s6;
	s20 =	simm.s32 $0x2800;
	[dreg:$0x9] =	wrdreg s26  }
0x10: {  	v2 =	vadd.s32 $0x1020, v0;
	v3 =	vadd.s32 $0x1830, v0;
	v4 =	vadd.s32 $0x1, v0;
	s21 =	simm.s32 $0x3000;
	s22 =	simm.s32 $0x3800;
	s23 =	simm.s32 $0x1  }
0x11: {  	v5 =	vadd.s32 $0x811, v0;
	v6 =	vadd.s32 $0x1021, v0;
	v7 =	vadd.s32 $0x1831, v0;
	s24 =	simm.s32 $0x8000;
	s25 =	simm.s32 $0x2;
	s26 =	simm.s32 $0x4000  }
.LBB2_12:
0x12: {  	_ =	swait.ge [sflag:s29], $0x2000  }
0x13: {  	[sflag:s29] =	ssyncset.done $0x0  }
0x14: {  	[sflag:s29] =	ssyncadd.s32 $0xFFFFE000  }
0x15: {  	_ =	swait.ge [sflag:s30], $0x2000  }
0x16: {  	s31 =	sadd.s32 $0x1, s31;
	s0 =	rddreg [dreg:$0x3]  }
0x17: {  	p0 =	sne.s32 s31, s0  }
.Ltmp1:
0x18: {  	_ = 	snop;
	(pc) =	sbr.rel @!p0 .LBB2_13-.Ltmp1, $3  }
0x19: {  	_ =	sdelay $0x1  }
0x1a: {  	[sflag:s30] =	ssyncset.done $0x0  }
0x1b: {  	[sflag:s30] =	ssyncadd.s32 $0xFFFFE000  }
.LBB2_1:
0x1c: {  	[tilespmem:s3], [sflag:$0x1] =	stream.linear.gather [hbm4b:s6+s3], $0x400, $0x38;
	[tilespmem:$0xC000] =	vst v63  }
0x1d: {  	s0 =	rddreg [dreg:$0x4]  }
0x1e: {  	[tilespmem:s16], [sflag:$0x1] =	stream.linear.gather [hbm4b:s0+s3], $0x400, $0x38;
	[tilespmem:$0xC000] =	vst v63  }
0x1f: {  	s10 =	rddreg [dreg:$0x5]  }
0x20: {  	[tilespmem:s17], [sflag:$0x1] =	stream.linear.gather [hbm4b:s10+s3], $0x400, $0x38;
	[tilespmem:$0xC000] =	vst v63  }
0x21: {  	s11 =	rddreg [dreg:$0x6]  }
0x22: {  	[tilespmem:s18], [sflag:$0x1] =	stream.linear.gather [hbm4b:s11+s3], $0x400, $0x38;
	[tilespmem:$0xC000] =	vst v63  }
0x23: {  	s12 =	rddreg [dreg:$0x7]  }
0x24: {  	[tilespmem:s19], [sflag:$0x1] =	stream.linear.gather [hbm4b:s12+s3], $0x400, $0x38;
	[tilespmem:$0xC000] =	vst v63  }
0x25: {  	s13 =	rddreg [dreg:$0x8]  }
0x26: {  	[tilespmem:s20], [sflag:$0x1] =	stream.linear.gather [hbm4b:s13+s3], $0x400, $0x38;
	[tilespmem:$0xC000] =	vst v63  }
.Ltmp2:
0x27: {  	_ = 	snop;
	(pc) =	sbr.rel .LBB2_2-.Ltmp2, $4  }
0x28: {  	s14 =	rddreg [dreg:$0x9]  }
0x29: {  	[tilespmem:s21], [sflag:$0x1] =	stream.linear.gather [hbm4b:s14+s3], $0x400, $0x38;
	[tilespmem:$0xC000] =	vst v63  }
0x2a: {  	s0 =	simm.s32 $0x0  }
0x2b: {  	[tilespmem:s22], [sflag:$0x1] =	stream.linear.gather [hbm4b:s15+s3], $0x400, $0x38;
	[tilespmem:$0xC000] =	vst v63  }
.LBB2_11:
0x2c: {  	s0 =	sadd.s32 $0x1, s0  }
0x2d: {  	p0 =	sne.s32 s0, $0xD  }
.Ltmp3:
0x2e: {  	_ = 	snop;
	(pc) =	sbr.rel @!p0 .LBB2_12-.Ltmp3, $1  }
0x2f: {  	_ =	sdelay $0x3  }
.LBB2_2:
0x30: {  	s1 =	sshll.u32 s0, $0x6  }
0x31: {  	s8 =	sor.u32 s4, s1  }
0x32: {  	s1 =	sor.u32 $0x20, s8  }
0x33: {  	p1 =	sgt.u32 s1, $0x30D  }
0x34: {  	s9 =	sshll.u32 @!p1 s1, $0x7  }
0x35: {  	s10 =	simm.s32 @!p1 $0x0;
	s11 =	simm.s32 @!p1 $0x4000;
	s9 =	sadd.s32 @!p1 s2, s9  }
0x36: {  	[tilespmem:s11], [sflag:$0x2] =	stream.linear.gather @!p1 [hbm4b:s9+s10], $0x400, $0x38;
	[tilespmem:$0xC000] =	vst v63  }
0x37: {  	s12 =	simm.s32 @!p1 $0x4800;
	s11 =	sadd.s32 @!p1 $0x18700, s9  }
0x38: {  	[tilespmem:s12], [sflag:$0x2] =	stream.linear.gather @!p1 [hbm4b:s11+s10], $0x400, $0x38;
	[tilespmem:$0xC000] =	vst v63  }
0x39: {  	s11 =	sadd.s32 @!p1 $0x30E00, s9;
	s12 =	simm.s32 @!p1 $0x5000  }
0x3a: {  	[tilespmem:s12], [sflag:$0x2] =	stream.linear.gather @!p1 [hbm4b:s11+s10], $0x400, $0x38;
	[tilespmem:$0xC000] =	vst v63  }
0x3b: {  	s11 =	sadd.s32 @!p1 $0x49500, s9;
	s12 =	simm.s32 @!p1 $0x5800  }
0x3c: {  	[tilespmem:s12], [sflag:$0x2] =	stream.linear.gather @!p1 [hbm4b:s11+s10], $0x400, $0x38;
	[tilespmem:$0xC000] =	vst v63  }
0x3d: {  	s11 =	sadd.s32 @!p1 $0x61C00, s9;
	s12 =	simm.s32 @!p1 $0x6000  }
0x3e: {  	[tilespmem:s12], [sflag:$0x2] =	stream.linear.gather @!p1 [hbm4b:s11+s10], $0x400, $0x38;
	[tilespmem:$0xC000] =	vst v63  }
0x3f: {  	p0 =	sgt.u32 s8, $0x30D;
	s11 =	sadd.s32 @!p1 $0x7A300, s9;
	s12 =	simm.s32 @!p1 $0x6800  }
0x40: {  	[tilespmem:s12], [sflag:$0x2] =	stream.linear.gather @!p1 [hbm4b:s11+s10], $0x400, $0x38;
	[tilespmem:$0xC000] =	vst v63  }
.Ltmp4:
0x41: {  	_ = 	snop;
	(pc) =	sbr.rel @p0 .LBB2_11-.Ltmp4, $4  }
0x42: {  	s11 =	sadd.s32 @!p1 $0x92A00, s9;
	s12 =	simm.s32 @!p1 $0x7000  }
0x43: {  	[tilespmem:s12], [sflag:$0x2] =	stream.linear.gather @!p1 [hbm4b:s11+s10], $0x400, $0x38;
	[tilespmem:$0xC000] =	vst v63  }
0x44: {  	s9 =	sadd.s32 @!p1 $0xAB100, s9;
	s11 =	simm.s32 @!p1 $0x7800  }
0x45: {  	[tilespmem:s11], [sflag:$0x2] =	stream.linear.gather @!p1 [hbm4b:s9+s10], $0x400, $0x38;
	[tilespmem:$0xC000] =	vst v63  }
0x46: {  	s11 =	simm.s32 $0x0  }
0x47: {  	s13 =	simm.s32 $0x2;
	s10 =	simm.s32 $0x6;
	v8 =	vadd.s32 s11, v0;
	v9 =	vadd.s32 s11, v1  }
0x48: {  	s12 =	simm.s32 $0x4;
	v10 =	vadd.s32 s11, v2;
	v12 =	vadd.s32 s13, v0;
	v13 =	vadd.s32 s10, v0  }
0x49: {  	v15 =	vadd.s32 s12, v0;
	v18 =	vadd.s32 s10, v1;
	v22 =	vadd.s32 s10, v2  }
0x4a: {  	v42 =	vadd.s32 s12, v3;
	v45 =	vadd.s32 s12, v4;
	v50 =	vadd.s32 s10, v4  }
0x4b: {  	v51 =	vadd.s32 s11, v5;
	v54 =	vadd.s32 s10, v5;
	v63 =	vadd.s32 s10, v7  }
0x4c: {  	v11 =	vshll.u32 v8, $0x3;
	v14 =	vshll.u32 v12, $0x3;
	v16 =	vshll.u32 v13, $0x3  }
0x4d: {  	v17 =	vshll.u32 v15, $0x3;
	v13 =	vand.u32 $0x7F, v13;
	v12 =	vand.u32 $0x7F, v12  }
0x4e: {  	v15 =	vand.u32 $0x7F, v15;
	v8 =	vand.u32 $0x7F, v8;
	v19 =	vshll.u32 v9, $0x3  }
0x4f: {  	v20 =	vshll.u32 v18, $0x3;
	v18 =	vand.u32 $0x7F, v18;
	v9 =	vand.u32 $0x7F, v9  }
0x50: {  	_ =	swait.ge [sflag:s23], $0x2000;
	v41 =	vshll.u32 v10, $0x3;
	v23 =	vshll.u32 v22, $0x3;
	v16 =	vand.u32 $0x7FFFFC00, v16  }
0x51: {  	p0 =	seq.s32 s0, $0x0;
	[sflag:s23] =	ssyncset.done $0x0;
	v22 =	vand.u32 $0x7F, v22;
	v14 =	vand.u32 $0x7FFFFC00, v14;
	v13 =	vor.u32 v13, v16  }
0x52: {  	s9 =	simm.s32 @!p0 $0x3;
	[sflag:s23] =	ssyncadd.s32 $0xFFFFE000;
	v10 =	vand.u32 $0x7F, v10;
	v17 =	vand.u32 $0x7FFFFC00, v17;
	v12 =	vor.u32 v12, v14  }
0x53: {  	v44 =	vshll.u32 v42, $0x3;
	v11 =	vand.u32 $0x7C00, v11;
	_ =	swait.ge @!p0 [sflag:s9], $0x2000;
	v14 =	vor.u32 v15, v17  }
0x54: {  	v48 =	vshll.u32 v45, $0x3;
	v53 =	vshll.u32 v51, $0x3;
	v8 =	vor.u32 v8, v11;
	[sflag:s9] =	ssyncset.done @!p0 $0x0  }
0x55: {  	v55 =	vand.u32 $0x7F, v54;
	v20 =	vand.u32 $0x7FFFFC00, v20;
	v15 =	vadd.s32 s13, v1;
	[sflag:s9] =	ssyncadd.s32 @!p0 $0xFFFFE000  }
0x56: {  	v16 =	vadd.s32 s12, v1;
	v18 =	vor.u32 v18, v20;
	v11 =	vshll.u32 v15, $0x3;
	v13 =	vld.idx.msk [tilespmem:v13+s3+$0x0], $0xffff  }
0x57: {  	v17 =	vshll.u32 v16, $0x3;
	v15 =	vand.u32 $0x7F, v15;
	v11 =	vand.u32 $0x7FFFFC00, v11;
	v12 =	vld.idx.msk [tilespmem:v12+s3+$0x0], $0xffff  }
0x58: {  	v17 =	vand.u32 $0x7FFFFC00, v17;
	v11 =	vor.u32 v15, v11;
	v15 =	vand.u32 $0x7F, v16;
	v14 =	vld.idx.msk [tilespmem:v14+s3+$0x0], $0xffff  }
0x59: {  	v19 =	vand.u32 $0xFC00, v19;
	v23 =	vand.u32 $0x7FFFFC00, v23;
	v15 =	vor.u32 v15, v17;
	v8 =	vld.idx.msk [tilespmem:v8+s3+$0x0], $0xffff  }
0x5a: {  	v49 =	vand.u32 $0x7FFFFC00, v48;
	v9 =	vor.u32 v9, v19;
	v19 =	vadd.s32 s12, v2;
	s9 =	simm.s32 $0x8100  }
0x5b: {  	v20 =	vand.u32 $0xFC00, v41;
	v22 =	vor.u32 v22, v23;
	v16 =	vadd.s32 s13, v2;
	[tilespmem:s9+$0x80] =	vst v13  }
0x5c: {  	v23 =	vand.u32 $0x7FFFFC00, v44;
	v21 =	vshll.u32 v19, $0x3;
	v17 =	vshll.u32 v16, $0x3;
	[tilespmem:s9+$0xFFFFFF80] =	vst v12;
	v18 =	vld.idx.msk [tilespmem:v18+s3+$0x0], $0xffff  }
0x5d: {  	v19 =	vand.u32 $0x7F, v19;
	v16 =	vand.u32 $0x7F, v16;
	v17 =	vand.u32 $0x7FFFFC00, v17;
	[tilespmem:s9+$0x0] =	vst v14;
	v11 =	vld.idx.msk [tilespmem:v11+s3+$0x0], $0xffff  }
0x5e: {  	v10 =	vor.u32 v10, v20;
	v21 =	vand.u32 $0x7FFFFC00, v21;
	v16 =	vor.u32 v16, v17;
	[tilespmem:s9+$0xFFFFFF00] =	vst v8;
	v15 =	vld.idx.msk [tilespmem:v15+s3+$0x0], $0xffff  }
0x5f: {  	v20 =	vand.u32 $0x7F, v42;
	v19 =	vor.u32 v19, v21;
	v17 =	vadd.s32 s13, v3;
	v9 =	vld.idx.msk [tilespmem:v9+s3+$0x0], $0xffff  }
0x60: {  	v43 =	vshll.u32 v17, $0x3;
	v17 =	vand.u32 $0x7F, v17;
	v14 =	vadd.s32 s10, v3  }
0x61: {  	v21 =	vand.u32 $0x7FFFFC00, v43;
	v13 =	vadd.s32 s11, v3;
	v24 =	vshll.u32 v14, $0x3;
	[tilespmem:s9+$0x90] =	vst v18  }
0x62: {  	v12 =	vshll.u32 v13, $0x3;
	v14 =	vand.u32 $0x7F, v14;
	v8 =	vand.u32 $0x7FFFFC00, v24;
	[tilespmem:s9+$0xFFFFFF90] =	vst v11;
	v46 =	vld.idx.msk [tilespmem:v22+s3+$0x0], $0xffff  }
0x63: {  	v13 =	vand.u32 $0x7F, v13;
	v12 =	vand.u32 $0x1FC00, v12;
	v8 =	vor.u32 v14, v8;
	[tilespmem:s9+$0x10] =	vst v15;
	v16 =	vld.idx.msk [tilespmem:v16+s3+$0x0], $0xffff  }
0x64: {  	v17 =	vor.u32 v17, v21;
	v12 =	vor.u32 v13, v12;
	v13 =	vadd.s32 s13, v4;
	[tilespmem:s9+$0xFFFFFF10] =	vst v9;
	v19 =	vld.idx.msk [tilespmem:v19+s3+$0x0], $0xffff  }
0x65: {  	v14 =	vor.u32 v20, v23;
	v20 =	vand.u32 $0x7F, v45;
	v23 =	vand.u32 $0x7F, v50;
	v10 =	vld.idx.msk [tilespmem:v10+s3+$0x0], $0xffff  }
0x66: {  	v18 =	vadd.s32 s11, v4;
	v11 =	vshll.u32 v13, $0x3;
	v13 =	vand.u32 $0x7F, v13  }
0x67: {  	v9 =	vshll.u32 v50, $0x3;
	v47 =	vshll.u32 v18, $0x3;
	v11 =	vand.u32 $0x7FFFFC00, v11;
	[tilespmem:s9+$0xA0] =	vst v46  }
0x68: {  	v18 =	vand.u32 $0x7F, v18;
	v9 =	vand.u32 $0x7FFFFC00, v9;
	v22 =	vand.u32 $0xFC00, v53;
	[tilespmem:s9+$0xFFFFFFA0] =	vst v16;
	v8 =	vld.idx.msk [tilespmem:v8+s3+$0x0], $0xffff  }
0x69: {  	v15 =	vand.u32 $0x7C00, v47;
	v11 =	vor.u32 v13, v11;
	v9 =	vor.u32 v23, v9;
	[tilespmem:s9+$0x20] =	vst v19;
	v17 =	vld.idx.msk [tilespmem:v17+s3+$0x0], $0xffff  }
0x6a: {  	v13 =	vadd.s32 s13, v5;
	v15 =	vor.u32 v18, v15;
	v18 =	vor.u32 v20, v49;
	[tilespmem:s9+$0xFFFFFF20] =	vst v10;
	v14 =	vld.idx.msk [tilespmem:v14+s3+$0x0], $0xffff  }
0x6b: {  	v52 =	vshll.u32 v13, $0x3;
	v13 =	vand.u32 $0x7F, v13;
	v16 =	vadd.s32 s12, v5;
	v12 =	vld.idx.msk [tilespmem:v12+s3+$0x0], $0xffff  }
0x6c: {  	v20 =	vand.u32 $0x7F, v51;
	v21 =	vand.u32 $0x7FFFFC00, v52;
	v19 =	vshll.u32 v16, $0x3  }
0x6d: {  	v10 =	vor.u32 v13, v21;
	v16 =	vand.u32 $0x7F, v16;
	v19 =	vand.u32 $0x7FFFFC00, v19;
	[tilespmem:s9+$0xB0] =	vst v8  }
0x6e: {  	v13 =	vshll.u32 v54, $0x3;
	v16 =	vor.u32 v16, v19;
	v19 =	vor.u32 v20, v22;
	[tilespmem:s9+$0xFFFFFFB0] =	vst v17  }
0x6f: {  	v8 =	vand.u32 $0x7FFFFC00, v13;
	v13 =	vadd.s32 s13, v6;
	[tilespmem:s9+$0x30] =	vst v14;
	v14 =	vadd.s32 s12, v6;
	v9 =	vld.idx.msk [tilespmem:v9+s3+$0x0], $0xffff  }
0x70: {  	[tilespmem:s9+$0xFFFFFF30] =	vst v12;
	v12 =	vadd.s32 s10, v6;
	v17 =	vor.u32 v55, v8;
	v11 =	vld.idx.msk [tilespmem:v11+s3+$0x0], $0xffff;
	v57 =	vshll.u32 v13, $0x3  }
0x71: {  	v8 =	vadd.s32 s11, v6;
	v18 =	vld.idx.msk [tilespmem:v18+s3+$0x0], $0xffff;
	v13 =	vand.u32 $0x7F, v13;
	v21 =	vand.u32 $0x7FFFFC00, v57  }
0x72: {  	v58 =	vshll.u32 v14, $0x3;
	v14 =	vand.u32 $0x7F, v14;
	v21 =	vor.u32 v13, v21;
	v13 =	vld.idx.msk [tilespmem:v15+s3+$0x0], $0xffff  }
0x73: {  	v56 =	vshll.u32 v8, $0x3;
	v22 =	vand.u32 $0x7FFFFC00, v58;
	v59 =	vand.u32 $0x7F, v8  }
0x74: {  	v20 =	vand.u32 $0xFC00, v56;
	v8 =	vor.u32 v14, v22;
	[tilespmem:s9+$0xC0] =	vst v9;
	v9 =	vshll.u32 v12, $0x3  }
0x75: {  	v15 =	vadd.s32 s13, v7;
	v12 =	vand.u32 $0x7F, v12;
	[tilespmem:s9+$0xFFFFFFC0] =	vst v11;
	v14 =	vld.idx.msk [tilespmem:v17+s3+$0x0], $0xffff;
	v11 =	vand.u32 $0x7FFFFC00, v9  }
0x76: {  	[tilespmem:s9+$0x40] =	vst v18;
	v18 =	vadd.s32 s12, v7;
	v9 =	vor.u32 v59, v20;
	v17 =	vld.idx.msk [tilespmem:v10+s3+$0x0], $0xffff;
	v11 =	vor.u32 v12, v11  }
0x77: {  	v10 =	vadd.s32 s11, v7;
	v16 =	vld.idx.msk [tilespmem:v16+s3+$0x0], $0xffff;
	v61 =	vshll.u32 v18, $0x3;
	v12 =	vshll.u32 v15, $0x3;
	[tilespmem:s9+$0xFFFFFF40] =	vst v13  }
0x78: {  	v60 =	vshll.u32 v10, $0x3;
	v15 =	vand.u32 $0x7F, v15;
	v22 =	vand.u32 $0x7FFFFC00, v61;
	v13 =	vld.idx.msk [tilespmem:v19+s3+$0x0], $0xffff  }
0x79: {  	v62 =	vand.u32 $0x7F, v10;
	v10 =	vand.u32 $0x7F, v18;
	v12 =	vand.u32 $0x7FFFFC00, v12  }
0x7a: {  	v20 =	vand.u32 $0x1FC00, v60;
	v12 =	vor.u32 v15, v12;
	v15 =	vshll.u32 v63, $0x3;
	[tilespmem:s9+$0xD0] =	vst v14  }
0x7b: {  	v10 =	vor.u32 v10, v22;
	v18 =	vand.u32 $0x7FFFFC00, v15;
	[tilespmem:s9+$0xFFFFFFD0] =	vst v17;
	v17 =	vand.u32 $0x7F, v63;
	v14 =	vld.idx.msk [tilespmem:v11+s3+$0x0], $0xffff  }
0x7c: {  	s10 =	simm.s32 $0x0;
	s11 =	simm.s32 $0x8;
	[tilespmem:s9+$0x50] =	vst v16;
	v11 =	vor.u32 v62, v20;
	v15 =	vld.idx.msk [tilespmem:v21+s3+$0x0], $0xffff;
	v16 =	vor.u32 v17, v18  }
.LBB2_4:
0x7d: {  	v17 =	vadd.s32 s11, v0;
	v18 =	vadd.s32 s11, v1;
	v19 =	vadd.s32 s11, v2;
	s13 =	sadd.s32 $0x2, s11;
	s12 =	sadd.s32 $0x6, s11;
	s10 =	sadd.s32 $0x4, s10;
	[tilespmem:s9+$0xFFFFFF50] =	vst v13;
	v8 =	vld.idx.msk [tilespmem:v8+s3+$0x0], $0xffff  }
0x7e: {  	s14 =	sadd.s32 $0x4, s11;
	v13 =	vshll.u32 v17, $0x3;
	v20 =	vadd.s32 s13, v0;
	v21 =	vadd.s32 s12, v0;
	p2 =	slt.u32 s10, $0x3C;
	v9 =	vld.idx.msk [tilespmem:v9+s3+$0x0], $0xffff  }
0x7f: {  	v23 =	vadd.s32 s14, v0;
	v22 =	vshll.u32 v20, $0x3;
	v24 =	vshll.u32 v21, $0x3  }
0x80: {  	v25 =	vshll.u32 v23, $0x3;
	v21 =	vand.u32 $0x7F, v21;
	v24 =	vand.u32 $0x7FFFFC00, v24;
	[tilespmem:s9+$0xE0] =	vst v14  }
0x81: {  	v14 =	vand.u32 $0x7FFFFC00, v22;
	v22 =	vand.u32 $0x7FFFFC00, v25;
	v21 =	vor.u32 v21, v24;
	v16 =	vld.idx.msk [tilespmem:v16+s3+$0x0], $0xffff  }
0x82: {  	v13 =	vand.u32 $0x7C00, v13;
	v20 =	vand.u32 $0x7F, v20;
	v23 =	vand.u32 $0x7F, v23;
	[tilespmem:s9+$0xFFFFFFE0] =	vst v15  }
0x83: {  	v14 =	vor.u32 v20, v14;
	v15 =	vand.u32 $0x7F, v17;
	v17 =	vor.u32 v23, v22;
	v12 =	vld.idx.msk [tilespmem:v12+s3+$0x0], $0xffff;
	[tilespmem:s9+$0x60] =	vst v8  }
0x84: {  	v8 =	vor.u32 v15, v13;
	v13 =	vadd.s32 s13, v1;
	v15 =	vadd.s32 s14, v1;
	[tilespmem:s9+$0xFFFFFF60] =	vst v9;
	v9 =	vld.idx.msk [tilespmem:v10+s3+$0x0], $0xffff  }
0x85: {  	v22 =	vadd.s32 s12, v1;
	v10 =	vshll.u32 v13, $0x3;
	v20 =	vshll.u32 v15, $0x3;
	v11 =	vld.idx.msk [tilespmem:v11+s3+$0x0], $0xffff  }
0x86: {  	v23 =	vshll.u32 v18, $0x3;
	v24 =	vshll.u32 v22, $0x3;
	v10 =	vand.u32 $0x7FFFFC00, v10;
	v21 =	vld.idx.msk [tilespmem:v21+s3+$0x0], $0xffff  }
0x87: {  	v22 =	vand.u32 $0x7F, v22;
	v24 =	vand.u32 $0x7FFFFC00, v24;
	v20 =	vand.u32 $0x7FFFFC00, v20;
	[tilespmem:s9+$0xF0] =	vst v16  }
0x88: {  	v13 =	vand.u32 $0x7F, v13;
	v22 =	vor.u32 v22, v24;
	v16 =	vand.u32 $0xFC00, v23;
	v14 =	vld.idx.msk [tilespmem:v14+s3+$0x0], $0xffff  }
0x89: {  	v18 =	vand.u32 $0x7F, v18;
	v15 =	vand.u32 $0x7F, v15;
	v10 =	vor.u32 v13, v10;
	v13 =	vld.idx.msk [tilespmem:v17+s3+$0x0], $0xffff;
	[tilespmem:s9+$0xFFFFFFF0] =	vst v12  }
0x8a: {  	v15 =	vor.u32 v15, v20;
	v12 =	vor.u32 v18, v16;
	v16 =	vadd.s32 s13, v2;
	v8 =	vld.idx.msk [tilespmem:v8+s3+$0x0], $0xffff;
	[tilespmem:s9+$0x70] =	vst v9  }
0x8b: {  	v18 =	vadd.s32 s14, v2;
	v9 =	vshll.u32 v19, $0x3;
	v17 =	vshll.u32 v16, $0x3;
	[tilespmem:s9+$0xFFFFFF70] =	vst v11;
	s9 =	sadd.s32 $0x200, s9  }
0x8c: {  	v20 =	vadd.s32 s12, v2;
	v11 =	vand.u32 $0x7FFFFC00, v17;
	v17 =	vshll.u32 v18, $0x3;
	[tilespmem:s9+$0x80] =	vst v21  }
0x8d: {  	v9 =	vand.u32 $0xFC00, v9;
	v17 =	vand.u32 $0x7FFFFC00, v17;
	v21 =	vld.idx.msk [tilespmem:v22+s3+$0x0], $0xffff;
	v22 =	vshll.u32 v20, $0x3  }
0x8e: {  	[tilespmem:s9+$0xFFFFFF80] =	vst v14;
	v14 =	vand.u32 $0x7F, v16;
	v16 =	vand.u32 $0x7F, v20;
	v20 =	vand.u32 $0x7FFFFC00, v22  }
0x8f: {  	v19 =	vand.u32 $0x7F, v19;
	v10 =	vld.idx.msk [tilespmem:v10+s3+$0x0], $0xffff;
	[tilespmem:s9+$0x0] =	vst v13;
	v13 =	vand.u32 $0x7F, v18;
	v16 =	vor.u32 v16, v20  }
0x90: {  	[tilespmem:s9+$0xFFFFFF00] =	vst v8;
	v8 =	vor.u32 v14, v11;
	v11 =	vadd.s32 s13, v3;
	v14 =	vld.idx.msk [tilespmem:v15+s3+$0x0], $0xffff;
	v13 =	vor.u32 v13, v17  }
0x91: {  	v9 =	vor.u32 v19, v9;
	v15 =	vadd.s32 s11, v3;
	v17 =	vadd.s32 s14, v3;
	v12 =	vld.idx.msk [tilespmem:v12+s3+$0x0], $0xffff  }
0x92: {  	v18 =	vshll.u32 v15, $0x3;
	v19 =	vshll.u32 v11, $0x3;
	v20 =	vshll.u32 v17, $0x3  }
0x93: {  	v19 =	vand.u32 $0x7FFFFC00, v19;
	v20 =	vand.u32 $0x7FFFFC00, v20;
	[tilespmem:s9+$0x90] =	vst v21;
	v21 =	vadd.s32 s12, v3  }
0x94: {  	v11 =	vand.u32 $0x7F, v11;
	v18 =	vand.u32 $0x1FC00, v18;
	v16 =	vld.idx.msk [tilespmem:v16+s3+$0x0], $0xffff;
	v22 =	vshll.u32 v21, $0x3  }
0x95: {  	[tilespmem:s9+$0xFFFFFF90] =	vst v10;
	v10 =	vand.u32 $0x7F, v17;
	v17 =	vand.u32 $0x7F, v21;
	v21 =	vand.u32 $0x7FFFFC00, v22  }
0x96: {  	v15 =	vand.u32 $0x7F, v15;
	v11 =	vor.u32 v11, v19;
	v8 =	vld.idx.msk [tilespmem:v8+s3+$0x0], $0xffff;
	[tilespmem:s9+$0x10] =	vst v14;
	v14 =	vor.u32 v17, v21  }
0x97: {  	v10 =	vor.u32 v10, v20;
	[tilespmem:s9+$0xFFFFFF10] =	vst v12;
	v12 =	vor.u32 v15, v18;
	v15 =	vadd.s32 s13, v4;
	v13 =	vld.idx.msk [tilespmem:v13+s3+$0x0], $0xffff  }
0x98: {  	v19 =	vadd.s32 s14, v4;
	v17 =	vadd.s32 s11, v4;
	v9 =	vld.idx.msk [tilespmem:v9+s3+$0x0], $0xffff;
	v18 =	vshll.u32 v15, $0x3  }
0x99: {  	v21 =	vshll.u32 v19, $0x3;
	v20 =	vshll.u32 v17, $0x3;
	v18 =	vand.u32 $0x7FFFFC00, v18  }
0x9a: {  	v21 =	vand.u32 $0x7FFFFC00, v21;
	v20 =	vand.u32 $0x7C00, v20;
	[tilespmem:s9+$0xA0] =	vst v16;
	v16 =	vadd.s32 s12, v4  }
0x9b: {  	v19 =	vand.u32 $0x7F, v19;
	v15 =	vand.u32 $0x7F, v15;
	v14 =	vld.idx.msk [tilespmem:v14+s3+$0x0], $0xffff;
	v22 =	vshll.u32 v16, $0x3  }
0x9c: {  	v17 =	vand.u32 $0x7F, v17;
	[tilespmem:s9+$0xFFFFFFA0] =	vst v8;
	v8 =	vand.u32 $0x7F, v16;
	v16 =	vand.u32 $0x7FFFFC00, v22  }
0x9d: {  	v15 =	vor.u32 v15, v18;
	v18 =	vadd.s32 s13, v5;
	v11 =	vld.idx.msk [tilespmem:v11+s3+$0x0], $0xffff;
	[tilespmem:s9+$0x20] =	vst v13;
	v8 =	vor.u32 v8, v16  }
0x9e: {  	v13 =	vor.u32 v19, v21;
	v16 =	vadd.s32 s14, v5;
	[tilespmem:s9+$0xFFFFFF20] =	vst v9;
	v9 =	vor.u32 v17, v20;
	v10 =	vld.idx.msk [tilespmem:v10+s3+$0x0], $0xffff  }
0x9f: {  	v19 =	vshll.u32 v18, $0x3;
	v17 =	vadd.s32 s11, v5;
	v20 =	vshll.u32 v16, $0x3;
	v12 =	vld.idx.msk [tilespmem:v12+s3+$0x0], $0xffff  }
0xa0: {  	v19 =	vand.u32 $0x7FFFFC00, v19;
	v21 =	vshll.u32 v17, $0x3;
	v20 =	vand.u32 $0x7FFFFC00, v20  }
0xa1: {  	v18 =	vand.u32 $0x7F, v18;
	v21 =	vand.u32 $0xFC00, v21;
	[tilespmem:s9+$0xB0] =	vst v14;
	v14 =	vadd.s32 s12, v5  }
0xa2: {  	v16 =	vand.u32 $0x7F, v16;
	v17 =	vand.u32 $0x7F, v17;
	v8 =	vld.idx.msk [tilespmem:v8+s3+$0x0], $0xffff;
	v22 =	vshll.u32 v14, $0x3  }
0xa3: {  	v14 =	vand.u32 $0x7F, v14;
	[tilespmem:s9+$0xFFFFFFB0] =	vst v11;
	v11 =	vor.u32 v18, v19;
	v18 =	vand.u32 $0x7FFFFC00, v22  }
0xa4: {  	v19 =	vadd.s32 s13, v6;
	v15 =	vld.idx.msk [tilespmem:v15+s3+$0x0], $0xffff;
	[tilespmem:s9+$0x30] =	vst v10;
	v10 =	vor.u32 v16, v20;
	v14 =	vor.u32 v14, v18  }
0xa5: {  	v16 =	vadd.s32 s11, v6;
	[tilespmem:s9+$0xFFFFFF30] =	vst v12;
	v12 =	vor.u32 v17, v21;
	v13 =	vld.idx.msk [tilespmem:v13+s3+$0x0], $0xffff;
	v17 =	vadd.s32 s14, v6  }
0xa6: {  	v20 =	vshll.u32 v19, $0x3;
	v18 =	vld.idx.msk [tilespmem:v9+s3+$0x0], $0xffff;
	v9 =	vshll.u32 v16, $0x3;
	v21 =	vshll.u32 v17, $0x3  }
0xa7: {  	v20 =	vand.u32 $0x7FFFFC00, v20;
	v9 =	vand.u32 $0xFC00, v9;
	v21 =	vand.u32 $0x7FFFFC00, v21  }
0xa8: {  	v22 =	vadd.s32 s12, v6;
	v19 =	vand.u32 $0x7F, v19;
	v17 =	vand.u32 $0x7F, v17;
	[tilespmem:s9+$0xC0] =	vst v8  }
0xa9: {  	v16 =	vand.u32 $0x7F, v16;
	v19 =	vor.u32 v19, v20;
	v20 =	vshll.u32 v22, $0x3;
	v14 =	vld.idx.msk [tilespmem:v14+s3+$0x0], $0xffff  }
0xaa: {  	v8 =	vor.u32 v17, v21;
	v17 =	vand.u32 $0x7FFFFC00, v20;
	[tilespmem:s9+$0xFFFFFFC0] =	vst v15;
	v15 =	vand.u32 $0x7F, v22  }
0xab: {  	v9 =	vor.u32 v16, v9;
	v16 =	vld.idx.msk [tilespmem:v11+s3+$0x0], $0xffff;
	v11 =	vadd.s32 s13, v7;
	[tilespmem:s9+$0x40] =	vst v13;
	v15 =	vor.u32 v15, v17  }
0xac: {  	v17 =	vadd.s32 s11, v7;
	[tilespmem:s9+$0xFFFFFF40] =	vst v18;
	v18 =	vshll.u32 v11, $0x3;
	v20 =	vld.idx.msk [tilespmem:v10+s3+$0x0], $0xffff;
	v10 =	vadd.s32 s14, v7  }
0xad: {  	v13 =	vld.idx.msk [tilespmem:v12+s3+$0x0], $0xffff;
	v12 =	vshll.u32 v17, $0x3;
	v18 =	vand.u32 $0x7FFFFC00, v18;
	v21 =	vshll.u32 v10, $0x3  }
.Ltmp5:
0xae: {  	v11 =	vand.u32 $0x7F, v11;
	v22 =	vand.u32 $0x1FC00, v12;
	v21 =	vand.u32 $0x7FFFFC00, v21;
	(pc) =	sbr.rel @p2 .LBB2_4-.Ltmp5, $4  }
0xaf: {  	v23 =	vadd.s32 s12, v7;
	v17 =	vand.u32 $0x7F, v17;
	v10 =	vand.u32 $0x7F, v10;
	[tilespmem:s9+$0xD0] =	vst v14  }
0xb0: {  	v12 =	vor.u32 v11, v18;
	v10 =	vor.u32 v10, v21;
	v14 =	vld.idx.msk [tilespmem:v15+s3+$0x0], $0xffff;
	v15 =	vshll.u32 v23, $0x3  }
0xb1: {  	v11 =	vor.u32 v17, v22;
	[tilespmem:s9+$0xFFFFFFD0] =	vst v16;
	v16 =	vand.u32 $0x7F, v23;
	v17 =	vand.u32 $0x7FFFFC00, v15  }
0xb2: {  	s11 =	sadd.s32 $0x8, s11;
	v15 =	vld.idx.msk [tilespmem:v19+s3+$0x0], $0xffff;
	[tilespmem:s9+$0x50] =	vst v20;
	v16 =	vor.u32 v16, v17  }
0xb3: {  	_ =	sdelay $0x3  }
0xb4: {  	[tilespmem:s9+$0xFFFFFF50] =	vst v13;
	v8 =	vld.idx.msk [tilespmem:v8+s3+$0x0], $0xffff  }
0xb5: {  	v9 =	vld.idx.msk [tilespmem:v9+s3+$0x0], $0xffff;
	_ =	sdelay $0x1  }
0xb6: {  	[tilespmem:s9+$0xE0] =	vst v14  }
0xb7: {  	v63 =	vld.idx.msk [tilespmem:v16+s3+$0x0], $0xffff;
	[tilespmem:s9+$0xFFFFFFE0] =	vst v15  }
0xb8: {  	v12 =	vld.idx.msk [tilespmem:v12+s3+$0x0], $0xffff;
	[tilespmem:s9+$0x60] =	vst v8  }
0xb9: {  	[tilespmem:s9+$0xFFFFFF60] =	vst v9;
	v8 =	vld.idx.msk [tilespmem:v10+s3+$0x0], $0xffff  }
0xba: {  	v9 =	vld.idx.msk [tilespmem:v11+s3+$0x0], $0xffff  }
0xbb: {  	p2 =	sgt.u32 s1, $0x2ED  }
.Ltmp6:
0xbc: {  	[tilespmem:s9+$0xF0] =	vst v63;
	(pc) =	sbr.rel @p2 .LBB2_7-.Ltmp6, $4  }
0xbd: {  	[tilespmem:s9+$0xFFFFFFF0] =	vst v12  }
0xbe: {  	s8 =	sshll.u32 s8, $0xA;
	[tilespmem:s9+$0x70] =	vst v8  }
0xbf: {  	s8 =	sadd.s32 s5, s8;
	[tilespmem:s9+$0xFFFFFF70] =	vst v9  }
0xc0: {  	[hbm4b:s8+s3] =	stream.linear.scatter [tilespmem:s24], [sflag:$0x3], $0x2000, $0x38;
	[tilespmem:$0xC000] =	vst v63  }
0xc1: {  	s8 =	sshll.u32 s1, $0x7  }
0xc2: {  	s8 =	sadd.s32 s8, s7  }
0xc3: {  	[tilespmem:s3], [sflag:$0x1] =	stream.linear.gather [hbm4b:s8+s3], $0x400, $0x38;
	[tilespmem:$0xC000] =	vst v63  }
0xc4: {  	s9 =	sadd.s32 $0x18700, s8  }
0xc5: {  	[tilespmem:s16], [sflag:$0x1] =	stream.linear.gather [hbm4b:s9+s3], $0x400, $0x38;
	[tilespmem:$0xC000] =	vst v63  }
0xc6: {  	s10 =	sadd.s32 $0x30E00, s8  }
0xc7: {  	[tilespmem:s17], [sflag:$0x1] =	stream.linear.gather [hbm4b:s10+s3], $0x400, $0x38;
	[tilespmem:$0xC000] =	vst v63  }
0xc8: {  	s11 =	sadd.s32 $0x49500, s8  }
0xc9: {  	[tilespmem:s18], [sflag:$0x1] =	stream.linear.gather [hbm4b:s11+s3], $0x400, $0x38;
	[tilespmem:$0xC000] =	vst v63  }
0xca: {  	s12 =	sadd.s32 $0x61C00, s8  }
0xcb: {  	[tilespmem:s19], [sflag:$0x1] =	stream.linear.gather [hbm4b:s12+s3], $0x400, $0x38;
	[tilespmem:$0xC000] =	vst v63  }
0xcc: {  	s13 =	sadd.s32 $0x7A300, s8  }
0xcd: {  	[tilespmem:s20], [sflag:$0x1] =	stream.linear.gather [hbm4b:s13+s3], $0x400, $0x38;
	[tilespmem:$0xC000] =	vst v63  }
.Ltmp7:
0xce: {  	_ = 	snop;
	(pc) =	sbr.rel .LBB2_8-.Ltmp7, $4  }
0xcf: {  	s14 =	sadd.s32 $0x92A00, s8  }
0xd0: {  	[tilespmem:s21], [sflag:$0x1] =	stream.linear.gather [hbm4b:s14+s3], $0x400, $0x38;
	[tilespmem:$0xC000] =	vst v63  }
0xd1: {  	s8 =	sadd.s32 $0xAB100, s8  }
0xd2: {  	[tilespmem:s22], [sflag:$0x1] =	stream.linear.gather [hbm4b:s8+s3], $0x400, $0x38;
	[tilespmem:$0xC000] =	vst v63  }
.LBB2_7:
.Ltmp8:
0xd3: {  	(pc) =	sbr.rel @p1 .LBB2_11-.Ltmp8, $1  }
0xd4: {  	_ =	sdelay $0x3  }
.LBB2_8:
0xd5: {  	s10 =	simm.s32 $0x0  }
0xd6: {  	s12 =	simm.s32 $0x2;
	s9 =	simm.s32 $0x6;
	v8 =	vadd.s32 s10, v0;
	v9 =	vadd.s32 s10, v1  }
0xd7: {  	s11 =	simm.s32 $0x4;
	v10 =	vadd.s32 s10, v2;
	v12 =	vadd.s32 s12, v0;
	v13 =	vadd.s32 s9, v0  }
0xd8: {  	v15 =	vadd.s32 s11, v0;
	v18 =	vadd.s32 s9, v1;
	v22 =	vadd.s32 s9, v2  }
0xd9: {  	v42 =	vadd.s32 s11, v3;
	v45 =	vadd.s32 s11, v4;
	v50 =	vadd.s32 s9, v4  }
0xda: {  	v51 =	vadd.s32 s10, v5;
	v54 =	vadd.s32 s9, v5;
	v63 =	vadd.s32 s9, v7  }
0xdb: {  	v11 =	vshll.u32 v8, $0x3;
	v14 =	vshll.u32 v12, $0x3;
	v16 =	vshll.u32 v13, $0x3  }
0xdc: {  	v17 =	vshll.u32 v15, $0x3;
	v13 =	vand.u32 $0x7F, v13;
	v12 =	vand.u32 $0x7F, v12  }
0xdd: {  	v15 =	vand.u32 $0x7F, v15;
	v8 =	vand.u32 $0x7F, v8;
	v19 =	vshll.u32 v9, $0x3  }
0xde: {  	v20 =	vshll.u32 v18, $0x3;
	v18 =	vand.u32 $0x7F, v18;
	v9 =	vand.u32 $0x7F, v9  }
0xdf: {  	_ =	swait.ge [sflag:s25], $0x2000;
	v41 =	vshll.u32 v10, $0x3;
	v23 =	vshll.u32 v22, $0x3;
	v16 =	vand.u32 $0x7FFFFC00, v16  }
0xe0: {  	[sflag:s25] =	ssyncset.done $0x0;
	v22 =	vand.u32 $0x7F, v22;
	v14 =	vand.u32 $0x7FFFFC00, v14;
	v13 =	vor.u32 v13, v16  }
0xe1: {  	s8 =	simm.s32 @!p0 $0x4;
	[sflag:s25] =	ssyncadd.s32 $0xFFFFE000;
	v10 =	vand.u32 $0x7F, v10;
	v17 =	vand.u32 $0x7FFFFC00, v17;
	v12 =	vor.u32 v12, v14  }
0xe2: {  	v44 =	vshll.u32 v42, $0x3;
	v11 =	vand.u32 $0x7C00, v11;
	_ =	swait.ge @!p0 [sflag:s8], $0x2000;
	v14 =	vor.u32 v15, v17  }
0xe3: {  	v48 =	vshll.u32 v45, $0x3;
	v53 =	vshll.u32 v51, $0x3;
	v8 =	vor.u32 v8, v11;
	[sflag:s8] =	ssyncset.done @!p0 $0x0  }
0xe4: {  	v55 =	vand.u32 $0x7F, v54;
	v20 =	vand.u32 $0x7FFFFC00, v20;
	v15 =	vadd.s32 s12, v1;
	[sflag:s8] =	ssyncadd.s32 @!p0 $0xFFFFE000  }
0xe5: {  	v16 =	vadd.s32 s11, v1;
	v18 =	vor.u32 v18, v20;
	v11 =	vshll.u32 v15, $0x3;
	v13 =	vld.idx.msk [tilespmem:v13+s26+$0x0], $0xffff  }
0xe6: {  	v17 =	vshll.u32 v16, $0x3;
	v15 =	vand.u32 $0x7F, v15;
	v11 =	vand.u32 $0x7FFFFC00, v11;
	v12 =	vld.idx.msk [tilespmem:v12+s26+$0x0], $0xffff  }
0xe7: {  	v17 =	vand.u32 $0x7FFFFC00, v17;
	v11 =	vor.u32 v15, v11;
	v15 =	vand.u32 $0x7F, v16;
	v14 =	vld.idx.msk [tilespmem:v14+s26+$0x0], $0xffff  }
0xe8: {  	v19 =	vand.u32 $0xFC00, v19;
	v23 =	vand.u32 $0x7FFFFC00, v23;
	v15 =	vor.u32 v15, v17;
	v8 =	vld.idx.msk [tilespmem:v8+s26+$0x0], $0xffff  }
0xe9: {  	v49 =	vand.u32 $0x7FFFFC00, v48;
	v9 =	vor.u32 v9, v19;
	v19 =	vadd.s32 s11, v2;
	s8 =	simm.s32 $0xA100  }
0xea: {  	v20 =	vand.u32 $0xFC00, v41;
	v22 =	vor.u32 v22, v23;
	v16 =	vadd.s32 s12, v2;
	[tilespmem:s8+$0x80] =	vst v13  }
0xeb: {  	v23 =	vand.u32 $0x7FFFFC00, v44;
	v21 =	vshll.u32 v19, $0x3;
	v17 =	vshll.u32 v16, $0x3;
	[tilespmem:s8+$0xFFFFFF80] =	vst v12;
	v18 =	vld.idx.msk [tilespmem:v18+s26+$0x0], $0xffff  }
0xec: {  	v19 =	vand.u32 $0x7F, v19;
	v16 =	vand.u32 $0x7F, v16;
	v17 =	vand.u32 $0x7FFFFC00, v17;
	[tilespmem:s8+$0x0] =	vst v14;
	v11 =	vld.idx.msk [tilespmem:v11+s26+$0x0], $0xffff  }
0xed: {  	v10 =	vor.u32 v10, v20;
	v21 =	vand.u32 $0x7FFFFC00, v21;
	v16 =	vor.u32 v16, v17;
	[tilespmem:s8+$0xFFFFFF00] =	vst v8;
	v15 =	vld.idx.msk [tilespmem:v15+s26+$0x0], $0xffff  }
0xee: {  	v20 =	vand.u32 $0x7F, v42;
	v19 =	vor.u32 v19, v21;
	v17 =	vadd.s32 s12, v3;
	v9 =	vld.idx.msk [tilespmem:v9+s26+$0x0], $0xffff  }
0xef: {  	v43 =	vshll.u32 v17, $0x3;
	v17 =	vand.u32 $0x7F, v17;
	v14 =	vadd.s32 s9, v3  }
0xf0: {  	v21 =	vand.u32 $0x7FFFFC00, v43;
	v13 =	vadd.s32 s10, v3;
	v24 =	vshll.u32 v14, $0x3;
	[tilespmem:s8+$0x90] =	vst v18  }
0xf1: {  	v12 =	vshll.u32 v13, $0x3;
	v14 =	vand.u32 $0x7F, v14;
	v8 =	vand.u32 $0x7FFFFC00, v24;
	[tilespmem:s8+$0xFFFFFF90] =	vst v11;
	v46 =	vld.idx.msk [tilespmem:v22+s26+$0x0], $0xffff  }
0xf2: {  	v13 =	vand.u32 $0x7F, v13;
	v12 =	vand.u32 $0x1FC00, v12;
	v8 =	vor.u32 v14, v8;
	[tilespmem:s8+$0x10] =	vst v15;
	v16 =	vld.idx.msk [tilespmem:v16+s26+$0x0], $0xffff  }
0xf3: {  	v17 =	vor.u32 v17, v21;
	v12 =	vor.u32 v13, v12;
	v13 =	vadd.s32 s12, v4;
	[tilespmem:s8+$0xFFFFFF10] =	vst v9;
	v19 =	vld.idx.msk [tilespmem:v19+s26+$0x0], $0xffff  }
0xf4: {  	v14 =	vor.u32 v20, v23;
	v20 =	vand.u32 $0x7F, v45;
	v23 =	vand.u32 $0x7F, v50;
	v10 =	vld.idx.msk [tilespmem:v10+s26+$0x0], $0xffff  }
0xf5: {  	v18 =	vadd.s32 s10, v4;
	v11 =	vshll.u32 v13, $0x3;
	v13 =	vand.u32 $0x7F, v13  }
0xf6: {  	v9 =	vshll.u32 v50, $0x3;
	v47 =	vshll.u32 v18, $0x3;
	v11 =	vand.u32 $0x7FFFFC00, v11;
	[tilespmem:s8+$0xA0] =	vst v46  }
0xf7: {  	v18 =	vand.u32 $0x7F, v18;
	v9 =	vand.u32 $0x7FFFFC00, v9;
	v22 =	vand.u32 $0xFC00, v53;
	[tilespmem:s8+$0xFFFFFFA0] =	vst v16;
	v8 =	vld.idx.msk [tilespmem:v8+s26+$0x0], $0xffff  }
0xf8: {  	v15 =	vand.u32 $0x7C00, v47;
	v11 =	vor.u32 v13, v11;
	v9 =	vor.u32 v23, v9;
	[tilespmem:s8+$0x20] =	vst v19;
	v17 =	vld.idx.msk [tilespmem:v17+s26+$0x0], $0xffff  }
0xf9: {  	v13 =	vadd.s32 s12, v5;
	v15 =	vor.u32 v18, v15;
	v18 =	vor.u32 v20, v49;
	[tilespmem:s8+$0xFFFFFF20] =	vst v10;
	v14 =	vld.idx.msk [tilespmem:v14+s26+$0x0], $0xffff  }
0xfa: {  	v52 =	vshll.u32 v13, $0x3;
	v13 =	vand.u32 $0x7F, v13;
	v16 =	vadd.s32 s11, v5;
	v12 =	vld.idx.msk [tilespmem:v12+s26+$0x0], $0xffff  }
0xfb: {  	v20 =	vand.u32 $0x7F, v51;
	v21 =	vand.u32 $0x7FFFFC00, v52;
	v19 =	vshll.u32 v16, $0x3  }
0xfc: {  	v10 =	vor.u32 v13, v21;
	v16 =	vand.u32 $0x7F, v16;
	v19 =	vand.u32 $0x7FFFFC00, v19;
	[tilespmem:s8+$0xB0] =	vst v8  }
0xfd: {  	v13 =	vshll.u32 v54, $0x3;
	v16 =	vor.u32 v16, v19;
	v19 =	vor.u32 v20, v22;
	[tilespmem:s8+$0xFFFFFFB0] =	vst v17  }
0xfe: {  	v8 =	vand.u32 $0x7FFFFC00, v13;
	v13 =	vadd.s32 s12, v6;
	[tilespmem:s8+$0x30] =	vst v14;
	v14 =	vadd.s32 s11, v6;
	v9 =	vld.idx.msk [tilespmem:v9+s26+$0x0], $0xffff  }
0xff: {  	[tilespmem:s8+$0xFFFFFF30] =	vst v12;
	v12 =	vadd.s32 s9, v6;
	v17 =	vor.u32 v55, v8;
	v11 =	vld.idx.msk [tilespmem:v11+s26+$0x0], $0xffff;
	v57 =	vshll.u32 v13, $0x3  }
0x100: {  	v8 =	vadd.s32 s10, v6;
	v18 =	vld.idx.msk [tilespmem:v18+s26+$0x0], $0xffff;
	v13 =	vand.u32 $0x7F, v13;
	v21 =	vand.u32 $0x7FFFFC00, v57  }
0x101: {  	v58 =	vshll.u32 v14, $0x3;
	v14 =	vand.u32 $0x7F, v14;
	v21 =	vor.u32 v13, v21;
	v13 =	vld.idx.msk [tilespmem:v15+s26+$0x0], $0xffff  }
0x102: {  	v56 =	vshll.u32 v8, $0x3;
	v22 =	vand.u32 $0x7FFFFC00, v58;
	v59 =	vand.u32 $0x7F, v8  }
0x103: {  	v20 =	vand.u32 $0xFC00, v56;
	v8 =	vor.u32 v14, v22;
	[tilespmem:s8+$0xC0] =	vst v9;
	v9 =	vshll.u32 v12, $0x3  }
0x104: {  	v15 =	vadd.s32 s12, v7;
	v12 =	vand.u32 $0x7F, v12;
	[tilespmem:s8+$0xFFFFFFC0] =	vst v11;
	v14 =	vld.idx.msk [tilespmem:v17+s26+$0x0], $0xffff;
	v11 =	vand.u32 $0x7FFFFC00, v9  }
0x105: {  	[tilespmem:s8+$0x40] =	vst v18;
	v18 =	vadd.s32 s11, v7;
	v9 =	vor.u32 v59, v20;
	v17 =	vld.idx.msk [tilespmem:v10+s26+$0x0], $0xffff;
	v11 =	vor.u32 v12, v11  }
0x106: {  	v10 =	vadd.s32 s10, v7;
	v16 =	vld.idx.msk [tilespmem:v16+s26+$0x0], $0xffff;
	v61 =	vshll.u32 v18, $0x3;
	v12 =	vshll.u32 v15, $0x3;
	[tilespmem:s8+$0xFFFFFF40] =	vst v13  }
0x107: {  	v60 =	vshll.u32 v10, $0x3;
	v15 =	vand.u32 $0x7F, v15;
	v22 =	vand.u32 $0x7FFFFC00, v61;
	v13 =	vld.idx.msk [tilespmem:v19+s26+$0x0], $0xffff  }
0x108: {  	v62 =	vand.u32 $0x7F, v10;
	v10 =	vand.u32 $0x7F, v18;
	v12 =	vand.u32 $0x7FFFFC00, v12  }
0x109: {  	v20 =	vand.u32 $0x1FC00, v60;
	v12 =	vor.u32 v15, v12;
	v15 =	vshll.u32 v63, $0x3;
	[tilespmem:s8+$0xD0] =	vst v14  }
0x10a: {  	v10 =	vor.u32 v10, v22;
	v18 =	vand.u32 $0x7FFFFC00, v15;
	[tilespmem:s8+$0xFFFFFFD0] =	vst v17;
	v17 =	vand.u32 $0x7F, v63;
	v14 =	vld.idx.msk [tilespmem:v11+s26+$0x0], $0xffff  }
0x10b: {  	s9 =	simm.s32 $0x0;
	s10 =	simm.s32 $0x8;
	[tilespmem:s8+$0x50] =	vst v16;
	v11 =	vor.u32 v62, v20;
	v15 =	vld.idx.msk [tilespmem:v21+s26+$0x0], $0xffff;
	v16 =	vor.u32 v17, v18  }
.LBB2_9:
0x10c: {  	v17 =	vadd.s32 s10, v0;
	v18 =	vadd.s32 s10, v1;
	v19 =	vadd.s32 s10, v2;
	s12 =	sadd.s32 $0x2, s10;
	s11 =	sadd.s32 $0x6, s10;
	s9 =	sadd.s32 $0x4, s9;
	[tilespmem:s8+$0xFFFFFF50] =	vst v13;
	v8 =	vld.idx.msk [tilespmem:v8+s26+$0x0], $0xffff  }
0x10d: {  	s13 =	sadd.s32 $0x4, s10;
	v13 =	vshll.u32 v17, $0x3;
	v20 =	vadd.s32 s12, v0;
	v21 =	vadd.s32 s11, v0;
	p0 =	slt.u32 s9, $0x3C;
	v9 =	vld.idx.msk [tilespmem:v9+s26+$0x0], $0xffff  }
0x10e: {  	v23 =	vadd.s32 s13, v0;
	v22 =	vshll.u32 v20, $0x3;
	v24 =	vshll.u32 v21, $0x3  }
0x10f: {  	v25 =	vshll.u32 v23, $0x3;
	v21 =	vand.u32 $0x7F, v21;
	v24 =	vand.u32 $0x7FFFFC00, v24;
	[tilespmem:s8+$0xE0] =	vst v14  }
0x110: {  	v14 =	vand.u32 $0x7FFFFC00, v22;
	v22 =	vand.u32 $0x7FFFFC00, v25;
	v21 =	vor.u32 v21, v24;
	v16 =	vld.idx.msk [tilespmem:v16+s26+$0x0], $0xffff  }
0x111: {  	v13 =	vand.u32 $0x7C00, v13;
	v20 =	vand.u32 $0x7F, v20;
	v23 =	vand.u32 $0x7F, v23;
	[tilespmem:s8+$0xFFFFFFE0] =	vst v15  }
0x112: {  	v14 =	vor.u32 v20, v14;
	v15 =	vand.u32 $0x7F, v17;
	v17 =	vor.u32 v23, v22;
	v12 =	vld.idx.msk [tilespmem:v12+s26+$0x0], $0xffff;
	[tilespmem:s8+$0x60] =	vst v8  }
0x113: {  	v8 =	vor.u32 v15, v13;
	v13 =	vadd.s32 s12, v1;
	v15 =	vadd.s32 s13, v1;
	[tilespmem:s8+$0xFFFFFF60] =	vst v9;
	v9 =	vld.idx.msk [tilespmem:v10+s26+$0x0], $0xffff  }
0x114: {  	v22 =	vadd.s32 s11, v1;
	v10 =	vshll.u32 v13, $0x3;
	v20 =	vshll.u32 v15, $0x3;
	v11 =	vld.idx.msk [tilespmem:v11+s26+$0x0], $0xffff  }
0x115: {  	v23 =	vshll.u32 v18, $0x3;
	v24 =	vshll.u32 v22, $0x3;
	v10 =	vand.u32 $0x7FFFFC00, v10;
	v21 =	vld.idx.msk [tilespmem:v21+s26+$0x0], $0xffff  }
0x116: {  	v22 =	vand.u32 $0x7F, v22;
	v24 =	vand.u32 $0x7FFFFC00, v24;
	v20 =	vand.u32 $0x7FFFFC00, v20;
	[tilespmem:s8+$0xF0] =	vst v16  }
0x117: {  	v13 =	vand.u32 $0x7F, v13;
	v22 =	vor.u32 v22, v24;
	v16 =	vand.u32 $0xFC00, v23;
	v14 =	vld.idx.msk [tilespmem:v14+s26+$0x0], $0xffff  }
0x118: {  	v18 =	vand.u32 $0x7F, v18;
	v15 =	vand.u32 $0x7F, v15;
	v10 =	vor.u32 v13, v10;
	v13 =	vld.idx.msk [tilespmem:v17+s26+$0x0], $0xffff;
	[tilespmem:s8+$0xFFFFFFF0] =	vst v12  }
0x119: {  	v15 =	vor.u32 v15, v20;
	v12 =	vor.u32 v18, v16;
	v16 =	vadd.s32 s12, v2;
	v8 =	vld.idx.msk [tilespmem:v8+s26+$0x0], $0xffff;
	[tilespmem:s8+$0x70] =	vst v9  }
0x11a: {  	v18 =	vadd.s32 s13, v2;
	v9 =	vshll.u32 v19, $0x3;
	v17 =	vshll.u32 v16, $0x3;
	[tilespmem:s8+$0xFFFFFF70] =	vst v11;
	s8 =	sadd.s32 $0x200, s8  }
0x11b: {  	v20 =	vadd.s32 s11, v2;
	v11 =	vand.u32 $0x7FFFFC00, v17;
	v17 =	vshll.u32 v18, $0x3;
	[tilespmem:s8+$0x80] =	vst v21  }
0x11c: {  	v9 =	vand.u32 $0xFC00, v9;
	v17 =	vand.u32 $0x7FFFFC00, v17;
	v21 =	vld.idx.msk [tilespmem:v22+s26+$0x0], $0xffff;
	v22 =	vshll.u32 v20, $0x3  }
0x11d: {  	[tilespmem:s8+$0xFFFFFF80] =	vst v14;
	v14 =	vand.u32 $0x7F, v16;
	v16 =	vand.u32 $0x7F, v20;
	v20 =	vand.u32 $0x7FFFFC00, v22  }
0x11e: {  	v19 =	vand.u32 $0x7F, v19;
	v10 =	vld.idx.msk [tilespmem:v10+s26+$0x0], $0xffff;
	[tilespmem:s8+$0x0] =	vst v13;
	v13 =	vand.u32 $0x7F, v18;
	v16 =	vor.u32 v16, v20  }
0x11f: {  	[tilespmem:s8+$0xFFFFFF00] =	vst v8;
	v8 =	vor.u32 v14, v11;
	v11 =	vadd.s32 s12, v3;
	v14 =	vld.idx.msk [tilespmem:v15+s26+$0x0], $0xffff;
	v13 =	vor.u32 v13, v17  }
0x120: {  	v9 =	vor.u32 v19, v9;
	v15 =	vadd.s32 s10, v3;
	v17 =	vadd.s32 s13, v3;
	v12 =	vld.idx.msk [tilespmem:v12+s26+$0x0], $0xffff  }
0x121: {  	v18 =	vshll.u32 v15, $0x3;
	v19 =	vshll.u32 v11, $0x3;
	v20 =	vshll.u32 v17, $0x3  }
0x122: {  	v19 =	vand.u32 $0x7FFFFC00, v19;
	v20 =	vand.u32 $0x7FFFFC00, v20;
	[tilespmem:s8+$0x90] =	vst v21;
	v21 =	vadd.s32 s11, v3  }
0x123: {  	v11 =	vand.u32 $0x7F, v11;
	v18 =	vand.u32 $0x1FC00, v18;
	v16 =	vld.idx.msk [tilespmem:v16+s26+$0x0], $0xffff;
	v22 =	vshll.u32 v21, $0x3  }
0x124: {  	[tilespmem:s8+$0xFFFFFF90] =	vst v10;
	v10 =	vand.u32 $0x7F, v17;
	v17 =	vand.u32 $0x7F, v21;
	v21 =	vand.u32 $0x7FFFFC00, v22  }
0x125: {  	v15 =	vand.u32 $0x7F, v15;
	v11 =	vor.u32 v11, v19;
	v8 =	vld.idx.msk [tilespmem:v8+s26+$0x0], $0xffff;
	[tilespmem:s8+$0x10] =	vst v14;
	v14 =	vor.u32 v17, v21  }
0x126: {  	v10 =	vor.u32 v10, v20;
	[tilespmem:s8+$0xFFFFFF10] =	vst v12;
	v12 =	vor.u32 v15, v18;
	v15 =	vadd.s32 s12, v4;
	v13 =	vld.idx.msk [tilespmem:v13+s26+$0x0], $0xffff  }
0x127: {  	v19 =	vadd.s32 s13, v4;
	v17 =	vadd.s32 s10, v4;
	v9 =	vld.idx.msk [tilespmem:v9+s26+$0x0], $0xffff;
	v18 =	vshll.u32 v15, $0x3  }
0x128: {  	v21 =	vshll.u32 v19, $0x3;
	v20 =	vshll.u32 v17, $0x3;
	v18 =	vand.u32 $0x7FFFFC00, v18  }
0x129: {  	v21 =	vand.u32 $0x7FFFFC00, v21;
	v20 =	vand.u32 $0x7C00, v20;
	[tilespmem:s8+$0xA0] =	vst v16;
	v16 =	vadd.s32 s11, v4  }
0x12a: {  	v19 =	vand.u32 $0x7F, v19;
	v15 =	vand.u32 $0x7F, v15;
	v14 =	vld.idx.msk [tilespmem:v14+s26+$0x0], $0xffff;
	v22 =	vshll.u32 v16, $0x3  }
0x12b: {  	v17 =	vand.u32 $0x7F, v17;
	[tilespmem:s8+$0xFFFFFFA0] =	vst v8;
	v8 =	vand.u32 $0x7F, v16;
	v16 =	vand.u32 $0x7FFFFC00, v22  }
0x12c: {  	v15 =	vor.u32 v15, v18;
	v18 =	vadd.s32 s12, v5;
	v11 =	vld.idx.msk [tilespmem:v11+s26+$0x0], $0xffff;
	[tilespmem:s8+$0x20] =	vst v13;
	v8 =	vor.u32 v8, v16  }
0x12d: {  	v13 =	vor.u32 v19, v21;
	v16 =	vadd.s32 s13, v5;
	[tilespmem:s8+$0xFFFFFF20] =	vst v9;
	v9 =	vor.u32 v17, v20;
	v10 =	vld.idx.msk [tilespmem:v10+s26+$0x0], $0xffff  }
0x12e: {  	v19 =	vshll.u32 v18, $0x3;
	v17 =	vadd.s32 s10, v5;
	v20 =	vshll.u32 v16, $0x3;
	v12 =	vld.idx.msk [tilespmem:v12+s26+$0x0], $0xffff  }
0x12f: {  	v19 =	vand.u32 $0x7FFFFC00, v19;
	v21 =	vshll.u32 v17, $0x3;
	v20 =	vand.u32 $0x7FFFFC00, v20  }
0x130: {  	v18 =	vand.u32 $0x7F, v18;
	v21 =	vand.u32 $0xFC00, v21;
	[tilespmem:s8+$0xB0] =	vst v14;
	v14 =	vadd.s32 s11, v5  }
0x131: {  	v16 =	vand.u32 $0x7F, v16;
	v17 =	vand.u32 $0x7F, v17;
	v8 =	vld.idx.msk [tilespmem:v8+s26+$0x0], $0xffff;
	v22 =	vshll.u32 v14, $0x3  }
0x132: {  	v14 =	vand.u32 $0x7F, v14;
	[tilespmem:s8+$0xFFFFFFB0] =	vst v11;
	v11 =	vor.u32 v18, v19;
	v18 =	vand.u32 $0x7FFFFC00, v22  }
0x133: {  	v19 =	vadd.s32 s12, v6;
	v15 =	vld.idx.msk [tilespmem:v15+s26+$0x0], $0xffff;
	[tilespmem:s8+$0x30] =	vst v10;
	v10 =	vor.u32 v16, v20;
	v14 =	vor.u32 v14, v18  }
0x134: {  	v16 =	vadd.s32 s10, v6;
	[tilespmem:s8+$0xFFFFFF30] =	vst v12;
	v12 =	vor.u32 v17, v21;
	v13 =	vld.idx.msk [tilespmem:v13+s26+$0x0], $0xffff;
	v17 =	vadd.s32 s13, v6  }
0x135: {  	v20 =	vshll.u32 v19, $0x3;
	v18 =	vld.idx.msk [tilespmem:v9+s26+$0x0], $0xffff;
	v9 =	vshll.u32 v16, $0x3;
	v21 =	vshll.u32 v17, $0x3  }
0x136: {  	v20 =	vand.u32 $0x7FFFFC00, v20;
	v9 =	vand.u32 $0xFC00, v9;
	v21 =	vand.u32 $0x7FFFFC00, v21  }
0x137: {  	v22 =	vadd.s32 s11, v6;
	v19 =	vand.u32 $0x7F, v19;
	v17 =	vand.u32 $0x7F, v17;
	[tilespmem:s8+$0xC0] =	vst v8  }
0x138: {  	v16 =	vand.u32 $0x7F, v16;
	v19 =	vor.u32 v19, v20;
	v20 =	vshll.u32 v22, $0x3;
	v14 =	vld.idx.msk [tilespmem:v14+s26+$0x0], $0xffff  }
0x139: {  	v8 =	vor.u32 v17, v21;
	v17 =	vand.u32 $0x7FFFFC00, v20;
	[tilespmem:s8+$0xFFFFFFC0] =	vst v15;
	v15 =	vand.u32 $0x7F, v22  }
0x13a: {  	v9 =	vor.u32 v16, v9;
	v16 =	vld.idx.msk [tilespmem:v11+s26+$0x0], $0xffff;
	v11 =	vadd.s32 s12, v7;
	[tilespmem:s8+$0x40] =	vst v13;
	v15 =	vor.u32 v15, v17  }
0x13b: {  	v17 =	vadd.s32 s10, v7;
	[tilespmem:s8+$0xFFFFFF40] =	vst v18;
	v18 =	vshll.u32 v11, $0x3;
	v20 =	vld.idx.msk [tilespmem:v10+s26+$0x0], $0xffff;
	v10 =	vadd.s32 s13, v7  }
0x13c: {  	v13 =	vld.idx.msk [tilespmem:v12+s26+$0x0], $0xffff;
	v12 =	vshll.u32 v17, $0x3;
	v18 =	vand.u32 $0x7FFFFC00, v18;
	v21 =	vshll.u32 v10, $0x3  }
.Ltmp9:
0x13d: {  	v11 =	vand.u32 $0x7F, v11;
	v22 =	vand.u32 $0x1FC00, v12;
	v21 =	vand.u32 $0x7FFFFC00, v21;
	(pc) =	sbr.rel @p0 .LBB2_9-.Ltmp9, $4  }
0x13e: {  	v23 =	vadd.s32 s11, v7;
	v17 =	vand.u32 $0x7F, v17;
	v10 =	vand.u32 $0x7F, v10;
	[tilespmem:s8+$0xD0] =	vst v14  }
0x13f: {  	v12 =	vor.u32 v11, v18;
	v10 =	vor.u32 v10, v21;
	v14 =	vld.idx.msk [tilespmem:v15+s26+$0x0], $0xffff;
	v15 =	vshll.u32 v23, $0x3  }
0x140: {  	v11 =	vor.u32 v17, v22;
	[tilespmem:s8+$0xFFFFFFD0] =	vst v16;
	v16 =	vand.u32 $0x7F, v23;
	v17 =	vand.u32 $0x7FFFFC00, v15  }
0x141: {  	s10 =	sadd.s32 $0x8, s10;
	v15 =	vld.idx.msk [tilespmem:v19+s26+$0x0], $0xffff;
	[tilespmem:s8+$0x50] =	vst v20;
	v16 =	vor.u32 v16, v17  }
0x142: {  	_ =	sdelay $0x3  }
0x143: {  	[tilespmem:s8+$0xFFFFFF50] =	vst v13;
	v8 =	vld.idx.msk [tilespmem:v8+s26+$0x0], $0xffff  }
0x144: {  	v9 =	vld.idx.msk [tilespmem:v9+s26+$0x0], $0xffff;
	_ =	sdelay $0x1  }
0x145: {  	[tilespmem:s8+$0xE0] =	vst v14  }
0x146: {  	v63 =	vld.idx.msk [tilespmem:v16+s26+$0x0], $0xffff;
	[tilespmem:s8+$0xFFFFFFE0] =	vst v15  }
0x147: {  	v12 =	vld.idx.msk [tilespmem:v12+s26+$0x0], $0xffff;
	[tilespmem:s8+$0x60] =	vst v8  }
0x148: {  	[tilespmem:s8+$0xFFFFFF60] =	vst v9;
	v8 =	vld.idx.msk [tilespmem:v10+s26+$0x0], $0xffff  }
0x149: {  	v9 =	vld.idx.msk [tilespmem:v11+s26+$0x0], $0xffff;
	_ =	sdelay $0x1  }
.Ltmp10:
0x14a: {  	[tilespmem:s8+$0xF0] =	vst v63;
	(pc) =	sbr.rel .LBB2_11-.Ltmp10, $4  }
0x14b: {  	[tilespmem:s8+$0xFFFFFFF0] =	vst v12  }
0x14c: {  	s1 =	sshll.u32 s1, $0xA;
	[tilespmem:s8+$0x70] =	vst v8  }
0x14d: {  	s1 =	sadd.s32 s5, s1;
	[tilespmem:s8+$0xFFFFFF70] =	vst v9  }
0x14e: {  	[hbm4b:s1+s3] =	stream.linear.scatter [tilespmem:s28], [sflag:$0x4], $0x2000, $0x38;
	[tilespmem:$0xC000] =	vst v63  }
.LBB2_13:
0x14f: {  	_ =	sfence.sel $0x180000  }
0x150: {  	[bflag:$0x0] =	sbarrier.arrive $0xFFFF  }
0x151: {  	_ =	strace $0x90000047  }
0x152: {  	s0 =	stileid.u32;
	[bflag:$0x2] =	sbarrier.arrive $0xFFFF  }
0x153: {  	p0 =	sne.s32 s0, $0x0;
	s0 =	rddreg [dreg:$0x2]  }
0x154: {  	s0 =	sadd.s32 @!p0 $0x100000, s0  }
0x155: {  	[sflag:s0] =	ssyncadd.tile.s32 @!p0 $0x1;
	_ =	shalt  }
.Lfunc_end2:
_tile_overlayer_lowered:
.L_overlay_start_2:
0x156: {  	(tag) =	ssettag $0x2  }
0x157: {  	s0 =	rddreg [dreg:$0x0];
	s2 =	stileid.u32  }
0x158: {  	s1 =	rddreg [dreg:$0x1];
	p0 =	sne.s32 s2, $0x0  }
0x159: {  	s3 =	rddreg [dreg:$0x2];
	[bflag:$0x3] =	sbarrier.arrive $0xFFFF;
	s2 =	simm.s32 @!p0 $0x1C05  }
0x15a: {  	[timem:s3], [sflag:s2] =	dma.local @!p0 [hbm:s0], s1  }
0x15b: {  	s0 =	simm.s32 @!p0 $0x5  }
0x15c: {  	_ =	swait.ge @!p0 [sflag:s0], s1  }
0x15d: {  	s1 =	ssub.s32 @!p0 $0x0, s1;
	[sflag:s0] =	ssyncset.done @!p0 $0x0  }
0x15e: {  	[sflag:s0] =	ssyncadd.s32 @!p0 s1  }
0x15f: {  	[bflag:$0x3] =	sbarrier.arrive $0xFFFF  }
0x160: {  	_ =	shalt  }

// kernel: kernel.7.cloned.1.call-start
scs
__scs_entry_jumppad:
0x0: {  	(pc) =	sbr.rel $0x88, $3  }
0x1: {  	(tag) =	ssettag $0x0;
	lr =	simm.s32 $0x1  }
0x2: {  	[smem:$0x3F9F] =	sst lr;
	_ =	strace $0xD0000000  }
0x3: {  	_ = 	snop  }
0x4: {  	_ = 	snop  }
0x5: {  	_ = 	snop  }
0x6: {  	_ = 	snop  }
0x7: {  	_ = 	snop  }
__scs_overlays_trampoline_lowered:
0x8: {  	[smem:$0x3FAE] =	sst s0  }
0x9: {  	[smem:$0x3FAF] =	sst s1  }
0xa: {  	[smem:$0x3FB0] =	sst s2  }
0xb: {  	[smem:$0x3FB1] =	sst s3  }
0xc: {  	[smem:$0x3FB2] =	sst s4  }
0xd: {  	[smem:$0x3FB3] =	sst s5  }
0xe: {  	[smem:$0x3FB4] =	sst s6  }
0xf: {  	[smem:$0x3FB5] =	sst s7  }
0x10: {  	[smem:$0x3FB6] =	sst s8  }
0x11: {  	[smem:$0x3FB7] =	sst s9;
	s0 =	simm.s32 @!p0 $0x0  }
0x12: {  	s1 =	sld [smem:$0x3F9D];
	s0 =	simm.s32 @p0 $0x1  }
0x13: {  	[smem:$0x3FB8] =	sst s0;
	s0 =	simm.s32 @!p1 $0x0  }
0x14: {  	s2 =	sld [smem:$0x3F9C];
	s0 =	simm.s32 @p1 $0x1  }
0x15: {  	[smem:$0x3FB9] =	sst s0;
	s0 =	simm.s32 @!p2 $0x0  }
0x16: {  	s3 =	sld [smem:$0x3FDB];
	s0 =	simm.s32 @p2 $0x1  }
0x17: {  	s4 =	simm.s32 $0x1BF5;
	[smem:$0x3FBB] =	sst s0  }
0x18: {  	s0 =	sld [smem:$0x3F9E];
	_ =	swait.ge [sflag:s4], $0x0  }
0x19: {  	s7 =	sld [smem:$0x3F9F]  }
0x1a: {  	s8 =	sadd.s32 $0xFFFFE003, lr  }
0x1b: {  	s9 =	sadd.s32 $0xFFFFFEF7, lr;
	s5 =	simm.s32 $0xFFFFFFFF;
	p2 =	slt.u32 s8, $0xFFFFF086  }
0x1c: {  	p1 =	slt.u32 s9, $0xF7A;
	s5 =	simm.s32 @!p2 $0x0  }
0x1d: {  	s5 =	simm.s32 @p1 $0x1;
	p0 =	seq.s32 s7, s2  }
0x1e: {  	s7 =	smul.u32 @!p0 $0xF7A, s2;
	p2 =	seq.s32 @!p0 s5, $0x0  }
0x1f: {  	s9 =	smul.u32 $0xF7A, s1;
	s8 =	simm.s32 @!p0 $0x1BF5;
	p2 =	por !p2, p0  }
0x20: {  	[sflag:s8] =	ssyncset.s32 @!p0 $0xFFFFF086;
	s6 =	sadd.s32 @!p0 s3, s7;
	s7 =	simm.s32 @!p0 $0x108  }
0x21: {  	s3 =	sadd.s32 s3, s9;
	s6 =	sadd.s32 @!p0 $0x88, s6;
	s7 =	simm.s32 @p2 $0x1082  }
0x22: {  	[simem:s7], [sflag:s8] =	dma.local @!p0 [hbm:s6], $0xF7A  }
0x23: {  	s9 =	sor.u32 $0xD0000000, s2;
	s6 =	simm.s32 $0x108;
	_ =	swait.ge @!p0 [sflag:s8], $0x0  }
0x24: {  	s3 =	sadd.s32 $0x88, s3;
	s6 =	simm.s32 @!p1 $0x1082;
	[sflag:s4] =	ssyncset.s32 $0xFFFFF086  }
0x25: {  	[simem:s6], [sflag:s4] =	dma.local [hbm:s3], $0xF7A  }
0x26: {  	[smem:$0x3F9F] =	sst s1;
	(tag) =	ssettag s2;
	_ =	strace s9  }
0x27: {  	s1 =	sld [smem:$0x3FAF]  }
0x28: {  	s2 =	sld [smem:$0x3FB0]  }
0x29: {  	s4 =	sld [smem:$0x3FB2]  }
0x2a: {  	p0 =	seq.s32 s5, $0x0;
	s5 =	sld [smem:$0x3FB3]  }
0x2b: {  	s6 =	sld [smem:$0x3FB4]  }
0x2c: {  	s7 =	sld [smem:$0x3FB5]  }
0x2d: {  	s3 =	simm.s32 $0x108;
	s8 =	sld [smem:$0x3FB6]  }
0x2e: {  	s3 =	simm.s32 @!p0 $0x1082;
	s9 =	sld [smem:$0x3FB7]  }
0x2f: {  	lr =	sadd.s32 s0, s3;
	s0 =	sld [smem:$0x3FAE]  }
0x30: {  	s3 =	sld [smem:$0x3FB1]  }
0x31: {  	[smem:$0x3FBA] =	sst s10  }
0x32: {  	s10 =	sld [smem:$0x3FB8];
	_ =	sdelay $0x3  }
0x33: {  	p0 =	seq.s32 s10, $0x1;
	s10 =	sld [smem:$0x3FBA];
	_ =	sdelay $0x3  }
0x34: {  	[smem:$0x3FBA] =	sst s10  }
0x35: {  	s10 =	sld [smem:$0x3FB9];
	_ =	sdelay $0x3  }
0x36: {  	p1 =	seq.s32 s10, $0x1;
	s10 =	sld [smem:$0x3FBA];
	_ =	sdelay $0x3  }
0x37: {  	[smem:$0x3FBA] =	sst s10  }
0x38: {  	s10 =	sld [smem:$0x3FBB]  }
0x39: {  	_ = 	snop;
	(pc) =	sbr.ind lr, $3  }
0x3a: {  	_ = 	snop  }
0x3b: {  	_ = 	snop  }
0x3c: {  	p2 =	seq.s32 s10, $0x1;
	s10 =	sld [smem:$0x3FBA]  }
0x3d: {  	_ =	shalt  }
0x3e: {  	_ =	shalt  }
0x3f: {  	_ =	shalt  }
0x40: {  	_ =	shalt  }
0x41: {  	_ =	shalt  }
0x42: {  	_ =	shalt  }
0x43: {  	_ =	shalt  }
0x44: {  	_ =	shalt  }
0x45: {  	_ =	shalt  }
0x46: {  	_ =	shalt  }
0x47: {  	_ =	shalt  }
0x48: {  	_ =	shalt  }
0x49: {  	_ =	shalt  }
0x4a: {  	_ =	shalt  }
0x4b: {  	_ =	shalt  }
0x4c: {  	_ =	shalt  }
0x4d: {  	_ =	shalt  }
0x4e: {  	_ =	shalt  }
0x4f: {  	_ =	shalt  }
0x50: {  	_ =	shalt  }
0x51: {  	_ =	shalt  }
0x52: {  	_ =	shalt  }
0x53: {  	_ =	shalt  }
0x54: {  	_ =	shalt  }
0x55: {  	_ =	shalt  }
0x56: {  	_ =	shalt  }
0x57: {  	_ =	shalt  }
0x58: {  	_ =	shalt  }
0x59: {  	_ =	shalt  }
0x5a: {  	_ =	shalt  }
0x5b: {  	_ =	shalt  }
0x5c: {  	_ =	shalt  }
0x5d: {  	_ =	shalt  }
0x5e: {  	_ =	shalt  }
0x5f: {  	_ =	shalt  }
0x60: {  	_ =	shalt  }
0x61: {  	_ =	shalt  }
0x62: {  	_ =	shalt  }
0x63: {  	_ =	shalt  }
0x64: {  	_ =	shalt  }
0x65: {  	_ =	shalt  }
0x66: {  	_ =	shalt  }
0x67: {  	_ =	shalt  }
0x68: {  	_ =	shalt  }
0x69: {  	_ =	shalt  }
0x6a: {  	_ =	shalt  }
0x6b: {  	_ =	shalt  }
0x6c: {  	_ =	shalt  }
0x6d: {  	_ =	shalt  }
0x6e: {  	_ =	shalt  }
0x6f: {  	_ =	shalt  }
0x70: {  	_ =	shalt  }
0x71: {  	_ =	shalt  }
0x72: {  	_ =	shalt  }
0x73: {  	_ =	shalt  }
0x74: {  	_ =	shalt  }
0x75: {  	_ =	shalt  }
0x76: {  	_ =	shalt  }
0x77: {  	_ =	shalt  }
0x78: {  	_ =	shalt  }
0x79: {  	_ =	shalt  }
0x7a: {  	_ =	shalt  }
0x7b: {  	_ =	shalt  }
0x7c: {  	_ =	shalt  }
0x7d: {  	_ =	shalt  }
0x7e: {  	_ =	shalt  }
0x7f: {  	_ =	shalt  }
0x80: {  	_ =	shalt  }
0x81: {  	_ =	shalt  }
0x82: {  	_ =	shalt  }
0x83: {  	_ =	shalt  }
0x84: {  	_ =	shalt  }
0x85: {  	_ =	shalt  }
0x86: {  	_ =	shalt  }
0x87: {  	_ =	shalt  }
.Lfunc_end0:
.L_simem_size_0:
called_computation.1_lowered:
.L_overlay_start_0:
0x88: {  	s2 =	sld [smem:$0x3FD9]  }
0x89: {  	s3 =	sld [smem:$0x3FFE];
	_ =	sdelay $0x1  }
0x8a: {  	s1 =	srdreg.scid  }
0x8b: {  	s0 =	sand.u32 $0x1, s1  }
0x8c: {  	s17 =	sshll.u32 s0, $0xA;
	s2 =	sadd.s32 s3, s2  }
0x8d: {  	s2 =	sadd.s32 s2, s17  }
0x8e: {  	[smem:$0x3FC6] =	sst s2  }
0x8f: {  	_ = 	snop  }
0x90: {  	s2 =	sld [smem:$0x3FC9]  }
0x91: {  	s18 =	sld [smem:$0x3FD0];
	(tm) =	ssettm $0x1  }
0x92: {  	s4 =	sld [smem:$0x3FFB];
	_ =	sdelay $0x3  }
0x93: {  	_ =	strace s4  }
0x94: {  	s4 =	sld [smem:$0x3FFC];
	_ =	sdelay $0x3  }
0x95: {  	_ =	strace s4  }
0x96: {  	s4 =	sld [smem:$0x3FFD];
	_ =	sdelay $0x3  }
0x97: {  	_ =	strace s4  }
0x98: {  	_ =	strace $0x8FFFFFFF  }
0x99: {  	s19 =	sld [smem:$0x3FDB];
	_ =	sdelay $0x1  }
0x9a: {  	s5 =	simm.s32 $_scs_section_size  }
0x9b: {  	s6 =	simm.s32 $_size__tile_overlayer_lowered;
	s7 =	simm.s32 $_tile_overlayer_lowered  }
0x9c: {  	s22 =	simm.s32 $0x1BFF;
	s21 =	sshll.u32 s7, $0x1;
	s4 =	sadd.s32 s5, s19  }
0x9d: {  	s8 =	simm.s32 $0x0;
	s20 =	sshll.u32 s6, $0x1;
	s6 =	sadd.s32 s21, s4  }
0x9e: {  	[timem:s8], [sflag:s22] =	dma.local [hbm:s6], s20  }
0x9f: {  	_ =	swait.ge [sflag:s22], s20  }
0xa0: {  	s5 =	ssub.s32 $0x0, s20;
	[sflag:s22] =	ssyncset.done $0x0  }
0xa1: {  	[sflag:s22] =	ssyncadd.s32 s5;
	_ =	sdelay $0x1  }
0xa2: {  	s23 =	simm.s32 $0x1B8B  }
0xa3: {  	_ =	swait.ge [sflag:s23], $0x1  }
0xa4: {  	[sflag:s23] =	ssyncset.done $0x0  }
0xa5: {  	s25 =	simm.s32 $0x1B8E;
	s24 =	sld [smem:$0x3FFE];
	[sflag:s23] =	ssyncadd.s32 $0xFFFFFFFF  }
0xa6: {  	s26 =	simm.s32 $execute0_lowered;
	[smem:$0x3FD2] =	sst s25  }
0xa7: {  	s6 =	sshll.u32 s26, $0x1;
	_ =	strace $0x80000049;
	[dreg:$0x1] =	wrdreg $0xFFFFFFFF  }
0xa8: {  	s28 =	simm.s32 $_size_execute0_lowered;
	s4 =	sadd.s32 s4, s6;
	[dreg:$0x0] =	wrdreg $0x0  }
0xa9: {  	s6 =	sshll.u32 s28, $0x1;
	[dreg:$0x2] =	wrdreg s4  }
0xaa: {  	[dreg:$0x3] =	wrdreg s6  }
0xab: {  	[dreg:$0x4] =	wrdreg $0xC0  }
0xac: {  	_ =	task [dreg:s8], $0x5FFFF  }
0xad: {  	[dreg:$0x1] =	wrdreg $0xFFFFFFFF  }
0xae: {  	[dreg:$0x0] =	wrdreg $0x60  }
0xaf: {  	[dreg:$0x2] =	wrdreg s2  }
0xb0: {  	[dreg:$0x3] =	wrdreg s24  }
0xb1: {  	[dreg:$0x4] =	wrdreg s18  }
0xb2: {  	[dreg:$0x5] =	wrdreg $0x9  }
0xb3: {  	_ =	task.clear_ibuf [dreg:s8], $0x6FFFF;
	_ =	strace $0x90000049  }
0xb4: {  	s29 =	simm.s32 $0x9;
	_ =	strace $0x8000004B  }
0xb5: {  	_ =	swait.ge [sflag:s29], $0x1  }
0xb6: {  	[sflag:s29] =	ssyncadd.s32 $0xFFFFFFFF  }
0xb7: {  	_ =	strace $0x9000004B  }
0xb8: {  	_ =	sfence  }
0xb9: {  	s30 =	sld [smem:$0x0];
	_ =	sdelay $0x2  }
0xba: {  	s31 =	sshll.u32 s1, $0xD;
	s1 =	sshrl.u32 s1, $0x2  }
0xbb: {  	s3 =	sand.u32 $0x4000, s31;
	s1 =	sadd.s32 s1, s30  }
0xbc: {  	s0 =	sor.u32 s3, s0;
	s1 =	sshll.u32 s1, $0x11  }
0xbd: {  	s0 =	sor.u32 s1, s0  }
0xbe: {  	s0 =	sadd.s32 $0x8F2B, s0  }
0xbf: {  	[sflag:s0] =	ssyncadd.remote.s32 $0x1  }
0xc0: {  	_ =	sfence.sel $0xFFFF  }
0xc1: {  	[dreg:$0x0] =	wrdreg $0xFFFFFFFF;
	(pc) =	sbr.abs _section_cstart, $3  }
0xc2: {  	[dreg:$0x1] =	wrdreg $0xFFFFFFFF  }
0xc3: {  	_ =	task.clear_ibuf [dreg:s8], $0x2FFFF;
	_ =	strace $0x9FFFFFFF  }
0xc4: {  	(tm) =	ssettm $0x7FFFFFFF  }
0xc5: {  	_ =	shalt  }
tec
execute0_lowered:
.L_overlay_start_1:
0x0: {  	(tag) =	ssettag $0x1  }
0x1: {  	s0 =	rddreg [dreg:$0x0]  }
0x2: {  	s1 =	rddreg [dreg:$0x1]  }
0x3: {  	s2 =	rddreg [dreg:$0x2]  }
0x4: {  	s3 =	srdreg.scid;
	s5 =	stileid.u32;
	s13 =	simm.s32 $0x6600  }
0x5: {  	s15 =	simm.s32 $0xA600;
	s17 =	simm.s32 $0xE600;
	s19 =	simm.s32 $0x12600  }
0x6: {  	s21 =	simm.s32 $0x16600;
	s31 =	simm.s32 $0x1A600;
	s10 =	simm.s32 $0x4  }
0x7: {  	s18 =	simm.s32 $0x6;
	s4 =	sand.u32 $0x1, s3;
	s3 =	simm.s32 $0x0  }
0x8: {  	s5 =	sshll.u32 s5, $0xB;
	s6 =	sshll.u32 s4, $0xA;
	[smem:$0x7FF] =	sst s3  }
.Ltmp0:
0x9: {  	s7 =	ssub.s32 $0x2, s4;
	s4 =	sor.u32 s6, s5;
	(pc) =	sbr.rel .LBB2_1-.Ltmp0, $4  }
0xa: {  	v0 =	vlaneseq.u32;
	_ =	strace $0x8000004A;
	s28 =	sshrl.u32 s7, $0x1;
	s8 =	sshrl.u32 s4, $0x3  }
0xb: {  	v1 =	vor.u32 $0x800, v0;
	s5 =	sadd.s32 $0x800, s1;
	s29 =	ssub.s32 s7, s28;
	s0 =	sadd.s32 s0, s8  }
0xc: {  	v2 =	vor.u32 $0x1000, v0;
	v3 =	vor.u32 $0x1800, v0;
	v4 =	vor.u32 $0x2000, v0;
	s6 =	simm.s32 $0x3;
	s30 =	smax.u32 s29, $0x1;
	[dreg:$0x4] =	wrdreg s0  }
0xd: {  	v5 =	vor.u32 $0x2800, v0;
	v6 =	vor.u32 $0x3000, v0;
	v7 =	vor.u32 $0x3800, v0;
	s1 =	simm.s32 $0x0;
	s7 =	simm.s32 $0x5;
	[dreg:$0x5] =	wrdreg s30  }
.LBB2_68:
0xe: {  	_ =	swait.ge [sflag:s7], $0x2000  }
0xf: {  	[sflag:s7] =	ssyncset.done $0x0  }
0x10: {  	[sflag:s7] =	ssyncadd.s32 $0xFFFFE000  }
0x11: {  	_ =	swait.ge [sflag:s18], $0x2000  }
0x12: {  	s1 =	rddreg [dreg:$0x6]  }
0x13: {  	s0 =	rddreg [dreg:$0x5];
	s1 =	sadd.s32 $0x1, s1  }
0x14: {  	p0 =	sne.s32 s1, s0  }
.Ltmp1:
0x15: {  	_ = 	snop;
	(pc) =	sbr.rel @!p0 .LBB2_69-.Ltmp1, $3  }
0x16: {  	_ =	sdelay $0x1  }
0x17: {  	[sflag:s18] =	ssyncset.done $0x0  }
0x18: {  	[sflag:s18] =	ssyncadd.s32 $0xFFFFE000  }
.LBB2_1:
0x19: {  	[dreg:$0x6] =	wrdreg s1  }
0x1a: {  	s0 =	rddreg [dreg:$0x4]  }
0x1b: {  	s23 =	simm.s32 $0x400;
	s8 =	simm.s32 $0x8000;
	s24 =	simm.s32 $0x7  }
0x1c: {  	[tilespmem:s3], [sflag:$0x7] =	stream.strided.gather [hbm4b:s0+s23], $0x6400, s8, s23, $0x38;
	[tilespmem:$0x1E600] =	vst v63  }
0x1d: {  	_ =	swait.ge [sflag:s24], $0x6400  }
0x1e: {  	[sflag:s24] =	ssyncset.done $0x0  }
0x1f: {  	[sflag:s24] =	ssyncadd.s32 $0xFFFF9C00  }
0x20: {  	v8 =	vld [tilespmem:$0x0]  }
0x21: {  	v9 =	vld [tilespmem:$0x10]  }
0x22: {  	v10 =	vld [tilespmem:$0x20]  }
0x23: {  	v11 =	vld [tilespmem:$0x30]  }
0x24: {  	v12 =	vld [tilespmem:$0x40]  }
0x25: {  	v13 =	vld [tilespmem:$0x50];
	v8 =	vshrl.u32 v8, $0x1  }
0x26: {  	v41 =	vld [tilespmem:$0x60];
	[tilespmem:$0x6400] =	vst v8;
	v8 =	vshrl.u32 v9, $0x1  }
0x27: {  	v42 =	vld [tilespmem:$0x70];
	[tilespmem:$0x6410] =	vst v8;
	v8 =	vshrl.u32 v10, $0x1  }
0x28: {  	[tilespmem:$0x6420] =	vst v8;
	v8 =	vshrl.u32 v11, $0x1  }
0x29: {  	[tilespmem:$0x6430] =	vst v8;
	v8 =	vshrl.u32 v12, $0x1  }
0x2a: {  	[tilespmem:$0x6440] =	vst v8;
	v8 =	vshrl.u32 v13, $0x1  }
0x2b: {  	[tilespmem:$0x6450] =	vst v8;
	v8 =	vshrl.u32 v41, $0x1  }
0x2c: {  	[tilespmem:$0x6460] =	vst v8;
	v8 =	vshrl.u32 v42, $0x1  }
0x2d: {  	s25 =	simm.s32 $0x80;
	s26 =	simm.s32 $0x6400;
	[tilespmem:$0x6470] =	vst v8  }
0x2e: {  	[tilespmem:s13], [sflag:$0x1] =	stream.indirect.gather [hbm4b:s5+s25], $0x80, s26, s25, $0xb8;
	[tilespmem:$0x1E600] =	vst v63  }
0x2f: {  	v8 =	vld [tilespmem:$0x80]  }
0x30: {  	v43 =	vld [tilespmem:$0x90]  }
0x31: {  	v44 =	vld [tilespmem:$0xA0]  }
0x32: {  	v45 =	vld [tilespmem:$0xB0]  }
0x33: {  	v46 =	vld [tilespmem:$0xC0]  }
0x34: {  	v47 =	vld [tilespmem:$0xD0];
	v8 =	vshrl.u32 v8, $0x1  }
0x35: {  	v48 =	vld [tilespmem:$0xE0];
	[tilespmem:$0x6480] =	vst v8;
	v8 =	vshrl.u32 v43, $0x1  }
0x36: {  	v49 =	vld [tilespmem:$0xF0];
	[tilespmem:$0x6490] =	vst v8;
	v8 =	vshrl.u32 v44, $0x1  }
0x37: {  	[tilespmem:$0x64A0] =	vst v8;
	v8 =	vshrl.u32 v45, $0x1  }
0x38: {  	[tilespmem:$0x64B0] =	vst v8;
	v8 =	vshrl.u32 v46, $0x1  }
0x39: {  	[tilespmem:$0x64C0] =	vst v8;
	v8 =	vshrl.u32 v47, $0x1  }
0x3a: {  	[tilespmem:$0x64D0] =	vst v8;
	v8 =	vshrl.u32 v48, $0x1  }
0x3b: {  	[tilespmem:$0x64E0] =	vst v8;
	v8 =	vshrl.u32 v49, $0x1  }
0x3c: {  	s28 =	simm.s32 $0x6480;
	[tilespmem:$0x64F0] =	vst v8  }
0x3d: {  	[tilespmem:s15], [sflag:$0x2] =	stream.indirect.gather [hbm4b:s5+s25], $0x80, s28, s25, $0xb8;
	[tilespmem:$0x1E600] =	vst v63  }
0x3e: {  	v8 =	vld [tilespmem:$0x100]  }
0x3f: {  	v50 =	vld [tilespmem:$0x110]  }
0x40: {  	v51 =	vld [tilespmem:$0x120]  }
0x41: {  	v52 =	vld [tilespmem:$0x130]  }
0x42: {  	v53 =	vld [tilespmem:$0x140]  }
0x43: {  	v54 =	vld [tilespmem:$0x150];
	v8 =	vshrl.u32 v8, $0x1  }
0x44: {  	v55 =	vld [tilespmem:$0x160];
	[tilespmem:$0x6500] =	vst v8;
	v8 =	vshrl.u32 v50, $0x1  }
0x45: {  	v56 =	vld [tilespmem:$0x170];
	[tilespmem:$0x6510] =	vst v8;
	v8 =	vshrl.u32 v51, $0x1  }
0x46: {  	[tilespmem:$0x6520] =	vst v8;
	v8 =	vshrl.u32 v52, $0x1  }
0x47: {  	[tilespmem:$0x6530] =	vst v8;
	v8 =	vshrl.u32 v53, $0x1  }
0x48: {  	[tilespmem:$0x6540] =	vst v8;
	v8 =	vshrl.u32 v54, $0x1  }
0x49: {  	[tilespmem:$0x6550] =	vst v8;
	v8 =	vshrl.u32 v55, $0x1  }
0x4a: {  	[tilespmem:$0x6560] =	vst v8;
	v8 =	vshrl.u32 v56, $0x1  }
0x4b: {  	s29 =	simm.s32 $0x6500;
	[tilespmem:$0x6570] =	vst v8  }
0x4c: {  	[tilespmem:s17], [sflag:$0x3] =	stream.indirect.gather [hbm4b:s5+s25], $0x80, s29, s25, $0xb8;
	[tilespmem:$0x1E600] =	vst v63  }
0x4d: {  	v8 =	vld [tilespmem:$0x180]  }
0x4e: {  	v57 =	vld [tilespmem:$0x190]  }
0x4f: {  	v58 =	vld [tilespmem:$0x1A0]  }
0x50: {  	v59 =	vld [tilespmem:$0x1B0]  }
0x51: {  	v60 =	vld [tilespmem:$0x1C0]  }
0x52: {  	v61 =	vld [tilespmem:$0x1D0];
	v8 =	vshrl.u32 v8, $0x1  }
0x53: {  	v62 =	vld [tilespmem:$0x1E0];
	[tilespmem:$0x6580] =	vst v8;
	v8 =	vshrl.u32 v57, $0x1  }
0x54: {  	v63 =	vld [tilespmem:$0x1F0];
	[tilespmem:$0x6590] =	vst v8;
	v8 =	vshrl.u32 v58, $0x1  }
0x55: {  	[tilespmem:$0x65A0] =	vst v8;
	v8 =	vshrl.u32 v59, $0x1  }
0x56: {  	[tilespmem:$0x65B0] =	vst v8;
	v8 =	vshrl.u32 v60, $0x1  }
0x57: {  	[tilespmem:$0x65C0] =	vst v8;
	v8 =	vshrl.u32 v61, $0x1  }
0x58: {  	[tilespmem:$0x65D0] =	vst v8;
	v8 =	vshrl.u32 v62, $0x1  }
0x59: {  	[tilespmem:$0x65E0] =	vst v8;
	v8 =	vshrl.u32 v63, $0x1  }
0x5a: {  	s30 =	simm.s32 $0x6580;
	s11 =	simm.s32 $0x0;
	[tilespmem:$0x65F0] =	vst v8  }
0x5b: {  	[tilespmem:s19], [sflag:$0x4] =	stream.indirect.gather [hbm4b:s5+s25], $0x80, s30, s25, $0xb8;
	[tilespmem:$0x1E600] =	vst v63  }
.LBB2_2:
0x5c: {  	s0 =	simm.s32 $0x1  }
0x5d: {  	_ =	swait.ge [sflag:s0], $0x4000  }
0x5e: {  	p1 =	seq.s32 s11, $0x0;
	[sflag:s0] =	ssyncset.done $0x0  }
0x5f: {  	[sflag:s0] =	ssyncadd.s32 $0xFFFFC000;
	s0 =	simm.s32 @!p1 $0x5  }
0x60: {  	_ =	swait.ge @!p1 [sflag:s0], $0x2000  }
0x61: {  	s1 =	sshll.u32 s11, $0xB;
	[sflag:s0] =	ssyncset.done @!p1 $0x0  }
0x62: {  	s22 =	sshra.s32 s1, $0x2;
	[sflag:s0] =	ssyncadd.s32 @!p1 $0xFFFFE000  }
0x63: {  	v8 =	vld [tilespmem:s22+$0x0];
	_ =	sdelay $0x4  }
0x64: {  	v8 =	vshll.u32 v8, $0x6  }
0x65: {  	v8 =	vand.u32 $0x40, v8  }
0x66: {  	s26 =	simm.s32 $0x0;
	v8 =	vor.u32 v0, v8  }
0x67: {  	s30 =	simm.s32 $0x7;
	v9 =	vadd.s32 s26, v8  }
0x68: {  	s8 =	simm.s32 $0x6;
	v10 =	vadd.s32 s30, v8  }
0x69: {  	s9 =	simm.s32 $0x5;
	v11 =	vadd.s32 s8, v8  }
0x6a: {  	s12 =	simm.s32 $0x4;
	v12 =	vadd.s32 s9, v8  }
0x6b: {  	s23 =	simm.s32 $0x3;
	v13 =	vadd.s32 s12, v8  }
0x6c: {  	s14 =	simm.s32 $0x2;
	v15 =	vadd.s32 s23, v8;
	v16 =	vld.idx.msk [tilespmem:v9+s13+$0x0], $0xffff  }
0x6d: {  	s16 =	simm.s32 $0x1;
	v17 =	vadd.s32 s26, v0;
	v19 =	vadd.s32 s14, v8;
	v21 =	vld.idx.msk [tilespmem:v10+s13+$0x0], $0xffff  }
0x6e: {  	s20 =	simm.s32 $0x8;
	v22 =	vadd.s32 s30, v0;
	v20 =	vadd.s32 s16, v8;
	v23 =	vld.idx.msk [tilespmem:v11+s13+$0x0], $0xffff  }
0x6f: {  	v26 =	vadd.s32 s8, v0;
	v24 =	vadd.s32 s20, v8;
	s26 =	simm.s32 $0xF;
	v25 =	vld.idx.msk [tilespmem:v12+s13+$0x0], $0xffff  }
0x70: {  	s24 =	simm.s32 $0xE;
	v28 =	vadd.s32 s9, v0;
	v27 =	vadd.s32 s26, v8;
	v9 =	vld.idx.msk [tilespmem:v13+s13+$0x0], $0xffff  }
0x71: {  	s25 =	simm.s32 $0xD;
	v18 =	vadd.s32 s12, v0;
	v14 =	vadd.s32 s24, v8;
	v10 =	vld.idx.msk [tilespmem:v15+s13+$0x0], $0xffff  }
0x72: {  	s28 =	simm.s32 $0xC;
	v15 =	vadd.s32 s25, v8;
	v11 =	vld.idx.msk [tilespmem:v19+s13+$0x0], $0xffff;
	v19 =	vadd.s32 s23, v0;
	[tilespmem:v17+s21+$0x0] =	vst.idx.msk $0xffff, v16  }
0x73: {  	s29 =	simm.s32 $0xB;
	v12 =	vld.idx.msk [tilespmem:v20+s13+$0x0], $0xffff;
	v20 =	vadd.s32 s14, v0;
	v17 =	vadd.s32 s28, v8;
	[tilespmem:v22+s21+$0x0] =	vst.idx.msk $0xffff, v21  }
0x74: {  	s0 =	simm.s32 $0xA;
	v13 =	vld.idx.msk [tilespmem:v24+s13+$0x0], $0xffff;
	v21 =	vadd.s32 s29, v8;
	v22 =	vadd.s32 s16, v0;
	[tilespmem:v26+s21+$0x0] =	vst.idx.msk $0xffff, v23  }
0x75: {  	s1 =	simm.s32 $0x9;
	s8 =	simm.s32 $0x10;
	s23 =	sshll.u32 s11, $0x2;
	v24 =	vadd.s32 s0, v8;
	v23 =	vadd.s32 s20, v0;
	v16 =	vld.idx.msk [tilespmem:v27+s13+$0x0], $0xffff;
	[tilespmem:v28+s21+$0x0] =	vst.idx.msk $0xffff, v25  }
.LBB2_3:
0x76: {  	p0 =	slt.u32 s8, $0x38;
	v25 =	vadd.s32 s1, v8;
	v26 =	vld.idx.msk [tilespmem:v14+s13+$0x0], $0xffff;
	v27 =	vadd.s32 s26, v0;
	[tilespmem:v18+s21+$0x0] =	vst.idx.msk $0xffff, v9  }
0x77: {  	v28 =	vadd.s32 s8, v8;
	s26 =	sadd.s32 $0x7, s8;
	v30 =	vadd.s32 s24, v0;
	v29 =	vld.idx.msk [tilespmem:v15+s13+$0x0], $0xffff;
	[tilespmem:v19+s21+$0x0] =	vst.idx.msk $0xffff, v10  }
0x78: {  	s24 =	sadd.s32 $0x6, s8;
	v32 =	vadd.s32 s25, v0;
	v31 =	vadd.s32 s26, v8;
	v9 =	vld.idx.msk [tilespmem:v17+s13+$0x0], $0xffff;
	[tilespmem:v20+s21+$0x0] =	vst.idx.msk $0xffff, v11  }
.Ltmp2:
0x79: {  	s25 =	sadd.s32 $0x5, s8;
	v18 =	vadd.s32 s28, v0;
	v14 =	vadd.s32 s24, v8;
	v10 =	vld.idx.msk [tilespmem:v21+s13+$0x0], $0xffff;
	[tilespmem:v22+s21+$0x0] =	vst.idx.msk $0xffff, v12;
	(pc) =	sbr.rel @p0 .LBB2_3-.Ltmp2, $4  }
0x7a: {  	s28 =	sadd.s32 $0x4, s8;
	v15 =	vadd.s32 s25, v8;
	v19 =	vadd.s32 s29, v0;
	[tilespmem:v23+s21+$0x0] =	vst.idx.msk $0xffff, v13;
	v11 =	vld.idx.msk [tilespmem:v24+s13+$0x0], $0xffff  }
0x7b: {  	s29 =	sadd.s32 $0x3, s8;
	v17 =	vadd.s32 s28, v8;
	v20 =	vadd.s32 s0, v0;
	v12 =	vld.idx.msk [tilespmem:v25+s13+$0x0], $0xffff;
	[tilespmem:v27+s21+$0x0] =	vst.idx.msk $0xffff, v16  }
0x7c: {  	s0 =	sadd.s32 $0x2, s8;
	v21 =	vadd.s32 s29, v8;
	v22 =	vadd.s32 s1, v0;
	v13 =	vld.idx.msk [tilespmem:v28+s13+$0x0], $0xffff;
	[tilespmem:v30+s21+$0x0] =	vst.idx.msk $0xffff, v26  }
0x7d: {  	s1 =	sadd.s32 $0x1, s8;
	v23 =	vadd.s32 s8, v0;
	v24 =	vadd.s32 s0, v8;
	s8 =	sadd.s32 $0x8, s8;
	v16 =	vld.idx.msk [tilespmem:v31+s13+$0x0], $0xffff;
	[tilespmem:v32+s21+$0x0] =	vst.idx.msk $0xffff, v29  }
0x7e: {  	_ =	sdelay $0x3  }
0x7f: {  	v25 =	vadd.s32 s26, v0;
	[tilespmem:v18+s21+$0x0] =	vst.idx.msk $0xffff, v9  }
0x80: {  	v8 =	vadd.s32 s1, v8;
	v9 =	vld.idx.msk [tilespmem:v14+s13+$0x0], $0xffff;
	v14 =	vadd.s32 s24, v0;
	[tilespmem:v19+s21+$0x0] =	vst.idx.msk $0xffff, v10  }
0x81: {  	v10 =	vld.idx.msk [tilespmem:v15+s13+$0x0], $0xffff;
	v15 =	vadd.s32 s25, v0;
	[tilespmem:v20+s21+$0x0] =	vst.idx.msk $0xffff, v11  }
0x82: {  	v18 =	vld.idx.msk [tilespmem:v24+s13+$0x0], $0xffff;
	v19 =	vadd.s32 s0, v0;
	[tilespmem:v22+s21+$0x0] =	vst.idx.msk $0xffff, v12  }
0x83: {  	v11 =	vld.idx.msk [tilespmem:v17+s13+$0x0], $0xffff;
	v17 =	vadd.s32 s28, v0;
	[tilespmem:v23+s21+$0x0] =	vst.idx.msk $0xffff, v13  }
0x84: {  	v12 =	vld.idx.msk [tilespmem:v21+s13+$0x0], $0xffff;
	v13 =	vadd.s32 s29, v0;
	[tilespmem:v25+s21+$0x0] =	vst.idx.msk $0xffff, v16  }
0x85: {  	v8 =	vld.idx.msk [tilespmem:v8+s13+$0x0], $0xffff;
	v16 =	vadd.s32 s1, v0;
	[tilespmem:v14+s21+$0x0] =	vst.idx.msk $0xffff, v9  }
0x86: {  	[tilespmem:v15+s21+$0x0] =	vst.idx.msk $0xffff, v10  }
0x87: {  	[tilespmem:v19+s21+$0x0] =	vst.idx.msk $0xffff, v18  }
0x88: {  	[tilespmem:v17+s21+$0x0] =	vst.idx.msk $0xffff, v11  }
0x89: {  	[tilespmem:v13+s21+$0x0] =	vst.idx.msk $0xffff, v12  }
0x8a: {  	[tilespmem:v16+s21+$0x0] =	vst.idx.msk $0xffff, v8  }
0x8b: {  	v8 =	vld [tilespmem:s22+$0x10];
	_ =	sdelay $0x4  }
0x8c: {  	v8 =	vshll.u32 v8, $0x6  }
0x8d: {  	v8 =	vand.u32 $0x40, v8  }
0x8e: {  	s25 =	simm.s32 $0x0;
	v8 =	vor.u32 v1, v8  }
0x8f: {  	s26 =	simm.s32 $0x7;
	v9 =	vadd.s32 s25, v8  }
0x90: {  	s8 =	simm.s32 $0x6;
	v10 =	vadd.s32 s26, v8  }
0x91: {  	s9 =	simm.s32 $0x5;
	v11 =	vadd.s32 s8, v8  }
0x92: {  	s12 =	simm.s32 $0x4;
	v12 =	vadd.s32 s9, v8  }
0x93: {  	s14 =	simm.s32 $0x3;
	v13 =	vadd.s32 s12, v8  }
0x94: {  	s16 =	simm.s32 $0x2;
	v15 =	vadd.s32 s14, v8;
	v16 =	vld.idx.msk [tilespmem:v9+s13+$0x0], $0xffff  }
0x95: {  	s20 =	simm.s32 $0x1;
	v17 =	vadd.s32 s25, v0;
	v19 =	vadd.s32 s16, v8;
	v21 =	vld.idx.msk [tilespmem:v10+s13+$0x0], $0xffff  }
0x96: {  	s30 =	simm.s32 $0x8;
	v23 =	vadd.s32 s26, v0;
	v20 =	vadd.s32 s20, v8;
	v22 =	vld.idx.msk [tilespmem:v11+s13+$0x0], $0xffff  }
0x97: {  	v26 =	vadd.s32 s8, v0;
	v24 =	vadd.s32 s30, v8;
	s26 =	simm.s32 $0xF;
	v25 =	vld.idx.msk [tilespmem:v12+s13+$0x0], $0xffff  }
0x98: {  	s24 =	simm.s32 $0xE;
	v28 =	vadd.s32 s9, v0;
	v27 =	vadd.s32 s26, v8;
	v9 =	vld.idx.msk [tilespmem:v13+s13+$0x0], $0xffff  }
0x99: {  	v18 =	vadd.s32 s12, v0;
	s25 =	simm.s32 $0xD;
	v14 =	vadd.s32 s24, v8;
	v10 =	vld.idx.msk [tilespmem:v15+s13+$0x0], $0xffff  }
0x9a: {  	s28 =	simm.s32 $0xC;
	v15 =	vadd.s32 s25, v8;
	v11 =	vld.idx.msk [tilespmem:v19+s13+$0x0], $0xffff;
	v19 =	vadd.s32 s14, v0;
	[tilespmem:v17+s21+$0x0] =	vst.idx.msk $0xffff, v16  }
0x9b: {  	s29 =	simm.s32 $0xB;
	v12 =	vld.idx.msk [tilespmem:v20+s13+$0x0], $0xffff;
	v20 =	vadd.s32 s16, v0;
	v17 =	vadd.s32 s28, v8;
	[tilespmem:v23+s21+$0x0] =	vst.idx.msk $0xffff, v21  }
0x9c: {  	s0 =	simm.s32 $0xA;
	v13 =	vld.idx.msk [tilespmem:v24+s13+$0x0], $0xffff;
	v21 =	vadd.s32 s29, v8;
	v23 =	vadd.s32 s20, v0;
	[tilespmem:v26+s21+$0x0] =	vst.idx.msk $0xffff, v22  }
0x9d: {  	s1 =	simm.s32 $0x9;
	s8 =	simm.s32 $0x10;
	v24 =	vadd.s32 s0, v8;
	v22 =	vadd.s32 s30, v0;
	v16 =	vld.idx.msk [tilespmem:v27+s13+$0x0], $0xffff;
	[tilespmem:v28+s21+$0x0] =	vst.idx.msk $0xffff, v25  }
.LBB2_5:
0x9e: {  	p0 =	slt.u32 s8, $0x38;
	v25 =	vadd.s32 s1, v8;
	v26 =	vld.idx.msk [tilespmem:v14+s13+$0x0], $0xffff;
	v27 =	vadd.s32 s26, v0;
	[tilespmem:v18+s21+$0x0] =	vst.idx.msk $0xffff, v9  }
0x9f: {  	v28 =	vadd.s32 s8, v8;
	s26 =	sadd.s32 $0x7, s8;
	v30 =	vadd.s32 s24, v0;
	v29 =	vld.idx.msk [tilespmem:v15+s13+$0x0], $0xffff;
	[tilespmem:v19+s21+$0x0] =	vst.idx.msk $0xffff, v10  }
0xa0: {  	s24 =	sadd.s32 $0x6, s8;
	v32 =	vadd.s32 s25, v0;
	v31 =	vadd.s32 s26, v8;
	v9 =	vld.idx.msk [tilespmem:v17+s13+$0x0], $0xffff;
	[tilespmem:v20+s21+$0x0] =	vst.idx.msk $0xffff, v11  }
.Ltmp3:
0xa1: {  	s25 =	sadd.s32 $0x5, s8;
	v18 =	vadd.s32 s28, v0;
	v14 =	vadd.s32 s24, v8;
	v10 =	vld.idx.msk [tilespmem:v21+s13+$0x0], $0xffff;
	[tilespmem:v23+s21+$0x0] =	vst.idx.msk $0xffff, v12;
	(pc) =	sbr.rel @p0 .LBB2_5-.Ltmp3, $4  }
0xa2: {  	s28 =	sadd.s32 $0x4, s8;
	v15 =	vadd.s32 s25, v8;
	v19 =	vadd.s32 s29, v0;
	[tilespmem:v22+s21+$0x0] =	vst.idx.msk $0xffff, v13;
	v11 =	vld.idx.msk [tilespmem:v24+s13+$0x0], $0xffff  }
0xa3: {  	s29 =	sadd.s32 $0x3, s8;
	v17 =	vadd.s32 s28, v8;
	v20 =	vadd.s32 s0, v0;
	v12 =	vld.idx.msk [tilespmem:v25+s13+$0x0], $0xffff;
	[tilespmem:v27+s21+$0x0] =	vst.idx.msk $0xffff, v16  }
0xa4: {  	s0 =	sadd.s32 $0x2, s8;
	v21 =	vadd.s32 s29, v8;
	v23 =	vadd.s32 s1, v0;
	v13 =	vld.idx.msk [tilespmem:v28+s13+$0x0], $0xffff;
	[tilespmem:v30+s21+$0x0] =	vst.idx.msk $0xffff, v26  }
0xa5: {  	s1 =	sadd.s32 $0x1, s8;
	v22 =	vadd.s32 s8, v0;
	v24 =	vadd.s32 s0, v8;
	s8 =	sadd.s32 $0x8, s8;
	v16 =	vld.idx.msk [tilespmem:v31+s13+$0x0], $0xffff;
	[tilespmem:v32+s21+$0x0] =	vst.idx.msk $0xffff, v29  }
0xa6: {  	_ =	sdelay $0x3  }
0xa7: {  	v25 =	vadd.s32 s26, v0;
	[tilespmem:v18+s21+$0x0] =	vst.idx.msk $0xffff, v9  }
0xa8: {  	v8 =	vadd.s32 s1, v8;
	v9 =	vld.idx.msk [tilespmem:v14+s13+$0x0], $0xffff;
	v14 =	vadd.s32 s24, v0;
	[tilespmem:v19+s21+$0x0] =	vst.idx.msk $0xffff, v10  }
0xa9: {  	v10 =	vld.idx.msk [tilespmem:v15+s13+$0x0], $0xffff;
	v15 =	vadd.s32 s25, v0;
	[tilespmem:v20+s21+$0x0] =	vst.idx.msk $0xffff, v11  }
0xaa: {  	v18 =	vld.idx.msk [tilespmem:v24+s13+$0x0], $0xffff;
	v19 =	vadd.s32 s0, v0;
	[tilespmem:v23+s21+$0x0] =	vst.idx.msk $0xffff, v12  }
0xab: {  	v11 =	vld.idx.msk [tilespmem:v17+s13+$0x0], $0xffff;
	v17 =	vadd.s32 s28, v0;
	[tilespmem:v22+s21+$0x0] =	vst.idx.msk $0xffff, v13  }
0xac: {  	v12 =	vld.idx.msk [tilespmem:v21+s13+$0x0], $0xffff;
	v13 =	vadd.s32 s29, v0;
	[tilespmem:v25+s21+$0x0] =	vst.idx.msk $0xffff, v16  }
0xad: {  	v8 =	vld.idx.msk [tilespmem:v8+s13+$0x0], $0xffff;
	v16 =	vadd.s32 s1, v0;
	[tilespmem:v14+s21+$0x0] =	vst.idx.msk $0xffff, v9  }
0xae: {  	[tilespmem:v15+s21+$0x0] =	vst.idx.msk $0xffff, v10  }
0xaf: {  	[tilespmem:v19+s21+$0x0] =	vst.idx.msk $0xffff, v18  }
0xb0: {  	[tilespmem:v17+s21+$0x0] =	vst.idx.msk $0xffff, v11  }
0xb1: {  	[tilespmem:v13+s21+$0x0] =	vst.idx.msk $0xffff, v12  }
0xb2: {  	[tilespmem:v16+s21+$0x0] =	vst.idx.msk $0xffff, v8  }
0xb3: {  	v8 =	vld [tilespmem:s22+$0x20];
	_ =	sdelay $0x4  }
0xb4: {  	v8 =	vshll.u32 v8, $0x6  }
0xb5: {  	v8 =	vand.u32 $0x40, v8  }
0xb6: {  	s25 =	simm.s32 $0x0;
	v8 =	vor.u32 v2, v8  }
0xb7: {  	s26 =	simm.s32 $0x7;
	v9 =	vadd.s32 s25, v8  }
0xb8: {  	s8 =	simm.s32 $0x6;
	v10 =	vadd.s32 s26, v8  }
0xb9: {  	s9 =	simm.s32 $0x5;
	v11 =	vadd.s32 s8, v8  }
0xba: {  	s12 =	simm.s32 $0x4;
	v12 =	vadd.s32 s9, v8  }
0xbb: {  	s14 =	simm.s32 $0x3;
	v13 =	vadd.s32 s12, v8  }
0xbc: {  	s16 =	simm.s32 $0x2;
	v15 =	vadd.s32 s14, v8;
	v16 =	vld.idx.msk [tilespmem:v9+s13+$0x0], $0xffff  }
0xbd: {  	s20 =	simm.s32 $0x1;
	v17 =	vadd.s32 s25, v0;
	v19 =	vadd.s32 s16, v8;
	v21 =	vld.idx.msk [tilespmem:v10+s13+$0x0], $0xffff  }
0xbe: {  	s30 =	simm.s32 $0x8;
	v23 =	vadd.s32 s26, v0;
	v20 =	vadd.s32 s20, v8;
	v22 =	vld.idx.msk [tilespmem:v11+s13+$0x0], $0xffff  }
0xbf: {  	v26 =	vadd.s32 s8, v0;
	v24 =	vadd.s32 s30, v8;
	s26 =	simm.s32 $0xF;
	v25 =	vld.idx.msk [tilespmem:v12+s13+$0x0], $0xffff  }
0xc0: {  	s24 =	simm.s32 $0xE;
	v28 =	vadd.s32 s9, v0;
	v27 =	vadd.s32 s26, v8;
	v9 =	vld.idx.msk [tilespmem:v13+s13+$0x0], $0xffff  }
0xc1: {  	v18 =	vadd.s32 s12, v0;
	s25 =	simm.s32 $0xD;
	v14 =	vadd.s32 s24, v8;
	v10 =	vld.idx.msk [tilespmem:v15+s13+$0x0], $0xffff  }
0xc2: {  	s28 =	simm.s32 $0xC;
	v15 =	vadd.s32 s25, v8;
	v11 =	vld.idx.msk [tilespmem:v19+s13+$0x0], $0xffff;
	v19 =	vadd.s32 s14, v0;
	[tilespmem:v17+s21+$0x0] =	vst.idx.msk $0xffff, v16  }
0xc3: {  	s29 =	simm.s32 $0xB;
	v12 =	vld.idx.msk [tilespmem:v20+s13+$0x0], $0xffff;
	v20 =	vadd.s32 s16, v0;
	v17 =	vadd.s32 s28, v8;
	[tilespmem:v23+s21+$0x0] =	vst.idx.msk $0xffff, v21  }
0xc4: {  	s0 =	simm.s32 $0xA;
	v13 =	vld.idx.msk [tilespmem:v24+s13+$0x0], $0xffff;
	v21 =	vadd.s32 s29, v8;
	v23 =	vadd.s32 s20, v0;
	[tilespmem:v26+s21+$0x0] =	vst.idx.msk $0xffff, v22  }
0xc5: {  	s1 =	simm.s32 $0x9;
	s8 =	simm.s32 $0x10;
	v24 =	vadd.s32 s0, v8;
	v22 =	vadd.s32 s30, v0;
	v16 =	vld.idx.msk [tilespmem:v27+s13+$0x0], $0xffff;
	[tilespmem:v28+s21+$0x0] =	vst.idx.msk $0xffff, v25  }
.LBB2_7:
0xc6: {  	p0 =	slt.u32 s8, $0x38;
	v25 =	vadd.s32 s1, v8;
	v26 =	vld.idx.msk [tilespmem:v14+s13+$0x0], $0xffff;
	v27 =	vadd.s32 s26, v0;
	[tilespmem:v18+s21+$0x0] =	vst.idx.msk $0xffff, v9  }
0xc7: {  	v28 =	vadd.s32 s8, v8;
	s26 =	sadd.s32 $0x7, s8;
	v30 =	vadd.s32 s24, v0;
	v29 =	vld.idx.msk [tilespmem:v15+s13+$0x0], $0xffff;
	[tilespmem:v19+s21+$0x0] =	vst.idx.msk $0xffff, v10  }
0xc8: {  	s24 =	sadd.s32 $0x6, s8;
	v32 =	vadd.s32 s25, v0;
	v31 =	vadd.s32 s26, v8;
	v9 =	vld.idx.msk [tilespmem:v17+s13+$0x0], $0xffff;
	[tilespmem:v20+s21+$0x0] =	vst.idx.msk $0xffff, v11  }
.Ltmp4:
0xc9: {  	s25 =	sadd.s32 $0x5, s8;
	v18 =	vadd.s32 s28, v0;
	v14 =	vadd.s32 s24, v8;
	v10 =	vld.idx.msk [tilespmem:v21+s13+$0x0], $0xffff;
	[tilespmem:v23+s21+$0x0] =	vst.idx.msk $0xffff, v12;
	(pc) =	sbr.rel @p0 .LBB2_7-.Ltmp4, $4  }
0xca: {  	s28 =	sadd.s32 $0x4, s8;
	v15 =	vadd.s32 s25, v8;
	v19 =	vadd.s32 s29, v0;
	[tilespmem:v22+s21+$0x0] =	vst.idx.msk $0xffff, v13;
	v11 =	vld.idx.msk [tilespmem:v24+s13+$0x0], $0xffff  }
0xcb: {  	s29 =	sadd.s32 $0x3, s8;
	v17 =	vadd.s32 s28, v8;
	v20 =	vadd.s32 s0, v0;
	v12 =	vld.idx.msk [tilespmem:v25+s13+$0x0], $0xffff;
	[tilespmem:v27+s21+$0x0] =	vst.idx.msk $0xffff, v16  }
0xcc: {  	s0 =	sadd.s32 $0x2, s8;
	v21 =	vadd.s32 s29, v8;
	v23 =	vadd.s32 s1, v0;
	v13 =	vld.idx.msk [tilespmem:v28+s13+$0x0], $0xffff;
	[tilespmem:v30+s21+$0x0] =	vst.idx.msk $0xffff, v26  }
0xcd: {  	s1 =	sadd.s32 $0x1, s8;
	v22 =	vadd.s32 s8, v0;
	v24 =	vadd.s32 s0, v8;
	s8 =	sadd.s32 $0x8, s8;
	v16 =	vld.idx.msk [tilespmem:v31+s13+$0x0], $0xffff;
	[tilespmem:v32+s21+$0x0] =	vst.idx.msk $0xffff, v29  }
0xce: {  	_ =	sdelay $0x3  }
0xcf: {  	v25 =	vadd.s32 s26, v0;
	[tilespmem:v18+s21+$0x0] =	vst.idx.msk $0xffff, v9  }
0xd0: {  	v8 =	vadd.s32 s1, v8;
	v9 =	vld.idx.msk [tilespmem:v14+s13+$0x0], $0xffff;
	v14 =	vadd.s32 s24, v0;
	[tilespmem:v19+s21+$0x0] =	vst.idx.msk $0xffff, v10  }
0xd1: {  	v10 =	vld.idx.msk [tilespmem:v15+s13+$0x0], $0xffff;
	v15 =	vadd.s32 s25, v0;
	[tilespmem:v20+s21+$0x0] =	vst.idx.msk $0xffff, v11  }
0xd2: {  	v18 =	vld.idx.msk [tilespmem:v24+s13+$0x0], $0xffff;
	v19 =	vadd.s32 s0, v0;
	[tilespmem:v23+s21+$0x0] =	vst.idx.msk $0xffff, v12  }
0xd3: {  	v11 =	vld.idx.msk [tilespmem:v17+s13+$0x0], $0xffff;
	v17 =	vadd.s32 s28, v0;
	[tilespmem:v22+s21+$0x0] =	vst.idx.msk $0xffff, v13  }
0xd4: {  	v12 =	vld.idx.msk [tilespmem:v21+s13+$0x0], $0xffff;
	v13 =	vadd.s32 s29, v0;
	[tilespmem:v25+s21+$0x0] =	vst.idx.msk $0xffff, v16  }
0xd5: {  	v8 =	vld.idx.msk [tilespmem:v8+s13+$0x0], $0xffff;
	v16 =	vadd.s32 s1, v0;
	[tilespmem:v14+s21+$0x0] =	vst.idx.msk $0xffff, v9  }
0xd6: {  	[tilespmem:v15+s21+$0x0] =	vst.idx.msk $0xffff, v10  }
0xd7: {  	[tilespmem:v19+s21+$0x0] =	vst.idx.msk $0xffff, v18  }
0xd8: {  	[tilespmem:v17+s21+$0x0] =	vst.idx.msk $0xffff, v11  }
0xd9: {  	[tilespmem:v13+s21+$0x0] =	vst.idx.msk $0xffff, v12  }
0xda: {  	[tilespmem:v16+s21+$0x0] =	vst.idx.msk $0xffff, v8  }
0xdb: {  	v8 =	vld [tilespmem:s22+$0x30];
	_ =	sdelay $0x4  }
0xdc: {  	v8 =	vshll.u32 v8, $0x6  }
0xdd: {  	v8 =	vand.u32 $0x40, v8  }
0xde: {  	s25 =	simm.s32 $0x0;
	v8 =	vor.u32 v3, v8  }
0xdf: {  	s26 =	simm.s32 $0x7;
	v9 =	vadd.s32 s25, v8  }
0xe0: {  	s8 =	simm.s32 $0x6;
	v10 =	vadd.s32 s26, v8  }
0xe1: {  	s9 =	simm.s32 $0x5;
	v11 =	vadd.s32 s8, v8  }
0xe2: {  	s12 =	simm.s32 $0x4;
	v12 =	vadd.s32 s9, v8  }
0xe3: {  	s14 =	simm.s32 $0x3;
	v13 =	vadd.s32 s12, v8  }
0xe4: {  	s16 =	simm.s32 $0x2;
	v15 =	vadd.s32 s14, v8;
	v16 =	vld.idx.msk [tilespmem:v9+s13+$0x0], $0xffff  }
0xe5: {  	s20 =	simm.s32 $0x1;
	v17 =	vadd.s32 s25, v0;
	v19 =	vadd.s32 s16, v8;
	v21 =	vld.idx.msk [tilespmem:v10+s13+$0x0], $0xffff  }
0xe6: {  	s30 =	simm.s32 $0x8;
	v23 =	vadd.s32 s26, v0;
	v20 =	vadd.s32 s20, v8;
	v22 =	vld.idx.msk [tilespmem:v11+s13+$0x0], $0xffff  }
0xe7: {  	v26 =	vadd.s32 s8, v0;
	v24 =	vadd.s32 s30, v8;
	s26 =	simm.s32 $0xF;
	v25 =	vld.idx.msk [tilespmem:v12+s13+$0x0], $0xffff  }
0xe8: {  	s24 =	simm.s32 $0xE;
	v28 =	vadd.s32 s9, v0;
	v27 =	vadd.s32 s26, v8;
	v9 =	vld.idx.msk [tilespmem:v13+s13+$0x0], $0xffff  }
0xe9: {  	v18 =	vadd.s32 s12, v0;
	s25 =	simm.s32 $0xD;
	v14 =	vadd.s32 s24, v8;
	v10 =	vld.idx.msk [tilespmem:v15+s13+$0x0], $0xffff  }
0xea: {  	s28 =	simm.s32 $0xC;
	v15 =	vadd.s32 s25, v8;
	v11 =	vld.idx.msk [tilespmem:v19+s13+$0x0], $0xffff;
	v19 =	vadd.s32 s14, v0;
	[tilespmem:v17+s21+$0x0] =	vst.idx.msk $0xffff, v16  }
0xeb: {  	s29 =	simm.s32 $0xB;
	v12 =	vld.idx.msk [tilespmem:v20+s13+$0x0], $0xffff;
	v20 =	vadd.s32 s16, v0;
	v17 =	vadd.s32 s28, v8;
	[tilespmem:v23+s21+$0x0] =	vst.idx.msk $0xffff, v21  }
0xec: {  	s0 =	simm.s32 $0xA;
	v13 =	vld.idx.msk [tilespmem:v24+s13+$0x0], $0xffff;
	v21 =	vadd.s32 s29, v8;
	v23 =	vadd.s32 s20, v0;
	[tilespmem:v26+s21+$0x0] =	vst.idx.msk $0xffff, v22  }
0xed: {  	s1 =	simm.s32 $0x9;
	s8 =	simm.s32 $0x10;
	v24 =	vadd.s32 s0, v8;
	v22 =	vadd.s32 s30, v0;
	v16 =	vld.idx.msk [tilespmem:v27+s13+$0x0], $0xffff;
	[tilespmem:v28+s21+$0x0] =	vst.idx.msk $0xffff, v25  }
.LBB2_9:
0xee: {  	p0 =	slt.u32 s8, $0x38;
	v25 =	vadd.s32 s1, v8;
	v26 =	vld.idx.msk [tilespmem:v14+s13+$0x0], $0xffff;
	v27 =	vadd.s32 s26, v0;
	[tilespmem:v18+s21+$0x0] =	vst.idx.msk $0xffff, v9  }
0xef: {  	v28 =	vadd.s32 s8, v8;
	s26 =	sadd.s32 $0x7, s8;
	v30 =	vadd.s32 s24, v0;
	v29 =	vld.idx.msk [tilespmem:v15+s13+$0x0], $0xffff;
	[tilespmem:v19+s21+$0x0] =	vst.idx.msk $0xffff, v10  }
0xf0: {  	s24 =	sadd.s32 $0x6, s8;
	v32 =	vadd.s32 s25, v0;
	v31 =	vadd.s32 s26, v8;
	v9 =	vld.idx.msk [tilespmem:v17+s13+$0x0], $0xffff;
	[tilespmem:v20+s21+$0x0] =	vst.idx.msk $0xffff, v11  }
.Ltmp5:
0xf1: {  	s25 =	sadd.s32 $0x5, s8;
	v18 =	vadd.s32 s28, v0;
	v14 =	vadd.s32 s24, v8;
	v10 =	vld.idx.msk [tilespmem:v21+s13+$0x0], $0xffff;
	[tilespmem:v23+s21+$0x0] =	vst.idx.msk $0xffff, v12;
	(pc) =	sbr.rel @p0 .LBB2_9-.Ltmp5, $4  }
0xf2: {  	s28 =	sadd.s32 $0x4, s8;
	v15 =	vadd.s32 s25, v8;
	v19 =	vadd.s32 s29, v0;
	[tilespmem:v22+s21+$0x0] =	vst.idx.msk $0xffff, v13;
	v11 =	vld.idx.msk [tilespmem:v24+s13+$0x0], $0xffff  }
0xf3: {  	s29 =	sadd.s32 $0x3, s8;
	v17 =	vadd.s32 s28, v8;
	v20 =	vadd.s32 s0, v0;
	v12 =	vld.idx.msk [tilespmem:v25+s13+$0x0], $0xffff;
	[tilespmem:v27+s21+$0x0] =	vst.idx.msk $0xffff, v16  }
0xf4: {  	s0 =	sadd.s32 $0x2, s8;
	v21 =	vadd.s32 s29, v8;
	v23 =	vadd.s32 s1, v0;
	v13 =	vld.idx.msk [tilespmem:v28+s13+$0x0], $0xffff;
	[tilespmem:v30+s21+$0x0] =	vst.idx.msk $0xffff, v26  }
0xf5: {  	s1 =	sadd.s32 $0x1, s8;
	v22 =	vadd.s32 s8, v0;
	v24 =	vadd.s32 s0, v8;
	s8 =	sadd.s32 $0x8, s8;
	v16 =	vld.idx.msk [tilespmem:v31+s13+$0x0], $0xffff;
	[tilespmem:v32+s21+$0x0] =	vst.idx.msk $0xffff, v29  }
0xf6: {  	_ =	sdelay $0x3  }
0xf7: {  	v25 =	vadd.s32 s26, v0;
	[tilespmem:v18+s21+$0x0] =	vst.idx.msk $0xffff, v9  }
0xf8: {  	v8 =	vadd.s32 s1, v8;
	v9 =	vld.idx.msk [tilespmem:v14+s13+$0x0], $0xffff;
	v14 =	vadd.s32 s24, v0;
	[tilespmem:v19+s21+$0x0] =	vst.idx.msk $0xffff, v10  }
0xf9: {  	v10 =	vld.idx.msk [tilespmem:v15+s13+$0x0], $0xffff;
	v15 =	vadd.s32 s25, v0;
	[tilespmem:v20+s21+$0x0] =	vst.idx.msk $0xffff, v11  }
0xfa: {  	v18 =	vld.idx.msk [tilespmem:v24+s13+$0x0], $0xffff;
	v19 =	vadd.s32 s0, v0;
	[tilespmem:v23+s21+$0x0] =	vst.idx.msk $0xffff, v12  }
0xfb: {  	v11 =	vld.idx.msk [tilespmem:v17+s13+$0x0], $0xffff;
	v17 =	vadd.s32 s28, v0;
	[tilespmem:v22+s21+$0x0] =	vst.idx.msk $0xffff, v13  }
0xfc: {  	v12 =	vld.idx.msk [tilespmem:v21+s13+$0x0], $0xffff;
	v13 =	vadd.s32 s29, v0;
	[tilespmem:v25+s21+$0x0] =	vst.idx.msk $0xffff, v16  }
0xfd: {  	v8 =	vld.idx.msk [tilespmem:v8+s13+$0x0], $0xffff;
	v16 =	vadd.s32 s1, v0;
	[tilespmem:v14+s21+$0x0] =	vst.idx.msk $0xffff, v9  }
0xfe: {  	[tilespmem:v15+s21+$0x0] =	vst.idx.msk $0xffff, v10  }
0xff: {  	[tilespmem:v19+s21+$0x0] =	vst.idx.msk $0xffff, v18  }
0x100: {  	[tilespmem:v17+s21+$0x0] =	vst.idx.msk $0xffff, v11  }
0x101: {  	[tilespmem:v13+s21+$0x0] =	vst.idx.msk $0xffff, v12  }
0x102: {  	[tilespmem:v16+s21+$0x0] =	vst.idx.msk $0xffff, v8  }
0x103: {  	v8 =	vld [tilespmem:s22+$0x40];
	_ =	sdelay $0x4  }
0x104: {  	v8 =	vshll.u32 v8, $0x6  }
0x105: {  	v8 =	vand.u32 $0x40, v8  }
0x106: {  	s25 =	simm.s32 $0x0;
	v8 =	vor.u32 v4, v8  }
0x107: {  	s26 =	simm.s32 $0x7;
	v9 =	vadd.s32 s25, v8  }
0x108: {  	s8 =	simm.s32 $0x6;
	v10 =	vadd.s32 s26, v8  }
0x109: {  	s9 =	simm.s32 $0x5;
	v11 =	vadd.s32 s8, v8  }
0x10a: {  	s12 =	simm.s32 $0x4;
	v12 =	vadd.s32 s9, v8  }
0x10b: {  	s14 =	simm.s32 $0x3;
	v13 =	vadd.s32 s12, v8  }
0x10c: {  	s16 =	simm.s32 $0x2;
	v15 =	vadd.s32 s14, v8;
	v16 =	vld.idx.msk [tilespmem:v9+s13+$0x0], $0xffff  }
0x10d: {  	s20 =	simm.s32 $0x1;
	v17 =	vadd.s32 s25, v0;
	v19 =	vadd.s32 s16, v8;
	v21 =	vld.idx.msk [tilespmem:v10+s13+$0x0], $0xffff  }
0x10e: {  	s30 =	simm.s32 $0x8;
	v23 =	vadd.s32 s26, v0;
	v20 =	vadd.s32 s20, v8;
	v22 =	vld.idx.msk [tilespmem:v11+s13+$0x0], $0xffff  }
0x10f: {  	v26 =	vadd.s32 s8, v0;
	v24 =	vadd.s32 s30, v8;
	s26 =	simm.s32 $0xF;
	v25 =	vld.idx.msk [tilespmem:v12+s13+$0x0], $0xffff  }
0x110: {  	s24 =	simm.s32 $0xE;
	v28 =	vadd.s32 s9, v0;
	v27 =	vadd.s32 s26, v8;
	v9 =	vld.idx.msk [tilespmem:v13+s13+$0x0], $0xffff  }
0x111: {  	v18 =	vadd.s32 s12, v0;
	s25 =	simm.s32 $0xD;
	v14 =	vadd.s32 s24, v8;
	v10 =	vld.idx.msk [tilespmem:v15+s13+$0x0], $0xffff  }
0x112: {  	s28 =	simm.s32 $0xC;
	v15 =	vadd.s32 s25, v8;
	v11 =	vld.idx.msk [tilespmem:v19+s13+$0x0], $0xffff;
	v19 =	vadd.s32 s14, v0;
	[tilespmem:v17+s21+$0x0] =	vst.idx.msk $0xffff, v16  }
0x113: {  	s29 =	simm.s32 $0xB;
	v12 =	vld.idx.msk [tilespmem:v20+s13+$0x0], $0xffff;
	v20 =	vadd.s32 s16, v0;
	v17 =	vadd.s32 s28, v8;
	[tilespmem:v23+s21+$0x0] =	vst.idx.msk $0xffff, v21  }
0x114: {  	s0 =	simm.s32 $0xA;
	v13 =	vld.idx.msk [tilespmem:v24+s13+$0x0], $0xffff;
	v21 =	vadd.s32 s29, v8;
	v23 =	vadd.s32 s20, v0;
	[tilespmem:v26+s21+$0x0] =	vst.idx.msk $0xffff, v22  }
0x115: {  	s1 =	simm.s32 $0x9;
	s8 =	simm.s32 $0x10;
	v24 =	vadd.s32 s0, v8;
	v22 =	vadd.s32 s30, v0;
	v16 =	vld.idx.msk [tilespmem:v27+s13+$0x0], $0xffff;
	[tilespmem:v28+s21+$0x0] =	vst.idx.msk $0xffff, v25  }
.LBB2_11:
0x116: {  	p0 =	slt.u32 s8, $0x38;
	v25 =	vadd.s32 s1, v8;
	v26 =	vld.idx.msk [tilespmem:v14+s13+$0x0], $0xffff;
	v27 =	vadd.s32 s26, v0;
	[tilespmem:v18+s21+$0x0] =	vst.idx.msk $0xffff, v9  }
0x117: {  	v28 =	vadd.s32 s8, v8;
	s26 =	sadd.s32 $0x7, s8;
	v30 =	vadd.s32 s24, v0;
	v29 =	vld.idx.msk [tilespmem:v15+s13+$0x0], $0xffff;
	[tilespmem:v19+s21+$0x0] =	vst.idx.msk $0xffff, v10  }
0x118: {  	s24 =	sadd.s32 $0x6, s8;
	v32 =	vadd.s32 s25, v0;
	v31 =	vadd.s32 s26, v8;
	v9 =	vld.idx.msk [tilespmem:v17+s13+$0x0], $0xffff;
	[tilespmem:v20+s21+$0x0] =	vst.idx.msk $0xffff, v11  }
.Ltmp6:
0x119: {  	s25 =	sadd.s32 $0x5, s8;
	v18 =	vadd.s32 s28, v0;
	v14 =	vadd.s32 s24, v8;
	v10 =	vld.idx.msk [tilespmem:v21+s13+$0x0], $0xffff;
	[tilespmem:v23+s21+$0x0] =	vst.idx.msk $0xffff, v12;
	(pc) =	sbr.rel @p0 .LBB2_11-.Ltmp6, $4  }
0x11a: {  	s28 =	sadd.s32 $0x4, s8;
	v15 =	vadd.s32 s25, v8;
	v19 =	vadd.s32 s29, v0;
	[tilespmem:v22+s21+$0x0] =	vst.idx.msk $0xffff, v13;
	v11 =	vld.idx.msk [tilespmem:v24+s13+$0x0], $0xffff  }
0x11b: {  	s29 =	sadd.s32 $0x3, s8;
	v17 =	vadd.s32 s28, v8;
	v20 =	vadd.s32 s0, v0;
	v12 =	vld.idx.msk [tilespmem:v25+s13+$0x0], $0xffff;
	[tilespmem:v27+s21+$0x0] =	vst.idx.msk $0xffff, v16  }
0x11c: {  	s0 =	sadd.s32 $0x2, s8;
	v21 =	vadd.s32 s29, v8;
	v23 =	vadd.s32 s1, v0;
	v13 =	vld.idx.msk [tilespmem:v28+s13+$0x0], $0xffff;
	[tilespmem:v30+s21+$0x0] =	vst.idx.msk $0xffff, v26  }
0x11d: {  	s1 =	sadd.s32 $0x1, s8;
	v22 =	vadd.s32 s8, v0;
	v24 =	vadd.s32 s0, v8;
	s8 =	sadd.s32 $0x8, s8;
	v16 =	vld.idx.msk [tilespmem:v31+s13+$0x0], $0xffff;
	[tilespmem:v32+s21+$0x0] =	vst.idx.msk $0xffff, v29  }
0x11e: {  	_ =	sdelay $0x3  }
0x11f: {  	v25 =	vadd.s32 s26, v0;
	[tilespmem:v18+s21+$0x0] =	vst.idx.msk $0xffff, v9  }
0x120: {  	v8 =	vadd.s32 s1, v8;
	v9 =	vld.idx.msk [tilespmem:v14+s13+$0x0], $0xffff;
	v14 =	vadd.s32 s24, v0;
	[tilespmem:v19+s21+$0x0] =	vst.idx.msk $0xffff, v10  }
0x121: {  	v10 =	vld.idx.msk [tilespmem:v15+s13+$0x0], $0xffff;
	v15 =	vadd.s32 s25, v0;
	[tilespmem:v20+s21+$0x0] =	vst.idx.msk $0xffff, v11  }
0x122: {  	v18 =	vld.idx.msk [tilespmem:v24+s13+$0x0], $0xffff;
	v19 =	vadd.s32 s0, v0;
	[tilespmem:v23+s21+$0x0] =	vst.idx.msk $0xffff, v12  }
0x123: {  	v11 =	vld.idx.msk [tilespmem:v17+s13+$0x0], $0xffff;
	v17 =	vadd.s32 s28, v0;
	[tilespmem:v22+s21+$0x0] =	vst.idx.msk $0xffff, v13  }
0x124: {  	v12 =	vld.idx.msk [tilespmem:v21+s13+$0x0], $0xffff;
	v13 =	vadd.s32 s29, v0;
	[tilespmem:v25+s21+$0x0] =	vst.idx.msk $0xffff, v16  }
0x125: {  	v8 =	vld.idx.msk [tilespmem:v8+s13+$0x0], $0xffff;
	v16 =	vadd.s32 s1, v0;
	[tilespmem:v14+s21+$0x0] =	vst.idx.msk $0xffff, v9  }
0x126: {  	[tilespmem:v15+s21+$0x0] =	vst.idx.msk $0xffff, v10  }
0x127: {  	[tilespmem:v19+s21+$0x0] =	vst.idx.msk $0xffff, v18  }
0x128: {  	[tilespmem:v17+s21+$0x0] =	vst.idx.msk $0xffff, v11  }
0x129: {  	[tilespmem:v13+s21+$0x0] =	vst.idx.msk $0xffff, v12  }
0x12a: {  	[tilespmem:v16+s21+$0x0] =	vst.idx.msk $0xffff, v8  }
0x12b: {  	v8 =	vld [tilespmem:s22+$0x50];
	_ =	sdelay $0x4  }
0x12c: {  	v8 =	vshll.u32 v8, $0x6  }
0x12d: {  	v8 =	vand.u32 $0x40, v8  }
0x12e: {  	s25 =	simm.s32 $0x0;
	v8 =	vor.u32 v5, v8  }
0x12f: {  	s26 =	simm.s32 $0x7;
	v9 =	vadd.s32 s25, v8  }
0x130: {  	s8 =	simm.s32 $0x6;
	v10 =	vadd.s32 s26, v8  }
0x131: {  	s9 =	simm.s32 $0x5;
	v11 =	vadd.s32 s8, v8  }
0x132: {  	s12 =	simm.s32 $0x4;
	v12 =	vadd.s32 s9, v8  }
0x133: {  	s14 =	simm.s32 $0x3;
	v13 =	vadd.s32 s12, v8  }
0x134: {  	s16 =	simm.s32 $0x2;
	v15 =	vadd.s32 s14, v8;
	v16 =	vld.idx.msk [tilespmem:v9+s13+$0x0], $0xffff  }
0x135: {  	s20 =	simm.s32 $0x1;
	v17 =	vadd.s32 s25, v0;
	v19 =	vadd.s32 s16, v8;
	v21 =	vld.idx.msk [tilespmem:v10+s13+$0x0], $0xffff  }
0x136: {  	s30 =	simm.s32 $0x8;
	v23 =	vadd.s32 s26, v0;
	v20 =	vadd.s32 s20, v8;
	v22 =	vld.idx.msk [tilespmem:v11+s13+$0x0], $0xffff  }
0x137: {  	v26 =	vadd.s32 s8, v0;
	v24 =	vadd.s32 s30, v8;
	s26 =	simm.s32 $0xF;
	v25 =	vld.idx.msk [tilespmem:v12+s13+$0x0], $0xffff  }
0x138: {  	s24 =	simm.s32 $0xE;
	v28 =	vadd.s32 s9, v0;
	v27 =	vadd.s32 s26, v8;
	v9 =	vld.idx.msk [tilespmem:v13+s13+$0x0], $0xffff  }
0x139: {  	v18 =	vadd.s32 s12, v0;
	s25 =	simm.s32 $0xD;
	v14 =	vadd.s32 s24, v8;
	v10 =	vld.idx.msk [tilespmem:v15+s13+$0x0], $0xffff  }
0x13a: {  	s28 =	simm.s32 $0xC;
	v15 =	vadd.s32 s25, v8;
	v11 =	vld.idx.msk [tilespmem:v19+s13+$0x0], $0xffff;
	v19 =	vadd.s32 s14, v0;
	[tilespmem:v17+s21+$0x0] =	vst.idx.msk $0xffff, v16  }
0x13b: {  	s29 =	simm.s32 $0xB;
	v12 =	vld.idx.msk [tilespmem:v20+s13+$0x0], $0xffff;
	v20 =	vadd.s32 s16, v0;
	v17 =	vadd.s32 s28, v8;
	[tilespmem:v23+s21+$0x0] =	vst.idx.msk $0xffff, v21  }
0x13c: {  	s0 =	simm.s32 $0xA;
	v13 =	vld.idx.msk [tilespmem:v24+s13+$0x0], $0xffff;
	v21 =	vadd.s32 s29, v8;
	v23 =	vadd.s32 s20, v0;
	[tilespmem:v26+s21+$0x0] =	vst.idx.msk $0xffff, v22  }
0x13d: {  	s1 =	simm.s32 $0x9;
	s8 =	simm.s32 $0x10;
	v24 =	vadd.s32 s0, v8;
	v22 =	vadd.s32 s30, v0;
	v16 =	vld.idx.msk [tilespmem:v27+s13+$0x0], $0xffff;
	[tilespmem:v28+s21+$0x0] =	vst.idx.msk $0xffff, v25  }
.LBB2_13:
0x13e: {  	p0 =	slt.u32 s8, $0x38;
	v25 =	vadd.s32 s1, v8;
	v26 =	vld.idx.msk [tilespmem:v14+s13+$0x0], $0xffff;
	v27 =	vadd.s32 s26, v0;
	[tilespmem:v18+s21+$0x0] =	vst.idx.msk $0xffff, v9  }
0x13f: {  	v28 =	vadd.s32 s8, v8;
	s26 =	sadd.s32 $0x7, s8;
	v30 =	vadd.s32 s24, v0;
	v29 =	vld.idx.msk [tilespmem:v15+s13+$0x0], $0xffff;
	[tilespmem:v19+s21+$0x0] =	vst.idx.msk $0xffff, v10  }
0x140: {  	s24 =	sadd.s32 $0x6, s8;
	v32 =	vadd.s32 s25, v0;
	v31 =	vadd.s32 s26, v8;
	v9 =	vld.idx.msk [tilespmem:v17+s13+$0x0], $0xffff;
	[tilespmem:v20+s21+$0x0] =	vst.idx.msk $0xffff, v11  }
.Ltmp7:
0x141: {  	s25 =	sadd.s32 $0x5, s8;
	v18 =	vadd.s32 s28, v0;
	v14 =	vadd.s32 s24, v8;
	v10 =	vld.idx.msk [tilespmem:v21+s13+$0x0], $0xffff;
	[tilespmem:v23+s21+$0x0] =	vst.idx.msk $0xffff, v12;
	(pc) =	sbr.rel @p0 .LBB2_13-.Ltmp7, $4  }
0x142: {  	s28 =	sadd.s32 $0x4, s8;
	v15 =	vadd.s32 s25, v8;
	v19 =	vadd.s32 s29, v0;
	[tilespmem:v22+s21+$0x0] =	vst.idx.msk $0xffff, v13;
	v11 =	vld.idx.msk [tilespmem:v24+s13+$0x0], $0xffff  }
0x143: {  	s29 =	sadd.s32 $0x3, s8;
	v17 =	vadd.s32 s28, v8;
	v20 =	vadd.s32 s0, v0;
	v12 =	vld.idx.msk [tilespmem:v25+s13+$0x0], $0xffff;
	[tilespmem:v27+s21+$0x0] =	vst.idx.msk $0xffff, v16  }
0x144: {  	s0 =	sadd.s32 $0x2, s8;
	v21 =	vadd.s32 s29, v8;
	v23 =	vadd.s32 s1, v0;
	v13 =	vld.idx.msk [tilespmem:v28+s13+$0x0], $0xffff;
	[tilespmem:v30+s21+$0x0] =	vst.idx.msk $0xffff, v26  }
0x145: {  	s1 =	sadd.s32 $0x1, s8;
	v22 =	vadd.s32 s8, v0;
	v24 =	vadd.s32 s0, v8;
	s8 =	sadd.s32 $0x8, s8;
	v16 =	vld.idx.msk [tilespmem:v31+s13+$0x0], $0xffff;
	[tilespmem:v32+s21+$0x0] =	vst.idx.msk $0xffff, v29  }
0x146: {  	_ =	sdelay $0x3  }
0x147: {  	v25 =	vadd.s32 s26, v0;
	[tilespmem:v18+s21+$0x0] =	vst.idx.msk $0xffff, v9  }
0x148: {  	v8 =	vadd.s32 s1, v8;
	v9 =	vld.idx.msk [tilespmem:v14+s13+$0x0], $0xffff;
	v14 =	vadd.s32 s24, v0;
	[tilespmem:v19+s21+$0x0] =	vst.idx.msk $0xffff, v10  }
0x149: {  	v10 =	vld.idx.msk [tilespmem:v15+s13+$0x0], $0xffff;
	v15 =	vadd.s32 s25, v0;
	[tilespmem:v20+s21+$0x0] =	vst.idx.msk $0xffff, v11  }
0x14a: {  	v18 =	vld.idx.msk [tilespmem:v24+s13+$0x0], $0xffff;
	v19 =	vadd.s32 s0, v0;
	[tilespmem:v23+s21+$0x0] =	vst.idx.msk $0xffff, v12  }
0x14b: {  	v11 =	vld.idx.msk [tilespmem:v17+s13+$0x0], $0xffff;
	v17 =	vadd.s32 s28, v0;
	[tilespmem:v22+s21+$0x0] =	vst.idx.msk $0xffff, v13  }
0x14c: {  	v12 =	vld.idx.msk [tilespmem:v21+s13+$0x0], $0xffff;
	v13 =	vadd.s32 s29, v0;
	[tilespmem:v25+s21+$0x0] =	vst.idx.msk $0xffff, v16  }
0x14d: {  	v8 =	vld.idx.msk [tilespmem:v8+s13+$0x0], $0xffff;
	v16 =	vadd.s32 s1, v0;
	[tilespmem:v14+s21+$0x0] =	vst.idx.msk $0xffff, v9  }
0x14e: {  	[tilespmem:v15+s21+$0x0] =	vst.idx.msk $0xffff, v10  }
0x14f: {  	[tilespmem:v19+s21+$0x0] =	vst.idx.msk $0xffff, v18  }
0x150: {  	[tilespmem:v17+s21+$0x0] =	vst.idx.msk $0xffff, v11  }
0x151: {  	[tilespmem:v13+s21+$0x0] =	vst.idx.msk $0xffff, v12  }
0x152: {  	[tilespmem:v16+s21+$0x0] =	vst.idx.msk $0xffff, v8  }
0x153: {  	v8 =	vld [tilespmem:s22+$0x60];
	_ =	sdelay $0x4  }
0x154: {  	v8 =	vshll.u32 v8, $0x6  }
0x155: {  	v8 =	vand.u32 $0x40, v8  }
0x156: {  	s25 =	simm.s32 $0x0;
	v8 =	vor.u32 v6, v8  }
0x157: {  	s26 =	simm.s32 $0x7;
	v9 =	vadd.s32 s25, v8  }
0x158: {  	s8 =	simm.s32 $0x6;
	v10 =	vadd.s32 s26, v8  }
0x159: {  	s9 =	simm.s32 $0x5;
	v11 =	vadd.s32 s8, v8  }
0x15a: {  	s12 =	simm.s32 $0x4;
	v12 =	vadd.s32 s9, v8  }
0x15b: {  	s14 =	simm.s32 $0x3;
	v13 =	vadd.s32 s12, v8  }
0x15c: {  	s16 =	simm.s32 $0x2;
	v15 =	vadd.s32 s14, v8;
	v16 =	vld.idx.msk [tilespmem:v9+s13+$0x0], $0xffff  }
0x15d: {  	s20 =	simm.s32 $0x1;
	v17 =	vadd.s32 s25, v0;
	v19 =	vadd.s32 s16, v8;
	v21 =	vld.idx.msk [tilespmem:v10+s13+$0x0], $0xffff  }
0x15e: {  	s30 =	simm.s32 $0x8;
	v23 =	vadd.s32 s26, v0;
	v20 =	vadd.s32 s20, v8;
	v22 =	vld.idx.msk [tilespmem:v11+s13+$0x0], $0xffff  }
0x15f: {  	v26 =	vadd.s32 s8, v0;
	v24 =	vadd.s32 s30, v8;
	s26 =	simm.s32 $0xF;
	v25 =	vld.idx.msk [tilespmem:v12+s13+$0x0], $0xffff  }
0x160: {  	s24 =	simm.s32 $0xE;
	v28 =	vadd.s32 s9, v0;
	v27 =	vadd.s32 s26, v8;
	v9 =	vld.idx.msk [tilespmem:v13+s13+$0x0], $0xffff  }
0x161: {  	v18 =	vadd.s32 s12, v0;
	s25 =	simm.s32 $0xD;
	v14 =	vadd.s32 s24, v8;
	v10 =	vld.idx.msk [tilespmem:v15+s13+$0x0], $0xffff  }
0x162: {  	s28 =	simm.s32 $0xC;
	v15 =	vadd.s32 s25, v8;
	v11 =	vld.idx.msk [tilespmem:v19+s13+$0x0], $0xffff;
	v19 =	vadd.s32 s14, v0;
	[tilespmem:v17+s21+$0x0] =	vst.idx.msk $0xffff, v16  }
0x163: {  	s29 =	simm.s32 $0xB;
	v12 =	vld.idx.msk [tilespmem:v20+s13+$0x0], $0xffff;
	v20 =	vadd.s32 s16, v0;
	v17 =	vadd.s32 s28, v8;
	[tilespmem:v23+s21+$0x0] =	vst.idx.msk $0xffff, v21  }
0x164: {  	s0 =	simm.s32 $0xA;
	v13 =	vld.idx.msk [tilespmem:v24+s13+$0x0], $0xffff;
	v21 =	vadd.s32 s29, v8;
	v23 =	vadd.s32 s20, v0;
	[tilespmem:v26+s21+$0x0] =	vst.idx.msk $0xffff, v22  }
0x165: {  	s1 =	simm.s32 $0x9;
	s8 =	simm.s32 $0x10;
	v24 =	vadd.s32 s0, v8;
	v22 =	vadd.s32 s30, v0;
	v16 =	vld.idx.msk [tilespmem:v27+s13+$0x0], $0xffff;
	[tilespmem:v28+s21+$0x0] =	vst.idx.msk $0xffff, v25  }
.LBB2_15:
0x166: {  	p0 =	slt.u32 s8, $0x38;
	v25 =	vadd.s32 s1, v8;
	v26 =	vld.idx.msk [tilespmem:v14+s13+$0x0], $0xffff;
	v27 =	vadd.s32 s26, v0;
	[tilespmem:v18+s21+$0x0] =	vst.idx.msk $0xffff, v9  }
0x167: {  	v28 =	vadd.s32 s8, v8;
	s26 =	sadd.s32 $0x7, s8;
	v30 =	vadd.s32 s24, v0;
	v29 =	vld.idx.msk [tilespmem:v15+s13+$0x0], $0xffff;
	[tilespmem:v19+s21+$0x0] =	vst.idx.msk $0xffff, v10  }
0x168: {  	s24 =	sadd.s32 $0x6, s8;
	v32 =	vadd.s32 s25, v0;
	v31 =	vadd.s32 s26, v8;
	v9 =	vld.idx.msk [tilespmem:v17+s13+$0x0], $0xffff;
	[tilespmem:v20+s21+$0x0] =	vst.idx.msk $0xffff, v11  }
.Ltmp8:
0x169: {  	s25 =	sadd.s32 $0x5, s8;
	v18 =	vadd.s32 s28, v0;
	v14 =	vadd.s32 s24, v8;
	v10 =	vld.idx.msk [tilespmem:v21+s13+$0x0], $0xffff;
	[tilespmem:v23+s21+$0x0] =	vst.idx.msk $0xffff, v12;
	(pc) =	sbr.rel @p0 .LBB2_15-.Ltmp8, $4  }
0x16a: {  	s28 =	sadd.s32 $0x4, s8;
	v15 =	vadd.s32 s25, v8;
	v19 =	vadd.s32 s29, v0;
	[tilespmem:v22+s21+$0x0] =	vst.idx.msk $0xffff, v13;
	v11 =	vld.idx.msk [tilespmem:v24+s13+$0x0], $0xffff  }
0x16b: {  	s29 =	sadd.s32 $0x3, s8;
	v17 =	vadd.s32 s28, v8;
	v20 =	vadd.s32 s0, v0;
	v12 =	vld.idx.msk [tilespmem:v25+s13+$0x0], $0xffff;
	[tilespmem:v27+s21+$0x0] =	vst.idx.msk $0xffff, v16  }
0x16c: {  	s0 =	sadd.s32 $0x2, s8;
	v21 =	vadd.s32 s29, v8;
	v23 =	vadd.s32 s1, v0;
	v13 =	vld.idx.msk [tilespmem:v28+s13+$0x0], $0xffff;
	[tilespmem:v30+s21+$0x0] =	vst.idx.msk $0xffff, v26  }
0x16d: {  	s1 =	sadd.s32 $0x1, s8;
	v22 =	vadd.s32 s8, v0;
	v24 =	vadd.s32 s0, v8;
	s8 =	sadd.s32 $0x8, s8;
	v16 =	vld.idx.msk [tilespmem:v31+s13+$0x0], $0xffff;
	[tilespmem:v32+s21+$0x0] =	vst.idx.msk $0xffff, v29  }
0x16e: {  	_ =	sdelay $0x3  }
0x16f: {  	v25 =	vadd.s32 s26, v0;
	[tilespmem:v18+s21+$0x0] =	vst.idx.msk $0xffff, v9  }
0x170: {  	v8 =	vadd.s32 s1, v8;
	v9 =	vld.idx.msk [tilespmem:v14+s13+$0x0], $0xffff;
	v14 =	vadd.s32 s24, v0;
	[tilespmem:v19+s21+$0x0] =	vst.idx.msk $0xffff, v10  }
0x171: {  	v10 =	vld.idx.msk [tilespmem:v15+s13+$0x0], $0xffff;
	v15 =	vadd.s32 s25, v0;
	[tilespmem:v20+s21+$0x0] =	vst.idx.msk $0xffff, v11  }
0x172: {  	v18 =	vld.idx.msk [tilespmem:v24+s13+$0x0], $0xffff;
	v19 =	vadd.s32 s0, v0;
	[tilespmem:v23+s21+$0x0] =	vst.idx.msk $0xffff, v12  }
0x173: {  	v11 =	vld.idx.msk [tilespmem:v17+s13+$0x0], $0xffff;
	v17 =	vadd.s32 s28, v0;
	[tilespmem:v22+s21+$0x0] =	vst.idx.msk $0xffff, v13  }
0x174: {  	v12 =	vld.idx.msk [tilespmem:v21+s13+$0x0], $0xffff;
	v13 =	vadd.s32 s29, v0;
	[tilespmem:v25+s21+$0x0] =	vst.idx.msk $0xffff, v16  }
0x175: {  	v8 =	vld.idx.msk [tilespmem:v8+s13+$0x0], $0xffff;
	v16 =	vadd.s32 s1, v0;
	[tilespmem:v14+s21+$0x0] =	vst.idx.msk $0xffff, v9  }
0x176: {  	[tilespmem:v15+s21+$0x0] =	vst.idx.msk $0xffff, v10  }
0x177: {  	[tilespmem:v19+s21+$0x0] =	vst.idx.msk $0xffff, v18  }
0x178: {  	[tilespmem:v17+s21+$0x0] =	vst.idx.msk $0xffff, v11  }
0x179: {  	[tilespmem:v13+s21+$0x0] =	vst.idx.msk $0xffff, v12  }
0x17a: {  	[tilespmem:v16+s21+$0x0] =	vst.idx.msk $0xffff, v8  }
0x17b: {  	v8 =	vld [tilespmem:s22+$0x70];
	_ =	sdelay $0x4  }
0x17c: {  	v8 =	vshll.u32 v8, $0x6  }
0x17d: {  	v8 =	vand.u32 $0x40, v8  }
0x17e: {  	s25 =	simm.s32 $0x0;
	v8 =	vor.u32 v7, v8  }
0x17f: {  	s26 =	simm.s32 $0x7;
	v9 =	vadd.s32 s25, v8  }
0x180: {  	s8 =	simm.s32 $0x6;
	v10 =	vadd.s32 s26, v8  }
0x181: {  	s9 =	simm.s32 $0x5;
	v11 =	vadd.s32 s8, v8  }
0x182: {  	s12 =	simm.s32 $0x4;
	v12 =	vadd.s32 s9, v8  }
0x183: {  	s14 =	simm.s32 $0x3;
	v13 =	vadd.s32 s12, v8  }
0x184: {  	s16 =	simm.s32 $0x2;
	v15 =	vadd.s32 s14, v8;
	v16 =	vld.idx.msk [tilespmem:v9+s13+$0x0], $0xffff  }
0x185: {  	s20 =	simm.s32 $0x1;
	v17 =	vadd.s32 s25, v0;
	v19 =	vadd.s32 s16, v8;
	v21 =	vld.idx.msk [tilespmem:v10+s13+$0x0], $0xffff  }
0x186: {  	s30 =	simm.s32 $0x8;
	v23 =	vadd.s32 s26, v0;
	v20 =	vadd.s32 s20, v8;
	v22 =	vld.idx.msk [tilespmem:v11+s13+$0x0], $0xffff  }
0x187: {  	v26 =	vadd.s32 s8, v0;
	v24 =	vadd.s32 s30, v8;
	s26 =	simm.s32 $0xF;
	v25 =	vld.idx.msk [tilespmem:v12+s13+$0x0], $0xffff  }
0x188: {  	s24 =	simm.s32 $0xE;
	v28 =	vadd.s32 s9, v0;
	v27 =	vadd.s32 s26, v8;
	v9 =	vld.idx.msk [tilespmem:v13+s13+$0x0], $0xffff  }
0x189: {  	v18 =	vadd.s32 s12, v0;
	s25 =	simm.s32 $0xD;
	v14 =	vadd.s32 s24, v8;
	v10 =	vld.idx.msk [tilespmem:v15+s13+$0x0], $0xffff  }
0x18a: {  	s28 =	simm.s32 $0xC;
	v15 =	vadd.s32 s25, v8;
	v11 =	vld.idx.msk [tilespmem:v19+s13+$0x0], $0xffff;
	v19 =	vadd.s32 s14, v0;
	[tilespmem:v17+s21+$0x0] =	vst.idx.msk $0xffff, v16  }
0x18b: {  	s29 =	simm.s32 $0xB;
	v12 =	vld.idx.msk [tilespmem:v20+s13+$0x0], $0xffff;
	v20 =	vadd.s32 s16, v0;
	v17 =	vadd.s32 s28, v8;
	[tilespmem:v23+s21+$0x0] =	vst.idx.msk $0xffff, v21  }
0x18c: {  	s0 =	simm.s32 $0xA;
	v13 =	vld.idx.msk [tilespmem:v24+s13+$0x0], $0xffff;
	v21 =	vadd.s32 s29, v8;
	v23 =	vadd.s32 s20, v0;
	[tilespmem:v26+s21+$0x0] =	vst.idx.msk $0xffff, v22  }
0x18d: {  	s1 =	simm.s32 $0x9;
	s8 =	simm.s32 $0x10;
	v24 =	vadd.s32 s0, v8;
	v22 =	vadd.s32 s30, v0;
	v16 =	vld.idx.msk [tilespmem:v27+s13+$0x0], $0xffff;
	[tilespmem:v28+s21+$0x0] =	vst.idx.msk $0xffff, v25  }
.LBB2_17:
0x18e: {  	p0 =	slt.u32 s8, $0x38;
	v25 =	vadd.s32 s1, v8;
	v26 =	vld.idx.msk [tilespmem:v14+s13+$0x0], $0xffff;
	v27 =	vadd.s32 s26, v0;
	[tilespmem:v18+s21+$0x0] =	vst.idx.msk $0xffff, v9  }
0x18f: {  	v28 =	vadd.s32 s8, v8;
	s26 =	sadd.s32 $0x7, s8;
	v30 =	vadd.s32 s24, v0;
	v29 =	vld.idx.msk [tilespmem:v15+s13+$0x0], $0xffff;
	[tilespmem:v19+s21+$0x0] =	vst.idx.msk $0xffff, v10  }
0x190: {  	s24 =	sadd.s32 $0x6, s8;
	v32 =	vadd.s32 s25, v0;
	v31 =	vadd.s32 s26, v8;
	v9 =	vld.idx.msk [tilespmem:v17+s13+$0x0], $0xffff;
	[tilespmem:v20+s21+$0x0] =	vst.idx.msk $0xffff, v11  }
.Ltmp9:
0x191: {  	s25 =	sadd.s32 $0x5, s8;
	v18 =	vadd.s32 s28, v0;
	v14 =	vadd.s32 s24, v8;
	v10 =	vld.idx.msk [tilespmem:v21+s13+$0x0], $0xffff;
	[tilespmem:v23+s21+$0x0] =	vst.idx.msk $0xffff, v12;
	(pc) =	sbr.rel @p0 .LBB2_17-.Ltmp9, $4  }
0x192: {  	s28 =	sadd.s32 $0x4, s8;
	v15 =	vadd.s32 s25, v8;
	v19 =	vadd.s32 s29, v0;
	[tilespmem:v22+s21+$0x0] =	vst.idx.msk $0xffff, v13;
	v11 =	vld.idx.msk [tilespmem:v24+s13+$0x0], $0xffff  }
0x193: {  	s29 =	sadd.s32 $0x3, s8;
	v17 =	vadd.s32 s28, v8;
	v20 =	vadd.s32 s0, v0;
	v12 =	vld.idx.msk [tilespmem:v25+s13+$0x0], $0xffff;
	[tilespmem:v27+s21+$0x0] =	vst.idx.msk $0xffff, v16  }
0x194: {  	s0 =	sadd.s32 $0x2, s8;
	v21 =	vadd.s32 s29, v8;
	v23 =	vadd.s32 s1, v0;
	v13 =	vld.idx.msk [tilespmem:v28+s13+$0x0], $0xffff;
	[tilespmem:v30+s21+$0x0] =	vst.idx.msk $0xffff, v26  }
0x195: {  	s1 =	sadd.s32 $0x1, s8;
	v22 =	vadd.s32 s8, v0;
	v24 =	vadd.s32 s0, v8;
	s8 =	sadd.s32 $0x8, s8;
	v16 =	vld.idx.msk [tilespmem:v31+s13+$0x0], $0xffff;
	[tilespmem:v32+s21+$0x0] =	vst.idx.msk $0xffff, v29  }
0x196: {  	_ =	sdelay $0x3  }
0x197: {  	v25 =	vadd.s32 s26, v0;
	[tilespmem:v18+s21+$0x0] =	vst.idx.msk $0xffff, v9  }
0x198: {  	v8 =	vadd.s32 s1, v8;
	v9 =	vld.idx.msk [tilespmem:v14+s13+$0x0], $0xffff;
	v14 =	vadd.s32 s24, v0;
	[tilespmem:v19+s21+$0x0] =	vst.idx.msk $0xffff, v10  }
0x199: {  	v10 =	vld.idx.msk [tilespmem:v15+s13+$0x0], $0xffff;
	v15 =	vadd.s32 s25, v0;
	[tilespmem:v20+s21+$0x0] =	vst.idx.msk $0xffff, v11  }
0x19a: {  	v18 =	vld.idx.msk [tilespmem:v24+s13+$0x0], $0xffff;
	v19 =	vadd.s32 s0, v0;
	[tilespmem:v23+s21+$0x0] =	vst.idx.msk $0xffff, v12  }
0x19b: {  	v11 =	vld.idx.msk [tilespmem:v17+s13+$0x0], $0xffff;
	v17 =	vadd.s32 s28, v0;
	[tilespmem:v22+s21+$0x0] =	vst.idx.msk $0xffff, v13  }
0x19c: {  	v12 =	vld.idx.msk [tilespmem:v21+s13+$0x0], $0xffff;
	v13 =	vadd.s32 s29, v0;
	[tilespmem:v25+s21+$0x0] =	vst.idx.msk $0xffff, v16  }
0x19d: {  	v8 =	vld.idx.msk [tilespmem:v8+s13+$0x0], $0xffff;
	v16 =	vadd.s32 s1, v0;
	[tilespmem:v14+s21+$0x0] =	vst.idx.msk $0xffff, v9  }
0x19e: {  	[tilespmem:v15+s21+$0x0] =	vst.idx.msk $0xffff, v10  }
0x19f: {  	s16 =	sshll.u32 s11, $0x14;
	[tilespmem:v19+s21+$0x0] =	vst.idx.msk $0xffff, v18  }
0x1a0: {  	s0 =	sor.u32 s4, s16;
	[tilespmem:v17+s21+$0x0] =	vst.idx.msk $0xffff, v11  }
0x1a1: {  	s0 =	sshrl.u32 s0, $0x3;
	[tilespmem:v13+s21+$0x0] =	vst.idx.msk $0xffff, v12  }
0x1a2: {  	s0 =	sadd.s32 s2, s0;
	[tilespmem:v16+s21+$0x0] =	vst.idx.msk $0xffff, v8  }
0x1a3: {  	[hbm4b:s0+s3] =	stream.linear.scatter [tilespmem:s21], [sflag:$0x5], $0x400, $0x38;
	[tilespmem:$0x1E600] =	vst v63  }
0x1a4: {  	s8 =	simm.s32 $0x16E00;
	s20 =	sadd.s32 $0x1000, s0  }
0x1a5: {  	[hbm4b:s20+s3] =	stream.linear.scatter [tilespmem:s8], [sflag:$0x5], $0x400, $0x38;
	[tilespmem:$0x1E600] =	vst v63  }
0x1a6: {  	s25 =	simm.s32 $0x17600;
	s24 =	sadd.s32 $0x2000, s0  }
0x1a7: {  	[hbm4b:s24+s3] =	stream.linear.scatter [tilespmem:s25], [sflag:$0x5], $0x400, $0x38;
	[tilespmem:$0x1E600] =	vst v63  }
0x1a8: {  	s30 =	simm.s32 $0x17E00;
	s26 =	sadd.s32 $0x3000, s0  }
0x1a9: {  	[hbm4b:s26+s3] =	stream.linear.scatter [tilespmem:s30], [sflag:$0x5], $0x400, $0x38;
	[tilespmem:$0x1E600] =	vst v63  }
0x1aa: {  	s12 =	simm.s32 $0x18600;
	s9 =	sadd.s32 $0x4000, s0  }
0x1ab: {  	[hbm4b:s9+s3] =	stream.linear.scatter [tilespmem:s12], [sflag:$0x5], $0x400, $0x38;
	[tilespmem:$0x1E600] =	vst v63  }
0x1ac: {  	s16 =	simm.s32 $0x18E00;
	s14 =	sadd.s32 $0x5000, s0  }
0x1ad: {  	[hbm4b:s14+s3] =	stream.linear.scatter [tilespmem:s16], [sflag:$0x5], $0x400, $0x38;
	[tilespmem:$0x1E600] =	vst v63  }
0x1ae: {  	s20 =	sadd.s32 $0x6000, s0;
	s24 =	simm.s32 $0x19600  }
0x1af: {  	[hbm4b:s20+s3] =	stream.linear.scatter [tilespmem:s24], [sflag:$0x5], $0x400, $0x38;
	[tilespmem:$0x1E600] =	vst v63  }
0x1b0: {  	p0 =	seq.s32 s11, $0x31;
	s0 =	sadd.s32 $0x7000, s0;
	s25 =	simm.s32 $0x19E00  }
0x1b1: {  	[hbm4b:s0+s3] =	stream.linear.scatter [tilespmem:s25], [sflag:$0x5], $0x400, $0x38;
	[tilespmem:$0x1E600] =	vst v63  }
0x1b2: {  	v8 =	vld @!p0 [tilespmem:s22+$0x200];
	_ =	sdelay $0x4  }
0x1b3: {  	v8 =	vshrl.u32 @!p0 v8, $0x1  }
0x1b4: {  	[tilespmem:$0x6400] =	vst @!p0 v8  }
0x1b5: {  	v8 =	vld @!p0 [tilespmem:s22+$0x210];
	_ =	sdelay $0x4  }
0x1b6: {  	v8 =	vshrl.u32 @!p0 v8, $0x1  }
0x1b7: {  	[tilespmem:$0x6410] =	vst @!p0 v8  }
0x1b8: {  	v8 =	vld @!p0 [tilespmem:s22+$0x220];
	_ =	sdelay $0x4  }
0x1b9: {  	v8 =	vshrl.u32 @!p0 v8, $0x1  }
0x1ba: {  	[tilespmem:$0x6420] =	vst @!p0 v8  }
0x1bb: {  	v8 =	vld @!p0 [tilespmem:s22+$0x230];
	_ =	sdelay $0x4  }
0x1bc: {  	v8 =	vshrl.u32 @!p0 v8, $0x1  }
0x1bd: {  	[tilespmem:$0x6430] =	vst @!p0 v8  }
0x1be: {  	v8 =	vld @!p0 [tilespmem:s22+$0x240];
	_ =	sdelay $0x4  }
0x1bf: {  	v8 =	vshrl.u32 @!p0 v8, $0x1  }
0x1c0: {  	[tilespmem:$0x6440] =	vst @!p0 v8  }
0x1c1: {  	v8 =	vld @!p0 [tilespmem:s22+$0x250];
	_ =	sdelay $0x4  }
0x1c2: {  	v8 =	vshrl.u32 @!p0 v8, $0x1  }
0x1c3: {  	[tilespmem:$0x6450] =	vst @!p0 v8  }
0x1c4: {  	v8 =	vld @!p0 [tilespmem:s22+$0x260];
	_ =	sdelay $0x4  }
0x1c5: {  	v8 =	vshrl.u32 @!p0 v8, $0x1  }
0x1c6: {  	[tilespmem:$0x6460] =	vst @!p0 v8  }
0x1c7: {  	v8 =	vld @!p0 [tilespmem:s22+$0x270];
	_ =	sdelay $0x4  }
0x1c8: {  	s1 =	simm.s32 @!p0 $0x6400;
	v8 =	vshrl.u32 @!p0 v8, $0x1  }
0x1c9: {  	s8 =	simm.s32 @!p0 $0x6600;
	s26 =	simm.s32 $0x2;
	s0 =	simm.s32 @!p0 $0x80;
	[tilespmem:$0x6470] =	vst @!p0 v8  }
0x1ca: {  	[tilespmem:s8], [sflag:$0x1] =	stream.indirect.gather @!p0 [hbm4b:s5+s0], $0x80, s1, s0, $0xb8;
	[tilespmem:$0x1E600] =	vst v63  }
0x1cb: {  	_ =	swait.ge [sflag:s26], $0x4000  }
0x1cc: {  	[sflag:s26] =	ssyncset.done $0x0  }
0x1cd: {  	s0 =	simm.s32 @!p1 $0x6;
	[sflag:s26] =	ssyncadd.s32 $0xFFFFC000  }
0x1ce: {  	s24 =	sor.u32 $0x1, s23;
	_ =	swait.ge @!p1 [sflag:s0], $0x2000  }
0x1cf: {  	s30 =	sshll.u32 s24, $0x7;
	[sflag:s0] =	ssyncset.done @!p1 $0x0  }
0x1d0: {  	s25 =	sand.u32 $0x3FFFFF80, s30;
	[sflag:s0] =	ssyncadd.s32 @!p1 $0xFFFFE000  }
0x1d1: {  	v8 =	vld [tilespmem:s25+$0x0];
	_ =	sdelay $0x4  }
0x1d2: {  	v8 =	vshll.u32 v8, $0x6  }
0x1d3: {  	v8 =	vand.u32 $0x40, v8  }
0x1d4: {  	s1 =	simm.s32 $0x0;
	v8 =	vor.u32 v0, v8  }
0x1d5: {  	s8 =	simm.s32 $0x7;
	v9 =	vadd.s32 s1, v8  }
0x1d6: {  	s26 =	simm.s32 $0x6;
	v10 =	vadd.s32 s8, v8  }
0x1d7: {  	s9 =	simm.s32 $0x5;
	v11 =	vadd.s32 s26, v8  }
0x1d8: {  	s12 =	simm.s32 $0x4;
	v12 =	vadd.s32 s9, v8  }
0x1d9: {  	s14 =	simm.s32 $0x3;
	v13 =	vadd.s32 s12, v8  }
0x1da: {  	s16 =	simm.s32 $0x2;
	v15 =	vadd.s32 s14, v8;
	v16 =	vld.idx.msk [tilespmem:v9+s15+$0x0], $0xffff  }
0x1db: {  	s20 =	simm.s32 $0x1;
	v17 =	vadd.s32 s1, v0;
	v19 =	vadd.s32 s16, v8;
	v21 =	vld.idx.msk [tilespmem:v10+s15+$0x0], $0xffff  }
0x1dc: {  	s30 =	simm.s32 $0x8;
	v23 =	vadd.s32 s8, v0;
	v20 =	vadd.s32 s20, v8;
	v22 =	vld.idx.msk [tilespmem:v11+s15+$0x0], $0xffff  }
0x1dd: {  	s29 =	simm.s32 $0xF;
	v26 =	vadd.s32 s26, v0;
	v24 =	vadd.s32 s30, v8;
	v25 =	vld.idx.msk [tilespmem:v12+s15+$0x0], $0xffff  }
0x1de: {  	v28 =	vadd.s32 s9, v0;
	s26 =	simm.s32 $0xE;
	v27 =	vadd.s32 s29, v8;
	v9 =	vld.idx.msk [tilespmem:v13+s15+$0x0], $0xffff  }
0x1df: {  	s28 =	simm.s32 $0xD;
	v18 =	vadd.s32 s12, v0;
	v14 =	vadd.s32 s26, v8;
	v10 =	vld.idx.msk [tilespmem:v15+s15+$0x0], $0xffff  }
0x1e0: {  	s0 =	simm.s32 $0xC;
	v15 =	vadd.s32 s28, v8;
	v11 =	vld.idx.msk [tilespmem:v19+s15+$0x0], $0xffff;
	v19 =	vadd.s32 s14, v0;
	[tilespmem:v17+s31+$0x0] =	vst.idx.msk $0xffff, v16  }
0x1e1: {  	s1 =	simm.s32 $0xB;
	v12 =	vld.idx.msk [tilespmem:v20+s15+$0x0], $0xffff;
	v20 =	vadd.s32 s16, v0;
	v17 =	vadd.s32 s0, v8;
	[tilespmem:v23+s31+$0x0] =	vst.idx.msk $0xffff, v21  }
0x1e2: {  	s8 =	simm.s32 $0xA;
	v13 =	vld.idx.msk [tilespmem:v24+s15+$0x0], $0xffff;
	v21 =	vadd.s32 s1, v8;
	v23 =	vadd.s32 s20, v0;
	[tilespmem:v26+s31+$0x0] =	vst.idx.msk $0xffff, v22  }
0x1e3: {  	s9 =	simm.s32 $0x9;
	s12 =	simm.s32 $0x10;
	v24 =	vadd.s32 s8, v8;
	v22 =	vadd.s32 s30, v0;
	v16 =	vld.idx.msk [tilespmem:v27+s15+$0x0], $0xffff;
	[tilespmem:v28+s31+$0x0] =	vst.idx.msk $0xffff, v25  }
.LBB2_19:
0x1e4: {  	p1 =	slt.u32 s12, $0x38;
	v25 =	vadd.s32 s9, v8;
	v26 =	vld.idx.msk [tilespmem:v14+s15+$0x0], $0xffff;
	v27 =	vadd.s32 s29, v0;
	[tilespmem:v18+s31+$0x0] =	vst.idx.msk $0xffff, v9  }
0x1e5: {  	v28 =	vadd.s32 s12, v8;
	s29 =	sadd.s32 $0x7, s12;
	v30 =	vadd.s32 s26, v0;
	v29 =	vld.idx.msk [tilespmem:v15+s15+$0x0], $0xffff;
	[tilespmem:v19+s31+$0x0] =	vst.idx.msk $0xffff, v10  }
0x1e6: {  	s26 =	sadd.s32 $0x6, s12;
	v32 =	vadd.s32 s28, v0;
	v31 =	vadd.s32 s29, v8;
	v9 =	vld.idx.msk [tilespmem:v17+s15+$0x0], $0xffff;
	[tilespmem:v20+s31+$0x0] =	vst.idx.msk $0xffff, v11  }
.Ltmp10:
0x1e7: {  	s28 =	sadd.s32 $0x5, s12;
	v18 =	vadd.s32 s0, v0;
	v14 =	vadd.s32 s26, v8;
	v10 =	vld.idx.msk [tilespmem:v21+s15+$0x0], $0xffff;
	[tilespmem:v23+s31+$0x0] =	vst.idx.msk $0xffff, v12;
	(pc) =	sbr.rel @p1 .LBB2_19-.Ltmp10, $4  }
0x1e8: {  	s0 =	sadd.s32 $0x4, s12;
	v15 =	vadd.s32 s28, v8;
	v19 =	vadd.s32 s1, v0;
	[tilespmem:v22+s31+$0x0] =	vst.idx.msk $0xffff, v13;
	v11 =	vld.idx.msk [tilespmem:v24+s15+$0x0], $0xffff  }
0x1e9: {  	s1 =	sadd.s32 $0x3, s12;
	v17 =	vadd.s32 s0, v8;
	v20 =	vadd.s32 s8, v0;
	v12 =	vld.idx.msk [tilespmem:v25+s15+$0x0], $0xffff;
	[tilespmem:v27+s31+$0x0] =	vst.idx.msk $0xffff, v16  }
0x1ea: {  	s8 =	sadd.s32 $0x2, s12;
	v21 =	vadd.s32 s1, v8;
	v23 =	vadd.s32 s9, v0;
	v13 =	vld.idx.msk [tilespmem:v28+s15+$0x0], $0xffff;
	[tilespmem:v30+s31+$0x0] =	vst.idx.msk $0xffff, v26  }
0x1eb: {  	s9 =	sadd.s32 $0x1, s12;
	v22 =	vadd.s32 s12, v0;
	v24 =	vadd.s32 s8, v8;
	s12 =	sadd.s32 $0x8, s12;
	v16 =	vld.idx.msk [tilespmem:v31+s15+$0x0], $0xffff;
	[tilespmem:v32+s31+$0x0] =	vst.idx.msk $0xffff, v29  }
0x1ec: {  	_ =	sdelay $0x3  }
0x1ed: {  	v25 =	vadd.s32 s29, v0;
	[tilespmem:v18+s31+$0x0] =	vst.idx.msk $0xffff, v9  }
0x1ee: {  	v8 =	vadd.s32 s9, v8;
	v9 =	vld.idx.msk [tilespmem:v14+s15+$0x0], $0xffff;
	v14 =	vadd.s32 s26, v0;
	[tilespmem:v19+s31+$0x0] =	vst.idx.msk $0xffff, v10  }
0x1ef: {  	v10 =	vld.idx.msk [tilespmem:v15+s15+$0x0], $0xffff;
	v15 =	vadd.s32 s28, v0;
	[tilespmem:v20+s31+$0x0] =	vst.idx.msk $0xffff, v11  }
0x1f0: {  	v18 =	vld.idx.msk [tilespmem:v24+s15+$0x0], $0xffff;
	v19 =	vadd.s32 s8, v0;
	[tilespmem:v23+s31+$0x0] =	vst.idx.msk $0xffff, v12  }
0x1f1: {  	v11 =	vld.idx.msk [tilespmem:v17+s15+$0x0], $0xffff;
	v17 =	vadd.s32 s0, v0;
	[tilespmem:v22+s31+$0x0] =	vst.idx.msk $0xffff, v13  }
0x1f2: {  	v12 =	vld.idx.msk [tilespmem:v21+s15+$0x0], $0xffff;
	v13 =	vadd.s32 s1, v0;
	[tilespmem:v25+s31+$0x0] =	vst.idx.msk $0xffff, v16  }
0x1f3: {  	v8 =	vld.idx.msk [tilespmem:v8+s15+$0x0], $0xffff;
	v16 =	vadd.s32 s9, v0;
	[tilespmem:v14+s31+$0x0] =	vst.idx.msk $0xffff, v9  }
0x1f4: {  	[tilespmem:v15+s31+$0x0] =	vst.idx.msk $0xffff, v10  }
0x1f5: {  	[tilespmem:v19+s31+$0x0] =	vst.idx.msk $0xffff, v18  }
0x1f6: {  	[tilespmem:v17+s31+$0x0] =	vst.idx.msk $0xffff, v11  }
0x1f7: {  	[tilespmem:v13+s31+$0x0] =	vst.idx.msk $0xffff, v12  }
0x1f8: {  	[tilespmem:v16+s31+$0x0] =	vst.idx.msk $0xffff, v8  }
0x1f9: {  	v8 =	vld [tilespmem:s25+$0x10];
	_ =	sdelay $0x4  }
0x1fa: {  	v8 =	vshll.u32 v8, $0x6  }
0x1fb: {  	v8 =	vand.u32 $0x40, v8  }
0x1fc: {  	s1 =	simm.s32 $0x0;
	v8 =	vor.u32 v1, v8  }
0x1fd: {  	s8 =	simm.s32 $0x7;
	v9 =	vadd.s32 s1, v8  }
0x1fe: {  	s26 =	simm.s32 $0x6;
	v10 =	vadd.s32 s8, v8  }
0x1ff: {  	s9 =	simm.s32 $0x5;
	v11 =	vadd.s32 s26, v8  }
0x200: {  	s12 =	simm.s32 $0x4;
	v12 =	vadd.s32 s9, v8  }
0x201: {  	s14 =	simm.s32 $0x3;
	v13 =	vadd.s32 s12, v8  }
0x202: {  	s16 =	simm.s32 $0x2;
	v15 =	vadd.s32 s14, v8;
	v16 =	vld.idx.msk [tilespmem:v9+s15+$0x0], $0xffff  }
0x203: {  	s20 =	simm.s32 $0x1;
	v17 =	vadd.s32 s1, v0;
	v19 =	vadd.s32 s16, v8;
	v21 =	vld.idx.msk [tilespmem:v10+s15+$0x0], $0xffff  }
0x204: {  	s30 =	simm.s32 $0x8;
	v23 =	vadd.s32 s8, v0;
	v20 =	vadd.s32 s20, v8;
	v22 =	vld.idx.msk [tilespmem:v11+s15+$0x0], $0xffff  }
0x205: {  	s0 =	simm.s32 $0xF;
	v26 =	vadd.s32 s26, v0;
	v24 =	vadd.s32 s30, v8;
	v25 =	vld.idx.msk [tilespmem:v12+s15+$0x0], $0xffff  }
0x206: {  	v28 =	vadd.s32 s9, v0;
	s26 =	simm.s32 $0xE;
	v27 =	vadd.s32 s0, v8;
	v9 =	vld.idx.msk [tilespmem:v13+s15+$0x0], $0xffff  }
0x207: {  	s28 =	simm.s32 $0xD;
	v18 =	vadd.s32 s12, v0;
	v14 =	vadd.s32 s26, v8;
	v10 =	vld.idx.msk [tilespmem:v15+s15+$0x0], $0xffff  }
0x208: {  	s1 =	simm.s32 $0xC;
	v15 =	vadd.s32 s28, v8;
	v11 =	vld.idx.msk [tilespmem:v19+s15+$0x0], $0xffff;
	v19 =	vadd.s32 s14, v0;
	[tilespmem:v17+s31+$0x0] =	vst.idx.msk $0xffff, v16  }
0x209: {  	s29 =	simm.s32 $0xB;
	v12 =	vld.idx.msk [tilespmem:v20+s15+$0x0], $0xffff;
	v20 =	vadd.s32 s16, v0;
	v17 =	vadd.s32 s1, v8;
	[tilespmem:v23+s31+$0x0] =	vst.idx.msk $0xffff, v21  }
0x20a: {  	s8 =	simm.s32 $0xA;
	v13 =	vld.idx.msk [tilespmem:v24+s15+$0x0], $0xffff;
	v21 =	vadd.s32 s29, v8;
	v23 =	vadd.s32 s20, v0;
	[tilespmem:v26+s31+$0x0] =	vst.idx.msk $0xffff, v22  }
0x20b: {  	s9 =	simm.s32 $0x9;
	s12 =	simm.s32 $0x10;
	v24 =	vadd.s32 s8, v8;
	v22 =	vadd.s32 s30, v0;
	v16 =	vld.idx.msk [tilespmem:v27+s15+$0x0], $0xffff;
	[tilespmem:v28+s31+$0x0] =	vst.idx.msk $0xffff, v25  }
.LBB2_21:
0x20c: {  	p1 =	slt.u32 s12, $0x38;
	v25 =	vadd.s32 s9, v8;
	v26 =	vld.idx.msk [tilespmem:v14+s15+$0x0], $0xffff;
	v27 =	vadd.s32 s0, v0;
	[tilespmem:v18+s31+$0x0] =	vst.idx.msk $0xffff, v9  }
0x20d: {  	v28 =	vadd.s32 s12, v8;
	s0 =	sadd.s32 $0x7, s12;
	v30 =	vadd.s32 s26, v0;
	v29 =	vld.idx.msk [tilespmem:v15+s15+$0x0], $0xffff;
	[tilespmem:v19+s31+$0x0] =	vst.idx.msk $0xffff, v10  }
0x20e: {  	s26 =	sadd.s32 $0x6, s12;
	v32 =	vadd.s32 s28, v0;
	v31 =	vadd.s32 s0, v8;
	v9 =	vld.idx.msk [tilespmem:v17+s15+$0x0], $0xffff;
	[tilespmem:v20+s31+$0x0] =	vst.idx.msk $0xffff, v11  }
.Ltmp11:
0x20f: {  	s28 =	sadd.s32 $0x5, s12;
	v18 =	vadd.s32 s1, v0;
	v14 =	vadd.s32 s26, v8;
	v10 =	vld.idx.msk [tilespmem:v21+s15+$0x0], $0xffff;
	[tilespmem:v23+s31+$0x0] =	vst.idx.msk $0xffff, v12;
	(pc) =	sbr.rel @p1 .LBB2_21-.Ltmp11, $4  }
0x210: {  	s1 =	sadd.s32 $0x4, s12;
	v15 =	vadd.s32 s28, v8;
	v19 =	vadd.s32 s29, v0;
	[tilespmem:v22+s31+$0x0] =	vst.idx.msk $0xffff, v13;
	v11 =	vld.idx.msk [tilespmem:v24+s15+$0x0], $0xffff  }
0x211: {  	s29 =	sadd.s32 $0x3, s12;
	v17 =	vadd.s32 s1, v8;
	v20 =	vadd.s32 s8, v0;
	v12 =	vld.idx.msk [tilespmem:v25+s15+$0x0], $0xffff;
	[tilespmem:v27+s31+$0x0] =	vst.idx.msk $0xffff, v16  }
0x212: {  	s8 =	sadd.s32 $0x2, s12;
	v21 =	vadd.s32 s29, v8;
	v23 =	vadd.s32 s9, v0;
	v13 =	vld.idx.msk [tilespmem:v28+s15+$0x0], $0xffff;
	[tilespmem:v30+s31+$0x0] =	vst.idx.msk $0xffff, v26  }
0x213: {  	s9 =	sadd.s32 $0x1, s12;
	v22 =	vadd.s32 s12, v0;
	v24 =	vadd.s32 s8, v8;
	s12 =	sadd.s32 $0x8, s12;
	v16 =	vld.idx.msk [tilespmem:v31+s15+$0x0], $0xffff;
	[tilespmem:v32+s31+$0x0] =	vst.idx.msk $0xffff, v29  }
0x214: {  	_ =	sdelay $0x3  }
0x215: {  	v25 =	vadd.s32 s0, v0;
	[tilespmem:v18+s31+$0x0] =	vst.idx.msk $0xffff, v9  }
0x216: {  	v8 =	vadd.s32 s9, v8;
	v9 =	vld.idx.msk [tilespmem:v14+s15+$0x0], $0xffff;
	v14 =	vadd.s32 s26, v0;
	[tilespmem:v19+s31+$0x0] =	vst.idx.msk $0xffff, v10  }
0x217: {  	v10 =	vld.idx.msk [tilespmem:v15+s15+$0x0], $0xffff;
	v15 =	vadd.s32 s28, v0;
	[tilespmem:v20+s31+$0x0] =	vst.idx.msk $0xffff, v11  }
0x218: {  	v18 =	vld.idx.msk [tilespmem:v24+s15+$0x0], $0xffff;
	v19 =	vadd.s32 s8, v0;
	[tilespmem:v23+s31+$0x0] =	vst.idx.msk $0xffff, v12  }
0x219: {  	v11 =	vld.idx.msk [tilespmem:v17+s15+$0x0], $0xffff;
	v17 =	vadd.s32 s1, v0;
	[tilespmem:v22+s31+$0x0] =	vst.idx.msk $0xffff, v13  }
0x21a: {  	v12 =	vld.idx.msk [tilespmem:v21+s15+$0x0], $0xffff;
	v13 =	vadd.s32 s29, v0;
	[tilespmem:v25+s31+$0x0] =	vst.idx.msk $0xffff, v16  }
0x21b: {  	v8 =	vld.idx.msk [tilespmem:v8+s15+$0x0], $0xffff;
	v16 =	vadd.s32 s9, v0;
	[tilespmem:v14+s31+$0x0] =	vst.idx.msk $0xffff, v9  }
0x21c: {  	[tilespmem:v15+s31+$0x0] =	vst.idx.msk $0xffff, v10  }
0x21d: {  	[tilespmem:v19+s31+$0x0] =	vst.idx.msk $0xffff, v18  }
0x21e: {  	[tilespmem:v17+s31+$0x0] =	vst.idx.msk $0xffff, v11  }
0x21f: {  	[tilespmem:v13+s31+$0x0] =	vst.idx.msk $0xffff, v12  }
0x220: {  	[tilespmem:v16+s31+$0x0] =	vst.idx.msk $0xffff, v8  }
0x221: {  	v8 =	vld [tilespmem:s25+$0x20];
	_ =	sdelay $0x4  }
0x222: {  	v8 =	vshll.u32 v8, $0x6  }
0x223: {  	v8 =	vand.u32 $0x40, v8  }
0x224: {  	s1 =	simm.s32 $0x0;
	v8 =	vor.u32 v2, v8  }
0x225: {  	s8 =	simm.s32 $0x7;
	v9 =	vadd.s32 s1, v8  }
0x226: {  	s26 =	simm.s32 $0x6;
	v10 =	vadd.s32 s8, v8  }
0x227: {  	s9 =	simm.s32 $0x5;
	v11 =	vadd.s32 s26, v8  }
0x228: {  	s12 =	simm.s32 $0x4;
	v12 =	vadd.s32 s9, v8  }
0x229: {  	s14 =	simm.s32 $0x3;
	v13 =	vadd.s32 s12, v8  }
0x22a: {  	s16 =	simm.s32 $0x2;
	v15 =	vadd.s32 s14, v8;
	v16 =	vld.idx.msk [tilespmem:v9+s15+$0x0], $0xffff  }
0x22b: {  	s20 =	simm.s32 $0x1;
	v17 =	vadd.s32 s1, v0;
	v19 =	vadd.s32 s16, v8;
	v21 =	vld.idx.msk [tilespmem:v10+s15+$0x0], $0xffff  }
0x22c: {  	s30 =	simm.s32 $0x8;
	v23 =	vadd.s32 s8, v0;
	v20 =	vadd.s32 s20, v8;
	v22 =	vld.idx.msk [tilespmem:v11+s15+$0x0], $0xffff  }
0x22d: {  	s0 =	simm.s32 $0xF;
	v26 =	vadd.s32 s26, v0;
	v24 =	vadd.s32 s30, v8;
	v25 =	vld.idx.msk [tilespmem:v12+s15+$0x0], $0xffff  }
0x22e: {  	v28 =	vadd.s32 s9, v0;
	s26 =	simm.s32 $0xE;
	v27 =	vadd.s32 s0, v8;
	v9 =	vld.idx.msk [tilespmem:v13+s15+$0x0], $0xffff  }
0x22f: {  	s28 =	simm.s32 $0xD;
	v18 =	vadd.s32 s12, v0;
	v14 =	vadd.s32 s26, v8;
	v10 =	vld.idx.msk [tilespmem:v15+s15+$0x0], $0xffff  }
0x230: {  	s1 =	simm.s32 $0xC;
	v15 =	vadd.s32 s28, v8;
	v11 =	vld.idx.msk [tilespmem:v19+s15+$0x0], $0xffff;
	v19 =	vadd.s32 s14, v0;
	[tilespmem:v17+s31+$0x0] =	vst.idx.msk $0xffff, v16  }
0x231: {  	s29 =	simm.s32 $0xB;
	v12 =	vld.idx.msk [tilespmem:v20+s15+$0x0], $0xffff;
	v20 =	vadd.s32 s16, v0;
	v17 =	vadd.s32 s1, v8;
	[tilespmem:v23+s31+$0x0] =	vst.idx.msk $0xffff, v21  }
0x232: {  	s8 =	simm.s32 $0xA;
	v13 =	vld.idx.msk [tilespmem:v24+s15+$0x0], $0xffff;
	v21 =	vadd.s32 s29, v8;
	v23 =	vadd.s32 s20, v0;
	[tilespmem:v26+s31+$0x0] =	vst.idx.msk $0xffff, v22  }
0x233: {  	s9 =	simm.s32 $0x9;
	s12 =	simm.s32 $0x10;
	v24 =	vadd.s32 s8, v8;
	v22 =	vadd.s32 s30, v0;
	v16 =	vld.idx.msk [tilespmem:v27+s15+$0x0], $0xffff;
	[tilespmem:v28+s31+$0x0] =	vst.idx.msk $0xffff, v25  }
.LBB2_23:
0x234: {  	p1 =	slt.u32 s12, $0x38;
	v25 =	vadd.s32 s9, v8;
	v26 =	vld.idx.msk [tilespmem:v14+s15+$0x0], $0xffff;
	v27 =	vadd.s32 s0, v0;
	[tilespmem:v18+s31+$0x0] =	vst.idx.msk $0xffff, v9  }
0x235: {  	v28 =	vadd.s32 s12, v8;
	s0 =	sadd.s32 $0x7, s12;
	v30 =	vadd.s32 s26, v0;
	v29 =	vld.idx.msk [tilespmem:v15+s15+$0x0], $0xffff;
	[tilespmem:v19+s31+$0x0] =	vst.idx.msk $0xffff, v10  }
0x236: {  	s26 =	sadd.s32 $0x6, s12;
	v32 =	vadd.s32 s28, v0;
	v31 =	vadd.s32 s0, v8;
	v9 =	vld.idx.msk [tilespmem:v17+s15+$0x0], $0xffff;
	[tilespmem:v20+s31+$0x0] =	vst.idx.msk $0xffff, v11  }
.Ltmp12:
0x237: {  	s28 =	sadd.s32 $0x5, s12;
	v18 =	vadd.s32 s1, v0;
	v14 =	vadd.s32 s26, v8;
	v10 =	vld.idx.msk [tilespmem:v21+s15+$0x0], $0xffff;
	[tilespmem:v23+s31+$0x0] =	vst.idx.msk $0xffff, v12;
	(pc) =	sbr.rel @p1 .LBB2_23-.Ltmp12, $4  }
0x238: {  	s1 =	sadd.s32 $0x4, s12;
	v15 =	vadd.s32 s28, v8;
	v19 =	vadd.s32 s29, v0;
	[tilespmem:v22+s31+$0x0] =	vst.idx.msk $0xffff, v13;
	v11 =	vld.idx.msk [tilespmem:v24+s15+$0x0], $0xffff  }
0x239: {  	s29 =	sadd.s32 $0x3, s12;
	v17 =	vadd.s32 s1, v8;
	v20 =	vadd.s32 s8, v0;
	v12 =	vld.idx.msk [tilespmem:v25+s15+$0x0], $0xffff;
	[tilespmem:v27+s31+$0x0] =	vst.idx.msk $0xffff, v16  }
0x23a: {  	s8 =	sadd.s32 $0x2, s12;
	v21 =	vadd.s32 s29, v8;
	v23 =	vadd.s32 s9, v0;
	v13 =	vld.idx.msk [tilespmem:v28+s15+$0x0], $0xffff;
	[tilespmem:v30+s31+$0x0] =	vst.idx.msk $0xffff, v26  }
0x23b: {  	s9 =	sadd.s32 $0x1, s12;
	v22 =	vadd.s32 s12, v0;
	v24 =	vadd.s32 s8, v8;
	s12 =	sadd.s32 $0x8, s12;
	v16 =	vld.idx.msk [tilespmem:v31+s15+$0x0], $0xffff;
	[tilespmem:v32+s31+$0x0] =	vst.idx.msk $0xffff, v29  }
0x23c: {  	_ =	sdelay $0x3  }
0x23d: {  	v25 =	vadd.s32 s0, v0;
	[tilespmem:v18+s31+$0x0] =	vst.idx.msk $0xffff, v9  }
0x23e: {  	v8 =	vadd.s32 s9, v8;
	v9 =	vld.idx.msk [tilespmem:v14+s15+$0x0], $0xffff;
	v14 =	vadd.s32 s26, v0;
	[tilespmem:v19+s31+$0x0] =	vst.idx.msk $0xffff, v10  }
0x23f: {  	v10 =	vld.idx.msk [tilespmem:v15+s15+$0x0], $0xffff;
	v15 =	vadd.s32 s28, v0;
	[tilespmem:v20+s31+$0x0] =	vst.idx.msk $0xffff, v11  }
0x240: {  	v18 =	vld.idx.msk [tilespmem:v24+s15+$0x0], $0xffff;
	v19 =	vadd.s32 s8, v0;
	[tilespmem:v23+s31+$0x0] =	vst.idx.msk $0xffff, v12  }
0x241: {  	v11 =	vld.idx.msk [tilespmem:v17+s15+$0x0], $0xffff;
	v17 =	vadd.s32 s1, v0;
	[tilespmem:v22+s31+$0x0] =	vst.idx.msk $0xffff, v13  }
0x242: {  	v12 =	vld.idx.msk [tilespmem:v21+s15+$0x0], $0xffff;
	v13 =	vadd.s32 s29, v0;
	[tilespmem:v25+s31+$0x0] =	vst.idx.msk $0xffff, v16  }
0x243: {  	v8 =	vld.idx.msk [tilespmem:v8+s15+$0x0], $0xffff;
	v16 =	vadd.s32 s9, v0;
	[tilespmem:v14+s31+$0x0] =	vst.idx.msk $0xffff, v9  }
0x244: {  	[tilespmem:v15+s31+$0x0] =	vst.idx.msk $0xffff, v10  }
0x245: {  	[tilespmem:v19+s31+$0x0] =	vst.idx.msk $0xffff, v18  }
0x246: {  	[tilespmem:v17+s31+$0x0] =	vst.idx.msk $0xffff, v11  }
0x247: {  	[tilespmem:v13+s31+$0x0] =	vst.idx.msk $0xffff, v12  }
0x248: {  	[tilespmem:v16+s31+$0x0] =	vst.idx.msk $0xffff, v8  }
0x249: {  	v8 =	vld [tilespmem:s25+$0x30];
	_ =	sdelay $0x4  }
0x24a: {  	v8 =	vshll.u32 v8, $0x6  }
0x24b: {  	v8 =	vand.u32 $0x40, v8  }
0x24c: {  	s1 =	simm.s32 $0x0;
	v8 =	vor.u32 v3, v8  }
0x24d: {  	s8 =	simm.s32 $0x7;
	v9 =	vadd.s32 s1, v8  }
0x24e: {  	s26 =	simm.s32 $0x6;
	v10 =	vadd.s32 s8, v8  }
0x24f: {  	s9 =	simm.s32 $0x5;
	v11 =	vadd.s32 s26, v8  }
0x250: {  	s12 =	simm.s32 $0x4;
	v12 =	vadd.s32 s9, v8  }
0x251: {  	s14 =	simm.s32 $0x3;
	v13 =	vadd.s32 s12, v8  }
0x252: {  	s16 =	simm.s32 $0x2;
	v15 =	vadd.s32 s14, v8;
	v16 =	vld.idx.msk [tilespmem:v9+s15+$0x0], $0xffff  }
0x253: {  	s20 =	simm.s32 $0x1;
	v17 =	vadd.s32 s1, v0;
	v19 =	vadd.s32 s16, v8;
	v21 =	vld.idx.msk [tilespmem:v10+s15+$0x0], $0xffff  }
0x254: {  	s30 =	simm.s32 $0x8;
	v23 =	vadd.s32 s8, v0;
	v20 =	vadd.s32 s20, v8;
	v22 =	vld.idx.msk [tilespmem:v11+s15+$0x0], $0xffff  }
0x255: {  	s0 =	simm.s32 $0xF;
	v26 =	vadd.s32 s26, v0;
	v24 =	vadd.s32 s30, v8;
	v25 =	vld.idx.msk [tilespmem:v12+s15+$0x0], $0xffff  }
0x256: {  	v28 =	vadd.s32 s9, v0;
	s26 =	simm.s32 $0xE;
	v27 =	vadd.s32 s0, v8;
	v9 =	vld.idx.msk [tilespmem:v13+s15+$0x0], $0xffff  }
0x257: {  	s28 =	simm.s32 $0xD;
	v18 =	vadd.s32 s12, v0;
	v14 =	vadd.s32 s26, v8;
	v10 =	vld.idx.msk [tilespmem:v15+s15+$0x0], $0xffff  }
0x258: {  	s1 =	simm.s32 $0xC;
	v15 =	vadd.s32 s28, v8;
	v11 =	vld.idx.msk [tilespmem:v19+s15+$0x0], $0xffff;
	v19 =	vadd.s32 s14, v0;
	[tilespmem:v17+s31+$0x0] =	vst.idx.msk $0xffff, v16  }
0x259: {  	s29 =	simm.s32 $0xB;
	v12 =	vld.idx.msk [tilespmem:v20+s15+$0x0], $0xffff;
	v20 =	vadd.s32 s16, v0;
	v17 =	vadd.s32 s1, v8;
	[tilespmem:v23+s31+$0x0] =	vst.idx.msk $0xffff, v21  }
0x25a: {  	s8 =	simm.s32 $0xA;
	v13 =	vld.idx.msk [tilespmem:v24+s15+$0x0], $0xffff;
	v21 =	vadd.s32 s29, v8;
	v23 =	vadd.s32 s20, v0;
	[tilespmem:v26+s31+$0x0] =	vst.idx.msk $0xffff, v22  }
0x25b: {  	s9 =	simm.s32 $0x9;
	s12 =	simm.s32 $0x10;
	v24 =	vadd.s32 s8, v8;
	v22 =	vadd.s32 s30, v0;
	v16 =	vld.idx.msk [tilespmem:v27+s15+$0x0], $0xffff;
	[tilespmem:v28+s31+$0x0] =	vst.idx.msk $0xffff, v25  }
.LBB2_25:
0x25c: {  	p1 =	slt.u32 s12, $0x38;
	v25 =	vadd.s32 s9, v8;
	v26 =	vld.idx.msk [tilespmem:v14+s15+$0x0], $0xffff;
	v27 =	vadd.s32 s0, v0;
	[tilespmem:v18+s31+$0x0] =	vst.idx.msk $0xffff, v9  }
0x25d: {  	v28 =	vadd.s32 s12, v8;
	s0 =	sadd.s32 $0x7, s12;
	v30 =	vadd.s32 s26, v0;
	v29 =	vld.idx.msk [tilespmem:v15+s15+$0x0], $0xffff;
	[tilespmem:v19+s31+$0x0] =	vst.idx.msk $0xffff, v10  }
0x25e: {  	s26 =	sadd.s32 $0x6, s12;
	v32 =	vadd.s32 s28, v0;
	v31 =	vadd.s32 s0, v8;
	v9 =	vld.idx.msk [tilespmem:v17+s15+$0x0], $0xffff;
	[tilespmem:v20+s31+$0x0] =	vst.idx.msk $0xffff, v11  }
.Ltmp13:
0x25f: {  	s28 =	sadd.s32 $0x5, s12;
	v18 =	vadd.s32 s1, v0;
	v14 =	vadd.s32 s26, v8;
	v10 =	vld.idx.msk [tilespmem:v21+s15+$0x0], $0xffff;
	[tilespmem:v23+s31+$0x0] =	vst.idx.msk $0xffff, v12;
	(pc) =	sbr.rel @p1 .LBB2_25-.Ltmp13, $4  }
0x260: {  	s1 =	sadd.s32 $0x4, s12;
	v15 =	vadd.s32 s28, v8;
	v19 =	vadd.s32 s29, v0;
	[tilespmem:v22+s31+$0x0] =	vst.idx.msk $0xffff, v13;
	v11 =	vld.idx.msk [tilespmem:v24+s15+$0x0], $0xffff  }
0x261: {  	s29 =	sadd.s32 $0x3, s12;
	v17 =	vadd.s32 s1, v8;
	v20 =	vadd.s32 s8, v0;
	v12 =	vld.idx.msk [tilespmem:v25+s15+$0x0], $0xffff;
	[tilespmem:v27+s31+$0x0] =	vst.idx.msk $0xffff, v16  }
0x262: {  	s8 =	sadd.s32 $0x2, s12;
	v21 =	vadd.s32 s29, v8;
	v23 =	vadd.s32 s9, v0;
	v13 =	vld.idx.msk [tilespmem:v28+s15+$0x0], $0xffff;
	[tilespmem:v30+s31+$0x0] =	vst.idx.msk $0xffff, v26  }
0x263: {  	s9 =	sadd.s32 $0x1, s12;
	v22 =	vadd.s32 s12, v0;
	v24 =	vadd.s32 s8, v8;
	s12 =	sadd.s32 $0x8, s12;
	v16 =	vld.idx.msk [tilespmem:v31+s15+$0x0], $0xffff;
	[tilespmem:v32+s31+$0x0] =	vst.idx.msk $0xffff, v29  }
0x264: {  	_ =	sdelay $0x3  }
0x265: {  	v25 =	vadd.s32 s0, v0;
	[tilespmem:v18+s31+$0x0] =	vst.idx.msk $0xffff, v9  }
0x266: {  	v8 =	vadd.s32 s9, v8;
	v9 =	vld.idx.msk [tilespmem:v14+s15+$0x0], $0xffff;
	v14 =	vadd.s32 s26, v0;
	[tilespmem:v19+s31+$0x0] =	vst.idx.msk $0xffff, v10  }
0x267: {  	v10 =	vld.idx.msk [tilespmem:v15+s15+$0x0], $0xffff;
	v15 =	vadd.s32 s28, v0;
	[tilespmem:v20+s31+$0x0] =	vst.idx.msk $0xffff, v11  }
0x268: {  	v18 =	vld.idx.msk [tilespmem:v24+s15+$0x0], $0xffff;
	v19 =	vadd.s32 s8, v0;
	[tilespmem:v23+s31+$0x0] =	vst.idx.msk $0xffff, v12  }
0x269: {  	v11 =	vld.idx.msk [tilespmem:v17+s15+$0x0], $0xffff;
	v17 =	vadd.s32 s1, v0;
	[tilespmem:v22+s31+$0x0] =	vst.idx.msk $0xffff, v13  }
0x26a: {  	v12 =	vld.idx.msk [tilespmem:v21+s15+$0x0], $0xffff;
	v13 =	vadd.s32 s29, v0;
	[tilespmem:v25+s31+$0x0] =	vst.idx.msk $0xffff, v16  }
0x26b: {  	v8 =	vld.idx.msk [tilespmem:v8+s15+$0x0], $0xffff;
	v16 =	vadd.s32 s9, v0;
	[tilespmem:v14+s31+$0x0] =	vst.idx.msk $0xffff, v9  }
0x26c: {  	[tilespmem:v15+s31+$0x0] =	vst.idx.msk $0xffff, v10  }
0x26d: {  	[tilespmem:v19+s31+$0x0] =	vst.idx.msk $0xffff, v18  }
0x26e: {  	[tilespmem:v17+s31+$0x0] =	vst.idx.msk $0xffff, v11  }
0x26f: {  	[tilespmem:v13+s31+$0x0] =	vst.idx.msk $0xffff, v12  }
0x270: {  	[tilespmem:v16+s31+$0x0] =	vst.idx.msk $0xffff, v8  }
0x271: {  	v8 =	vld [tilespmem:s25+$0x40];
	_ =	sdelay $0x4  }
0x272: {  	v8 =	vshll.u32 v8, $0x6  }
0x273: {  	v8 =	vand.u32 $0x40, v8  }
0x274: {  	s1 =	simm.s32 $0x0;
	v8 =	vor.u32 v4, v8  }
0x275: {  	s8 =	simm.s32 $0x7;
	v9 =	vadd.s32 s1, v8  }
0x276: {  	s26 =	simm.s32 $0x6;
	v10 =	vadd.s32 s8, v8  }
0x277: {  	s9 =	simm.s32 $0x5;
	v11 =	vadd.s32 s26, v8  }
0x278: {  	s12 =	simm.s32 $0x4;
	v12 =	vadd.s32 s9, v8  }
0x279: {  	s14 =	simm.s32 $0x3;
	v13 =	vadd.s32 s12, v8  }
0x27a: {  	s16 =	simm.s32 $0x2;
	v15 =	vadd.s32 s14, v8;
	v16 =	vld.idx.msk [tilespmem:v9+s15+$0x0], $0xffff  }
0x27b: {  	s20 =	simm.s32 $0x1;
	v17 =	vadd.s32 s1, v0;
	v19 =	vadd.s32 s16, v8;
	v21 =	vld.idx.msk [tilespmem:v10+s15+$0x0], $0xffff  }
0x27c: {  	s30 =	simm.s32 $0x8;
	v23 =	vadd.s32 s8, v0;
	v20 =	vadd.s32 s20, v8;
	v22 =	vld.idx.msk [tilespmem:v11+s15+$0x0], $0xffff  }
0x27d: {  	s0 =	simm.s32 $0xF;
	v26 =	vadd.s32 s26, v0;
	v24 =	vadd.s32 s30, v8;
	v25 =	vld.idx.msk [tilespmem:v12+s15+$0x0], $0xffff  }
0x27e: {  	v28 =	vadd.s32 s9, v0;
	s26 =	simm.s32 $0xE;
	v27 =	vadd.s32 s0, v8;
	v9 =	vld.idx.msk [tilespmem:v13+s15+$0x0], $0xffff  }
0x27f: {  	s28 =	simm.s32 $0xD;
	v18 =	vadd.s32 s12, v0;
	v14 =	vadd.s32 s26, v8;
	v10 =	vld.idx.msk [tilespmem:v15+s15+$0x0], $0xffff  }
0x280: {  	s1 =	simm.s32 $0xC;
	v15 =	vadd.s32 s28, v8;
	v11 =	vld.idx.msk [tilespmem:v19+s15+$0x0], $0xffff;
	v19 =	vadd.s32 s14, v0;
	[tilespmem:v17+s31+$0x0] =	vst.idx.msk $0xffff, v16  }
0x281: {  	s29 =	simm.s32 $0xB;
	v12 =	vld.idx.msk [tilespmem:v20+s15+$0x0], $0xffff;
	v20 =	vadd.s32 s16, v0;
	v17 =	vadd.s32 s1, v8;
	[tilespmem:v23+s31+$0x0] =	vst.idx.msk $0xffff, v21  }
0x282: {  	s8 =	simm.s32 $0xA;
	v13 =	vld.idx.msk [tilespmem:v24+s15+$0x0], $0xffff;
	v21 =	vadd.s32 s29, v8;
	v23 =	vadd.s32 s20, v0;
	[tilespmem:v26+s31+$0x0] =	vst.idx.msk $0xffff, v22  }
0x283: {  	s9 =	simm.s32 $0x9;
	s12 =	simm.s32 $0x10;
	v24 =	vadd.s32 s8, v8;
	v22 =	vadd.s32 s30, v0;
	v16 =	vld.idx.msk [tilespmem:v27+s15+$0x0], $0xffff;
	[tilespmem:v28+s31+$0x0] =	vst.idx.msk $0xffff, v25  }
.LBB2_27:
0x284: {  	p1 =	slt.u32 s12, $0x38;
	v25 =	vadd.s32 s9, v8;
	v26 =	vld.idx.msk [tilespmem:v14+s15+$0x0], $0xffff;
	v27 =	vadd.s32 s0, v0;
	[tilespmem:v18+s31+$0x0] =	vst.idx.msk $0xffff, v9  }
0x285: {  	v28 =	vadd.s32 s12, v8;
	s0 =	sadd.s32 $0x7, s12;
	v30 =	vadd.s32 s26, v0;
	v29 =	vld.idx.msk [tilespmem:v15+s15+$0x0], $0xffff;
	[tilespmem:v19+s31+$0x0] =	vst.idx.msk $0xffff, v10  }
0x286: {  	s26 =	sadd.s32 $0x6, s12;
	v32 =	vadd.s32 s28, v0;
	v31 =	vadd.s32 s0, v8;
	v9 =	vld.idx.msk [tilespmem:v17+s15+$0x0], $0xffff;
	[tilespmem:v20+s31+$0x0] =	vst.idx.msk $0xffff, v11  }
.Ltmp14:
0x287: {  	s28 =	sadd.s32 $0x5, s12;
	v18 =	vadd.s32 s1, v0;
	v14 =	vadd.s32 s26, v8;
	v10 =	vld.idx.msk [tilespmem:v21+s15+$0x0], $0xffff;
	[tilespmem:v23+s31+$0x0] =	vst.idx.msk $0xffff, v12;
	(pc) =	sbr.rel @p1 .LBB2_27-.Ltmp14, $4  }
0x288: {  	s1 =	sadd.s32 $0x4, s12;
	v15 =	vadd.s32 s28, v8;
	v19 =	vadd.s32 s29, v0;
	[tilespmem:v22+s31+$0x0] =	vst.idx.msk $0xffff, v13;
	v11 =	vld.idx.msk [tilespmem:v24+s15+$0x0], $0xffff  }
0x289: {  	s29 =	sadd.s32 $0x3, s12;
	v17 =	vadd.s32 s1, v8;
	v20 =	vadd.s32 s8, v0;
	v12 =	vld.idx.msk [tilespmem:v25+s15+$0x0], $0xffff;
	[tilespmem:v27+s31+$0x0] =	vst.idx.msk $0xffff, v16  }
0x28a: {  	s8 =	sadd.s32 $0x2, s12;
	v21 =	vadd.s32 s29, v8;
	v23 =	vadd.s32 s9, v0;
	v13 =	vld.idx.msk [tilespmem:v28+s15+$0x0], $0xffff;
	[tilespmem:v30+s31+$0x0] =	vst.idx.msk $0xffff, v26  }
0x28b: {  	s9 =	sadd.s32 $0x1, s12;
	v22 =	vadd.s32 s12, v0;
	v24 =	vadd.s32 s8, v8;
	s12 =	sadd.s32 $0x8, s12;
	v16 =	vld.idx.msk [tilespmem:v31+s15+$0x0], $0xffff;
	[tilespmem:v32+s31+$0x0] =	vst.idx.msk $0xffff, v29  }
0x28c: {  	_ =	sdelay $0x3  }
0x28d: {  	v25 =	vadd.s32 s0, v0;
	[tilespmem:v18+s31+$0x0] =	vst.idx.msk $0xffff, v9  }
0x28e: {  	v8 =	vadd.s32 s9, v8;
	v9 =	vld.idx.msk [tilespmem:v14+s15+$0x0], $0xffff;
	v14 =	vadd.s32 s26, v0;
	[tilespmem:v19+s31+$0x0] =	vst.idx.msk $0xffff, v10  }
0x28f: {  	v10 =	vld.idx.msk [tilespmem:v15+s15+$0x0], $0xffff;
	v15 =	vadd.s32 s28, v0;
	[tilespmem:v20+s31+$0x0] =	vst.idx.msk $0xffff, v11  }
0x290: {  	v18 =	vld.idx.msk [tilespmem:v24+s15+$0x0], $0xffff;
	v19 =	vadd.s32 s8, v0;
	[tilespmem:v23+s31+$0x0] =	vst.idx.msk $0xffff, v12  }
0x291: {  	v11 =	vld.idx.msk [tilespmem:v17+s15+$0x0], $0xffff;
	v17 =	vadd.s32 s1, v0;
	[tilespmem:v22+s31+$0x0] =	vst.idx.msk $0xffff, v13  }
0x292: {  	v12 =	vld.idx.msk [tilespmem:v21+s15+$0x0], $0xffff;
	v13 =	vadd.s32 s29, v0;
	[tilespmem:v25+s31+$0x0] =	vst.idx.msk $0xffff, v16  }
0x293: {  	v8 =	vld.idx.msk [tilespmem:v8+s15+$0x0], $0xffff;
	v16 =	vadd.s32 s9, v0;
	[tilespmem:v14+s31+$0x0] =	vst.idx.msk $0xffff, v9  }
0x294: {  	[tilespmem:v15+s31+$0x0] =	vst.idx.msk $0xffff, v10  }
0x295: {  	[tilespmem:v19+s31+$0x0] =	vst.idx.msk $0xffff, v18  }
0x296: {  	[tilespmem:v17+s31+$0x0] =	vst.idx.msk $0xffff, v11  }
0x297: {  	[tilespmem:v13+s31+$0x0] =	vst.idx.msk $0xffff, v12  }
0x298: {  	[tilespmem:v16+s31+$0x0] =	vst.idx.msk $0xffff, v8  }
0x299: {  	v8 =	vld [tilespmem:s25+$0x50];
	_ =	sdelay $0x4  }
0x29a: {  	v8 =	vshll.u32 v8, $0x6  }
0x29b: {  	v8 =	vand.u32 $0x40, v8  }
0x29c: {  	s1 =	simm.s32 $0x0;
	v8 =	vor.u32 v5, v8  }
0x29d: {  	s8 =	simm.s32 $0x7;
	v9 =	vadd.s32 s1, v8  }
0x29e: {  	s26 =	simm.s32 $0x6;
	v10 =	vadd.s32 s8, v8  }
0x29f: {  	s9 =	simm.s32 $0x5;
	v11 =	vadd.s32 s26, v8  }
0x2a0: {  	s12 =	simm.s32 $0x4;
	v12 =	vadd.s32 s9, v8  }
0x2a1: {  	s14 =	simm.s32 $0x3;
	v13 =	vadd.s32 s12, v8  }
0x2a2: {  	s16 =	simm.s32 $0x2;
	v15 =	vadd.s32 s14, v8;
	v16 =	vld.idx.msk [tilespmem:v9+s15+$0x0], $0xffff  }
0x2a3: {  	s20 =	simm.s32 $0x1;
	v17 =	vadd.s32 s1, v0;
	v19 =	vadd.s32 s16, v8;
	v21 =	vld.idx.msk [tilespmem:v10+s15+$0x0], $0xffff  }
0x2a4: {  	s30 =	simm.s32 $0x8;
	v23 =	vadd.s32 s8, v0;
	v20 =	vadd.s32 s20, v8;
	v22 =	vld.idx.msk [tilespmem:v11+s15+$0x0], $0xffff  }
0x2a5: {  	s0 =	simm.s32 $0xF;
	v26 =	vadd.s32 s26, v0;
	v24 =	vadd.s32 s30, v8;
	v25 =	vld.idx.msk [tilespmem:v12+s15+$0x0], $0xffff  }
0x2a6: {  	v28 =	vadd.s32 s9, v0;
	s26 =	simm.s32 $0xE;
	v27 =	vadd.s32 s0, v8;
	v9 =	vld.idx.msk [tilespmem:v13+s15+$0x0], $0xffff  }
0x2a7: {  	s28 =	simm.s32 $0xD;
	v18 =	vadd.s32 s12, v0;
	v14 =	vadd.s32 s26, v8;
	v10 =	vld.idx.msk [tilespmem:v15+s15+$0x0], $0xffff  }
0x2a8: {  	s1 =	simm.s32 $0xC;
	v15 =	vadd.s32 s28, v8;
	v11 =	vld.idx.msk [tilespmem:v19+s15+$0x0], $0xffff;
	v19 =	vadd.s32 s14, v0;
	[tilespmem:v17+s31+$0x0] =	vst.idx.msk $0xffff, v16  }
0x2a9: {  	s29 =	simm.s32 $0xB;
	v12 =	vld.idx.msk [tilespmem:v20+s15+$0x0], $0xffff;
	v20 =	vadd.s32 s16, v0;
	v17 =	vadd.s32 s1, v8;
	[tilespmem:v23+s31+$0x0] =	vst.idx.msk $0xffff, v21  }
0x2aa: {  	s8 =	simm.s32 $0xA;
	v13 =	vld.idx.msk [tilespmem:v24+s15+$0x0], $0xffff;
	v21 =	vadd.s32 s29, v8;
	v23 =	vadd.s32 s20, v0;
	[tilespmem:v26+s31+$0x0] =	vst.idx.msk $0xffff, v22  }
0x2ab: {  	s9 =	simm.s32 $0x9;
	s12 =	simm.s32 $0x10;
	v24 =	vadd.s32 s8, v8;
	v22 =	vadd.s32 s30, v0;
	v16 =	vld.idx.msk [tilespmem:v27+s15+$0x0], $0xffff;
	[tilespmem:v28+s31+$0x0] =	vst.idx.msk $0xffff, v25  }
.LBB2_29:
0x2ac: {  	p1 =	slt.u32 s12, $0x38;
	v25 =	vadd.s32 s9, v8;
	v26 =	vld.idx.msk [tilespmem:v14+s15+$0x0], $0xffff;
	v27 =	vadd.s32 s0, v0;
	[tilespmem:v18+s31+$0x0] =	vst.idx.msk $0xffff, v9  }
0x2ad: {  	v28 =	vadd.s32 s12, v8;
	s0 =	sadd.s32 $0x7, s12;
	v30 =	vadd.s32 s26, v0;
	v29 =	vld.idx.msk [tilespmem:v15+s15+$0x0], $0xffff;
	[tilespmem:v19+s31+$0x0] =	vst.idx.msk $0xffff, v10  }
0x2ae: {  	s26 =	sadd.s32 $0x6, s12;
	v32 =	vadd.s32 s28, v0;
	v31 =	vadd.s32 s0, v8;
	v9 =	vld.idx.msk [tilespmem:v17+s15+$0x0], $0xffff;
	[tilespmem:v20+s31+$0x0] =	vst.idx.msk $0xffff, v11  }
.Ltmp15:
0x2af: {  	s28 =	sadd.s32 $0x5, s12;
	v18 =	vadd.s32 s1, v0;
	v14 =	vadd.s32 s26, v8;
	v10 =	vld.idx.msk [tilespmem:v21+s15+$0x0], $0xffff;
	[tilespmem:v23+s31+$0x0] =	vst.idx.msk $0xffff, v12;
	(pc) =	sbr.rel @p1 .LBB2_29-.Ltmp15, $4  }
0x2b0: {  	s1 =	sadd.s32 $0x4, s12;
	v15 =	vadd.s32 s28, v8;
	v19 =	vadd.s32 s29, v0;
	[tilespmem:v22+s31+$0x0] =	vst.idx.msk $0xffff, v13;
	v11 =	vld.idx.msk [tilespmem:v24+s15+$0x0], $0xffff  }
0x2b1: {  	s29 =	sadd.s32 $0x3, s12;
	v17 =	vadd.s32 s1, v8;
	v20 =	vadd.s32 s8, v0;
	v12 =	vld.idx.msk [tilespmem:v25+s15+$0x0], $0xffff;
	[tilespmem:v27+s31+$0x0] =	vst.idx.msk $0xffff, v16  }
0x2b2: {  	s8 =	sadd.s32 $0x2, s12;
	v21 =	vadd.s32 s29, v8;
	v23 =	vadd.s32 s9, v0;
	v13 =	vld.idx.msk [tilespmem:v28+s15+$0x0], $0xffff;
	[tilespmem:v30+s31+$0x0] =	vst.idx.msk $0xffff, v26  }
0x2b3: {  	s9 =	sadd.s32 $0x1, s12;
	v22 =	vadd.s32 s12, v0;
	v24 =	vadd.s32 s8, v8;
	s12 =	sadd.s32 $0x8, s12;
	v16 =	vld.idx.msk [tilespmem:v31+s15+$0x0], $0xffff;
	[tilespmem:v32+s31+$0x0] =	vst.idx.msk $0xffff, v29  }
0x2b4: {  	_ =	sdelay $0x3  }
0x2b5: {  	v25 =	vadd.s32 s0, v0;
	[tilespmem:v18+s31+$0x0] =	vst.idx.msk $0xffff, v9  }
0x2b6: {  	v8 =	vadd.s32 s9, v8;
	v9 =	vld.idx.msk [tilespmem:v14+s15+$0x0], $0xffff;
	v14 =	vadd.s32 s26, v0;
	[tilespmem:v19+s31+$0x0] =	vst.idx.msk $0xffff, v10  }
0x2b7: {  	v10 =	vld.idx.msk [tilespmem:v15+s15+$0x0], $0xffff;
	v15 =	vadd.s32 s28, v0;
	[tilespmem:v20+s31+$0x0] =	vst.idx.msk $0xffff, v11  }
0x2b8: {  	v18 =	vld.idx.msk [tilespmem:v24+s15+$0x0], $0xffff;
	v19 =	vadd.s32 s8, v0;
	[tilespmem:v23+s31+$0x0] =	vst.idx.msk $0xffff, v12  }
0x2b9: {  	v11 =	vld.idx.msk [tilespmem:v17+s15+$0x0], $0xffff;
	v17 =	vadd.s32 s1, v0;
	[tilespmem:v22+s31+$0x0] =	vst.idx.msk $0xffff, v13  }
0x2ba: {  	v12 =	vld.idx.msk [tilespmem:v21+s15+$0x0], $0xffff;
	v13 =	vadd.s32 s29, v0;
	[tilespmem:v25+s31+$0x0] =	vst.idx.msk $0xffff, v16  }
0x2bb: {  	v8 =	vld.idx.msk [tilespmem:v8+s15+$0x0], $0xffff;
	v16 =	vadd.s32 s9, v0;
	[tilespmem:v14+s31+$0x0] =	vst.idx.msk $0xffff, v9  }
0x2bc: {  	[tilespmem:v15+s31+$0x0] =	vst.idx.msk $0xffff, v10  }
0x2bd: {  	[tilespmem:v19+s31+$0x0] =	vst.idx.msk $0xffff, v18  }
0x2be: {  	[tilespmem:v17+s31+$0x0] =	vst.idx.msk $0xffff, v11  }
0x2bf: {  	[tilespmem:v13+s31+$0x0] =	vst.idx.msk $0xffff, v12  }
0x2c0: {  	[tilespmem:v16+s31+$0x0] =	vst.idx.msk $0xffff, v8  }
0x2c1: {  	v8 =	vld [tilespmem:s25+$0x60];
	_ =	sdelay $0x4  }
0x2c2: {  	v8 =	vshll.u32 v8, $0x6  }
0x2c3: {  	v8 =	vand.u32 $0x40, v8  }
0x2c4: {  	s1 =	simm.s32 $0x0;
	v8 =	vor.u32 v6, v8  }
0x2c5: {  	s8 =	simm.s32 $0x7;
	v9 =	vadd.s32 s1, v8  }
0x2c6: {  	s26 =	simm.s32 $0x6;
	v10 =	vadd.s32 s8, v8  }
0x2c7: {  	s9 =	simm.s32 $0x5;
	v11 =	vadd.s32 s26, v8  }
0x2c8: {  	s12 =	simm.s32 $0x4;
	v12 =	vadd.s32 s9, v8  }
0x2c9: {  	s14 =	simm.s32 $0x3;
	v13 =	vadd.s32 s12, v8  }
0x2ca: {  	s16 =	simm.s32 $0x2;
	v15 =	vadd.s32 s14, v8;
	v16 =	vld.idx.msk [tilespmem:v9+s15+$0x0], $0xffff  }
0x2cb: {  	s20 =	simm.s32 $0x1;
	v17 =	vadd.s32 s1, v0;
	v19 =	vadd.s32 s16, v8;
	v21 =	vld.idx.msk [tilespmem:v10+s15+$0x0], $0xffff  }
0x2cc: {  	s30 =	simm.s32 $0x8;
	v23 =	vadd.s32 s8, v0;
	v20 =	vadd.s32 s20, v8;
	v22 =	vld.idx.msk [tilespmem:v11+s15+$0x0], $0xffff  }
0x2cd: {  	s0 =	simm.s32 $0xF;
	v26 =	vadd.s32 s26, v0;
	v24 =	vadd.s32 s30, v8;
	v25 =	vld.idx.msk [tilespmem:v12+s15+$0x0], $0xffff  }
0x2ce: {  	v28 =	vadd.s32 s9, v0;
	s26 =	simm.s32 $0xE;
	v27 =	vadd.s32 s0, v8;
	v9 =	vld.idx.msk [tilespmem:v13+s15+$0x0], $0xffff  }
0x2cf: {  	s28 =	simm.s32 $0xD;
	v18 =	vadd.s32 s12, v0;
	v14 =	vadd.s32 s26, v8;
	v10 =	vld.idx.msk [tilespmem:v15+s15+$0x0], $0xffff  }
0x2d0: {  	s1 =	simm.s32 $0xC;
	v15 =	vadd.s32 s28, v8;
	v11 =	vld.idx.msk [tilespmem:v19+s15+$0x0], $0xffff;
	v19 =	vadd.s32 s14, v0;
	[tilespmem:v17+s31+$0x0] =	vst.idx.msk $0xffff, v16  }
0x2d1: {  	s29 =	simm.s32 $0xB;
	v12 =	vld.idx.msk [tilespmem:v20+s15+$0x0], $0xffff;
	v20 =	vadd.s32 s16, v0;
	v17 =	vadd.s32 s1, v8;
	[tilespmem:v23+s31+$0x0] =	vst.idx.msk $0xffff, v21  }
0x2d2: {  	s8 =	simm.s32 $0xA;
	v13 =	vld.idx.msk [tilespmem:v24+s15+$0x0], $0xffff;
	v21 =	vadd.s32 s29, v8;
	v23 =	vadd.s32 s20, v0;
	[tilespmem:v26+s31+$0x0] =	vst.idx.msk $0xffff, v22  }
0x2d3: {  	s9 =	simm.s32 $0x9;
	s12 =	simm.s32 $0x10;
	v24 =	vadd.s32 s8, v8;
	v22 =	vadd.s32 s30, v0;
	v16 =	vld.idx.msk [tilespmem:v27+s15+$0x0], $0xffff;
	[tilespmem:v28+s31+$0x0] =	vst.idx.msk $0xffff, v25  }
.LBB2_31:
0x2d4: {  	p1 =	slt.u32 s12, $0x38;
	v25 =	vadd.s32 s9, v8;
	v26 =	vld.idx.msk [tilespmem:v14+s15+$0x0], $0xffff;
	v27 =	vadd.s32 s0, v0;
	[tilespmem:v18+s31+$0x0] =	vst.idx.msk $0xffff, v9  }
0x2d5: {  	v28 =	vadd.s32 s12, v8;
	s0 =	sadd.s32 $0x7, s12;
	v30 =	vadd.s32 s26, v0;
	v29 =	vld.idx.msk [tilespmem:v15+s15+$0x0], $0xffff;
	[tilespmem:v19+s31+$0x0] =	vst.idx.msk $0xffff, v10  }
0x2d6: {  	s26 =	sadd.s32 $0x6, s12;
	v32 =	vadd.s32 s28, v0;
	v31 =	vadd.s32 s0, v8;
	v9 =	vld.idx.msk [tilespmem:v17+s15+$0x0], $0xffff;
	[tilespmem:v20+s31+$0x0] =	vst.idx.msk $0xffff, v11  }
.Ltmp16:
0x2d7: {  	s28 =	sadd.s32 $0x5, s12;
	v18 =	vadd.s32 s1, v0;
	v14 =	vadd.s32 s26, v8;
	v10 =	vld.idx.msk [tilespmem:v21+s15+$0x0], $0xffff;
	[tilespmem:v23+s31+$0x0] =	vst.idx.msk $0xffff, v12;
	(pc) =	sbr.rel @p1 .LBB2_31-.Ltmp16, $4  }
0x2d8: {  	s1 =	sadd.s32 $0x4, s12;
	v15 =	vadd.s32 s28, v8;
	v19 =	vadd.s32 s29, v0;
	[tilespmem:v22+s31+$0x0] =	vst.idx.msk $0xffff, v13;
	v11 =	vld.idx.msk [tilespmem:v24+s15+$0x0], $0xffff  }
0x2d9: {  	s29 =	sadd.s32 $0x3, s12;
	v17 =	vadd.s32 s1, v8;
	v20 =	vadd.s32 s8, v0;
	v12 =	vld.idx.msk [tilespmem:v25+s15+$0x0], $0xffff;
	[tilespmem:v27+s31+$0x0] =	vst.idx.msk $0xffff, v16  }
0x2da: {  	s8 =	sadd.s32 $0x2, s12;
	v21 =	vadd.s32 s29, v8;
	v23 =	vadd.s32 s9, v0;
	v13 =	vld.idx.msk [tilespmem:v28+s15+$0x0], $0xffff;
	[tilespmem:v30+s31+$0x0] =	vst.idx.msk $0xffff, v26  }
0x2db: {  	s9 =	sadd.s32 $0x1, s12;
	v22 =	vadd.s32 s12, v0;
	v24 =	vadd.s32 s8, v8;
	s12 =	sadd.s32 $0x8, s12;
	v16 =	vld.idx.msk [tilespmem:v31+s15+$0x0], $0xffff;
	[tilespmem:v32+s31+$0x0] =	vst.idx.msk $0xffff, v29  }
0x2dc: {  	_ =	sdelay $0x3  }
0x2dd: {  	v25 =	vadd.s32 s0, v0;
	[tilespmem:v18+s31+$0x0] =	vst.idx.msk $0xffff, v9  }
0x2de: {  	v8 =	vadd.s32 s9, v8;
	v9 =	vld.idx.msk [tilespmem:v14+s15+$0x0], $0xffff;
	v14 =	vadd.s32 s26, v0;
	[tilespmem:v19+s31+$0x0] =	vst.idx.msk $0xffff, v10  }
0x2df: {  	v10 =	vld.idx.msk [tilespmem:v15+s15+$0x0], $0xffff;
	v15 =	vadd.s32 s28, v0;
	[tilespmem:v20+s31+$0x0] =	vst.idx.msk $0xffff, v11  }
0x2e0: {  	v18 =	vld.idx.msk [tilespmem:v24+s15+$0x0], $0xffff;
	v19 =	vadd.s32 s8, v0;
	[tilespmem:v23+s31+$0x0] =	vst.idx.msk $0xffff, v12  }
0x2e1: {  	v11 =	vld.idx.msk [tilespmem:v17+s15+$0x0], $0xffff;
	v17 =	vadd.s32 s1, v0;
	[tilespmem:v22+s31+$0x0] =	vst.idx.msk $0xffff, v13  }
0x2e2: {  	v12 =	vld.idx.msk [tilespmem:v21+s15+$0x0], $0xffff;
	v13 =	vadd.s32 s29, v0;
	[tilespmem:v25+s31+$0x0] =	vst.idx.msk $0xffff, v16  }
0x2e3: {  	v8 =	vld.idx.msk [tilespmem:v8+s15+$0x0], $0xffff;
	v16 =	vadd.s32 s9, v0;
	[tilespmem:v14+s31+$0x0] =	vst.idx.msk $0xffff, v9  }
0x2e4: {  	[tilespmem:v15+s31+$0x0] =	vst.idx.msk $0xffff, v10  }
0x2e5: {  	[tilespmem:v19+s31+$0x0] =	vst.idx.msk $0xffff, v18  }
0x2e6: {  	[tilespmem:v17+s31+$0x0] =	vst.idx.msk $0xffff, v11  }
0x2e7: {  	[tilespmem:v13+s31+$0x0] =	vst.idx.msk $0xffff, v12  }
0x2e8: {  	[tilespmem:v16+s31+$0x0] =	vst.idx.msk $0xffff, v8  }
0x2e9: {  	v8 =	vld [tilespmem:s25+$0x70];
	_ =	sdelay $0x4  }
0x2ea: {  	v8 =	vshll.u32 v8, $0x6  }
0x2eb: {  	v8 =	vand.u32 $0x40, v8  }
0x2ec: {  	s8 =	simm.s32 $0x0;
	v8 =	vor.u32 v7, v8  }
0x2ed: {  	s9 =	simm.s32 $0x7;
	v9 =	vadd.s32 s8, v8  }
0x2ee: {  	s25 =	simm.s32 $0x6;
	v10 =	vadd.s32 s9, v8  }
0x2ef: {  	s26 =	simm.s32 $0x5;
	v11 =	vadd.s32 s25, v8  }
0x2f0: {  	s12 =	simm.s32 $0x4;
	v12 =	vadd.s32 s26, v8  }
0x2f1: {  	s14 =	simm.s32 $0x3;
	v13 =	vadd.s32 s12, v8  }
0x2f2: {  	s16 =	simm.s32 $0x2;
	v15 =	vadd.s32 s14, v8;
	v16 =	vld.idx.msk [tilespmem:v9+s15+$0x0], $0xffff  }
0x2f3: {  	s20 =	simm.s32 $0x1;
	v17 =	vadd.s32 s8, v0;
	v19 =	vadd.s32 s16, v8;
	v21 =	vld.idx.msk [tilespmem:v10+s15+$0x0], $0xffff  }
0x2f4: {  	s30 =	simm.s32 $0x8;
	v23 =	vadd.s32 s9, v0;
	v20 =	vadd.s32 s20, v8;
	v22 =	vld.idx.msk [tilespmem:v11+s15+$0x0], $0xffff  }
0x2f5: {  	s0 =	simm.s32 $0xF;
	v26 =	vadd.s32 s25, v0;
	v24 =	vadd.s32 s30, v8;
	v25 =	vld.idx.msk [tilespmem:v12+s15+$0x0], $0xffff  }
0x2f6: {  	v28 =	vadd.s32 s26, v0;
	s25 =	simm.s32 $0xE;
	v27 =	vadd.s32 s0, v8;
	v9 =	vld.idx.msk [tilespmem:v13+s15+$0x0], $0xffff  }
0x2f7: {  	v18 =	vadd.s32 s12, v0;
	s26 =	simm.s32 $0xD;
	v14 =	vadd.s32 s25, v8;
	v10 =	vld.idx.msk [tilespmem:v15+s15+$0x0], $0xffff  }
0x2f8: {  	s1 =	simm.s32 $0xC;
	v15 =	vadd.s32 s26, v8;
	v11 =	vld.idx.msk [tilespmem:v19+s15+$0x0], $0xffff;
	v19 =	vadd.s32 s14, v0;
	[tilespmem:v17+s31+$0x0] =	vst.idx.msk $0xffff, v16  }
0x2f9: {  	s28 =	simm.s32 $0xB;
	v12 =	vld.idx.msk [tilespmem:v20+s15+$0x0], $0xffff;
	v20 =	vadd.s32 s16, v0;
	v17 =	vadd.s32 s1, v8;
	[tilespmem:v23+s31+$0x0] =	vst.idx.msk $0xffff, v21  }
0x2fa: {  	s8 =	simm.s32 $0xA;
	v13 =	vld.idx.msk [tilespmem:v24+s15+$0x0], $0xffff;
	v21 =	vadd.s32 s28, v8;
	v23 =	vadd.s32 s20, v0;
	[tilespmem:v26+s31+$0x0] =	vst.idx.msk $0xffff, v22  }
0x2fb: {  	s9 =	simm.s32 $0x9;
	s12 =	simm.s32 $0x10;
	v24 =	vadd.s32 s8, v8;
	v22 =	vadd.s32 s30, v0;
	v16 =	vld.idx.msk [tilespmem:v27+s15+$0x0], $0xffff;
	[tilespmem:v28+s31+$0x0] =	vst.idx.msk $0xffff, v25  }
.LBB2_33:
0x2fc: {  	p1 =	slt.u32 s12, $0x38;
	v25 =	vadd.s32 s9, v8;
	v26 =	vld.idx.msk [tilespmem:v14+s15+$0x0], $0xffff;
	v27 =	vadd.s32 s0, v0;
	[tilespmem:v18+s31+$0x0] =	vst.idx.msk $0xffff, v9  }
0x2fd: {  	v28 =	vadd.s32 s12, v8;
	s0 =	sadd.s32 $0x7, s12;
	v30 =	vadd.s32 s25, v0;
	v29 =	vld.idx.msk [tilespmem:v15+s15+$0x0], $0xffff;
	[tilespmem:v19+s31+$0x0] =	vst.idx.msk $0xffff, v10  }
0x2fe: {  	s25 =	sadd.s32 $0x6, s12;
	v32 =	vadd.s32 s26, v0;
	v31 =	vadd.s32 s0, v8;
	v9 =	vld.idx.msk [tilespmem:v17+s15+$0x0], $0xffff;
	[tilespmem:v20+s31+$0x0] =	vst.idx.msk $0xffff, v11  }
.Ltmp17:
0x2ff: {  	s26 =	sadd.s32 $0x5, s12;
	v18 =	vadd.s32 s1, v0;
	v14 =	vadd.s32 s25, v8;
	v10 =	vld.idx.msk [tilespmem:v21+s15+$0x0], $0xffff;
	[tilespmem:v23+s31+$0x0] =	vst.idx.msk $0xffff, v12;
	(pc) =	sbr.rel @p1 .LBB2_33-.Ltmp17, $4  }
0x300: {  	s1 =	sadd.s32 $0x4, s12;
	v15 =	vadd.s32 s26, v8;
	v19 =	vadd.s32 s28, v0;
	[tilespmem:v22+s31+$0x0] =	vst.idx.msk $0xffff, v13;
	v11 =	vld.idx.msk [tilespmem:v24+s15+$0x0], $0xffff  }
0x301: {  	s28 =	sadd.s32 $0x3, s12;
	v17 =	vadd.s32 s1, v8;
	v20 =	vadd.s32 s8, v0;
	v12 =	vld.idx.msk [tilespmem:v25+s15+$0x0], $0xffff;
	[tilespmem:v27+s31+$0x0] =	vst.idx.msk $0xffff, v16  }
0x302: {  	s8 =	sadd.s32 $0x2, s12;
	v21 =	vadd.s32 s28, v8;
	v23 =	vadd.s32 s9, v0;
	v13 =	vld.idx.msk [tilespmem:v28+s15+$0x0], $0xffff;
	[tilespmem:v30+s31+$0x0] =	vst.idx.msk $0xffff, v26  }
0x303: {  	s9 =	sadd.s32 $0x1, s12;
	v22 =	vadd.s32 s12, v0;
	v24 =	vadd.s32 s8, v8;
	s12 =	sadd.s32 $0x8, s12;
	v16 =	vld.idx.msk [tilespmem:v31+s15+$0x0], $0xffff;
	[tilespmem:v32+s31+$0x0] =	vst.idx.msk $0xffff, v29  }
0x304: {  	_ =	sdelay $0x3  }
0x305: {  	v25 =	vadd.s32 s0, v0;
	[tilespmem:v18+s31+$0x0] =	vst.idx.msk $0xffff, v9  }
0x306: {  	v8 =	vadd.s32 s9, v8;
	v9 =	vld.idx.msk [tilespmem:v14+s15+$0x0], $0xffff;
	v14 =	vadd.s32 s25, v0;
	[tilespmem:v19+s31+$0x0] =	vst.idx.msk $0xffff, v10  }
0x307: {  	v10 =	vld.idx.msk [tilespmem:v15+s15+$0x0], $0xffff;
	v15 =	vadd.s32 s26, v0;
	[tilespmem:v20+s31+$0x0] =	vst.idx.msk $0xffff, v11  }
0x308: {  	v18 =	vld.idx.msk [tilespmem:v24+s15+$0x0], $0xffff;
	v19 =	vadd.s32 s8, v0;
	[tilespmem:v23+s31+$0x0] =	vst.idx.msk $0xffff, v12  }
0x309: {  	v11 =	vld.idx.msk [tilespmem:v17+s15+$0x0], $0xffff;
	v17 =	vadd.s32 s1, v0;
	[tilespmem:v22+s31+$0x0] =	vst.idx.msk $0xffff, v13  }
0x30a: {  	v12 =	vld.idx.msk [tilespmem:v21+s15+$0x0], $0xffff;
	v13 =	vadd.s32 s28, v0;
	[tilespmem:v25+s31+$0x0] =	vst.idx.msk $0xffff, v16  }
0x30b: {  	v8 =	vld.idx.msk [tilespmem:v8+s15+$0x0], $0xffff;
	v16 =	vadd.s32 s9, v0;
	[tilespmem:v14+s31+$0x0] =	vst.idx.msk $0xffff, v9  }
0x30c: {  	[tilespmem:v15+s31+$0x0] =	vst.idx.msk $0xffff, v10  }
0x30d: {  	s20 =	sshll.u32 s24, $0x12;
	[tilespmem:v19+s31+$0x0] =	vst.idx.msk $0xffff, v18  }
0x30e: {  	s0 =	sor.u32 s4, s20;
	[tilespmem:v17+s31+$0x0] =	vst.idx.msk $0xffff, v11  }
0x30f: {  	s0 =	sshrl.u32 s0, $0x3;
	[tilespmem:v13+s31+$0x0] =	vst.idx.msk $0xffff, v12  }
0x310: {  	s0 =	sadd.s32 s2, s0;
	[tilespmem:v16+s31+$0x0] =	vst.idx.msk $0xffff, v8  }
0x311: {  	[hbm4b:s0+s3] =	stream.linear.scatter [tilespmem:s31], [sflag:$0x6], $0x400, $0x38;
	[tilespmem:$0x1E600] =	vst v63  }
0x312: {  	s25 =	simm.s32 $0x1AE00;
	s24 =	sadd.s32 $0x1000, s0  }
0x313: {  	[hbm4b:s24+s3] =	stream.linear.scatter [tilespmem:s25], [sflag:$0x6], $0x400, $0x38;
	[tilespmem:$0x1E600] =	vst v63  }
0x314: {  	s30 =	simm.s32 $0x1B600;
	s26 =	sadd.s32 $0x2000, s0  }
0x315: {  	[hbm4b:s26+s3] =	stream.linear.scatter [tilespmem:s30], [sflag:$0x6], $0x400, $0x38;
	[tilespmem:$0x1E600] =	vst v63  }
0x316: {  	s8 =	sadd.s32 $0x3000, s0;
	s9 =	simm.s32 $0x1BE00  }
0x317: {  	[hbm4b:s8+s3] =	stream.linear.scatter [tilespmem:s9], [sflag:$0x6], $0x400, $0x38;
	[tilespmem:$0x1E600] =	vst v63  }
0x318: {  	s14 =	simm.s32 $0x1C600;
	s12 =	sadd.s32 $0x4000, s0  }
0x319: {  	[hbm4b:s12+s3] =	stream.linear.scatter [tilespmem:s14], [sflag:$0x6], $0x400, $0x38;
	[tilespmem:$0x1E600] =	vst v63  }
0x31a: {  	s20 =	simm.s32 $0x1CE00;
	s16 =	sadd.s32 $0x5000, s0  }
0x31b: {  	[hbm4b:s16+s3] =	stream.linear.scatter [tilespmem:s20], [sflag:$0x6], $0x400, $0x38;
	[tilespmem:$0x1E600] =	vst v63  }
0x31c: {  	s24 =	sadd.s32 $0x6000, s0;
	s25 =	simm.s32 $0x1D600  }
0x31d: {  	[hbm4b:s24+s3] =	stream.linear.scatter [tilespmem:s25], [sflag:$0x6], $0x400, $0x38;
	[tilespmem:$0x1E600] =	vst v63  }
0x31e: {  	s0 =	sadd.s32 $0x7000, s0;
	s26 =	simm.s32 $0x1DE00  }
0x31f: {  	[hbm4b:s0+s3] =	stream.linear.scatter [tilespmem:s26], [sflag:$0x6], $0x400, $0x38;
	[tilespmem:$0x1E600] =	vst v63  }
0x320: {  	v8 =	vld @!p0 [tilespmem:s22+$0x280];
	_ =	sdelay $0x4  }
0x321: {  	v8 =	vshrl.u32 @!p0 v8, $0x1  }
0x322: {  	[tilespmem:$0x6480] =	vst @!p0 v8  }
0x323: {  	v8 =	vld @!p0 [tilespmem:s22+$0x290];
	_ =	sdelay $0x4  }
0x324: {  	v8 =	vshrl.u32 @!p0 v8, $0x1  }
0x325: {  	[tilespmem:$0x6490] =	vst @!p0 v8  }
0x326: {  	v8 =	vld @!p0 [tilespmem:s22+$0x2A0];
	_ =	sdelay $0x4  }
0x327: {  	v8 =	vshrl.u32 @!p0 v8, $0x1  }
0x328: {  	[tilespmem:$0x64A0] =	vst @!p0 v8  }
0x329: {  	v8 =	vld @!p0 [tilespmem:s22+$0x2B0];
	_ =	sdelay $0x4  }
0x32a: {  	v8 =	vshrl.u32 @!p0 v8, $0x1  }
0x32b: {  	[tilespmem:$0x64B0] =	vst @!p0 v8  }
0x32c: {  	v8 =	vld @!p0 [tilespmem:s22+$0x2C0];
	_ =	sdelay $0x4  }
0x32d: {  	v8 =	vshrl.u32 @!p0 v8, $0x1  }
0x32e: {  	[tilespmem:$0x64C0] =	vst @!p0 v8  }
0x32f: {  	v8 =	vld @!p0 [tilespmem:s22+$0x2D0];
	_ =	sdelay $0x4  }
0x330: {  	v8 =	vshrl.u32 @!p0 v8, $0x1  }
0x331: {  	[tilespmem:$0x64D0] =	vst @!p0 v8  }
0x332: {  	v8 =	vld @!p0 [tilespmem:s22+$0x2E0];
	_ =	sdelay $0x4  }
0x333: {  	v8 =	vshrl.u32 @!p0 v8, $0x1  }
0x334: {  	[tilespmem:$0x64E0] =	vst @!p0 v8  }
0x335: {  	v8 =	vld @!p0 [tilespmem:s22+$0x2F0];
	_ =	sdelay $0x4  }
0x336: {  	v8 =	vshrl.u32 @!p0 v8, $0x1  }
0x337: {  	s1 =	simm.s32 @!p0 $0x6480;
	s8 =	simm.s32 @!p0 $0xA600;
	s0 =	simm.s32 @!p0 $0x80;
	[tilespmem:$0x64F0] =	vst @!p0 v8  }
0x338: {  	[tilespmem:s8], [sflag:$0x2] =	stream.indirect.gather @!p0 [hbm4b:s5+s0], $0x80, s1, s0, $0xb8;
	[tilespmem:$0x1E600] =	vst v63  }
0x339: {  	_ =	swait.ge [sflag:s6], $0x4000  }
0x33a: {  	[sflag:s6] =	ssyncset.done $0x0  }
0x33b: {  	[sflag:s6] =	ssyncadd.s32 $0xFFFFC000  }
0x33c: {  	s24 =	sor.u32 $0x2, s23;
	_ =	swait.ge [sflag:s7], $0x2000  }
0x33d: {  	s30 =	sshll.u32 s24, $0x7;
	[sflag:s7] =	ssyncset.done $0x0  }
0x33e: {  	s25 =	sand.u32 $0x3FFFFF80, s30;
	[sflag:s7] =	ssyncadd.s32 $0xFFFFE000  }
0x33f: {  	v8 =	vld [tilespmem:s25+$0x0];
	_ =	sdelay $0x4  }
0x340: {  	v8 =	vshll.u32 v8, $0x6  }
0x341: {  	v8 =	vand.u32 $0x40, v8  }
0x342: {  	s1 =	simm.s32 $0x0;
	v8 =	vor.u32 v0, v8  }
0x343: {  	s8 =	simm.s32 $0x7;
	v9 =	vadd.s32 s1, v8  }
0x344: {  	s26 =	simm.s32 $0x6;
	v10 =	vadd.s32 s8, v8  }
0x345: {  	s9 =	simm.s32 $0x5;
	v11 =	vadd.s32 s26, v8  }
0x346: {  	s12 =	simm.s32 $0x4;
	v12 =	vadd.s32 s9, v8  }
0x347: {  	s14 =	simm.s32 $0x3;
	v13 =	vadd.s32 s12, v8  }
0x348: {  	s16 =	simm.s32 $0x2;
	v15 =	vadd.s32 s14, v8;
	v16 =	vld.idx.msk [tilespmem:v9+s17+$0x0], $0xffff  }
0x349: {  	s20 =	simm.s32 $0x1;
	v17 =	vadd.s32 s1, v0;
	v19 =	vadd.s32 s16, v8;
	v21 =	vld.idx.msk [tilespmem:v10+s17+$0x0], $0xffff  }
0x34a: {  	s30 =	simm.s32 $0x8;
	v23 =	vadd.s32 s8, v0;
	v20 =	vadd.s32 s20, v8;
	v22 =	vld.idx.msk [tilespmem:v11+s17+$0x0], $0xffff  }
0x34b: {  	v26 =	vadd.s32 s26, v0;
	s0 =	simm.s32 $0xF;
	v24 =	vadd.s32 s30, v8;
	v25 =	vld.idx.msk [tilespmem:v12+s17+$0x0], $0xffff  }
0x34c: {  	v28 =	vadd.s32 s9, v0;
	s26 =	simm.s32 $0xE;
	v27 =	vadd.s32 s0, v8;
	v9 =	vld.idx.msk [tilespmem:v13+s17+$0x0], $0xffff  }
0x34d: {  	s28 =	simm.s32 $0xD;
	v18 =	vadd.s32 s12, v0;
	v14 =	vadd.s32 s26, v8;
	v10 =	vld.idx.msk [tilespmem:v15+s17+$0x0], $0xffff  }
0x34e: {  	s1 =	simm.s32 $0xC;
	v15 =	vadd.s32 s28, v8;
	v11 =	vld.idx.msk [tilespmem:v19+s17+$0x0], $0xffff;
	v19 =	vadd.s32 s14, v0;
	[tilespmem:v17+s21+$0x0] =	vst.idx.msk $0xffff, v16  }
0x34f: {  	s29 =	simm.s32 $0xB;
	v12 =	vld.idx.msk [tilespmem:v20+s17+$0x0], $0xffff;
	v20 =	vadd.s32 s16, v0;
	v17 =	vadd.s32 s1, v8;
	[tilespmem:v23+s21+$0x0] =	vst.idx.msk $0xffff, v21  }
0x350: {  	s8 =	simm.s32 $0xA;
	v13 =	vld.idx.msk [tilespmem:v24+s17+$0x0], $0xffff;
	v21 =	vadd.s32 s29, v8;
	v23 =	vadd.s32 s20, v0;
	[tilespmem:v26+s21+$0x0] =	vst.idx.msk $0xffff, v22  }
0x351: {  	s9 =	simm.s32 $0x9;
	s12 =	simm.s32 $0x10;
	v24 =	vadd.s32 s8, v8;
	v22 =	vadd.s32 s30, v0;
	v16 =	vld.idx.msk [tilespmem:v27+s17+$0x0], $0xffff;
	[tilespmem:v28+s21+$0x0] =	vst.idx.msk $0xffff, v25  }
.LBB2_35:
0x352: {  	p1 =	slt.u32 s12, $0x38;
	v25 =	vadd.s32 s9, v8;
	v26 =	vld.idx.msk [tilespmem:v14+s17+$0x0], $0xffff;
	v27 =	vadd.s32 s0, v0;
	[tilespmem:v18+s21+$0x0] =	vst.idx.msk $0xffff, v9  }
0x353: {  	v28 =	vadd.s32 s12, v8;
	s0 =	sadd.s32 $0x7, s12;
	v30 =	vadd.s32 s26, v0;
	v29 =	vld.idx.msk [tilespmem:v15+s17+$0x0], $0xffff;
	[tilespmem:v19+s21+$0x0] =	vst.idx.msk $0xffff, v10  }
0x354: {  	s26 =	sadd.s32 $0x6, s12;
	v32 =	vadd.s32 s28, v0;
	v31 =	vadd.s32 s0, v8;
	v9 =	vld.idx.msk [tilespmem:v17+s17+$0x0], $0xffff;
	[tilespmem:v20+s21+$0x0] =	vst.idx.msk $0xffff, v11  }
.Ltmp18:
0x355: {  	s28 =	sadd.s32 $0x5, s12;
	v18 =	vadd.s32 s1, v0;
	v14 =	vadd.s32 s26, v8;
	v10 =	vld.idx.msk [tilespmem:v21+s17+$0x0], $0xffff;
	[tilespmem:v23+s21+$0x0] =	vst.idx.msk $0xffff, v12;
	(pc) =	sbr.rel @p1 .LBB2_35-.Ltmp18, $4  }
0x356: {  	s1 =	sadd.s32 $0x4, s12;
	v15 =	vadd.s32 s28, v8;
	v19 =	vadd.s32 s29, v0;
	[tilespmem:v22+s21+$0x0] =	vst.idx.msk $0xffff, v13;
	v11 =	vld.idx.msk [tilespmem:v24+s17+$0x0], $0xffff  }
0x357: {  	s29 =	sadd.s32 $0x3, s12;
	v17 =	vadd.s32 s1, v8;
	v20 =	vadd.s32 s8, v0;
	v12 =	vld.idx.msk [tilespmem:v25+s17+$0x0], $0xffff;
	[tilespmem:v27+s21+$0x0] =	vst.idx.msk $0xffff, v16  }
0x358: {  	s8 =	sadd.s32 $0x2, s12;
	v21 =	vadd.s32 s29, v8;
	v23 =	vadd.s32 s9, v0;
	v13 =	vld.idx.msk [tilespmem:v28+s17+$0x0], $0xffff;
	[tilespmem:v30+s21+$0x0] =	vst.idx.msk $0xffff, v26  }
0x359: {  	s9 =	sadd.s32 $0x1, s12;
	v22 =	vadd.s32 s12, v0;
	v24 =	vadd.s32 s8, v8;
	s12 =	sadd.s32 $0x8, s12;
	v16 =	vld.idx.msk [tilespmem:v31+s17+$0x0], $0xffff;
	[tilespmem:v32+s21+$0x0] =	vst.idx.msk $0xffff, v29  }
0x35a: {  	_ =	sdelay $0x3  }
0x35b: {  	v25 =	vadd.s32 s0, v0;
	[tilespmem:v18+s21+$0x0] =	vst.idx.msk $0xffff, v9  }
0x35c: {  	v8 =	vadd.s32 s9, v8;
	v9 =	vld.idx.msk [tilespmem:v14+s17+$0x0], $0xffff;
	v14 =	vadd.s32 s26, v0;
	[tilespmem:v19+s21+$0x0] =	vst.idx.msk $0xffff, v10  }
0x35d: {  	v10 =	vld.idx.msk [tilespmem:v15+s17+$0x0], $0xffff;
	v15 =	vadd.s32 s28, v0;
	[tilespmem:v20+s21+$0x0] =	vst.idx.msk $0xffff, v11  }
0x35e: {  	v18 =	vld.idx.msk [tilespmem:v24+s17+$0x0], $0xffff;
	v19 =	vadd.s32 s8, v0;
	[tilespmem:v23+s21+$0x0] =	vst.idx.msk $0xffff, v12  }
0x35f: {  	v11 =	vld.idx.msk [tilespmem:v17+s17+$0x0], $0xffff;
	v17 =	vadd.s32 s1, v0;
	[tilespmem:v22+s21+$0x0] =	vst.idx.msk $0xffff, v13  }
0x360: {  	v12 =	vld.idx.msk [tilespmem:v21+s17+$0x0], $0xffff;
	v13 =	vadd.s32 s29, v0;
	[tilespmem:v25+s21+$0x0] =	vst.idx.msk $0xffff, v16  }
0x361: {  	v8 =	vld.idx.msk [tilespmem:v8+s17+$0x0], $0xffff;
	v16 =	vadd.s32 s9, v0;
	[tilespmem:v14+s21+$0x0] =	vst.idx.msk $0xffff, v9  }
0x362: {  	[tilespmem:v15+s21+$0x0] =	vst.idx.msk $0xffff, v10  }
0x363: {  	[tilespmem:v19+s21+$0x0] =	vst.idx.msk $0xffff, v18  }
0x364: {  	[tilespmem:v17+s21+$0x0] =	vst.idx.msk $0xffff, v11  }
0x365: {  	[tilespmem:v13+s21+$0x0] =	vst.idx.msk $0xffff, v12  }
0x366: {  	[tilespmem:v16+s21+$0x0] =	vst.idx.msk $0xffff, v8  }
0x367: {  	v8 =	vld [tilespmem:s25+$0x10];
	_ =	sdelay $0x4  }
0x368: {  	v8 =	vshll.u32 v8, $0x6  }
0x369: {  	v8 =	vand.u32 $0x40, v8  }
0x36a: {  	s1 =	simm.s32 $0x0;
	v8 =	vor.u32 v1, v8  }
0x36b: {  	s8 =	simm.s32 $0x7;
	v9 =	vadd.s32 s1, v8  }
0x36c: {  	s26 =	simm.s32 $0x6;
	v10 =	vadd.s32 s8, v8  }
0x36d: {  	s9 =	simm.s32 $0x5;
	v11 =	vadd.s32 s26, v8  }
0x36e: {  	s12 =	simm.s32 $0x4;
	v12 =	vadd.s32 s9, v8  }
0x36f: {  	s14 =	simm.s32 $0x3;
	v13 =	vadd.s32 s12, v8  }
0x370: {  	s16 =	simm.s32 $0x2;
	v15 =	vadd.s32 s14, v8;
	v16 =	vld.idx.msk [tilespmem:v9+s17+$0x0], $0xffff  }
0x371: {  	s20 =	simm.s32 $0x1;
	v17 =	vadd.s32 s1, v0;
	v19 =	vadd.s32 s16, v8;
	v21 =	vld.idx.msk [tilespmem:v10+s17+$0x0], $0xffff  }
0x372: {  	s30 =	simm.s32 $0x8;
	v23 =	vadd.s32 s8, v0;
	v20 =	vadd.s32 s20, v8;
	v22 =	vld.idx.msk [tilespmem:v11+s17+$0x0], $0xffff  }
0x373: {  	s0 =	simm.s32 $0xF;
	v26 =	vadd.s32 s26, v0;
	v24 =	vadd.s32 s30, v8;
	v25 =	vld.idx.msk [tilespmem:v12+s17+$0x0], $0xffff  }
0x374: {  	v28 =	vadd.s32 s9, v0;
	s26 =	simm.s32 $0xE;
	v27 =	vadd.s32 s0, v8;
	v9 =	vld.idx.msk [tilespmem:v13+s17+$0x0], $0xffff  }
0x375: {  	s28 =	simm.s32 $0xD;
	v18 =	vadd.s32 s12, v0;
	v14 =	vadd.s32 s26, v8;
	v10 =	vld.idx.msk [tilespmem:v15+s17+$0x0], $0xffff  }
0x376: {  	s1 =	simm.s32 $0xC;
	v15 =	vadd.s32 s28, v8;
	v11 =	vld.idx.msk [tilespmem:v19+s17+$0x0], $0xffff;
	v19 =	vadd.s32 s14, v0;
	[tilespmem:v17+s21+$0x0] =	vst.idx.msk $0xffff, v16  }
0x377: {  	s29 =	simm.s32 $0xB;
	v12 =	vld.idx.msk [tilespmem:v20+s17+$0x0], $0xffff;
	v20 =	vadd.s32 s16, v0;
	v17 =	vadd.s32 s1, v8;
	[tilespmem:v23+s21+$0x0] =	vst.idx.msk $0xffff, v21  }
0x378: {  	s8 =	simm.s32 $0xA;
	v13 =	vld.idx.msk [tilespmem:v24+s17+$0x0], $0xffff;
	v21 =	vadd.s32 s29, v8;
	v23 =	vadd.s32 s20, v0;
	[tilespmem:v26+s21+$0x0] =	vst.idx.msk $0xffff, v22  }
0x379: {  	s9 =	simm.s32 $0x9;
	s12 =	simm.s32 $0x10;
	v24 =	vadd.s32 s8, v8;
	v22 =	vadd.s32 s30, v0;
	v16 =	vld.idx.msk [tilespmem:v27+s17+$0x0], $0xffff;
	[tilespmem:v28+s21+$0x0] =	vst.idx.msk $0xffff, v25  }
.LBB2_37:
0x37a: {  	p1 =	slt.u32 s12, $0x38;
	v25 =	vadd.s32 s9, v8;
	v26 =	vld.idx.msk [tilespmem:v14+s17+$0x0], $0xffff;
	v27 =	vadd.s32 s0, v0;
	[tilespmem:v18+s21+$0x0] =	vst.idx.msk $0xffff, v9  }
0x37b: {  	v28 =	vadd.s32 s12, v8;
	s0 =	sadd.s32 $0x7, s12;
	v30 =	vadd.s32 s26, v0;
	v29 =	vld.idx.msk [tilespmem:v15+s17+$0x0], $0xffff;
	[tilespmem:v19+s21+$0x0] =	vst.idx.msk $0xffff, v10  }
0x37c: {  	s26 =	sadd.s32 $0x6, s12;
	v32 =	vadd.s32 s28, v0;
	v31 =	vadd.s32 s0, v8;
	v9 =	vld.idx.msk [tilespmem:v17+s17+$0x0], $0xffff;
	[tilespmem:v20+s21+$0x0] =	vst.idx.msk $0xffff, v11  }
.Ltmp19:
0x37d: {  	s28 =	sadd.s32 $0x5, s12;
	v18 =	vadd.s32 s1, v0;
	v14 =	vadd.s32 s26, v8;
	v10 =	vld.idx.msk [tilespmem:v21+s17+$0x0], $0xffff;
	[tilespmem:v23+s21+$0x0] =	vst.idx.msk $0xffff, v12;
	(pc) =	sbr.rel @p1 .LBB2_37-.Ltmp19, $4  }
0x37e: {  	s1 =	sadd.s32 $0x4, s12;
	v15 =	vadd.s32 s28, v8;
	v19 =	vadd.s32 s29, v0;
	[tilespmem:v22+s21+$0x0] =	vst.idx.msk $0xffff, v13;
	v11 =	vld.idx.msk [tilespmem:v24+s17+$0x0], $0xffff  }
0x37f: {  	s29 =	sadd.s32 $0x3, s12;
	v17 =	vadd.s32 s1, v8;
	v20 =	vadd.s32 s8, v0;
	v12 =	vld.idx.msk [tilespmem:v25+s17+$0x0], $0xffff;
	[tilespmem:v27+s21+$0x0] =	vst.idx.msk $0xffff, v16  }
0x380: {  	s8 =	sadd.s32 $0x2, s12;
	v21 =	vadd.s32 s29, v8;
	v23 =	vadd.s32 s9, v0;
	v13 =	vld.idx.msk [tilespmem:v28+s17+$0x0], $0xffff;
	[tilespmem:v30+s21+$0x0] =	vst.idx.msk $0xffff, v26  }
0x381: {  	s9 =	sadd.s32 $0x1, s12;
	v22 =	vadd.s32 s12, v0;
	v24 =	vadd.s32 s8, v8;
	s12 =	sadd.s32 $0x8, s12;
	v16 =	vld.idx.msk [tilespmem:v31+s17+$0x0], $0xffff;
	[tilespmem:v32+s21+$0x0] =	vst.idx.msk $0xffff, v29  }
0x382: {  	_ =	sdelay $0x3  }
0x383: {  	v25 =	vadd.s32 s0, v0;
	[tilespmem:v18+s21+$0x0] =	vst.idx.msk $0xffff, v9  }
0x384: {  	v8 =	vadd.s32 s9, v8;
	v9 =	vld.idx.msk [tilespmem:v14+s17+$0x0], $0xffff;
	v14 =	vadd.s32 s26, v0;
	[tilespmem:v19+s21+$0x0] =	vst.idx.msk $0xffff, v10  }
0x385: {  	v10 =	vld.idx.msk [tilespmem:v15+s17+$0x0], $0xffff;
	v15 =	vadd.s32 s28, v0;
	[tilespmem:v20+s21+$0x0] =	vst.idx.msk $0xffff, v11  }
0x386: {  	v18 =	vld.idx.msk [tilespmem:v24+s17+$0x0], $0xffff;
	v19 =	vadd.s32 s8, v0;
	[tilespmem:v23+s21+$0x0] =	vst.idx.msk $0xffff, v12  }
0x387: {  	v11 =	vld.idx.msk [tilespmem:v17+s17+$0x0], $0xffff;
	v17 =	vadd.s32 s1, v0;
	[tilespmem:v22+s21+$0x0] =	vst.idx.msk $0xffff, v13  }
0x388: {  	v12 =	vld.idx.msk [tilespmem:v21+s17+$0x0], $0xffff;
	v13 =	vadd.s32 s29, v0;
	[tilespmem:v25+s21+$0x0] =	vst.idx.msk $0xffff, v16  }
0x389: {  	v8 =	vld.idx.msk [tilespmem:v8+s17+$0x0], $0xffff;
	v16 =	vadd.s32 s9, v0;
	[tilespmem:v14+s21+$0x0] =	vst.idx.msk $0xffff, v9  }
0x38a: {  	[tilespmem:v15+s21+$0x0] =	vst.idx.msk $0xffff, v10  }
0x38b: {  	[tilespmem:v19+s21+$0x0] =	vst.idx.msk $0xffff, v18  }
0x38c: {  	[tilespmem:v17+s21+$0x0] =	vst.idx.msk $0xffff, v11  }
0x38d: {  	[tilespmem:v13+s21+$0x0] =	vst.idx.msk $0xffff, v12  }
0x38e: {  	[tilespmem:v16+s21+$0x0] =	vst.idx.msk $0xffff, v8  }
0x38f: {  	v8 =	vld [tilespmem:s25+$0x20];
	_ =	sdelay $0x4  }
0x390: {  	v8 =	vshll.u32 v8, $0x6  }
0x391: {  	v8 =	vand.u32 $0x40, v8  }
0x392: {  	s1 =	simm.s32 $0x0;
	v8 =	vor.u32 v2, v8  }
0x393: {  	s8 =	simm.s32 $0x7;
	v9 =	vadd.s32 s1, v8  }
0x394: {  	s26 =	simm.s32 $0x6;
	v10 =	vadd.s32 s8, v8  }
0x395: {  	s9 =	simm.s32 $0x5;
	v11 =	vadd.s32 s26, v8  }
0x396: {  	s12 =	simm.s32 $0x4;
	v12 =	vadd.s32 s9, v8  }
0x397: {  	s14 =	simm.s32 $0x3;
	v13 =	vadd.s32 s12, v8  }
0x398: {  	s16 =	simm.s32 $0x2;
	v15 =	vadd.s32 s14, v8;
	v16 =	vld.idx.msk [tilespmem:v9+s17+$0x0], $0xffff  }
0x399: {  	s20 =	simm.s32 $0x1;
	v17 =	vadd.s32 s1, v0;
	v19 =	vadd.s32 s16, v8;
	v21 =	vld.idx.msk [tilespmem:v10+s17+$0x0], $0xffff  }
0x39a: {  	s30 =	simm.s32 $0x8;
	v23 =	vadd.s32 s8, v0;
	v20 =	vadd.s32 s20, v8;
	v22 =	vld.idx.msk [tilespmem:v11+s17+$0x0], $0xffff  }
0x39b: {  	s0 =	simm.s32 $0xF;
	v26 =	vadd.s32 s26, v0;
	v24 =	vadd.s32 s30, v8;
	v25 =	vld.idx.msk [tilespmem:v12+s17+$0x0], $0xffff  }
0x39c: {  	v28 =	vadd.s32 s9, v0;
	s26 =	simm.s32 $0xE;
	v27 =	vadd.s32 s0, v8;
	v9 =	vld.idx.msk [tilespmem:v13+s17+$0x0], $0xffff  }
0x39d: {  	s28 =	simm.s32 $0xD;
	v18 =	vadd.s32 s12, v0;
	v14 =	vadd.s32 s26, v8;
	v10 =	vld.idx.msk [tilespmem:v15+s17+$0x0], $0xffff  }
0x39e: {  	s1 =	simm.s32 $0xC;
	v15 =	vadd.s32 s28, v8;
	v11 =	vld.idx.msk [tilespmem:v19+s17+$0x0], $0xffff;
	v19 =	vadd.s32 s14, v0;
	[tilespmem:v17+s21+$0x0] =	vst.idx.msk $0xffff, v16  }
0x39f: {  	s29 =	simm.s32 $0xB;
	v12 =	vld.idx.msk [tilespmem:v20+s17+$0x0], $0xffff;
	v20 =	vadd.s32 s16, v0;
	v17 =	vadd.s32 s1, v8;
	[tilespmem:v23+s21+$0x0] =	vst.idx.msk $0xffff, v21  }
0x3a0: {  	s8 =	simm.s32 $0xA;
	v13 =	vld.idx.msk [tilespmem:v24+s17+$0x0], $0xffff;
	v21 =	vadd.s32 s29, v8;
	v23 =	vadd.s32 s20, v0;
	[tilespmem:v26+s21+$0x0] =	vst.idx.msk $0xffff, v22  }
0x3a1: {  	s9 =	simm.s32 $0x9;
	s12 =	simm.s32 $0x10;
	v24 =	vadd.s32 s8, v8;
	v22 =	vadd.s32 s30, v0;
	v16 =	vld.idx.msk [tilespmem:v27+s17+$0x0], $0xffff;
	[tilespmem:v28+s21+$0x0] =	vst.idx.msk $0xffff, v25  }
.LBB2_39:
0x3a2: {  	p1 =	slt.u32 s12, $0x38;
	v25 =	vadd.s32 s9, v8;
	v26 =	vld.idx.msk [tilespmem:v14+s17+$0x0], $0xffff;
	v27 =	vadd.s32 s0, v0;
	[tilespmem:v18+s21+$0x0] =	vst.idx.msk $0xffff, v9  }
0x3a3: {  	v28 =	vadd.s32 s12, v8;
	s0 =	sadd.s32 $0x7, s12;
	v30 =	vadd.s32 s26, v0;
	v29 =	vld.idx.msk [tilespmem:v15+s17+$0x0], $0xffff;
	[tilespmem:v19+s21+$0x0] =	vst.idx.msk $0xffff, v10  }
0x3a4: {  	s26 =	sadd.s32 $0x6, s12;
	v32 =	vadd.s32 s28, v0;
	v31 =	vadd.s32 s0, v8;
	v9 =	vld.idx.msk [tilespmem:v17+s17+$0x0], $0xffff;
	[tilespmem:v20+s21+$0x0] =	vst.idx.msk $0xffff, v11  }
.Ltmp20:
0x3a5: {  	s28 =	sadd.s32 $0x5, s12;
	v18 =	vadd.s32 s1, v0;
	v14 =	vadd.s32 s26, v8;
	v10 =	vld.idx.msk [tilespmem:v21+s17+$0x0], $0xffff;
	[tilespmem:v23+s21+$0x0] =	vst.idx.msk $0xffff, v12;
	(pc) =	sbr.rel @p1 .LBB2_39-.Ltmp20, $4  }
0x3a6: {  	s1 =	sadd.s32 $0x4, s12;
	v15 =	vadd.s32 s28, v8;
	v19 =	vadd.s32 s29, v0;
	[tilespmem:v22+s21+$0x0] =	vst.idx.msk $0xffff, v13;
	v11 =	vld.idx.msk [tilespmem:v24+s17+$0x0], $0xffff  }
0x3a7: {  	s29 =	sadd.s32 $0x3, s12;
	v17 =	vadd.s32 s1, v8;
	v20 =	vadd.s32 s8, v0;
	v12 =	vld.idx.msk [tilespmem:v25+s17+$0x0], $0xffff;
	[tilespmem:v27+s21+$0x0] =	vst.idx.msk $0xffff, v16  }
0x3a8: {  	s8 =	sadd.s32 $0x2, s12;
	v21 =	vadd.s32 s29, v8;
	v23 =	vadd.s32 s9, v0;
	v13 =	vld.idx.msk [tilespmem:v28+s17+$0x0], $0xffff;
	[tilespmem:v30+s21+$0x0] =	vst.idx.msk $0xffff, v26  }
0x3a9: {  	s9 =	sadd.s32 $0x1, s12;
	v22 =	vadd.s32 s12, v0;
	v24 =	vadd.s32 s8, v8;
	s12 =	sadd.s32 $0x8, s12;
	v16 =	vld.idx.msk [tilespmem:v31+s17+$0x0], $0xffff;
	[tilespmem:v32+s21+$0x0] =	vst.idx.msk $0xffff, v29  }
0x3aa: {  	_ =	sdelay $0x3  }
0x3ab: {  	v25 =	vadd.s32 s0, v0;
	[tilespmem:v18+s21+$0x0] =	vst.idx.msk $0xffff, v9  }
0x3ac: {  	v8 =	vadd.s32 s9, v8;
	v9 =	vld.idx.msk [tilespmem:v14+s17+$0x0], $0xffff;
	v14 =	vadd.s32 s26, v0;
	[tilespmem:v19+s21+$0x0] =	vst.idx.msk $0xffff, v10  }
0x3ad: {  	v10 =	vld.idx.msk [tilespmem:v15+s17+$0x0], $0xffff;
	v15 =	vadd.s32 s28, v0;
	[tilespmem:v20+s21+$0x0] =	vst.idx.msk $0xffff, v11  }
0x3ae: {  	v18 =	vld.idx.msk [tilespmem:v24+s17+$0x0], $0xffff;
	v19 =	vadd.s32 s8, v0;
	[tilespmem:v23+s21+$0x0] =	vst.idx.msk $0xffff, v12  }
0x3af: {  	v11 =	vld.idx.msk [tilespmem:v17+s17+$0x0], $0xffff;
	v17 =	vadd.s32 s1, v0;
	[tilespmem:v22+s21+$0x0] =	vst.idx.msk $0xffff, v13  }
0x3b0: {  	v12 =	vld.idx.msk [tilespmem:v21+s17+$0x0], $0xffff;
	v13 =	vadd.s32 s29, v0;
	[tilespmem:v25+s21+$0x0] =	vst.idx.msk $0xffff, v16  }
0x3b1: {  	v8 =	vld.idx.msk [tilespmem:v8+s17+$0x0], $0xffff;
	v16 =	vadd.s32 s9, v0;
	[tilespmem:v14+s21+$0x0] =	vst.idx.msk $0xffff, v9  }
0x3b2: {  	[tilespmem:v15+s21+$0x0] =	vst.idx.msk $0xffff, v10  }
0x3b3: {  	[tilespmem:v19+s21+$0x0] =	vst.idx.msk $0xffff, v18  }
0x3b4: {  	[tilespmem:v17+s21+$0x0] =	vst.idx.msk $0xffff, v11  }
0x3b5: {  	[tilespmem:v13+s21+$0x0] =	vst.idx.msk $0xffff, v12  }
0x3b6: {  	[tilespmem:v16+s21+$0x0] =	vst.idx.msk $0xffff, v8  }
0x3b7: {  	v8 =	vld [tilespmem:s25+$0x30];
	_ =	sdelay $0x4  }
0x3b8: {  	v8 =	vshll.u32 v8, $0x6  }
0x3b9: {  	v8 =	vand.u32 $0x40, v8  }
0x3ba: {  	s1 =	simm.s32 $0x0;
	v8 =	vor.u32 v3, v8  }
0x3bb: {  	s8 =	simm.s32 $0x7;
	v9 =	vadd.s32 s1, v8  }
0x3bc: {  	s26 =	simm.s32 $0x6;
	v10 =	vadd.s32 s8, v8  }
0x3bd: {  	s9 =	simm.s32 $0x5;
	v11 =	vadd.s32 s26, v8  }
0x3be: {  	s12 =	simm.s32 $0x4;
	v12 =	vadd.s32 s9, v8  }
0x3bf: {  	s14 =	simm.s32 $0x3;
	v13 =	vadd.s32 s12, v8  }
0x3c0: {  	s16 =	simm.s32 $0x2;
	v15 =	vadd.s32 s14, v8;
	v16 =	vld.idx.msk [tilespmem:v9+s17+$0x0], $0xffff  }
0x3c1: {  	s20 =	simm.s32 $0x1;
	v17 =	vadd.s32 s1, v0;
	v19 =	vadd.s32 s16, v8;
	v21 =	vld.idx.msk [tilespmem:v10+s17+$0x0], $0xffff  }
0x3c2: {  	s30 =	simm.s32 $0x8;
	v23 =	vadd.s32 s8, v0;
	v20 =	vadd.s32 s20, v8;
	v22 =	vld.idx.msk [tilespmem:v11+s17+$0x0], $0xffff  }
0x3c3: {  	s0 =	simm.s32 $0xF;
	v26 =	vadd.s32 s26, v0;
	v24 =	vadd.s32 s30, v8;
	v25 =	vld.idx.msk [tilespmem:v12+s17+$0x0], $0xffff  }
0x3c4: {  	v28 =	vadd.s32 s9, v0;
	s26 =	simm.s32 $0xE;
	v27 =	vadd.s32 s0, v8;
	v9 =	vld.idx.msk [tilespmem:v13+s17+$0x0], $0xffff  }
0x3c5: {  	s28 =	simm.s32 $0xD;
	v18 =	vadd.s32 s12, v0;
	v14 =	vadd.s32 s26, v8;
	v10 =	vld.idx.msk [tilespmem:v15+s17+$0x0], $0xffff  }
0x3c6: {  	s1 =	simm.s32 $0xC;
	v15 =	vadd.s32 s28, v8;
	v11 =	vld.idx.msk [tilespmem:v19+s17+$0x0], $0xffff;
	v19 =	vadd.s32 s14, v0;
	[tilespmem:v17+s21+$0x0] =	vst.idx.msk $0xffff, v16  }
0x3c7: {  	s29 =	simm.s32 $0xB;
	v12 =	vld.idx.msk [tilespmem:v20+s17+$0x0], $0xffff;
	v20 =	vadd.s32 s16, v0;
	v17 =	vadd.s32 s1, v8;
	[tilespmem:v23+s21+$0x0] =	vst.idx.msk $0xffff, v21  }
0x3c8: {  	s8 =	simm.s32 $0xA;
	v13 =	vld.idx.msk [tilespmem:v24+s17+$0x0], $0xffff;
	v21 =	vadd.s32 s29, v8;
	v23 =	vadd.s32 s20, v0;
	[tilespmem:v26+s21+$0x0] =	vst.idx.msk $0xffff, v22  }
0x3c9: {  	s9 =	simm.s32 $0x9;
	s12 =	simm.s32 $0x10;
	v24 =	vadd.s32 s8, v8;
	v22 =	vadd.s32 s30, v0;
	v16 =	vld.idx.msk [tilespmem:v27+s17+$0x0], $0xffff;
	[tilespmem:v28+s21+$0x0] =	vst.idx.msk $0xffff, v25  }
.LBB2_41:
0x3ca: {  	p1 =	slt.u32 s12, $0x38;
	v25 =	vadd.s32 s9, v8;
	v26 =	vld.idx.msk [tilespmem:v14+s17+$0x0], $0xffff;
	v27 =	vadd.s32 s0, v0;
	[tilespmem:v18+s21+$0x0] =	vst.idx.msk $0xffff, v9  }
0x3cb: {  	v28 =	vadd.s32 s12, v8;
	s0 =	sadd.s32 $0x7, s12;
	v30 =	vadd.s32 s26, v0;
	v29 =	vld.idx.msk [tilespmem:v15+s17+$0x0], $0xffff;
	[tilespmem:v19+s21+$0x0] =	vst.idx.msk $0xffff, v10  }
0x3cc: {  	s26 =	sadd.s32 $0x6, s12;
	v32 =	vadd.s32 s28, v0;
	v31 =	vadd.s32 s0, v8;
	v9 =	vld.idx.msk [tilespmem:v17+s17+$0x0], $0xffff;
	[tilespmem:v20+s21+$0x0] =	vst.idx.msk $0xffff, v11  }
.Ltmp21:
0x3cd: {  	s28 =	sadd.s32 $0x5, s12;
	v18 =	vadd.s32 s1, v0;
	v14 =	vadd.s32 s26, v8;
	v10 =	vld.idx.msk [tilespmem:v21+s17+$0x0], $0xffff;
	[tilespmem:v23+s21+$0x0] =	vst.idx.msk $0xffff, v12;
	(pc) =	sbr.rel @p1 .LBB2_41-.Ltmp21, $4  }
0x3ce: {  	s1 =	sadd.s32 $0x4, s12;
	v15 =	vadd.s32 s28, v8;
	v19 =	vadd.s32 s29, v0;
	[tilespmem:v22+s21+$0x0] =	vst.idx.msk $0xffff, v13;
	v11 =	vld.idx.msk [tilespmem:v24+s17+$0x0], $0xffff  }
0x3cf: {  	s29 =	sadd.s32 $0x3, s12;
	v17 =	vadd.s32 s1, v8;
	v20 =	vadd.s32 s8, v0;
	v12 =	vld.idx.msk [tilespmem:v25+s17+$0x0], $0xffff;
	[tilespmem:v27+s21+$0x0] =	vst.idx.msk $0xffff, v16  }
0x3d0: {  	s8 =	sadd.s32 $0x2, s12;
	v21 =	vadd.s32 s29, v8;
	v23 =	vadd.s32 s9, v0;
	v13 =	vld.idx.msk [tilespmem:v28+s17+$0x0], $0xffff;
	[tilespmem:v30+s21+$0x0] =	vst.idx.msk $0xffff, v26  }
0x3d1: {  	s9 =	sadd.s32 $0x1, s12;
	v22 =	vadd.s32 s12, v0;
	v24 =	vadd.s32 s8, v8;
	s12 =	sadd.s32 $0x8, s12;
	v16 =	vld.idx.msk [tilespmem:v31+s17+$0x0], $0xffff;
	[tilespmem:v32+s21+$0x0] =	vst.idx.msk $0xffff, v29  }
0x3d2: {  	_ =	sdelay $0x3  }
0x3d3: {  	v25 =	vadd.s32 s0, v0;
	[tilespmem:v18+s21+$0x0] =	vst.idx.msk $0xffff, v9  }
0x3d4: {  	v8 =	vadd.s32 s9, v8;
	v9 =	vld.idx.msk [tilespmem:v14+s17+$0x0], $0xffff;
	v14 =	vadd.s32 s26, v0;
	[tilespmem:v19+s21+$0x0] =	vst.idx.msk $0xffff, v10  }
0x3d5: {  	v10 =	vld.idx.msk [tilespmem:v15+s17+$0x0], $0xffff;
	v15 =	vadd.s32 s28, v0;
	[tilespmem:v20+s21+$0x0] =	vst.idx.msk $0xffff, v11  }
0x3d6: {  	v18 =	vld.idx.msk [tilespmem:v24+s17+$0x0], $0xffff;
	v19 =	vadd.s32 s8, v0;
	[tilespmem:v23+s21+$0x0] =	vst.idx.msk $0xffff, v12  }
0x3d7: {  	v11 =	vld.idx.msk [tilespmem:v17+s17+$0x0], $0xffff;
	v17 =	vadd.s32 s1, v0;
	[tilespmem:v22+s21+$0x0] =	vst.idx.msk $0xffff, v13  }
0x3d8: {  	v12 =	vld.idx.msk [tilespmem:v21+s17+$0x0], $0xffff;
	v13 =	vadd.s32 s29, v0;
	[tilespmem:v25+s21+$0x0] =	vst.idx.msk $0xffff, v16  }
0x3d9: {  	v8 =	vld.idx.msk [tilespmem:v8+s17+$0x0], $0xffff;
	v16 =	vadd.s32 s9, v0;
	[tilespmem:v14+s21+$0x0] =	vst.idx.msk $0xffff, v9  }
0x3da: {  	[tilespmem:v15+s21+$0x0] =	vst.idx.msk $0xffff, v10  }
0x3db: {  	[tilespmem:v19+s21+$0x0] =	vst.idx.msk $0xffff, v18  }
0x3dc: {  	[tilespmem:v17+s21+$0x0] =	vst.idx.msk $0xffff, v11  }
0x3dd: {  	[tilespmem:v13+s21+$0x0] =	vst.idx.msk $0xffff, v12  }
0x3de: {  	[tilespmem:v16+s21+$0x0] =	vst.idx.msk $0xffff, v8  }
0x3df: {  	v8 =	vld [tilespmem:s25+$0x40];
	_ =	sdelay $0x4  }
0x3e0: {  	v8 =	vshll.u32 v8, $0x6  }
0x3e1: {  	v8 =	vand.u32 $0x40, v8  }
0x3e2: {  	s1 =	simm.s32 $0x0;
	v8 =	vor.u32 v4, v8  }
0x3e3: {  	s8 =	simm.s32 $0x7;
	v9 =	vadd.s32 s1, v8  }
0x3e4: {  	s26 =	simm.s32 $0x6;
	v10 =	vadd.s32 s8, v8  }
0x3e5: {  	s9 =	simm.s32 $0x5;
	v11 =	vadd.s32 s26, v8  }
0x3e6: {  	s12 =	simm.s32 $0x4;
	v12 =	vadd.s32 s9, v8  }
0x3e7: {  	s14 =	simm.s32 $0x3;
	v13 =	vadd.s32 s12, v8  }
0x3e8: {  	s16 =	simm.s32 $0x2;
	v15 =	vadd.s32 s14, v8;
	v16 =	vld.idx.msk [tilespmem:v9+s17+$0x0], $0xffff  }
0x3e9: {  	s20 =	simm.s32 $0x1;
	v17 =	vadd.s32 s1, v0;
	v19 =	vadd.s32 s16, v8;
	v21 =	vld.idx.msk [tilespmem:v10+s17+$0x0], $0xffff  }
0x3ea: {  	s30 =	simm.s32 $0x8;
	v23 =	vadd.s32 s8, v0;
	v20 =	vadd.s32 s20, v8;
	v22 =	vld.idx.msk [tilespmem:v11+s17+$0x0], $0xffff  }
0x3eb: {  	s0 =	simm.s32 $0xF;
	v26 =	vadd.s32 s26, v0;
	v24 =	vadd.s32 s30, v8;
	v25 =	vld.idx.msk [tilespmem:v12+s17+$0x0], $0xffff  }
0x3ec: {  	v28 =	vadd.s32 s9, v0;
	s26 =	simm.s32 $0xE;
	v27 =	vadd.s32 s0, v8;
	v9 =	vld.idx.msk [tilespmem:v13+s17+$0x0], $0xffff  }
0x3ed: {  	s28 =	simm.s32 $0xD;
	v18 =	vadd.s32 s12, v0;
	v14 =	vadd.s32 s26, v8;
	v10 =	vld.idx.msk [tilespmem:v15+s17+$0x0], $0xffff  }
0x3ee: {  	s1 =	simm.s32 $0xC;
	v15 =	vadd.s32 s28, v8;
	v11 =	vld.idx.msk [tilespmem:v19+s17+$0x0], $0xffff;
	v19 =	vadd.s32 s14, v0;
	[tilespmem:v17+s21+$0x0] =	vst.idx.msk $0xffff, v16  }
0x3ef: {  	s29 =	simm.s32 $0xB;
	v12 =	vld.idx.msk [tilespmem:v20+s17+$0x0], $0xffff;
	v20 =	vadd.s32 s16, v0;
	v17 =	vadd.s32 s1, v8;
	[tilespmem:v23+s21+$0x0] =	vst.idx.msk $0xffff, v21  }
0x3f0: {  	s8 =	simm.s32 $0xA;
	v13 =	vld.idx.msk [tilespmem:v24+s17+$0x0], $0xffff;
	v21 =	vadd.s32 s29, v8;
	v23 =	vadd.s32 s20, v0;
	[tilespmem:v26+s21+$0x0] =	vst.idx.msk $0xffff, v22  }
0x3f1: {  	s9 =	simm.s32 $0x9;
	s12 =	simm.s32 $0x10;
	v24 =	vadd.s32 s8, v8;
	v22 =	vadd.s32 s30, v0;
	v16 =	vld.idx.msk [tilespmem:v27+s17+$0x0], $0xffff;
	[tilespmem:v28+s21+$0x0] =	vst.idx.msk $0xffff, v25  }
.LBB2_43:
0x3f2: {  	p1 =	slt.u32 s12, $0x38;
	v25 =	vadd.s32 s9, v8;
	v26 =	vld.idx.msk [tilespmem:v14+s17+$0x0], $0xffff;
	v27 =	vadd.s32 s0, v0;
	[tilespmem:v18+s21+$0x0] =	vst.idx.msk $0xffff, v9  }
0x3f3: {  	v28 =	vadd.s32 s12, v8;
	s0 =	sadd.s32 $0x7, s12;
	v30 =	vadd.s32 s26, v0;
	v29 =	vld.idx.msk [tilespmem:v15+s17+$0x0], $0xffff;
	[tilespmem:v19+s21+$0x0] =	vst.idx.msk $0xffff, v10  }
0x3f4: {  	s26 =	sadd.s32 $0x6, s12;
	v32 =	vadd.s32 s28, v0;
	v31 =	vadd.s32 s0, v8;
	v9 =	vld.idx.msk [tilespmem:v17+s17+$0x0], $0xffff;
	[tilespmem:v20+s21+$0x0] =	vst.idx.msk $0xffff, v11  }
.Ltmp22:
0x3f5: {  	s28 =	sadd.s32 $0x5, s12;
	v18 =	vadd.s32 s1, v0;
	v14 =	vadd.s32 s26, v8;
	v10 =	vld.idx.msk [tilespmem:v21+s17+$0x0], $0xffff;
	[tilespmem:v23+s21+$0x0] =	vst.idx.msk $0xffff, v12;
	(pc) =	sbr.rel @p1 .LBB2_43-.Ltmp22, $4  }
0x3f6: {  	s1 =	sadd.s32 $0x4, s12;
	v15 =	vadd.s32 s28, v8;
	v19 =	vadd.s32 s29, v0;
	[tilespmem:v22+s21+$0x0] =	vst.idx.msk $0xffff, v13;
	v11 =	vld.idx.msk [tilespmem:v24+s17+$0x0], $0xffff  }
0x3f7: {  	s29 =	sadd.s32 $0x3, s12;
	v17 =	vadd.s32 s1, v8;
	v20 =	vadd.s32 s8, v0;
	v12 =	vld.idx.msk [tilespmem:v25+s17+$0x0], $0xffff;
	[tilespmem:v27+s21+$0x0] =	vst.idx.msk $0xffff, v16  }
0x3f8: {  	s8 =	sadd.s32 $0x2, s12;
	v21 =	vadd.s32 s29, v8;
	v23 =	vadd.s32 s9, v0;
	v13 =	vld.idx.msk [tilespmem:v28+s17+$0x0], $0xffff;
	[tilespmem:v30+s21+$0x0] =	vst.idx.msk $0xffff, v26  }
0x3f9: {  	s9 =	sadd.s32 $0x1, s12;
	v22 =	vadd.s32 s12, v0;
	v24 =	vadd.s32 s8, v8;
	s12 =	sadd.s32 $0x8, s12;
	v16 =	vld.idx.msk [tilespmem:v31+s17+$0x0], $0xffff;
	[tilespmem:v32+s21+$0x0] =	vst.idx.msk $0xffff, v29  }
0x3fa: {  	_ =	sdelay $0x3  }
0x3fb: {  	v25 =	vadd.s32 s0, v0;
	[tilespmem:v18+s21+$0x0] =	vst.idx.msk $0xffff, v9  }
0x3fc: {  	v8 =	vadd.s32 s9, v8;
	v9 =	vld.idx.msk [tilespmem:v14+s17+$0x0], $0xffff;
	v14 =	vadd.s32 s26, v0;
	[tilespmem:v19+s21+$0x0] =	vst.idx.msk $0xffff, v10  }
0x3fd: {  	v10 =	vld.idx.msk [tilespmem:v15+s17+$0x0], $0xffff;
	v15 =	vadd.s32 s28, v0;
	[tilespmem:v20+s21+$0x0] =	vst.idx.msk $0xffff, v11  }
0x3fe: {  	v18 =	vld.idx.msk [tilespmem:v24+s17+$0x0], $0xffff;
	v19 =	vadd.s32 s8, v0;
	[tilespmem:v23+s21+$0x0] =	vst.idx.msk $0xffff, v12  }
0x3ff: {  	v11 =	vld.idx.msk [tilespmem:v17+s17+$0x0], $0xffff;
	v17 =	vadd.s32 s1, v0;
	[tilespmem:v22+s21+$0x0] =	vst.idx.msk $0xffff, v13  }
0x400: {  	v12 =	vld.idx.msk [tilespmem:v21+s17+$0x0], $0xffff;
	v13 =	vadd.s32 s29, v0;
	[tilespmem:v25+s21+$0x0] =	vst.idx.msk $0xffff, v16  }
0x401: {  	v8 =	vld.idx.msk [tilespmem:v8+s17+$0x0], $0xffff;
	v16 =	vadd.s32 s9, v0;
	[tilespmem:v14+s21+$0x0] =	vst.idx.msk $0xffff, v9  }
0x402: {  	[tilespmem:v15+s21+$0x0] =	vst.idx.msk $0xffff, v10  }
0x403: {  	[tilespmem:v19+s21+$0x0] =	vst.idx.msk $0xffff, v18  }
0x404: {  	[tilespmem:v17+s21+$0x0] =	vst.idx.msk $0xffff, v11  }
0x405: {  	[tilespmem:v13+s21+$0x0] =	vst.idx.msk $0xffff, v12  }
0x406: {  	[tilespmem:v16+s21+$0x0] =	vst.idx.msk $0xffff, v8  }
0x407: {  	v8 =	vld [tilespmem:s25+$0x50];
	_ =	sdelay $0x4  }
0x408: {  	v8 =	vshll.u32 v8, $0x6  }
0x409: {  	v8 =	vand.u32 $0x40, v8  }
0x40a: {  	s1 =	simm.s32 $0x0;
	v8 =	vor.u32 v5, v8  }
0x40b: {  	s8 =	simm.s32 $0x7;
	v9 =	vadd.s32 s1, v8  }
0x40c: {  	s26 =	simm.s32 $0x6;
	v10 =	vadd.s32 s8, v8  }
0x40d: {  	s9 =	simm.s32 $0x5;
	v11 =	vadd.s32 s26, v8  }
0x40e: {  	s12 =	simm.s32 $0x4;
	v12 =	vadd.s32 s9, v8  }
0x40f: {  	s14 =	simm.s32 $0x3;
	v13 =	vadd.s32 s12, v8  }
0x410: {  	s16 =	simm.s32 $0x2;
	v15 =	vadd.s32 s14, v8;
	v16 =	vld.idx.msk [tilespmem:v9+s17+$0x0], $0xffff  }
0x411: {  	s20 =	simm.s32 $0x1;
	v17 =	vadd.s32 s1, v0;
	v19 =	vadd.s32 s16, v8;
	v21 =	vld.idx.msk [tilespmem:v10+s17+$0x0], $0xffff  }
0x412: {  	s30 =	simm.s32 $0x8;
	v23 =	vadd.s32 s8, v0;
	v20 =	vadd.s32 s20, v8;
	v22 =	vld.idx.msk [tilespmem:v11+s17+$0x0], $0xffff  }
0x413: {  	s0 =	simm.s32 $0xF;
	v26 =	vadd.s32 s26, v0;
	v24 =	vadd.s32 s30, v8;
	v25 =	vld.idx.msk [tilespmem:v12+s17+$0x0], $0xffff  }
0x414: {  	v28 =	vadd.s32 s9, v0;
	s26 =	simm.s32 $0xE;
	v27 =	vadd.s32 s0, v8;
	v9 =	vld.idx.msk [tilespmem:v13+s17+$0x0], $0xffff  }
0x415: {  	s28 =	simm.s32 $0xD;
	v18 =	vadd.s32 s12, v0;
	v14 =	vadd.s32 s26, v8;
	v10 =	vld.idx.msk [tilespmem:v15+s17+$0x0], $0xffff  }
0x416: {  	s1 =	simm.s32 $0xC;
	v15 =	vadd.s32 s28, v8;
	v11 =	vld.idx.msk [tilespmem:v19+s17+$0x0], $0xffff;
	v19 =	vadd.s32 s14, v0;
	[tilespmem:v17+s21+$0x0] =	vst.idx.msk $0xffff, v16  }
0x417: {  	s29 =	simm.s32 $0xB;
	v12 =	vld.idx.msk [tilespmem:v20+s17+$0x0], $0xffff;
	v20 =	vadd.s32 s16, v0;
	v17 =	vadd.s32 s1, v8;
	[tilespmem:v23+s21+$0x0] =	vst.idx.msk $0xffff, v21  }
0x418: {  	s8 =	simm.s32 $0xA;
	v13 =	vld.idx.msk [tilespmem:v24+s17+$0x0], $0xffff;
	v21 =	vadd.s32 s29, v8;
	v23 =	vadd.s32 s20, v0;
	[tilespmem:v26+s21+$0x0] =	vst.idx.msk $0xffff, v22  }
0x419: {  	s9 =	simm.s32 $0x9;
	s12 =	simm.s32 $0x10;
	v24 =	vadd.s32 s8, v8;
	v22 =	vadd.s32 s30, v0;
	v16 =	vld.idx.msk [tilespmem:v27+s17+$0x0], $0xffff;
	[tilespmem:v28+s21+$0x0] =	vst.idx.msk $0xffff, v25  }
.LBB2_45:
0x41a: {  	p1 =	slt.u32 s12, $0x38;
	v25 =	vadd.s32 s9, v8;
	v26 =	vld.idx.msk [tilespmem:v14+s17+$0x0], $0xffff;
	v27 =	vadd.s32 s0, v0;
	[tilespmem:v18+s21+$0x0] =	vst.idx.msk $0xffff, v9  }
0x41b: {  	v28 =	vadd.s32 s12, v8;
	s0 =	sadd.s32 $0x7, s12;
	v30 =	vadd.s32 s26, v0;
	v29 =	vld.idx.msk [tilespmem:v15+s17+$0x0], $0xffff;
	[tilespmem:v19+s21+$0x0] =	vst.idx.msk $0xffff, v10  }
0x41c: {  	s26 =	sadd.s32 $0x6, s12;
	v32 =	vadd.s32 s28, v0;
	v31 =	vadd.s32 s0, v8;
	v9 =	vld.idx.msk [tilespmem:v17+s17+$0x0], $0xffff;
	[tilespmem:v20+s21+$0x0] =	vst.idx.msk $0xffff, v11  }
.Ltmp23:
0x41d: {  	s28 =	sadd.s32 $0x5, s12;
	v18 =	vadd.s32 s1, v0;
	v14 =	vadd.s32 s26, v8;
	v10 =	vld.idx.msk [tilespmem:v21+s17+$0x0], $0xffff;
	[tilespmem:v23+s21+$0x0] =	vst.idx.msk $0xffff, v12;
	(pc) =	sbr.rel @p1 .LBB2_45-.Ltmp23, $4  }
0x41e: {  	s1 =	sadd.s32 $0x4, s12;
	v15 =	vadd.s32 s28, v8;
	v19 =	vadd.s32 s29, v0;
	[tilespmem:v22+s21+$0x0] =	vst.idx.msk $0xffff, v13;
	v11 =	vld.idx.msk [tilespmem:v24+s17+$0x0], $0xffff  }
0x41f: {  	s29 =	sadd.s32 $0x3, s12;
	v17 =	vadd.s32 s1, v8;
	v20 =	vadd.s32 s8, v0;
	v12 =	vld.idx.msk [tilespmem:v25+s17+$0x0], $0xffff;
	[tilespmem:v27+s21+$0x0] =	vst.idx.msk $0xffff, v16  }
0x420: {  	s8 =	sadd.s32 $0x2, s12;
	v21 =	vadd.s32 s29, v8;
	v23 =	vadd.s32 s9, v0;
	v13 =	vld.idx.msk [tilespmem:v28+s17+$0x0], $0xffff;
	[tilespmem:v30+s21+$0x0] =	vst.idx.msk $0xffff, v26  }
0x421: {  	s9 =	sadd.s32 $0x1, s12;
	v22 =	vadd.s32 s12, v0;
	v24 =	vadd.s32 s8, v8;
	s12 =	sadd.s32 $0x8, s12;
	v16 =	vld.idx.msk [tilespmem:v31+s17+$0x0], $0xffff;
	[tilespmem:v32+s21+$0x0] =	vst.idx.msk $0xffff, v29  }
0x422: {  	_ =	sdelay $0x3  }
0x423: {  	v25 =	vadd.s32 s0, v0;
	[tilespmem:v18+s21+$0x0] =	vst.idx.msk $0xffff, v9  }
0x424: {  	v8 =	vadd.s32 s9, v8;
	v9 =	vld.idx.msk [tilespmem:v14+s17+$0x0], $0xffff;
	v14 =	vadd.s32 s26, v0;
	[tilespmem:v19+s21+$0x0] =	vst.idx.msk $0xffff, v10  }
0x425: {  	v10 =	vld.idx.msk [tilespmem:v15+s17+$0x0], $0xffff;
	v15 =	vadd.s32 s28, v0;
	[tilespmem:v20+s21+$0x0] =	vst.idx.msk $0xffff, v11  }
0x426: {  	v18 =	vld.idx.msk [tilespmem:v24+s17+$0x0], $0xffff;
	v19 =	vadd.s32 s8, v0;
	[tilespmem:v23+s21+$0x0] =	vst.idx.msk $0xffff, v12  }
0x427: {  	v11 =	vld.idx.msk [tilespmem:v17+s17+$0x0], $0xffff;
	v17 =	vadd.s32 s1, v0;
	[tilespmem:v22+s21+$0x0] =	vst.idx.msk $0xffff, v13  }
0x428: {  	v12 =	vld.idx.msk [tilespmem:v21+s17+$0x0], $0xffff;
	v13 =	vadd.s32 s29, v0;
	[tilespmem:v25+s21+$0x0] =	vst.idx.msk $0xffff, v16  }
0x429: {  	v8 =	vld.idx.msk [tilespmem:v8+s17+$0x0], $0xffff;
	v16 =	vadd.s32 s9, v0;
	[tilespmem:v14+s21+$0x0] =	vst.idx.msk $0xffff, v9  }
0x42a: {  	[tilespmem:v15+s21+$0x0] =	vst.idx.msk $0xffff, v10  }
0x42b: {  	[tilespmem:v19+s21+$0x0] =	vst.idx.msk $0xffff, v18  }
0x42c: {  	[tilespmem:v17+s21+$0x0] =	vst.idx.msk $0xffff, v11  }
0x42d: {  	[tilespmem:v13+s21+$0x0] =	vst.idx.msk $0xffff, v12  }
0x42e: {  	[tilespmem:v16+s21+$0x0] =	vst.idx.msk $0xffff, v8  }
0x42f: {  	v8 =	vld [tilespmem:s25+$0x60];
	_ =	sdelay $0x4  }
0x430: {  	v8 =	vshll.u32 v8, $0x6  }
0x431: {  	v8 =	vand.u32 $0x40, v8  }
0x432: {  	s1 =	simm.s32 $0x0;
	v8 =	vor.u32 v6, v8  }
0x433: {  	s8 =	simm.s32 $0x7;
	v9 =	vadd.s32 s1, v8  }
0x434: {  	s26 =	simm.s32 $0x6;
	v10 =	vadd.s32 s8, v8  }
0x435: {  	s9 =	simm.s32 $0x5;
	v11 =	vadd.s32 s26, v8  }
0x436: {  	s12 =	simm.s32 $0x4;
	v12 =	vadd.s32 s9, v8  }
0x437: {  	s14 =	simm.s32 $0x3;
	v13 =	vadd.s32 s12, v8  }
0x438: {  	s16 =	simm.s32 $0x2;
	v15 =	vadd.s32 s14, v8;
	v16 =	vld.idx.msk [tilespmem:v9+s17+$0x0], $0xffff  }
0x439: {  	s20 =	simm.s32 $0x1;
	v17 =	vadd.s32 s1, v0;
	v19 =	vadd.s32 s16, v8;
	v21 =	vld.idx.msk [tilespmem:v10+s17+$0x0], $0xffff  }
0x43a: {  	s30 =	simm.s32 $0x8;
	v23 =	vadd.s32 s8, v0;
	v20 =	vadd.s32 s20, v8;
	v22 =	vld.idx.msk [tilespmem:v11+s17+$0x0], $0xffff  }
0x43b: {  	s0 =	simm.s32 $0xF;
	v26 =	vadd.s32 s26, v0;
	v24 =	vadd.s32 s30, v8;
	v25 =	vld.idx.msk [tilespmem:v12+s17+$0x0], $0xffff  }
0x43c: {  	v28 =	vadd.s32 s9, v0;
	s26 =	simm.s32 $0xE;
	v27 =	vadd.s32 s0, v8;
	v9 =	vld.idx.msk [tilespmem:v13+s17+$0x0], $0xffff  }
0x43d: {  	s28 =	simm.s32 $0xD;
	v18 =	vadd.s32 s12, v0;
	v14 =	vadd.s32 s26, v8;
	v10 =	vld.idx.msk [tilespmem:v15+s17+$0x0], $0xffff  }
0x43e: {  	s1 =	simm.s32 $0xC;
	v15 =	vadd.s32 s28, v8;
	v11 =	vld.idx.msk [tilespmem:v19+s17+$0x0], $0xffff;
	v19 =	vadd.s32 s14, v0;
	[tilespmem:v17+s21+$0x0] =	vst.idx.msk $0xffff, v16  }
0x43f: {  	s29 =	simm.s32 $0xB;
	v12 =	vld.idx.msk [tilespmem:v20+s17+$0x0], $0xffff;
	v20 =	vadd.s32 s16, v0;
	v17 =	vadd.s32 s1, v8;
	[tilespmem:v23+s21+$0x0] =	vst.idx.msk $0xffff, v21  }
0x440: {  	s8 =	simm.s32 $0xA;
	v13 =	vld.idx.msk [tilespmem:v24+s17+$0x0], $0xffff;
	v21 =	vadd.s32 s29, v8;
	v23 =	vadd.s32 s20, v0;
	[tilespmem:v26+s21+$0x0] =	vst.idx.msk $0xffff, v22  }
0x441: {  	s9 =	simm.s32 $0x9;
	s12 =	simm.s32 $0x10;
	v24 =	vadd.s32 s8, v8;
	v22 =	vadd.s32 s30, v0;
	v16 =	vld.idx.msk [tilespmem:v27+s17+$0x0], $0xffff;
	[tilespmem:v28+s21+$0x0] =	vst.idx.msk $0xffff, v25  }
.LBB2_47:
0x442: {  	p1 =	slt.u32 s12, $0x38;
	v25 =	vadd.s32 s9, v8;
	v26 =	vld.idx.msk [tilespmem:v14+s17+$0x0], $0xffff;
	v27 =	vadd.s32 s0, v0;
	[tilespmem:v18+s21+$0x0] =	vst.idx.msk $0xffff, v9  }
0x443: {  	v28 =	vadd.s32 s12, v8;
	s0 =	sadd.s32 $0x7, s12;
	v30 =	vadd.s32 s26, v0;
	v29 =	vld.idx.msk [tilespmem:v15+s17+$0x0], $0xffff;
	[tilespmem:v19+s21+$0x0] =	vst.idx.msk $0xffff, v10  }
0x444: {  	s26 =	sadd.s32 $0x6, s12;
	v32 =	vadd.s32 s28, v0;
	v31 =	vadd.s32 s0, v8;
	v9 =	vld.idx.msk [tilespmem:v17+s17+$0x0], $0xffff;
	[tilespmem:v20+s21+$0x0] =	vst.idx.msk $0xffff, v11  }
.Ltmp24:
0x445: {  	s28 =	sadd.s32 $0x5, s12;
	v18 =	vadd.s32 s1, v0;
	v14 =	vadd.s32 s26, v8;
	v10 =	vld.idx.msk [tilespmem:v21+s17+$0x0], $0xffff;
	[tilespmem:v23+s21+$0x0] =	vst.idx.msk $0xffff, v12;
	(pc) =	sbr.rel @p1 .LBB2_47-.Ltmp24, $4  }
0x446: {  	s1 =	sadd.s32 $0x4, s12;
	v15 =	vadd.s32 s28, v8;
	v19 =	vadd.s32 s29, v0;
	[tilespmem:v22+s21+$0x0] =	vst.idx.msk $0xffff, v13;
	v11 =	vld.idx.msk [tilespmem:v24+s17+$0x0], $0xffff  }
0x447: {  	s29 =	sadd.s32 $0x3, s12;
	v17 =	vadd.s32 s1, v8;
	v20 =	vadd.s32 s8, v0;
	v12 =	vld.idx.msk [tilespmem:v25+s17+$0x0], $0xffff;
	[tilespmem:v27+s21+$0x0] =	vst.idx.msk $0xffff, v16  }
0x448: {  	s8 =	sadd.s32 $0x2, s12;
	v21 =	vadd.s32 s29, v8;
	v23 =	vadd.s32 s9, v0;
	v13 =	vld.idx.msk [tilespmem:v28+s17+$0x0], $0xffff;
	[tilespmem:v30+s21+$0x0] =	vst.idx.msk $0xffff, v26  }
0x449: {  	s9 =	sadd.s32 $0x1, s12;
	v22 =	vadd.s32 s12, v0;
	v24 =	vadd.s32 s8, v8;
	s12 =	sadd.s32 $0x8, s12;
	v16 =	vld.idx.msk [tilespmem:v31+s17+$0x0], $0xffff;
	[tilespmem:v32+s21+$0x0] =	vst.idx.msk $0xffff, v29  }
0x44a: {  	_ =	sdelay $0x3  }
0x44b: {  	v25 =	vadd.s32 s0, v0;
	[tilespmem:v18+s21+$0x0] =	vst.idx.msk $0xffff, v9  }
0x44c: {  	v8 =	vadd.s32 s9, v8;
	v9 =	vld.idx.msk [tilespmem:v14+s17+$0x0], $0xffff;
	v14 =	vadd.s32 s26, v0;
	[tilespmem:v19+s21+$0x0] =	vst.idx.msk $0xffff, v10  }
0x44d: {  	v10 =	vld.idx.msk [tilespmem:v15+s17+$0x0], $0xffff;
	v15 =	vadd.s32 s28, v0;
	[tilespmem:v20+s21+$0x0] =	vst.idx.msk $0xffff, v11  }
0x44e: {  	v18 =	vld.idx.msk [tilespmem:v24+s17+$0x0], $0xffff;
	v19 =	vadd.s32 s8, v0;
	[tilespmem:v23+s21+$0x0] =	vst.idx.msk $0xffff, v12  }
0x44f: {  	v11 =	vld.idx.msk [tilespmem:v17+s17+$0x0], $0xffff;
	v17 =	vadd.s32 s1, v0;
	[tilespmem:v22+s21+$0x0] =	vst.idx.msk $0xffff, v13  }
0x450: {  	v12 =	vld.idx.msk [tilespmem:v21+s17+$0x0], $0xffff;
	v13 =	vadd.s32 s29, v0;
	[tilespmem:v25+s21+$0x0] =	vst.idx.msk $0xffff, v16  }
0x451: {  	v8 =	vld.idx.msk [tilespmem:v8+s17+$0x0], $0xffff;
	v16 =	vadd.s32 s9, v0;
	[tilespmem:v14+s21+$0x0] =	vst.idx.msk $0xffff, v9  }
0x452: {  	[tilespmem:v15+s21+$0x0] =	vst.idx.msk $0xffff, v10  }
0x453: {  	[tilespmem:v19+s21+$0x0] =	vst.idx.msk $0xffff, v18  }
0x454: {  	[tilespmem:v17+s21+$0x0] =	vst.idx.msk $0xffff, v11  }
0x455: {  	[tilespmem:v13+s21+$0x0] =	vst.idx.msk $0xffff, v12  }
0x456: {  	[tilespmem:v16+s21+$0x0] =	vst.idx.msk $0xffff, v8  }
0x457: {  	v8 =	vld [tilespmem:s25+$0x70];
	_ =	sdelay $0x4  }
0x458: {  	v8 =	vshll.u32 v8, $0x6  }
0x459: {  	v8 =	vand.u32 $0x40, v8  }
0x45a: {  	s8 =	simm.s32 $0x0;
	v8 =	vor.u32 v7, v8  }
0x45b: {  	s9 =	simm.s32 $0x7;
	v9 =	vadd.s32 s8, v8  }
0x45c: {  	s25 =	simm.s32 $0x6;
	v10 =	vadd.s32 s9, v8  }
0x45d: {  	s26 =	simm.s32 $0x5;
	v11 =	vadd.s32 s25, v8  }
0x45e: {  	s12 =	simm.s32 $0x4;
	v12 =	vadd.s32 s26, v8  }
0x45f: {  	s14 =	simm.s32 $0x3;
	v13 =	vadd.s32 s12, v8  }
0x460: {  	s16 =	simm.s32 $0x2;
	v15 =	vadd.s32 s14, v8;
	v16 =	vld.idx.msk [tilespmem:v9+s17+$0x0], $0xffff  }
0x461: {  	s20 =	simm.s32 $0x1;
	v17 =	vadd.s32 s8, v0;
	v19 =	vadd.s32 s16, v8;
	v21 =	vld.idx.msk [tilespmem:v10+s17+$0x0], $0xffff  }
0x462: {  	s30 =	simm.s32 $0x8;
	v23 =	vadd.s32 s9, v0;
	v20 =	vadd.s32 s20, v8;
	v22 =	vld.idx.msk [tilespmem:v11+s17+$0x0], $0xffff  }
0x463: {  	s0 =	simm.s32 $0xF;
	v26 =	vadd.s32 s25, v0;
	v24 =	vadd.s32 s30, v8;
	v25 =	vld.idx.msk [tilespmem:v12+s17+$0x0], $0xffff  }
0x464: {  	v28 =	vadd.s32 s26, v0;
	s25 =	simm.s32 $0xE;
	v27 =	vadd.s32 s0, v8;
	v9 =	vld.idx.msk [tilespmem:v13+s17+$0x0], $0xffff  }
0x465: {  	v18 =	vadd.s32 s12, v0;
	s26 =	simm.s32 $0xD;
	v14 =	vadd.s32 s25, v8;
	v10 =	vld.idx.msk [tilespmem:v15+s17+$0x0], $0xffff  }
0x466: {  	s1 =	simm.s32 $0xC;
	v15 =	vadd.s32 s26, v8;
	v11 =	vld.idx.msk [tilespmem:v19+s17+$0x0], $0xffff;
	v19 =	vadd.s32 s14, v0;
	[tilespmem:v17+s21+$0x0] =	vst.idx.msk $0xffff, v16  }
0x467: {  	s28 =	simm.s32 $0xB;
	v12 =	vld.idx.msk [tilespmem:v20+s17+$0x0], $0xffff;
	v20 =	vadd.s32 s16, v0;
	v17 =	vadd.s32 s1, v8;
	[tilespmem:v23+s21+$0x0] =	vst.idx.msk $0xffff, v21  }
0x468: {  	s8 =	simm.s32 $0xA;
	v13 =	vld.idx.msk [tilespmem:v24+s17+$0x0], $0xffff;
	v21 =	vadd.s32 s28, v8;
	v23 =	vadd.s32 s20, v0;
	[tilespmem:v26+s21+$0x0] =	vst.idx.msk $0xffff, v22  }
0x469: {  	s9 =	simm.s32 $0x9;
	s12 =	simm.s32 $0x10;
	v24 =	vadd.s32 s8, v8;
	v22 =	vadd.s32 s30, v0;
	v16 =	vld.idx.msk [tilespmem:v27+s17+$0x0], $0xffff;
	[tilespmem:v28+s21+$0x0] =	vst.idx.msk $0xffff, v25  }
.LBB2_49:
0x46a: {  	p1 =	slt.u32 s12, $0x38;
	v25 =	vadd.s32 s9, v8;
	v26 =	vld.idx.msk [tilespmem:v14+s17+$0x0], $0xffff;
	v27 =	vadd.s32 s0, v0;
	[tilespmem:v18+s21+$0x0] =	vst.idx.msk $0xffff, v9  }
0x46b: {  	v28 =	vadd.s32 s12, v8;
	s0 =	sadd.s32 $0x7, s12;
	v30 =	vadd.s32 s25, v0;
	v29 =	vld.idx.msk [tilespmem:v15+s17+$0x0], $0xffff;
	[tilespmem:v19+s21+$0x0] =	vst.idx.msk $0xffff, v10  }
0x46c: {  	s25 =	sadd.s32 $0x6, s12;
	v32 =	vadd.s32 s26, v0;
	v31 =	vadd.s32 s0, v8;
	v9 =	vld.idx.msk [tilespmem:v17+s17+$0x0], $0xffff;
	[tilespmem:v20+s21+$0x0] =	vst.idx.msk $0xffff, v11  }
.Ltmp25:
0x46d: {  	s26 =	sadd.s32 $0x5, s12;
	v18 =	vadd.s32 s1, v0;
	v14 =	vadd.s32 s25, v8;
	v10 =	vld.idx.msk [tilespmem:v21+s17+$0x0], $0xffff;
	[tilespmem:v23+s21+$0x0] =	vst.idx.msk $0xffff, v12;
	(pc) =	sbr.rel @p1 .LBB2_49-.Ltmp25, $4  }
0x46e: {  	s1 =	sadd.s32 $0x4, s12;
	v15 =	vadd.s32 s26, v8;
	v19 =	vadd.s32 s28, v0;
	[tilespmem:v22+s21+$0x0] =	vst.idx.msk $0xffff, v13;
	v11 =	vld.idx.msk [tilespmem:v24+s17+$0x0], $0xffff  }
0x46f: {  	s28 =	sadd.s32 $0x3, s12;
	v17 =	vadd.s32 s1, v8;
	v20 =	vadd.s32 s8, v0;
	v12 =	vld.idx.msk [tilespmem:v25+s17+$0x0], $0xffff;
	[tilespmem:v27+s21+$0x0] =	vst.idx.msk $0xffff, v16  }
0x470: {  	s8 =	sadd.s32 $0x2, s12;
	v21 =	vadd.s32 s28, v8;
	v23 =	vadd.s32 s9, v0;
	v13 =	vld.idx.msk [tilespmem:v28+s17+$0x0], $0xffff;
	[tilespmem:v30+s21+$0x0] =	vst.idx.msk $0xffff, v26  }
0x471: {  	s9 =	sadd.s32 $0x1, s12;
	v22 =	vadd.s32 s12, v0;
	v24 =	vadd.s32 s8, v8;
	s12 =	sadd.s32 $0x8, s12;
	v16 =	vld.idx.msk [tilespmem:v31+s17+$0x0], $0xffff;
	[tilespmem:v32+s21+$0x0] =	vst.idx.msk $0xffff, v29  }
0x472: {  	_ =	sdelay $0x3  }
0x473: {  	v25 =	vadd.s32 s0, v0;
	[tilespmem:v18+s21+$0x0] =	vst.idx.msk $0xffff, v9  }
0x474: {  	v8 =	vadd.s32 s9, v8;
	v9 =	vld.idx.msk [tilespmem:v14+s17+$0x0], $0xffff;
	v14 =	vadd.s32 s25, v0;
	[tilespmem:v19+s21+$0x0] =	vst.idx.msk $0xffff, v10  }
0x475: {  	v10 =	vld.idx.msk [tilespmem:v15+s17+$0x0], $0xffff;
	v15 =	vadd.s32 s26, v0;
	[tilespmem:v20+s21+$0x0] =	vst.idx.msk $0xffff, v11  }
0x476: {  	v18 =	vld.idx.msk [tilespmem:v24+s17+$0x0], $0xffff;
	v19 =	vadd.s32 s8, v0;
	[tilespmem:v23+s21+$0x0] =	vst.idx.msk $0xffff, v12  }
0x477: {  	v11 =	vld.idx.msk [tilespmem:v17+s17+$0x0], $0xffff;
	v17 =	vadd.s32 s1, v0;
	[tilespmem:v22+s21+$0x0] =	vst.idx.msk $0xffff, v13  }
0x478: {  	v12 =	vld.idx.msk [tilespmem:v21+s17+$0x0], $0xffff;
	v13 =	vadd.s32 s28, v0;
	[tilespmem:v25+s21+$0x0] =	vst.idx.msk $0xffff, v16  }
0x479: {  	v8 =	vld.idx.msk [tilespmem:v8+s17+$0x0], $0xffff;
	v16 =	vadd.s32 s9, v0;
	[tilespmem:v14+s21+$0x0] =	vst.idx.msk $0xffff, v9  }
0x47a: {  	[tilespmem:v15+s21+$0x0] =	vst.idx.msk $0xffff, v10  }
0x47b: {  	s8 =	sshll.u32 s24, $0x12;
	[tilespmem:v19+s21+$0x0] =	vst.idx.msk $0xffff, v18  }
0x47c: {  	s0 =	sor.u32 s4, s8;
	[tilespmem:v17+s21+$0x0] =	vst.idx.msk $0xffff, v11  }
0x47d: {  	s0 =	sshrl.u32 s0, $0x3;
	[tilespmem:v13+s21+$0x0] =	vst.idx.msk $0xffff, v12  }
0x47e: {  	s0 =	sadd.s32 s2, s0;
	[tilespmem:v16+s21+$0x0] =	vst.idx.msk $0xffff, v8  }
0x47f: {  	[hbm4b:s0+s3] =	stream.linear.scatter [tilespmem:s21], [sflag:$0x5], $0x400, $0x38;
	[tilespmem:$0x1E600] =	vst v63  }
0x480: {  	s12 =	simm.s32 $0x16E00;
	s9 =	sadd.s32 $0x1000, s0  }
0x481: {  	[hbm4b:s9+s3] =	stream.linear.scatter [tilespmem:s12], [sflag:$0x5], $0x400, $0x38;
	[tilespmem:$0x1E600] =	vst v63  }
0x482: {  	s16 =	simm.s32 $0x17600;
	s14 =	sadd.s32 $0x2000, s0  }
0x483: {  	[hbm4b:s14+s3] =	stream.linear.scatter [tilespmem:s16], [sflag:$0x5], $0x400, $0x38;
	[tilespmem:$0x1E600] =	vst v63  }
0x484: {  	s24 =	simm.s32 $0x17E00;
	s20 =	sadd.s32 $0x3000, s0  }
0x485: {  	[hbm4b:s20+s3] =	stream.linear.scatter [tilespmem:s24], [sflag:$0x5], $0x400, $0x38;
	[tilespmem:$0x1E600] =	vst v63  }
0x486: {  	s26 =	simm.s32 $0x18600;
	s25 =	sadd.s32 $0x4000, s0  }
0x487: {  	[hbm4b:s25+s3] =	stream.linear.scatter [tilespmem:s26], [sflag:$0x5], $0x400, $0x38;
	[tilespmem:$0x1E600] =	vst v63  }
0x488: {  	s30 =	simm.s32 $0x18E00;
	s29 =	sadd.s32 $0x5000, s0  }
0x489: {  	[hbm4b:s29+s3] =	stream.linear.scatter [tilespmem:s30], [sflag:$0x5], $0x400, $0x38;
	[tilespmem:$0x1E600] =	vst v63  }
0x48a: {  	s9 =	sadd.s32 $0x6000, s0;
	s12 =	simm.s32 $0x19600  }
0x48b: {  	[hbm4b:s9+s3] =	stream.linear.scatter [tilespmem:s12], [sflag:$0x5], $0x400, $0x38;
	[tilespmem:$0x1E600] =	vst v63  }
0x48c: {  	s0 =	sadd.s32 $0x7000, s0;
	s14 =	simm.s32 $0x19E00  }
0x48d: {  	[hbm4b:s0+s3] =	stream.linear.scatter [tilespmem:s14], [sflag:$0x5], $0x400, $0x38;
	[tilespmem:$0x1E600] =	vst v63  }
0x48e: {  	v8 =	vld @!p0 [tilespmem:s22+$0x300];
	_ =	sdelay $0x4  }
0x48f: {  	v8 =	vshrl.u32 @!p0 v8, $0x1  }
0x490: {  	[tilespmem:$0x6500] =	vst @!p0 v8  }
0x491: {  	v8 =	vld @!p0 [tilespmem:s22+$0x310];
	_ =	sdelay $0x4  }
0x492: {  	v8 =	vshrl.u32 @!p0 v8, $0x1  }
0x493: {  	[tilespmem:$0x6510] =	vst @!p0 v8  }
0x494: {  	v8 =	vld @!p0 [tilespmem:s22+$0x320];
	_ =	sdelay $0x4  }
0x495: {  	v8 =	vshrl.u32 @!p0 v8, $0x1  }
0x496: {  	[tilespmem:$0x6520] =	vst @!p0 v8  }
0x497: {  	v8 =	vld @!p0 [tilespmem:s22+$0x330];
	_ =	sdelay $0x4  }
0x498: {  	v8 =	vshrl.u32 @!p0 v8, $0x1  }
0x499: {  	[tilespmem:$0x6530] =	vst @!p0 v8  }
0x49a: {  	v8 =	vld @!p0 [tilespmem:s22+$0x340];
	_ =	sdelay $0x4  }
0x49b: {  	v8 =	vshrl.u32 @!p0 v8, $0x1  }
0x49c: {  	[tilespmem:$0x6540] =	vst @!p0 v8  }
0x49d: {  	v8 =	vld @!p0 [tilespmem:s22+$0x350];
	_ =	sdelay $0x4  }
0x49e: {  	v8 =	vshrl.u32 @!p0 v8, $0x1  }
0x49f: {  	[tilespmem:$0x6550] =	vst @!p0 v8  }
0x4a0: {  	v8 =	vld @!p0 [tilespmem:s22+$0x360];
	_ =	sdelay $0x4  }
0x4a1: {  	v8 =	vshrl.u32 @!p0 v8, $0x1  }
0x4a2: {  	[tilespmem:$0x6560] =	vst @!p0 v8  }
0x4a3: {  	v8 =	vld @!p0 [tilespmem:s22+$0x370];
	_ =	sdelay $0x4  }
0x4a4: {  	v8 =	vshrl.u32 @!p0 v8, $0x1  }
0x4a5: {  	s1 =	simm.s32 @!p0 $0x6500;
	s8 =	simm.s32 @!p0 $0xE600;
	s0 =	simm.s32 @!p0 $0x80;
	[tilespmem:$0x6570] =	vst @!p0 v8  }
0x4a6: {  	[tilespmem:s8], [sflag:$0x3] =	stream.indirect.gather @!p0 [hbm4b:s5+s0], $0x80, s1, s0, $0xb8;
	[tilespmem:$0x1E600] =	vst v63  }
0x4a7: {  	_ =	swait.ge [sflag:s10], $0x4000  }
0x4a8: {  	[sflag:s10] =	ssyncset.done $0x0  }
0x4a9: {  	[sflag:s10] =	ssyncadd.s32 $0xFFFFC000  }
0x4aa: {  	s23 =	sor.u32 $0x3, s23;
	_ =	swait.ge [sflag:s18], $0x2000  }
0x4ab: {  	s16 =	sshll.u32 s23, $0x7;
	[sflag:s18] =	ssyncset.done $0x0  }
0x4ac: {  	s24 =	sand.u32 $0x3FFFFF80, s16;
	[sflag:s18] =	ssyncadd.s32 $0xFFFFE000  }
0x4ad: {  	v8 =	vld [tilespmem:s24+$0x0];
	_ =	sdelay $0x4  }
0x4ae: {  	v8 =	vshll.u32 v8, $0x6  }
0x4af: {  	v8 =	vand.u32 $0x40, v8  }
0x4b0: {  	s20 =	simm.s32 $0x0;
	v8 =	vor.u32 v0, v8  }
0x4b1: {  	s25 =	simm.s32 $0x7;
	v9 =	vadd.s32 s20, v8  }
0x4b2: {  	s26 =	simm.s32 $0x6;
	v10 =	vadd.s32 s25, v8  }
0x4b3: {  	s30 =	simm.s32 $0x5;
	v11 =	vadd.s32 s26, v8  }
0x4b4: {  	s12 =	simm.s32 $0x4;
	v12 =	vadd.s32 s30, v8  }
0x4b5: {  	s14 =	simm.s32 $0x3;
	v13 =	vadd.s32 s12, v8  }
0x4b6: {  	s16 =	simm.s32 $0x2;
	v15 =	vadd.s32 s14, v8;
	v16 =	vld.idx.msk [tilespmem:v9+s19+$0x0], $0xffff  }
0x4b7: {  	v17 =	vadd.s32 s20, v0;
	s20 =	simm.s32 $0x1;
	v19 =	vadd.s32 s16, v8;
	v21 =	vld.idx.msk [tilespmem:v10+s19+$0x0], $0xffff  }
0x4b8: {  	v23 =	vadd.s32 s25, v0;
	s29 =	simm.s32 $0x8;
	v20 =	vadd.s32 s20, v8;
	v22 =	vld.idx.msk [tilespmem:v11+s19+$0x0], $0xffff  }
0x4b9: {  	v26 =	vadd.s32 s26, v0;
	s0 =	simm.s32 $0xF;
	v24 =	vadd.s32 s29, v8;
	v25 =	vld.idx.msk [tilespmem:v12+s19+$0x0], $0xffff  }
0x4ba: {  	v28 =	vadd.s32 s30, v0;
	s25 =	simm.s32 $0xE;
	v27 =	vadd.s32 s0, v8;
	v9 =	vld.idx.msk [tilespmem:v13+s19+$0x0], $0xffff  }
0x4bb: {  	v18 =	vadd.s32 s12, v0;
	s26 =	simm.s32 $0xD;
	v14 =	vadd.s32 s25, v8;
	v10 =	vld.idx.msk [tilespmem:v15+s19+$0x0], $0xffff  }
0x4bc: {  	s1 =	simm.s32 $0xC;
	v15 =	vadd.s32 s26, v8;
	v11 =	vld.idx.msk [tilespmem:v19+s19+$0x0], $0xffff;
	v19 =	vadd.s32 s14, v0;
	[tilespmem:v17+s31+$0x0] =	vst.idx.msk $0xffff, v16  }
0x4bd: {  	s28 =	simm.s32 $0xB;
	v12 =	vld.idx.msk [tilespmem:v20+s19+$0x0], $0xffff;
	v20 =	vadd.s32 s16, v0;
	v17 =	vadd.s32 s1, v8;
	[tilespmem:v23+s31+$0x0] =	vst.idx.msk $0xffff, v21  }
0x4be: {  	s8 =	simm.s32 $0xA;
	v13 =	vld.idx.msk [tilespmem:v24+s19+$0x0], $0xffff;
	v21 =	vadd.s32 s28, v8;
	v23 =	vadd.s32 s20, v0;
	[tilespmem:v26+s31+$0x0] =	vst.idx.msk $0xffff, v22  }
0x4bf: {  	s9 =	simm.s32 $0x9;
	s12 =	simm.s32 $0x10;
	v24 =	vadd.s32 s8, v8;
	v22 =	vadd.s32 s29, v0;
	v16 =	vld.idx.msk [tilespmem:v27+s19+$0x0], $0xffff;
	[tilespmem:v28+s31+$0x0] =	vst.idx.msk $0xffff, v25  }
.LBB2_51:
0x4c0: {  	p1 =	slt.u32 s12, $0x38;
	v25 =	vadd.s32 s9, v8;
	v26 =	vld.idx.msk [tilespmem:v14+s19+$0x0], $0xffff;
	v27 =	vadd.s32 s0, v0;
	[tilespmem:v18+s31+$0x0] =	vst.idx.msk $0xffff, v9  }
0x4c1: {  	v28 =	vadd.s32 s12, v8;
	s0 =	sadd.s32 $0x7, s12;
	v30 =	vadd.s32 s25, v0;
	v29 =	vld.idx.msk [tilespmem:v15+s19+$0x0], $0xffff;
	[tilespmem:v19+s31+$0x0] =	vst.idx.msk $0xffff, v10  }
0x4c2: {  	s25 =	sadd.s32 $0x6, s12;
	v32 =	vadd.s32 s26, v0;
	v31 =	vadd.s32 s0, v8;
	v9 =	vld.idx.msk [tilespmem:v17+s19+$0x0], $0xffff;
	[tilespmem:v20+s31+$0x0] =	vst.idx.msk $0xffff, v11  }
.Ltmp26:
0x4c3: {  	s26 =	sadd.s32 $0x5, s12;
	v18 =	vadd.s32 s1, v0;
	v14 =	vadd.s32 s25, v8;
	v10 =	vld.idx.msk [tilespmem:v21+s19+$0x0], $0xffff;
	[tilespmem:v23+s31+$0x0] =	vst.idx.msk $0xffff, v12;
	(pc) =	sbr.rel @p1 .LBB2_51-.Ltmp26, $4  }
0x4c4: {  	s1 =	sadd.s32 $0x4, s12;
	v15 =	vadd.s32 s26, v8;
	v19 =	vadd.s32 s28, v0;
	[tilespmem:v22+s31+$0x0] =	vst.idx.msk $0xffff, v13;
	v11 =	vld.idx.msk [tilespmem:v24+s19+$0x0], $0xffff  }
0x4c5: {  	s28 =	sadd.s32 $0x3, s12;
	v17 =	vadd.s32 s1, v8;
	v20 =	vadd.s32 s8, v0;
	v12 =	vld.idx.msk [tilespmem:v25+s19+$0x0], $0xffff;
	[tilespmem:v27+s31+$0x0] =	vst.idx.msk $0xffff, v16  }
0x4c6: {  	s8 =	sadd.s32 $0x2, s12;
	v21 =	vadd.s32 s28, v8;
	v23 =	vadd.s32 s9, v0;
	v13 =	vld.idx.msk [tilespmem:v28+s19+$0x0], $0xffff;
	[tilespmem:v30+s31+$0x0] =	vst.idx.msk $0xffff, v26  }
0x4c7: {  	s9 =	sadd.s32 $0x1, s12;
	v22 =	vadd.s32 s12, v0;
	v24 =	vadd.s32 s8, v8;
	s12 =	sadd.s32 $0x8, s12;
	v16 =	vld.idx.msk [tilespmem:v31+s19+$0x0], $0xffff;
	[tilespmem:v32+s31+$0x0] =	vst.idx.msk $0xffff, v29  }
0x4c8: {  	_ =	sdelay $0x3  }
0x4c9: {  	v25 =	vadd.s32 s0, v0;
	[tilespmem:v18+s31+$0x0] =	vst.idx.msk $0xffff, v9  }
0x4ca: {  	v8 =	vadd.s32 s9, v8;
	v9 =	vld.idx.msk [tilespmem:v14+s19+$0x0], $0xffff;
	v14 =	vadd.s32 s25, v0;
	[tilespmem:v19+s31+$0x0] =	vst.idx.msk $0xffff, v10  }
0x4cb: {  	v10 =	vld.idx.msk [tilespmem:v15+s19+$0x0], $0xffff;
	v15 =	vadd.s32 s26, v0;
	[tilespmem:v20+s31+$0x0] =	vst.idx.msk $0xffff, v11  }
0x4cc: {  	v18 =	vld.idx.msk [tilespmem:v24+s19+$0x0], $0xffff;
	v19 =	vadd.s32 s8, v0;
	[tilespmem:v23+s31+$0x0] =	vst.idx.msk $0xffff, v12  }
0x4cd: {  	v11 =	vld.idx.msk [tilespmem:v17+s19+$0x0], $0xffff;
	v17 =	vadd.s32 s1, v0;
	[tilespmem:v22+s31+$0x0] =	vst.idx.msk $0xffff, v13  }
0x4ce: {  	v12 =	vld.idx.msk [tilespmem:v21+s19+$0x0], $0xffff;
	v13 =	vadd.s32 s28, v0;
	[tilespmem:v25+s31+$0x0] =	vst.idx.msk $0xffff, v16  }
0x4cf: {  	v8 =	vld.idx.msk [tilespmem:v8+s19+$0x0], $0xffff;
	v16 =	vadd.s32 s9, v0;
	[tilespmem:v14+s31+$0x0] =	vst.idx.msk $0xffff, v9  }
0x4d0: {  	[tilespmem:v15+s31+$0x0] =	vst.idx.msk $0xffff, v10  }
0x4d1: {  	[tilespmem:v19+s31+$0x0] =	vst.idx.msk $0xffff, v18  }
0x4d2: {  	[tilespmem:v17+s31+$0x0] =	vst.idx.msk $0xffff, v11  }
0x4d3: {  	[tilespmem:v13+s31+$0x0] =	vst.idx.msk $0xffff, v12  }
0x4d4: {  	[tilespmem:v16+s31+$0x0] =	vst.idx.msk $0xffff, v8  }
0x4d5: {  	v8 =	vld [tilespmem:s24+$0x10];
	_ =	sdelay $0x4  }
0x4d6: {  	v8 =	vshll.u32 v8, $0x6  }
0x4d7: {  	v8 =	vand.u32 $0x40, v8  }
0x4d8: {  	s20 =	simm.s32 $0x0;
	v8 =	vor.u32 v1, v8  }
0x4d9: {  	s25 =	simm.s32 $0x7;
	v9 =	vadd.s32 s20, v8  }
0x4da: {  	s26 =	simm.s32 $0x6;
	v10 =	vadd.s32 s25, v8  }
0x4db: {  	s30 =	simm.s32 $0x5;
	v11 =	vadd.s32 s26, v8  }
0x4dc: {  	s12 =	simm.s32 $0x4;
	v12 =	vadd.s32 s30, v8  }
0x4dd: {  	s14 =	simm.s32 $0x3;
	v13 =	vadd.s32 s12, v8  }
0x4de: {  	s16 =	simm.s32 $0x2;
	v15 =	vadd.s32 s14, v8;
	v16 =	vld.idx.msk [tilespmem:v9+s19+$0x0], $0xffff  }
0x4df: {  	v17 =	vadd.s32 s20, v0;
	s20 =	simm.s32 $0x1;
	v19 =	vadd.s32 s16, v8;
	v21 =	vld.idx.msk [tilespmem:v10+s19+$0x0], $0xffff  }
0x4e0: {  	s29 =	simm.s32 $0x8;
	v23 =	vadd.s32 s25, v0;
	v20 =	vadd.s32 s20, v8;
	v22 =	vld.idx.msk [tilespmem:v11+s19+$0x0], $0xffff  }
0x4e1: {  	s0 =	simm.s32 $0xF;
	v26 =	vadd.s32 s26, v0;
	v24 =	vadd.s32 s29, v8;
	v25 =	vld.idx.msk [tilespmem:v12+s19+$0x0], $0xffff  }
0x4e2: {  	v28 =	vadd.s32 s30, v0;
	s25 =	simm.s32 $0xE;
	v27 =	vadd.s32 s0, v8;
	v9 =	vld.idx.msk [tilespmem:v13+s19+$0x0], $0xffff  }
0x4e3: {  	v18 =	vadd.s32 s12, v0;
	s26 =	simm.s32 $0xD;
	v14 =	vadd.s32 s25, v8;
	v10 =	vld.idx.msk [tilespmem:v15+s19+$0x0], $0xffff  }
0x4e4: {  	s1 =	simm.s32 $0xC;
	v15 =	vadd.s32 s26, v8;
	v11 =	vld.idx.msk [tilespmem:v19+s19+$0x0], $0xffff;
	v19 =	vadd.s32 s14, v0;
	[tilespmem:v17+s31+$0x0] =	vst.idx.msk $0xffff, v16  }
0x4e5: {  	s28 =	simm.s32 $0xB;
	v12 =	vld.idx.msk [tilespmem:v20+s19+$0x0], $0xffff;
	v20 =	vadd.s32 s16, v0;
	v17 =	vadd.s32 s1, v8;
	[tilespmem:v23+s31+$0x0] =	vst.idx.msk $0xffff, v21  }
0x4e6: {  	s8 =	simm.s32 $0xA;
	v13 =	vld.idx.msk [tilespmem:v24+s19+$0x0], $0xffff;
	v21 =	vadd.s32 s28, v8;
	v23 =	vadd.s32 s20, v0;
	[tilespmem:v26+s31+$0x0] =	vst.idx.msk $0xffff, v22  }
0x4e7: {  	s9 =	simm.s32 $0x9;
	s12 =	simm.s32 $0x10;
	v24 =	vadd.s32 s8, v8;
	v22 =	vadd.s32 s29, v0;
	v16 =	vld.idx.msk [tilespmem:v27+s19+$0x0], $0xffff;
	[tilespmem:v28+s31+$0x0] =	vst.idx.msk $0xffff, v25  }
.LBB2_53:
0x4e8: {  	p1 =	slt.u32 s12, $0x38;
	v25 =	vadd.s32 s9, v8;
	v26 =	vld.idx.msk [tilespmem:v14+s19+$0x0], $0xffff;
	v27 =	vadd.s32 s0, v0;
	[tilespmem:v18+s31+$0x0] =	vst.idx.msk $0xffff, v9  }
0x4e9: {  	v28 =	vadd.s32 s12, v8;
	s0 =	sadd.s32 $0x7, s12;
	v30 =	vadd.s32 s25, v0;
	v29 =	vld.idx.msk [tilespmem:v15+s19+$0x0], $0xffff;
	[tilespmem:v19+s31+$0x0] =	vst.idx.msk $0xffff, v10  }
0x4ea: {  	s25 =	sadd.s32 $0x6, s12;
	v32 =	vadd.s32 s26, v0;
	v31 =	vadd.s32 s0, v8;
	v9 =	vld.idx.msk [tilespmem:v17+s19+$0x0], $0xffff;
	[tilespmem:v20+s31+$0x0] =	vst.idx.msk $0xffff, v11  }
.Ltmp27:
0x4eb: {  	s26 =	sadd.s32 $0x5, s12;
	v18 =	vadd.s32 s1, v0;
	v14 =	vadd.s32 s25, v8;
	v10 =	vld.idx.msk [tilespmem:v21+s19+$0x0], $0xffff;
	[tilespmem:v23+s31+$0x0] =	vst.idx.msk $0xffff, v12;
	(pc) =	sbr.rel @p1 .LBB2_53-.Ltmp27, $4  }
0x4ec: {  	s1 =	sadd.s32 $0x4, s12;
	v15 =	vadd.s32 s26, v8;
	v19 =	vadd.s32 s28, v0;
	[tilespmem:v22+s31+$0x0] =	vst.idx.msk $0xffff, v13;
	v11 =	vld.idx.msk [tilespmem:v24+s19+$0x0], $0xffff  }
0x4ed: {  	s28 =	sadd.s32 $0x3, s12;
	v17 =	vadd.s32 s1, v8;
	v20 =	vadd.s32 s8, v0;
	v12 =	vld.idx.msk [tilespmem:v25+s19+$0x0], $0xffff;
	[tilespmem:v27+s31+$0x0] =	vst.idx.msk $0xffff, v16  }
0x4ee: {  	s8 =	sadd.s32 $0x2, s12;
	v21 =	vadd.s32 s28, v8;
	v23 =	vadd.s32 s9, v0;
	v13 =	vld.idx.msk [tilespmem:v28+s19+$0x0], $0xffff;
	[tilespmem:v30+s31+$0x0] =	vst.idx.msk $0xffff, v26  }
0x4ef: {  	s9 =	sadd.s32 $0x1, s12;
	v22 =	vadd.s32 s12, v0;
	v24 =	vadd.s32 s8, v8;
	s12 =	sadd.s32 $0x8, s12;
	v16 =	vld.idx.msk [tilespmem:v31+s19+$0x0], $0xffff;
	[tilespmem:v32+s31+$0x0] =	vst.idx.msk $0xffff, v29  }
0x4f0: {  	_ =	sdelay $0x3  }
0x4f1: {  	v25 =	vadd.s32 s0, v0;
	[tilespmem:v18+s31+$0x0] =	vst.idx.msk $0xffff, v9  }
0x4f2: {  	v8 =	vadd.s32 s9, v8;
	v9 =	vld.idx.msk [tilespmem:v14+s19+$0x0], $0xffff;
	v14 =	vadd.s32 s25, v0;
	[tilespmem:v19+s31+$0x0] =	vst.idx.msk $0xffff, v10  }
0x4f3: {  	v10 =	vld.idx.msk [tilespmem:v15+s19+$0x0], $0xffff;
	v15 =	vadd.s32 s26, v0;
	[tilespmem:v20+s31+$0x0] =	vst.idx.msk $0xffff, v11  }
0x4f4: {  	v18 =	vld.idx.msk [tilespmem:v24+s19+$0x0], $0xffff;
	v19 =	vadd.s32 s8, v0;
	[tilespmem:v23+s31+$0x0] =	vst.idx.msk $0xffff, v12  }
0x4f5: {  	v11 =	vld.idx.msk [tilespmem:v17+s19+$0x0], $0xffff;
	v17 =	vadd.s32 s1, v0;
	[tilespmem:v22+s31+$0x0] =	vst.idx.msk $0xffff, v13  }
0x4f6: {  	v12 =	vld.idx.msk [tilespmem:v21+s19+$0x0], $0xffff;
	v13 =	vadd.s32 s28, v0;
	[tilespmem:v25+s31+$0x0] =	vst.idx.msk $0xffff, v16  }
0x4f7: {  	v8 =	vld.idx.msk [tilespmem:v8+s19+$0x0], $0xffff;
	v16 =	vadd.s32 s9, v0;
	[tilespmem:v14+s31+$0x0] =	vst.idx.msk $0xffff, v9  }
0x4f8: {  	[tilespmem:v15+s31+$0x0] =	vst.idx.msk $0xffff, v10  }
0x4f9: {  	[tilespmem:v19+s31+$0x0] =	vst.idx.msk $0xffff, v18  }
0x4fa: {  	[tilespmem:v17+s31+$0x0] =	vst.idx.msk $0xffff, v11  }
0x4fb: {  	[tilespmem:v13+s31+$0x0] =	vst.idx.msk $0xffff, v12  }
0x4fc: {  	[tilespmem:v16+s31+$0x0] =	vst.idx.msk $0xffff, v8  }
0x4fd: {  	v8 =	vld [tilespmem:s24+$0x20];
	_ =	sdelay $0x4  }
0x4fe: {  	v8 =	vshll.u32 v8, $0x6  }
0x4ff: {  	v8 =	vand.u32 $0x40, v8  }
0x500: {  	s20 =	simm.s32 $0x0;
	v8 =	vor.u32 v2, v8  }
0x501: {  	s25 =	simm.s32 $0x7;
	v9 =	vadd.s32 s20, v8  }
0x502: {  	s26 =	simm.s32 $0x6;
	v10 =	vadd.s32 s25, v8  }
0x503: {  	s30 =	simm.s32 $0x5;
	v11 =	vadd.s32 s26, v8  }
0x504: {  	s12 =	simm.s32 $0x4;
	v12 =	vadd.s32 s30, v8  }
0x505: {  	s14 =	simm.s32 $0x3;
	v13 =	vadd.s32 s12, v8  }
0x506: {  	s16 =	simm.s32 $0x2;
	v15 =	vadd.s32 s14, v8;
	v16 =	vld.idx.msk [tilespmem:v9+s19+$0x0], $0xffff  }
0x507: {  	v17 =	vadd.s32 s20, v0;
	s20 =	simm.s32 $0x1;
	v19 =	vadd.s32 s16, v8;
	v21 =	vld.idx.msk [tilespmem:v10+s19+$0x0], $0xffff  }
0x508: {  	s29 =	simm.s32 $0x8;
	v23 =	vadd.s32 s25, v0;
	v20 =	vadd.s32 s20, v8;
	v22 =	vld.idx.msk [tilespmem:v11+s19+$0x0], $0xffff  }
0x509: {  	s0 =	simm.s32 $0xF;
	v26 =	vadd.s32 s26, v0;
	v24 =	vadd.s32 s29, v8;
	v25 =	vld.idx.msk [tilespmem:v12+s19+$0x0], $0xffff  }
0x50a: {  	v28 =	vadd.s32 s30, v0;
	s25 =	simm.s32 $0xE;
	v27 =	vadd.s32 s0, v8;
	v9 =	vld.idx.msk [tilespmem:v13+s19+$0x0], $0xffff  }
0x50b: {  	v18 =	vadd.s32 s12, v0;
	s26 =	simm.s32 $0xD;
	v14 =	vadd.s32 s25, v8;
	v10 =	vld.idx.msk [tilespmem:v15+s19+$0x0], $0xffff  }
0x50c: {  	s1 =	simm.s32 $0xC;
	v15 =	vadd.s32 s26, v8;
	v11 =	vld.idx.msk [tilespmem:v19+s19+$0x0], $0xffff;
	v19 =	vadd.s32 s14, v0;
	[tilespmem:v17+s31+$0x0] =	vst.idx.msk $0xffff, v16  }
0x50d: {  	s28 =	simm.s32 $0xB;
	v12 =	vld.idx.msk [tilespmem:v20+s19+$0x0], $0xffff;
	v20 =	vadd.s32 s16, v0;
	v17 =	vadd.s32 s1, v8;
	[tilespmem:v23+s31+$0x0] =	vst.idx.msk $0xffff, v21  }
0x50e: {  	s8 =	simm.s32 $0xA;
	v13 =	vld.idx.msk [tilespmem:v24+s19+$0x0], $0xffff;
	v21 =	vadd.s32 s28, v8;
	v23 =	vadd.s32 s20, v0;
	[tilespmem:v26+s31+$0x0] =	vst.idx.msk $0xffff, v22  }
0x50f: {  	s9 =	simm.s32 $0x9;
	s12 =	simm.s32 $0x10;
	v24 =	vadd.s32 s8, v8;
	v22 =	vadd.s32 s29, v0;
	v16 =	vld.idx.msk [tilespmem:v27+s19+$0x0], $0xffff;
	[tilespmem:v28+s31+$0x0] =	vst.idx.msk $0xffff, v25  }
.LBB2_55:
0x510: {  	p1 =	slt.u32 s12, $0x38;
	v25 =	vadd.s32 s9, v8;
	v26 =	vld.idx.msk [tilespmem:v14+s19+$0x0], $0xffff;
	v27 =	vadd.s32 s0, v0;
	[tilespmem:v18+s31+$0x0] =	vst.idx.msk $0xffff, v9  }
0x511: {  	v28 =	vadd.s32 s12, v8;
	s0 =	sadd.s32 $0x7, s12;
	v30 =	vadd.s32 s25, v0;
	v29 =	vld.idx.msk [tilespmem:v15+s19+$0x0], $0xffff;
	[tilespmem:v19+s31+$0x0] =	vst.idx.msk $0xffff, v10  }
0x512: {  	s25 =	sadd.s32 $0x6, s12;
	v32 =	vadd.s32 s26, v0;
	v31 =	vadd.s32 s0, v8;
	v9 =	vld.idx.msk [tilespmem:v17+s19+$0x0], $0xffff;
	[tilespmem:v20+s31+$0x0] =	vst.idx.msk $0xffff, v11  }
.Ltmp28:
0x513: {  	s26 =	sadd.s32 $0x5, s12;
	v18 =	vadd.s32 s1, v0;
	v14 =	vadd.s32 s25, v8;
	v10 =	vld.idx.msk [tilespmem:v21+s19+$0x0], $0xffff;
	[tilespmem:v23+s31+$0x0] =	vst.idx.msk $0xffff, v12;
	(pc) =	sbr.rel @p1 .LBB2_55-.Ltmp28, $4  }
0x514: {  	s1 =	sadd.s32 $0x4, s12;
	v15 =	vadd.s32 s26, v8;
	v19 =	vadd.s32 s28, v0;
	[tilespmem:v22+s31+$0x0] =	vst.idx.msk $0xffff, v13;
	v11 =	vld.idx.msk [tilespmem:v24+s19+$0x0], $0xffff  }
0x515: {  	s28 =	sadd.s32 $0x3, s12;
	v17 =	vadd.s32 s1, v8;
	v20 =	vadd.s32 s8, v0;
	v12 =	vld.idx.msk [tilespmem:v25+s19+$0x0], $0xffff;
	[tilespmem:v27+s31+$0x0] =	vst.idx.msk $0xffff, v16  }
0x516: {  	s8 =	sadd.s32 $0x2, s12;
	v21 =	vadd.s32 s28, v8;
	v23 =	vadd.s32 s9, v0;
	v13 =	vld.idx.msk [tilespmem:v28+s19+$0x0], $0xffff;
	[tilespmem:v30+s31+$0x0] =	vst.idx.msk $0xffff, v26  }
0x517: {  	s9 =	sadd.s32 $0x1, s12;
	v22 =	vadd.s32 s12, v0;
	v24 =	vadd.s32 s8, v8;
	s12 =	sadd.s32 $0x8, s12;
	v16 =	vld.idx.msk [tilespmem:v31+s19+$0x0], $0xffff;
	[tilespmem:v32+s31+$0x0] =	vst.idx.msk $0xffff, v29  }
0x518: {  	_ =	sdelay $0x3  }
0x519: {  	v25 =	vadd.s32 s0, v0;
	[tilespmem:v18+s31+$0x0] =	vst.idx.msk $0xffff, v9  }
0x51a: {  	v8 =	vadd.s32 s9, v8;
	v9 =	vld.idx.msk [tilespmem:v14+s19+$0x0], $0xffff;
	v14 =	vadd.s32 s25, v0;
	[tilespmem:v19+s31+$0x0] =	vst.idx.msk $0xffff, v10  }
0x51b: {  	v10 =	vld.idx.msk [tilespmem:v15+s19+$0x0], $0xffff;
	v15 =	vadd.s32 s26, v0;
	[tilespmem:v20+s31+$0x0] =	vst.idx.msk $0xffff, v11  }
0x51c: {  	v18 =	vld.idx.msk [tilespmem:v24+s19+$0x0], $0xffff;
	v19 =	vadd.s32 s8, v0;
	[tilespmem:v23+s31+$0x0] =	vst.idx.msk $0xffff, v12  }
0x51d: {  	v11 =	vld.idx.msk [tilespmem:v17+s19+$0x0], $0xffff;
	v17 =	vadd.s32 s1, v0;
	[tilespmem:v22+s31+$0x0] =	vst.idx.msk $0xffff, v13  }
0x51e: {  	v12 =	vld.idx.msk [tilespmem:v21+s19+$0x0], $0xffff;
	v13 =	vadd.s32 s28, v0;
	[tilespmem:v25+s31+$0x0] =	vst.idx.msk $0xffff, v16  }
0x51f: {  	v8 =	vld.idx.msk [tilespmem:v8+s19+$0x0], $0xffff;
	v16 =	vadd.s32 s9, v0;
	[tilespmem:v14+s31+$0x0] =	vst.idx.msk $0xffff, v9  }
0x520: {  	[tilespmem:v15+s31+$0x0] =	vst.idx.msk $0xffff, v10  }
0x521: {  	[tilespmem:v19+s31+$0x0] =	vst.idx.msk $0xffff, v18  }
0x522: {  	[tilespmem:v17+s31+$0x0] =	vst.idx.msk $0xffff, v11  }
0x523: {  	[tilespmem:v13+s31+$0x0] =	vst.idx.msk $0xffff, v12  }
0x524: {  	[tilespmem:v16+s31+$0x0] =	vst.idx.msk $0xffff, v8  }
0x525: {  	v8 =	vld [tilespmem:s24+$0x30];
	_ =	sdelay $0x4  }
0x526: {  	v8 =	vshll.u32 v8, $0x6  }
0x527: {  	v8 =	vand.u32 $0x40, v8  }
0x528: {  	s20 =	simm.s32 $0x0;
	v8 =	vor.u32 v3, v8  }
0x529: {  	s25 =	simm.s32 $0x7;
	v9 =	vadd.s32 s20, v8  }
0x52a: {  	s26 =	simm.s32 $0x6;
	v10 =	vadd.s32 s25, v8  }
0x52b: {  	s30 =	simm.s32 $0x5;
	v11 =	vadd.s32 s26, v8  }
0x52c: {  	s12 =	simm.s32 $0x4;
	v12 =	vadd.s32 s30, v8  }
0x52d: {  	s14 =	simm.s32 $0x3;
	v13 =	vadd.s32 s12, v8  }
0x52e: {  	s16 =	simm.s32 $0x2;
	v15 =	vadd.s32 s14, v8;
	v16 =	vld.idx.msk [tilespmem:v9+s19+$0x0], $0xffff  }
0x52f: {  	v17 =	vadd.s32 s20, v0;
	s20 =	simm.s32 $0x1;
	v19 =	vadd.s32 s16, v8;
	v21 =	vld.idx.msk [tilespmem:v10+s19+$0x0], $0xffff  }
0x530: {  	s29 =	simm.s32 $0x8;
	v23 =	vadd.s32 s25, v0;
	v20 =	vadd.s32 s20, v8;
	v22 =	vld.idx.msk [tilespmem:v11+s19+$0x0], $0xffff  }
0x531: {  	s0 =	simm.s32 $0xF;
	v26 =	vadd.s32 s26, v0;
	v24 =	vadd.s32 s29, v8;
	v25 =	vld.idx.msk [tilespmem:v12+s19+$0x0], $0xffff  }
0x532: {  	v28 =	vadd.s32 s30, v0;
	s25 =	simm.s32 $0xE;
	v27 =	vadd.s32 s0, v8;
	v9 =	vld.idx.msk [tilespmem:v13+s19+$0x0], $0xffff  }
0x533: {  	v18 =	vadd.s32 s12, v0;
	s26 =	simm.s32 $0xD;
	v14 =	vadd.s32 s25, v8;
	v10 =	vld.idx.msk [tilespmem:v15+s19+$0x0], $0xffff  }
0x534: {  	s1 =	simm.s32 $0xC;
	v15 =	vadd.s32 s26, v8;
	v11 =	vld.idx.msk [tilespmem:v19+s19+$0x0], $0xffff;
	v19 =	vadd.s32 s14, v0;
	[tilespmem:v17+s31+$0x0] =	vst.idx.msk $0xffff, v16  }
0x535: {  	s28 =	simm.s32 $0xB;
	v12 =	vld.idx.msk [tilespmem:v20+s19+$0x0], $0xffff;
	v20 =	vadd.s32 s16, v0;
	v17 =	vadd.s32 s1, v8;
	[tilespmem:v23+s31+$0x0] =	vst.idx.msk $0xffff, v21  }
0x536: {  	s8 =	simm.s32 $0xA;
	v13 =	vld.idx.msk [tilespmem:v24+s19+$0x0], $0xffff;
	v21 =	vadd.s32 s28, v8;
	v23 =	vadd.s32 s20, v0;
	[tilespmem:v26+s31+$0x0] =	vst.idx.msk $0xffff, v22  }
0x537: {  	s9 =	simm.s32 $0x9;
	s12 =	simm.s32 $0x10;
	v24 =	vadd.s32 s8, v8;
	v22 =	vadd.s32 s29, v0;
	v16 =	vld.idx.msk [tilespmem:v27+s19+$0x0], $0xffff;
	[tilespmem:v28+s31+$0x0] =	vst.idx.msk $0xffff, v25  }
.LBB2_57:
0x538: {  	p1 =	slt.u32 s12, $0x38;
	v25 =	vadd.s32 s9, v8;
	v26 =	vld.idx.msk [tilespmem:v14+s19+$0x0], $0xffff;
	v27 =	vadd.s32 s0, v0;
	[tilespmem:v18+s31+$0x0] =	vst.idx.msk $0xffff, v9  }
0x539: {  	v28 =	vadd.s32 s12, v8;
	s0 =	sadd.s32 $0x7, s12;
	v30 =	vadd.s32 s25, v0;
	v29 =	vld.idx.msk [tilespmem:v15+s19+$0x0], $0xffff;
	[tilespmem:v19+s31+$0x0] =	vst.idx.msk $0xffff, v10  }
0x53a: {  	s25 =	sadd.s32 $0x6, s12;
	v32 =	vadd.s32 s26, v0;
	v31 =	vadd.s32 s0, v8;
	v9 =	vld.idx.msk [tilespmem:v17+s19+$0x0], $0xffff;
	[tilespmem:v20+s31+$0x0] =	vst.idx.msk $0xffff, v11  }
.Ltmp29:
0x53b: {  	s26 =	sadd.s32 $0x5, s12;
	v18 =	vadd.s32 s1, v0;
	v14 =	vadd.s32 s25, v8;
	v10 =	vld.idx.msk [tilespmem:v21+s19+$0x0], $0xffff;
	[tilespmem:v23+s31+$0x0] =	vst.idx.msk $0xffff, v12;
	(pc) =	sbr.rel @p1 .LBB2_57-.Ltmp29, $4  }
0x53c: {  	s1 =	sadd.s32 $0x4, s12;
	v15 =	vadd.s32 s26, v8;
	v19 =	vadd.s32 s28, v0;
	[tilespmem:v22+s31+$0x0] =	vst.idx.msk $0xffff, v13;
	v11 =	vld.idx.msk [tilespmem:v24+s19+$0x0], $0xffff  }
0x53d: {  	s28 =	sadd.s32 $0x3, s12;
	v17 =	vadd.s32 s1, v8;
	v20 =	vadd.s32 s8, v0;
	v12 =	vld.idx.msk [tilespmem:v25+s19+$0x0], $0xffff;
	[tilespmem:v27+s31+$0x0] =	vst.idx.msk $0xffff, v16  }
0x53e: {  	s8 =	sadd.s32 $0x2, s12;
	v21 =	vadd.s32 s28, v8;
	v23 =	vadd.s32 s9, v0;
	v13 =	vld.idx.msk [tilespmem:v28+s19+$0x0], $0xffff;
	[tilespmem:v30+s31+$0x0] =	vst.idx.msk $0xffff, v26  }
0x53f: {  	s9 =	sadd.s32 $0x1, s12;
	v22 =	vadd.s32 s12, v0;
	v24 =	vadd.s32 s8, v8;
	s12 =	sadd.s32 $0x8, s12;
	v16 =	vld.idx.msk [tilespmem:v31+s19+$0x0], $0xffff;
	[tilespmem:v32+s31+$0x0] =	vst.idx.msk $0xffff, v29  }
0x540: {  	_ =	sdelay $0x3  }
0x541: {  	v25 =	vadd.s32 s0, v0;
	[tilespmem:v18+s31+$0x0] =	vst.idx.msk $0xffff, v9  }
0x542: {  	v8 =	vadd.s32 s9, v8;
	v9 =	vld.idx.msk [tilespmem:v14+s19+$0x0], $0xffff;
	v14 =	vadd.s32 s25, v0;
	[tilespmem:v19+s31+$0x0] =	vst.idx.msk $0xffff, v10  }
0x543: {  	v10 =	vld.idx.msk [tilespmem:v15+s19+$0x0], $0xffff;
	v15 =	vadd.s32 s26, v0;
	[tilespmem:v20+s31+$0x0] =	vst.idx.msk $0xffff, v11  }
0x544: {  	v18 =	vld.idx.msk [tilespmem:v24+s19+$0x0], $0xffff;
	v19 =	vadd.s32 s8, v0;
	[tilespmem:v23+s31+$0x0] =	vst.idx.msk $0xffff, v12  }
0x545: {  	v11 =	vld.idx.msk [tilespmem:v17+s19+$0x0], $0xffff;
	v17 =	vadd.s32 s1, v0;
	[tilespmem:v22+s31+$0x0] =	vst.idx.msk $0xffff, v13  }
0x546: {  	v12 =	vld.idx.msk [tilespmem:v21+s19+$0x0], $0xffff;
	v13 =	vadd.s32 s28, v0;
	[tilespmem:v25+s31+$0x0] =	vst.idx.msk $0xffff, v16  }
0x547: {  	v8 =	vld.idx.msk [tilespmem:v8+s19+$0x0], $0xffff;
	v16 =	vadd.s32 s9, v0;
	[tilespmem:v14+s31+$0x0] =	vst.idx.msk $0xffff, v9  }
0x548: {  	[tilespmem:v15+s31+$0x0] =	vst.idx.msk $0xffff, v10  }
0x549: {  	[tilespmem:v19+s31+$0x0] =	vst.idx.msk $0xffff, v18  }
0x54a: {  	[tilespmem:v17+s31+$0x0] =	vst.idx.msk $0xffff, v11  }
0x54b: {  	[tilespmem:v13+s31+$0x0] =	vst.idx.msk $0xffff, v12  }
0x54c: {  	[tilespmem:v16+s31+$0x0] =	vst.idx.msk $0xffff, v8  }
0x54d: {  	v8 =	vld [tilespmem:s24+$0x40];
	_ =	sdelay $0x4  }
0x54e: {  	v8 =	vshll.u32 v8, $0x6  }
0x54f: {  	v8 =	vand.u32 $0x40, v8  }
0x550: {  	s20 =	simm.s32 $0x0;
	v8 =	vor.u32 v4, v8  }
0x551: {  	s25 =	simm.s32 $0x7;
	v9 =	vadd.s32 s20, v8  }
0x552: {  	s26 =	simm.s32 $0x6;
	v10 =	vadd.s32 s25, v8  }
0x553: {  	s30 =	simm.s32 $0x5;
	v11 =	vadd.s32 s26, v8  }
0x554: {  	s12 =	simm.s32 $0x4;
	v12 =	vadd.s32 s30, v8  }
0x555: {  	s14 =	simm.s32 $0x3;
	v13 =	vadd.s32 s12, v8  }
0x556: {  	s16 =	simm.s32 $0x2;
	v15 =	vadd.s32 s14, v8;
	v16 =	vld.idx.msk [tilespmem:v9+s19+$0x0], $0xffff  }
0x557: {  	v17 =	vadd.s32 s20, v0;
	s20 =	simm.s32 $0x1;
	v19 =	vadd.s32 s16, v8;
	v21 =	vld.idx.msk [tilespmem:v10+s19+$0x0], $0xffff  }
0x558: {  	s29 =	simm.s32 $0x8;
	v23 =	vadd.s32 s25, v0;
	v20 =	vadd.s32 s20, v8;
	v22 =	vld.idx.msk [tilespmem:v11+s19+$0x0], $0xffff  }
0x559: {  	s0 =	simm.s32 $0xF;
	v26 =	vadd.s32 s26, v0;
	v24 =	vadd.s32 s29, v8;
	v25 =	vld.idx.msk [tilespmem:v12+s19+$0x0], $0xffff  }
0x55a: {  	v28 =	vadd.s32 s30, v0;
	s25 =	simm.s32 $0xE;
	v27 =	vadd.s32 s0, v8;
	v9 =	vld.idx.msk [tilespmem:v13+s19+$0x0], $0xffff  }
0x55b: {  	v18 =	vadd.s32 s12, v0;
	s26 =	simm.s32 $0xD;
	v14 =	vadd.s32 s25, v8;
	v10 =	vld.idx.msk [tilespmem:v15+s19+$0x0], $0xffff  }
0x55c: {  	s1 =	simm.s32 $0xC;
	v15 =	vadd.s32 s26, v8;
	v11 =	vld.idx.msk [tilespmem:v19+s19+$0x0], $0xffff;
	v19 =	vadd.s32 s14, v0;
	[tilespmem:v17+s31+$0x0] =	vst.idx.msk $0xffff, v16  }
0x55d: {  	s28 =	simm.s32 $0xB;
	v12 =	vld.idx.msk [tilespmem:v20+s19+$0x0], $0xffff;
	v20 =	vadd.s32 s16, v0;
	v17 =	vadd.s32 s1, v8;
	[tilespmem:v23+s31+$0x0] =	vst.idx.msk $0xffff, v21  }
0x55e: {  	s8 =	simm.s32 $0xA;
	v13 =	vld.idx.msk [tilespmem:v24+s19+$0x0], $0xffff;
	v21 =	vadd.s32 s28, v8;
	v23 =	vadd.s32 s20, v0;
	[tilespmem:v26+s31+$0x0] =	vst.idx.msk $0xffff, v22  }
0x55f: {  	s9 =	simm.s32 $0x9;
	s12 =	simm.s32 $0x10;
	v24 =	vadd.s32 s8, v8;
	v22 =	vadd.s32 s29, v0;
	v16 =	vld.idx.msk [tilespmem:v27+s19+$0x0], $0xffff;
	[tilespmem:v28+s31+$0x0] =	vst.idx.msk $0xffff, v25  }
.LBB2_59:
0x560: {  	p1 =	slt.u32 s12, $0x38;
	v25 =	vadd.s32 s9, v8;
	v26 =	vld.idx.msk [tilespmem:v14+s19+$0x0], $0xffff;
	v27 =	vadd.s32 s0, v0;
	[tilespmem:v18+s31+$0x0] =	vst.idx.msk $0xffff, v9  }
0x561: {  	v28 =	vadd.s32 s12, v8;
	s0 =	sadd.s32 $0x7, s12;
	v30 =	vadd.s32 s25, v0;
	v29 =	vld.idx.msk [tilespmem:v15+s19+$0x0], $0xffff;
	[tilespmem:v19+s31+$0x0] =	vst.idx.msk $0xffff, v10  }
0x562: {  	s25 =	sadd.s32 $0x6, s12;
	v32 =	vadd.s32 s26, v0;
	v31 =	vadd.s32 s0, v8;
	v9 =	vld.idx.msk [tilespmem:v17+s19+$0x0], $0xffff;
	[tilespmem:v20+s31+$0x0] =	vst.idx.msk $0xffff, v11  }
.Ltmp30:
0x563: {  	s26 =	sadd.s32 $0x5, s12;
	v18 =	vadd.s32 s1, v0;
	v14 =	vadd.s32 s25, v8;
	v10 =	vld.idx.msk [tilespmem:v21+s19+$0x0], $0xffff;
	[tilespmem:v23+s31+$0x0] =	vst.idx.msk $0xffff, v12;
	(pc) =	sbr.rel @p1 .LBB2_59-.Ltmp30, $4  }
0x564: {  	s1 =	sadd.s32 $0x4, s12;
	v15 =	vadd.s32 s26, v8;
	v19 =	vadd.s32 s28, v0;
	[tilespmem:v22+s31+$0x0] =	vst.idx.msk $0xffff, v13;
	v11 =	vld.idx.msk [tilespmem:v24+s19+$0x0], $0xffff  }
0x565: {  	s28 =	sadd.s32 $0x3, s12;
	v17 =	vadd.s32 s1, v8;
	v20 =	vadd.s32 s8, v0;
	v12 =	vld.idx.msk [tilespmem:v25+s19+$0x0], $0xffff;
	[tilespmem:v27+s31+$0x0] =	vst.idx.msk $0xffff, v16  }
0x566: {  	s8 =	sadd.s32 $0x2, s12;
	v21 =	vadd.s32 s28, v8;
	v23 =	vadd.s32 s9, v0;
	v13 =	vld.idx.msk [tilespmem:v28+s19+$0x0], $0xffff;
	[tilespmem:v30+s31+$0x0] =	vst.idx.msk $0xffff, v26  }
0x567: {  	s9 =	sadd.s32 $0x1, s12;
	v22 =	vadd.s32 s12, v0;
	v24 =	vadd.s32 s8, v8;
	s12 =	sadd.s32 $0x8, s12;
	v16 =	vld.idx.msk [tilespmem:v31+s19+$0x0], $0xffff;
	[tilespmem:v32+s31+$0x0] =	vst.idx.msk $0xffff, v29  }
0x568: {  	_ =	sdelay $0x3  }
0x569: {  	v25 =	vadd.s32 s0, v0;
	[tilespmem:v18+s31+$0x0] =	vst.idx.msk $0xffff, v9  }
0x56a: {  	v8 =	vadd.s32 s9, v8;
	v9 =	vld.idx.msk [tilespmem:v14+s19+$0x0], $0xffff;
	v14 =	vadd.s32 s25, v0;
	[tilespmem:v19+s31+$0x0] =	vst.idx.msk $0xffff, v10  }
0x56b: {  	v10 =	vld.idx.msk [tilespmem:v15+s19+$0x0], $0xffff;
	v15 =	vadd.s32 s26, v0;
	[tilespmem:v20+s31+$0x0] =	vst.idx.msk $0xffff, v11  }
0x56c: {  	v18 =	vld.idx.msk [tilespmem:v24+s19+$0x0], $0xffff;
	v19 =	vadd.s32 s8, v0;
	[tilespmem:v23+s31+$0x0] =	vst.idx.msk $0xffff, v12  }
0x56d: {  	v11 =	vld.idx.msk [tilespmem:v17+s19+$0x0], $0xffff;
	v17 =	vadd.s32 s1, v0;
	[tilespmem:v22+s31+$0x0] =	vst.idx.msk $0xffff, v13  }
0x56e: {  	v12 =	vld.idx.msk [tilespmem:v21+s19+$0x0], $0xffff;
	v13 =	vadd.s32 s28, v0;
	[tilespmem:v25+s31+$0x0] =	vst.idx.msk $0xffff, v16  }
0x56f: {  	v8 =	vld.idx.msk [tilespmem:v8+s19+$0x0], $0xffff;
	v16 =	vadd.s32 s9, v0;
	[tilespmem:v14+s31+$0x0] =	vst.idx.msk $0xffff, v9  }
0x570: {  	[tilespmem:v15+s31+$0x0] =	vst.idx.msk $0xffff, v10  }
0x571: {  	[tilespmem:v19+s31+$0x0] =	vst.idx.msk $0xffff, v18  }
0x572: {  	[tilespmem:v17+s31+$0x0] =	vst.idx.msk $0xffff, v11  }
0x573: {  	[tilespmem:v13+s31+$0x0] =	vst.idx.msk $0xffff, v12  }
0x574: {  	[tilespmem:v16+s31+$0x0] =	vst.idx.msk $0xffff, v8  }
0x575: {  	v8 =	vld [tilespmem:s24+$0x50];
	_ =	sdelay $0x4  }
0x576: {  	v8 =	vshll.u32 v8, $0x6  }
0x577: {  	v8 =	vand.u32 $0x40, v8  }
0x578: {  	s20 =	simm.s32 $0x0;
	v8 =	vor.u32 v5, v8  }
0x579: {  	s25 =	simm.s32 $0x7;
	v9 =	vadd.s32 s20, v8  }
0x57a: {  	s26 =	simm.s32 $0x6;
	v10 =	vadd.s32 s25, v8  }
0x57b: {  	s30 =	simm.s32 $0x5;
	v11 =	vadd.s32 s26, v8  }
0x57c: {  	s12 =	simm.s32 $0x4;
	v12 =	vadd.s32 s30, v8  }
0x57d: {  	s14 =	simm.s32 $0x3;
	v13 =	vadd.s32 s12, v8  }
0x57e: {  	s16 =	simm.s32 $0x2;
	v15 =	vadd.s32 s14, v8;
	v16 =	vld.idx.msk [tilespmem:v9+s19+$0x0], $0xffff  }
0x57f: {  	v17 =	vadd.s32 s20, v0;
	s20 =	simm.s32 $0x1;
	v19 =	vadd.s32 s16, v8;
	v21 =	vld.idx.msk [tilespmem:v10+s19+$0x0], $0xffff  }
0x580: {  	s29 =	simm.s32 $0x8;
	v23 =	vadd.s32 s25, v0;
	v20 =	vadd.s32 s20, v8;
	v22 =	vld.idx.msk [tilespmem:v11+s19+$0x0], $0xffff  }
0x581: {  	s0 =	simm.s32 $0xF;
	v26 =	vadd.s32 s26, v0;
	v24 =	vadd.s32 s29, v8;
	v25 =	vld.idx.msk [tilespmem:v12+s19+$0x0], $0xffff  }
0x582: {  	v28 =	vadd.s32 s30, v0;
	s25 =	simm.s32 $0xE;
	v27 =	vadd.s32 s0, v8;
	v9 =	vld.idx.msk [tilespmem:v13+s19+$0x0], $0xffff  }
0x583: {  	v18 =	vadd.s32 s12, v0;
	s26 =	simm.s32 $0xD;
	v14 =	vadd.s32 s25, v8;
	v10 =	vld.idx.msk [tilespmem:v15+s19+$0x0], $0xffff  }
0x584: {  	s1 =	simm.s32 $0xC;
	v15 =	vadd.s32 s26, v8;
	v11 =	vld.idx.msk [tilespmem:v19+s19+$0x0], $0xffff;
	v19 =	vadd.s32 s14, v0;
	[tilespmem:v17+s31+$0x0] =	vst.idx.msk $0xffff, v16  }
0x585: {  	s28 =	simm.s32 $0xB;
	v12 =	vld.idx.msk [tilespmem:v20+s19+$0x0], $0xffff;
	v20 =	vadd.s32 s16, v0;
	v17 =	vadd.s32 s1, v8;
	[tilespmem:v23+s31+$0x0] =	vst.idx.msk $0xffff, v21  }
0x586: {  	s8 =	simm.s32 $0xA;
	v13 =	vld.idx.msk [tilespmem:v24+s19+$0x0], $0xffff;
	v21 =	vadd.s32 s28, v8;
	v23 =	vadd.s32 s20, v0;
	[tilespmem:v26+s31+$0x0] =	vst.idx.msk $0xffff, v22  }
0x587: {  	s9 =	simm.s32 $0x9;
	s12 =	simm.s32 $0x10;
	v24 =	vadd.s32 s8, v8;
	v22 =	vadd.s32 s29, v0;
	v16 =	vld.idx.msk [tilespmem:v27+s19+$0x0], $0xffff;
	[tilespmem:v28+s31+$0x0] =	vst.idx.msk $0xffff, v25  }
.LBB2_61:
0x588: {  	p1 =	slt.u32 s12, $0x38;
	v25 =	vadd.s32 s9, v8;
	v26 =	vld.idx.msk [tilespmem:v14+s19+$0x0], $0xffff;
	v27 =	vadd.s32 s0, v0;
	[tilespmem:v18+s31+$0x0] =	vst.idx.msk $0xffff, v9  }
0x589: {  	v28 =	vadd.s32 s12, v8;
	s0 =	sadd.s32 $0x7, s12;
	v30 =	vadd.s32 s25, v0;
	v29 =	vld.idx.msk [tilespmem:v15+s19+$0x0], $0xffff;
	[tilespmem:v19+s31+$0x0] =	vst.idx.msk $0xffff, v10  }
0x58a: {  	s25 =	sadd.s32 $0x6, s12;
	v32 =	vadd.s32 s26, v0;
	v31 =	vadd.s32 s0, v8;
	v9 =	vld.idx.msk [tilespmem:v17+s19+$0x0], $0xffff;
	[tilespmem:v20+s31+$0x0] =	vst.idx.msk $0xffff, v11  }
.Ltmp31:
0x58b: {  	s26 =	sadd.s32 $0x5, s12;
	v18 =	vadd.s32 s1, v0;
	v14 =	vadd.s32 s25, v8;
	v10 =	vld.idx.msk [tilespmem:v21+s19+$0x0], $0xffff;
	[tilespmem:v23+s31+$0x0] =	vst.idx.msk $0xffff, v12;
	(pc) =	sbr.rel @p1 .LBB2_61-.Ltmp31, $4  }
0x58c: {  	s1 =	sadd.s32 $0x4, s12;
	v15 =	vadd.s32 s26, v8;
	v19 =	vadd.s32 s28, v0;
	[tilespmem:v22+s31+$0x0] =	vst.idx.msk $0xffff, v13;
	v11 =	vld.idx.msk [tilespmem:v24+s19+$0x0], $0xffff  }
0x58d: {  	s28 =	sadd.s32 $0x3, s12;
	v17 =	vadd.s32 s1, v8;
	v20 =	vadd.s32 s8, v0;
	v12 =	vld.idx.msk [tilespmem:v25+s19+$0x0], $0xffff;
	[tilespmem:v27+s31+$0x0] =	vst.idx.msk $0xffff, v16  }
0x58e: {  	s8 =	sadd.s32 $0x2, s12;
	v21 =	vadd.s32 s28, v8;
	v23 =	vadd.s32 s9, v0;
	v13 =	vld.idx.msk [tilespmem:v28+s19+$0x0], $0xffff;
	[tilespmem:v30+s31+$0x0] =	vst.idx.msk $0xffff, v26  }
0x58f: {  	s9 =	sadd.s32 $0x1, s12;
	v22 =	vadd.s32 s12, v0;
	v24 =	vadd.s32 s8, v8;
	s12 =	sadd.s32 $0x8, s12;
	v16 =	vld.idx.msk [tilespmem:v31+s19+$0x0], $0xffff;
	[tilespmem:v32+s31+$0x0] =	vst.idx.msk $0xffff, v29  }
0x590: {  	_ =	sdelay $0x3  }
0x591: {  	v25 =	vadd.s32 s0, v0;
	[tilespmem:v18+s31+$0x0] =	vst.idx.msk $0xffff, v9  }
0x592: {  	v8 =	vadd.s32 s9, v8;
	v9 =	vld.idx.msk [tilespmem:v14+s19+$0x0], $0xffff;
	v14 =	vadd.s32 s25, v0;
	[tilespmem:v19+s31+$0x0] =	vst.idx.msk $0xffff, v10  }
0x593: {  	v10 =	vld.idx.msk [tilespmem:v15+s19+$0x0], $0xffff;
	v15 =	vadd.s32 s26, v0;
	[tilespmem:v20+s31+$0x0] =	vst.idx.msk $0xffff, v11  }
0x594: {  	v18 =	vld.idx.msk [tilespmem:v24+s19+$0x0], $0xffff;
	v19 =	vadd.s32 s8, v0;
	[tilespmem:v23+s31+$0x0] =	vst.idx.msk $0xffff, v12  }
0x595: {  	v11 =	vld.idx.msk [tilespmem:v17+s19+$0x0], $0xffff;
	v17 =	vadd.s32 s1, v0;
	[tilespmem:v22+s31+$0x0] =	vst.idx.msk $0xffff, v13  }
0x596: {  	v12 =	vld.idx.msk [tilespmem:v21+s19+$0x0], $0xffff;
	v13 =	vadd.s32 s28, v0;
	[tilespmem:v25+s31+$0x0] =	vst.idx.msk $0xffff, v16  }
0x597: {  	v8 =	vld.idx.msk [tilespmem:v8+s19+$0x0], $0xffff;
	v16 =	vadd.s32 s9, v0;
	[tilespmem:v14+s31+$0x0] =	vst.idx.msk $0xffff, v9  }
0x598: {  	[tilespmem:v15+s31+$0x0] =	vst.idx.msk $0xffff, v10  }
0x599: {  	[tilespmem:v19+s31+$0x0] =	vst.idx.msk $0xffff, v18  }
0x59a: {  	[tilespmem:v17+s31+$0x0] =	vst.idx.msk $0xffff, v11  }
0x59b: {  	[tilespmem:v13+s31+$0x0] =	vst.idx.msk $0xffff, v12  }
0x59c: {  	[tilespmem:v16+s31+$0x0] =	vst.idx.msk $0xffff, v8  }
0x59d: {  	v8 =	vld [tilespmem:s24+$0x60];
	_ =	sdelay $0x4  }
0x59e: {  	v8 =	vshll.u32 v8, $0x6  }
0x59f: {  	v8 =	vand.u32 $0x40, v8  }
0x5a0: {  	s20 =	simm.s32 $0x0;
	v8 =	vor.u32 v6, v8  }
0x5a1: {  	s25 =	simm.s32 $0x7;
	v9 =	vadd.s32 s20, v8  }
0x5a2: {  	s26 =	simm.s32 $0x6;
	v10 =	vadd.s32 s25, v8  }
0x5a3: {  	s30 =	simm.s32 $0x5;
	v11 =	vadd.s32 s26, v8  }
0x5a4: {  	s12 =	simm.s32 $0x4;
	v12 =	vadd.s32 s30, v8  }
0x5a5: {  	s14 =	simm.s32 $0x3;
	v13 =	vadd.s32 s12, v8  }
0x5a6: {  	s16 =	simm.s32 $0x2;
	v15 =	vadd.s32 s14, v8;
	v16 =	vld.idx.msk [tilespmem:v9+s19+$0x0], $0xffff  }
0x5a7: {  	v17 =	vadd.s32 s20, v0;
	s20 =	simm.s32 $0x1;
	v19 =	vadd.s32 s16, v8;
	v21 =	vld.idx.msk [tilespmem:v10+s19+$0x0], $0xffff  }
0x5a8: {  	s29 =	simm.s32 $0x8;
	v23 =	vadd.s32 s25, v0;
	v20 =	vadd.s32 s20, v8;
	v22 =	vld.idx.msk [tilespmem:v11+s19+$0x0], $0xffff  }
0x5a9: {  	s0 =	simm.s32 $0xF;
	v26 =	vadd.s32 s26, v0;
	v24 =	vadd.s32 s29, v8;
	v25 =	vld.idx.msk [tilespmem:v12+s19+$0x0], $0xffff  }
0x5aa: {  	v28 =	vadd.s32 s30, v0;
	s25 =	simm.s32 $0xE;
	v27 =	vadd.s32 s0, v8;
	v9 =	vld.idx.msk [tilespmem:v13+s19+$0x0], $0xffff  }
0x5ab: {  	v18 =	vadd.s32 s12, v0;
	s26 =	simm.s32 $0xD;
	v14 =	vadd.s32 s25, v8;
	v10 =	vld.idx.msk [tilespmem:v15+s19+$0x0], $0xffff  }
0x5ac: {  	s1 =	simm.s32 $0xC;
	v15 =	vadd.s32 s26, v8;
	v11 =	vld.idx.msk [tilespmem:v19+s19+$0x0], $0xffff;
	v19 =	vadd.s32 s14, v0;
	[tilespmem:v17+s31+$0x0] =	vst.idx.msk $0xffff, v16  }
0x5ad: {  	s28 =	simm.s32 $0xB;
	v12 =	vld.idx.msk [tilespmem:v20+s19+$0x0], $0xffff;
	v20 =	vadd.s32 s16, v0;
	v17 =	vadd.s32 s1, v8;
	[tilespmem:v23+s31+$0x0] =	vst.idx.msk $0xffff, v21  }
0x5ae: {  	s8 =	simm.s32 $0xA;
	v13 =	vld.idx.msk [tilespmem:v24+s19+$0x0], $0xffff;
	v21 =	vadd.s32 s28, v8;
	v23 =	vadd.s32 s20, v0;
	[tilespmem:v26+s31+$0x0] =	vst.idx.msk $0xffff, v22  }
0x5af: {  	s9 =	simm.s32 $0x9;
	s12 =	simm.s32 $0x10;
	v24 =	vadd.s32 s8, v8;
	v22 =	vadd.s32 s29, v0;
	v16 =	vld.idx.msk [tilespmem:v27+s19+$0x0], $0xffff;
	[tilespmem:v28+s31+$0x0] =	vst.idx.msk $0xffff, v25  }
.LBB2_63:
0x5b0: {  	p1 =	slt.u32 s12, $0x38;
	v25 =	vadd.s32 s9, v8;
	v26 =	vld.idx.msk [tilespmem:v14+s19+$0x0], $0xffff;
	v27 =	vadd.s32 s0, v0;
	[tilespmem:v18+s31+$0x0] =	vst.idx.msk $0xffff, v9  }
0x5b1: {  	v28 =	vadd.s32 s12, v8;
	s0 =	sadd.s32 $0x7, s12;
	v30 =	vadd.s32 s25, v0;
	v29 =	vld.idx.msk [tilespmem:v15+s19+$0x0], $0xffff;
	[tilespmem:v19+s31+$0x0] =	vst.idx.msk $0xffff, v10  }
0x5b2: {  	s25 =	sadd.s32 $0x6, s12;
	v32 =	vadd.s32 s26, v0;
	v31 =	vadd.s32 s0, v8;
	v9 =	vld.idx.msk [tilespmem:v17+s19+$0x0], $0xffff;
	[tilespmem:v20+s31+$0x0] =	vst.idx.msk $0xffff, v11  }
.Ltmp32:
0x5b3: {  	s26 =	sadd.s32 $0x5, s12;
	v18 =	vadd.s32 s1, v0;
	v14 =	vadd.s32 s25, v8;
	v10 =	vld.idx.msk [tilespmem:v21+s19+$0x0], $0xffff;
	[tilespmem:v23+s31+$0x0] =	vst.idx.msk $0xffff, v12;
	(pc) =	sbr.rel @p1 .LBB2_63-.Ltmp32, $4  }
0x5b4: {  	s1 =	sadd.s32 $0x4, s12;
	v15 =	vadd.s32 s26, v8;
	v19 =	vadd.s32 s28, v0;
	[tilespmem:v22+s31+$0x0] =	vst.idx.msk $0xffff, v13;
	v11 =	vld.idx.msk [tilespmem:v24+s19+$0x0], $0xffff  }
0x5b5: {  	s28 =	sadd.s32 $0x3, s12;
	v17 =	vadd.s32 s1, v8;
	v20 =	vadd.s32 s8, v0;
	v12 =	vld.idx.msk [tilespmem:v25+s19+$0x0], $0xffff;
	[tilespmem:v27+s31+$0x0] =	vst.idx.msk $0xffff, v16  }
0x5b6: {  	s8 =	sadd.s32 $0x2, s12;
	v21 =	vadd.s32 s28, v8;
	v23 =	vadd.s32 s9, v0;
	v13 =	vld.idx.msk [tilespmem:v28+s19+$0x0], $0xffff;
	[tilespmem:v30+s31+$0x0] =	vst.idx.msk $0xffff, v26  }
0x5b7: {  	s9 =	sadd.s32 $0x1, s12;
	v22 =	vadd.s32 s12, v0;
	v24 =	vadd.s32 s8, v8;
	s12 =	sadd.s32 $0x8, s12;
	v16 =	vld.idx.msk [tilespmem:v31+s19+$0x0], $0xffff;
	[tilespmem:v32+s31+$0x0] =	vst.idx.msk $0xffff, v29  }
0x5b8: {  	_ =	sdelay $0x3  }
0x5b9: {  	v25 =	vadd.s32 s0, v0;
	[tilespmem:v18+s31+$0x0] =	vst.idx.msk $0xffff, v9  }
0x5ba: {  	v8 =	vadd.s32 s9, v8;
	v9 =	vld.idx.msk [tilespmem:v14+s19+$0x0], $0xffff;
	v14 =	vadd.s32 s25, v0;
	[tilespmem:v19+s31+$0x0] =	vst.idx.msk $0xffff, v10  }
0x5bb: {  	v10 =	vld.idx.msk [tilespmem:v15+s19+$0x0], $0xffff;
	v15 =	vadd.s32 s26, v0;
	[tilespmem:v20+s31+$0x0] =	vst.idx.msk $0xffff, v11  }
0x5bc: {  	v18 =	vld.idx.msk [tilespmem:v24+s19+$0x0], $0xffff;
	v19 =	vadd.s32 s8, v0;
	[tilespmem:v23+s31+$0x0] =	vst.idx.msk $0xffff, v12  }
0x5bd: {  	v11 =	vld.idx.msk [tilespmem:v17+s19+$0x0], $0xffff;
	v17 =	vadd.s32 s1, v0;
	[tilespmem:v22+s31+$0x0] =	vst.idx.msk $0xffff, v13  }
0x5be: {  	v12 =	vld.idx.msk [tilespmem:v21+s19+$0x0], $0xffff;
	v13 =	vadd.s32 s28, v0;
	[tilespmem:v25+s31+$0x0] =	vst.idx.msk $0xffff, v16  }
0x5bf: {  	v8 =	vld.idx.msk [tilespmem:v8+s19+$0x0], $0xffff;
	v16 =	vadd.s32 s9, v0;
	[tilespmem:v14+s31+$0x0] =	vst.idx.msk $0xffff, v9  }
0x5c0: {  	[tilespmem:v15+s31+$0x0] =	vst.idx.msk $0xffff, v10  }
0x5c1: {  	[tilespmem:v19+s31+$0x0] =	vst.idx.msk $0xffff, v18  }
0x5c2: {  	[tilespmem:v17+s31+$0x0] =	vst.idx.msk $0xffff, v11  }
0x5c3: {  	[tilespmem:v13+s31+$0x0] =	vst.idx.msk $0xffff, v12  }
0x5c4: {  	[tilespmem:v16+s31+$0x0] =	vst.idx.msk $0xffff, v8  }
0x5c5: {  	v8 =	vld [tilespmem:s24+$0x70];
	_ =	sdelay $0x4  }
0x5c6: {  	v8 =	vshll.u32 v8, $0x6  }
0x5c7: {  	v8 =	vand.u32 $0x40, v8  }
0x5c8: {  	s24 =	simm.s32 $0x0;
	v8 =	vor.u32 v7, v8  }
0x5c9: {  	s25 =	simm.s32 $0x7;
	v9 =	vadd.s32 s24, v8  }
0x5ca: {  	s26 =	simm.s32 $0x6;
	v10 =	vadd.s32 s25, v8  }
0x5cb: {  	s29 =	simm.s32 $0x5;
	v11 =	vadd.s32 s26, v8  }
0x5cc: {  	s12 =	simm.s32 $0x4;
	v12 =	vadd.s32 s29, v8  }
0x5cd: {  	s14 =	simm.s32 $0x3;
	v13 =	vadd.s32 s12, v8  }
0x5ce: {  	s16 =	simm.s32 $0x2;
	v15 =	vadd.s32 s14, v8;
	v16 =	vld.idx.msk [tilespmem:v9+s19+$0x0], $0xffff  }
0x5cf: {  	s20 =	simm.s32 $0x1;
	v17 =	vadd.s32 s24, v0;
	v19 =	vadd.s32 s16, v8;
	v21 =	vld.idx.msk [tilespmem:v10+s19+$0x0], $0xffff  }
0x5d0: {  	s30 =	simm.s32 $0x8;
	v23 =	vadd.s32 s25, v0;
	v20 =	vadd.s32 s20, v8;
	v22 =	vld.idx.msk [tilespmem:v11+s19+$0x0], $0xffff  }
0x5d1: {  	s0 =	simm.s32 $0xF;
	v26 =	vadd.s32 s26, v0;
	v24 =	vadd.s32 s30, v8;
	v25 =	vld.idx.msk [tilespmem:v12+s19+$0x0], $0xffff  }
0x5d2: {  	v28 =	vadd.s32 s29, v0;
	s24 =	simm.s32 $0xE;
	v27 =	vadd.s32 s0, v8;
	v9 =	vld.idx.msk [tilespmem:v13+s19+$0x0], $0xffff  }
0x5d3: {  	v18 =	vadd.s32 s12, v0;
	s25 =	simm.s32 $0xD;
	v14 =	vadd.s32 s24, v8;
	v10 =	vld.idx.msk [tilespmem:v15+s19+$0x0], $0xffff  }
0x5d4: {  	s1 =	simm.s32 $0xC;
	v15 =	vadd.s32 s25, v8;
	v11 =	vld.idx.msk [tilespmem:v19+s19+$0x0], $0xffff;
	v19 =	vadd.s32 s14, v0;
	[tilespmem:v17+s31+$0x0] =	vst.idx.msk $0xffff, v16  }
0x5d5: {  	s26 =	simm.s32 $0xB;
	v12 =	vld.idx.msk [tilespmem:v20+s19+$0x0], $0xffff;
	v20 =	vadd.s32 s16, v0;
	v17 =	vadd.s32 s1, v8;
	[tilespmem:v23+s31+$0x0] =	vst.idx.msk $0xffff, v21  }
0x5d6: {  	s8 =	simm.s32 $0xA;
	v13 =	vld.idx.msk [tilespmem:v24+s19+$0x0], $0xffff;
	v21 =	vadd.s32 s26, v8;
	v23 =	vadd.s32 s20, v0;
	[tilespmem:v26+s31+$0x0] =	vst.idx.msk $0xffff, v22  }
0x5d7: {  	s9 =	simm.s32 $0x9;
	s12 =	simm.s32 $0x10;
	v24 =	vadd.s32 s8, v8;
	v22 =	vadd.s32 s30, v0;
	v16 =	vld.idx.msk [tilespmem:v27+s19+$0x0], $0xffff;
	[tilespmem:v28+s31+$0x0] =	vst.idx.msk $0xffff, v25  }
.LBB2_65:
0x5d8: {  	p1 =	slt.u32 s12, $0x38;
	v25 =	vadd.s32 s9, v8;
	v26 =	vld.idx.msk [tilespmem:v14+s19+$0x0], $0xffff;
	v27 =	vadd.s32 s0, v0;
	[tilespmem:v18+s31+$0x0] =	vst.idx.msk $0xffff, v9  }
0x5d9: {  	v28 =	vadd.s32 s12, v8;
	s0 =	sadd.s32 $0x7, s12;
	v30 =	vadd.s32 s24, v0;
	v29 =	vld.idx.msk [tilespmem:v15+s19+$0x0], $0xffff;
	[tilespmem:v19+s31+$0x0] =	vst.idx.msk $0xffff, v10  }
0x5da: {  	s24 =	sadd.s32 $0x6, s12;
	v32 =	vadd.s32 s25, v0;
	v31 =	vadd.s32 s0, v8;
	v9 =	vld.idx.msk [tilespmem:v17+s19+$0x0], $0xffff;
	[tilespmem:v20+s31+$0x0] =	vst.idx.msk $0xffff, v11  }
.Ltmp33:
0x5db: {  	s25 =	sadd.s32 $0x5, s12;
	v18 =	vadd.s32 s1, v0;
	v14 =	vadd.s32 s24, v8;
	v10 =	vld.idx.msk [tilespmem:v21+s19+$0x0], $0xffff;
	[tilespmem:v23+s31+$0x0] =	vst.idx.msk $0xffff, v12;
	(pc) =	sbr.rel @p1 .LBB2_65-.Ltmp33, $4  }
0x5dc: {  	s1 =	sadd.s32 $0x4, s12;
	v15 =	vadd.s32 s25, v8;
	v19 =	vadd.s32 s26, v0;
	[tilespmem:v22+s31+$0x0] =	vst.idx.msk $0xffff, v13;
	v11 =	vld.idx.msk [tilespmem:v24+s19+$0x0], $0xffff  }
0x5dd: {  	s26 =	sadd.s32 $0x3, s12;
	v17 =	vadd.s32 s1, v8;
	v20 =	vadd.s32 s8, v0;
	v12 =	vld.idx.msk [tilespmem:v25+s19+$0x0], $0xffff;
	[tilespmem:v27+s31+$0x0] =	vst.idx.msk $0xffff, v16  }
0x5de: {  	s8 =	sadd.s32 $0x2, s12;
	v21 =	vadd.s32 s26, v8;
	v23 =	vadd.s32 s9, v0;
	v13 =	vld.idx.msk [tilespmem:v28+s19+$0x0], $0xffff;
	[tilespmem:v30+s31+$0x0] =	vst.idx.msk $0xffff, v26  }
0x5df: {  	s9 =	sadd.s32 $0x1, s12;
	v22 =	vadd.s32 s12, v0;
	v24 =	vadd.s32 s8, v8;
	s12 =	sadd.s32 $0x8, s12;
	v16 =	vld.idx.msk [tilespmem:v31+s19+$0x0], $0xffff;
	[tilespmem:v32+s31+$0x0] =	vst.idx.msk $0xffff, v29  }
0x5e0: {  	_ =	sdelay $0x3  }
0x5e1: {  	v25 =	vadd.s32 s0, v0;
	[tilespmem:v18+s31+$0x0] =	vst.idx.msk $0xffff, v9  }
0x5e2: {  	v8 =	vadd.s32 s9, v8;
	v53 =	vld.idx.msk [tilespmem:v14+s19+$0x0], $0xffff;
	v54 =	vadd.s32 s24, v0;
	[tilespmem:v19+s31+$0x0] =	vst.idx.msk $0xffff, v10  }
0x5e3: {  	v55 =	vld.idx.msk [tilespmem:v15+s19+$0x0], $0xffff;
	v56 =	vadd.s32 s25, v0;
	[tilespmem:v20+s31+$0x0] =	vst.idx.msk $0xffff, v11  }
0x5e4: {  	v57 =	vld.idx.msk [tilespmem:v17+s19+$0x0], $0xffff;
	v58 =	vadd.s32 s1, v0;
	[tilespmem:v23+s31+$0x0] =	vst.idx.msk $0xffff, v12  }
0x5e5: {  	v59 =	vld.idx.msk [tilespmem:v21+s19+$0x0], $0xffff;
	v60 =	vadd.s32 s26, v0;
	[tilespmem:v22+s31+$0x0] =	vst.idx.msk $0xffff, v13  }
0x5e6: {  	v61 =	vld.idx.msk [tilespmem:v24+s19+$0x0], $0xffff;
	v62 =	vadd.s32 s8, v0;
	[tilespmem:v25+s31+$0x0] =	vst.idx.msk $0xffff, v16  }
0x5e7: {  	v63 =	vadd.s32 s9, v0;
	v8 =	vld.idx.msk [tilespmem:v8+s19+$0x0], $0xffff;
	[tilespmem:v54+s31+$0x0] =	vst.idx.msk $0xffff, v53  }
0x5e8: {  	[tilespmem:v56+s31+$0x0] =	vst.idx.msk $0xffff, v55  }
0x5e9: {  	s1 =	sshll.u32 s23, $0x12;
	[tilespmem:v58+s31+$0x0] =	vst.idx.msk $0xffff, v57  }
0x5ea: {  	s0 =	sor.u32 s4, s1;
	[tilespmem:v60+s31+$0x0] =	vst.idx.msk $0xffff, v59  }
0x5eb: {  	s0 =	sshrl.u32 s0, $0x3;
	[tilespmem:v62+s31+$0x0] =	vst.idx.msk $0xffff, v61  }
0x5ec: {  	s0 =	sadd.s32 s2, s0;
	[tilespmem:v63+s31+$0x0] =	vst.idx.msk $0xffff, v8  }
0x5ed: {  	[hbm4b:s0+s3] =	stream.linear.scatter [tilespmem:s31], [sflag:$0x6], $0x400, $0x38;
	[tilespmem:$0x1E600] =	vst v63  }
0x5ee: {  	s9 =	simm.s32 $0x1AE00;
	s8 =	sadd.s32 $0x1000, s0  }
0x5ef: {  	[hbm4b:s8+s3] =	stream.linear.scatter [tilespmem:s9], [sflag:$0x6], $0x400, $0x38;
	[tilespmem:$0x1E600] =	vst v63  }
0x5f0: {  	s14 =	simm.s32 $0x1B600;
	s12 =	sadd.s32 $0x2000, s0  }
0x5f1: {  	[hbm4b:s12+s3] =	stream.linear.scatter [tilespmem:s14], [sflag:$0x6], $0x400, $0x38;
	[tilespmem:$0x1E600] =	vst v63  }
0x5f2: {  	s20 =	simm.s32 $0x1BE00;
	s16 =	sadd.s32 $0x3000, s0  }
0x5f3: {  	[hbm4b:s16+s3] =	stream.linear.scatter [tilespmem:s20], [sflag:$0x6], $0x400, $0x38;
	[tilespmem:$0x1E600] =	vst v63  }
0x5f4: {  	s24 =	simm.s32 $0x1C600;
	s23 =	sadd.s32 $0x4000, s0  }
0x5f5: {  	[hbm4b:s23+s3] =	stream.linear.scatter [tilespmem:s24], [sflag:$0x6], $0x400, $0x38;
	[tilespmem:$0x1E600] =	vst v63  }
0x5f6: {  	s26 =	simm.s32 $0x1CE00;
	s25 =	sadd.s32 $0x5000, s0  }
0x5f7: {  	[hbm4b:s25+s3] =	stream.linear.scatter [tilespmem:s26], [sflag:$0x6], $0x400, $0x38;
	[tilespmem:$0x1E600] =	vst v63  }
.Ltmp34:
0x5f8: {  	_ = 	snop;
	(pc) =	sbr.rel @p0 .LBB2_68-.Ltmp34, $4  }
0x5f9: {  	s29 =	simm.s32 $0x1D600;
	s28 =	sadd.s32 $0x6000, s0  }
0x5fa: {  	[hbm4b:s28+s3] =	stream.linear.scatter [tilespmem:s29], [sflag:$0x6], $0x400, $0x38;
	[tilespmem:$0x1E600] =	vst v63  }
0x5fb: {  	s30 =	simm.s32 $0x1DE00;
	s0 =	sadd.s32 $0x7000, s0  }
0x5fc: {  	[hbm4b:s0+s3] =	stream.linear.scatter [tilespmem:s30], [sflag:$0x6], $0x400, $0x38;
	[tilespmem:$0x1E600] =	vst v63  }
0x5fd: {  	v8 =	vld [tilespmem:s22+$0x380];
	_ =	sdelay $0x4  }
0x5fe: {  	v8 =	vshrl.u32 v8, $0x1  }
0x5ff: {  	[tilespmem:$0x6580] =	vst v8  }
0x600: {  	v8 =	vld [tilespmem:s22+$0x390];
	_ =	sdelay $0x4  }
0x601: {  	v8 =	vshrl.u32 v8, $0x1  }
0x602: {  	[tilespmem:$0x6590] =	vst v8  }
0x603: {  	v8 =	vld [tilespmem:s22+$0x3A0];
	_ =	sdelay $0x4  }
0x604: {  	v8 =	vshrl.u32 v8, $0x1  }
0x605: {  	[tilespmem:$0x65A0] =	vst v8  }
0x606: {  	v8 =	vld [tilespmem:s22+$0x3B0];
	_ =	sdelay $0x4  }
0x607: {  	v8 =	vshrl.u32 v8, $0x1  }
0x608: {  	[tilespmem:$0x65B0] =	vst v8  }
0x609: {  	v8 =	vld [tilespmem:s22+$0x3C0];
	_ =	sdelay $0x4  }
0x60a: {  	v8 =	vshrl.u32 v8, $0x1  }
0x60b: {  	[tilespmem:$0x65C0] =	vst v8  }
0x60c: {  	v8 =	vld [tilespmem:s22+$0x3D0];
	_ =	sdelay $0x4  }
0x60d: {  	v8 =	vshrl.u32 v8, $0x1  }
0x60e: {  	[tilespmem:$0x65D0] =	vst v8  }
0x60f: {  	v8 =	vld [tilespmem:s22+$0x3E0];
	_ =	sdelay $0x4  }
0x610: {  	v8 =	vshrl.u32 v8, $0x1  }
0x611: {  	[tilespmem:$0x65E0] =	vst v8  }
0x612: {  	v8 =	vld [tilespmem:s22+$0x3F0];
	_ =	sdelay $0x2  }
.Ltmp35:
0x613: {  	_ = 	snop;
	(pc) =	sbr.rel .LBB2_2-.Ltmp35, $4  }
0x614: {  	_ = 	snop  }
0x615: {  	v8 =	vshrl.u32 v8, $0x1  }
0x616: {  	s0 =	simm.s32 $0x80;
	s1 =	simm.s32 $0x6580;
	s11 =	sadd.s32 $0x1, s11;
	[tilespmem:$0x65F0] =	vst v8  }
0x617: {  	[tilespmem:s19], [sflag:$0x4] =	stream.indirect.gather [hbm4b:s5+s0], $0x80, s1, s0, $0xb8;
	[tilespmem:$0x1E600] =	vst v63  }
.LBB2_69:
0x618: {  	_ =	sfence.sel $0x180000  }
0x619: {  	[bflag:$0x0] =	sbarrier.arrive $0xFFFF  }
0x61a: {  	_ =	strace $0x9000004A  }
0x61b: {  	s0 =	stileid.u32;
	[bflag:$0x2] =	sbarrier.arrive $0xFFFF  }
0x61c: {  	p0 =	sne.s32 s0, $0x0;
	s0 =	rddreg [dreg:$0x3]  }
0x61d: {  	s0 =	sadd.s32 @!p0 $0x100000, s0  }
0x61e: {  	[sflag:s0] =	ssyncadd.tile.s32 @!p0 $0x1;
	_ =	shalt  }
.Lfunc_end2:
_tile_overlayer_lowered:
.L_overlay_start_2:
0x61f: {  	(tag) =	ssettag $0x2  }
0x620: {  	s0 =	rddreg [dreg:$0x0];
	s2 =	stileid.u32  }
0x621: {  	s1 =	rddreg [dreg:$0x1];
	p0 =	sne.s32 s2, $0x0  }
0x622: {  	s3 =	rddreg [dreg:$0x2];
	[bflag:$0x3] =	sbarrier.arrive $0xFFFF;
	s2 =	simm.s32 @!p0 $0x1C07  }
0x623: {  	[timem:s3], [sflag:s2] =	dma.local @!p0 [hbm:s0], s1  }
0x624: {  	s0 =	simm.s32 @!p0 $0x7  }
0x625: {  	_ =	swait.ge @!p0 [sflag:s0], s1  }
0x626: {  	s1 =	ssub.s32 @!p0 $0x0, s1;
	[sflag:s0] =	ssyncset.done @!p0 $0x0  }
0x627: {  	[sflag:s0] =	ssyncadd.s32 @!p0 s1  }
0x628: {  	[bflag:$0x3] =	sbarrier.arrive $0xFFFF  }
0x629: {  	_ =	shalt  }

</sc_bundles>
